<compile_context>
chip_gen: v7x
topology: tpu7x:2x2x1
jax: 0.10.2.dev20260603
libtpu: 0.0.44.dev20260713+nightly
codegen_flags: <defaults>
</compile_context>

<pallas_src>
import functools

import jax
import jax.numpy as jnp
from jax import lax
from jax.experimental import pallas as pl
from jax.experimental.pallas import tpu as pltpu
from jax.experimental.pallas import tpu_sc as plsc

_NC, _NS, _L = 2, 16, 16
_NW = _NC * _NS
_H = 64
_EPS = 1e-8

_GATHER_DN = lax.GatherDimensionNumbers(
    offset_dims=(), collapsed_slice_dims=(0,), start_index_map=(0,))

_SLICES = ((0, 80), (80, 80), (160, 40))


def _lanes_perm(v, idx):
    return lax.gather(v, idx[:, None], _GATHER_DN, slice_sizes=(1,),
                      mode=lax.GatherScatterMode.PROMISE_IN_BOUNDS)


def _sum16(v, lane):
    for sh in (8, 4, 2, 1):
        v = v + _lanes_perm(v, lane ^ sh)
    return v


def _rsqrt16(v):
    i = lax.bitcast_convert_type(v, jnp.int32)
    y = lax.bitcast_convert_type(jnp.int32(0x5F3759DF) - (i >> 1), jnp.float32)
    h = v * jnp.float32(-0.5)
    for _ in range(3):
        y = y * (jnp.float32(1.5) + h * y * y)
    return y


def _tec_body(S, T, x1d, Ww2, Wp2, scale_h, bias_h, out2,
              idx0, idx1, rows0, rows1, ob_v, pos_v, s_v, b_v,
              semi0, semi1, semg0, semg1, semo0, semo1):
    SP = S // 2
    tpw = T // _NW
    nchunk = tpw // S
    npair = nchunk // 2
    wid = lax.axis_index("s") * _NC + lax.axis_index("c")
    idx = (idx0, idx1)
    rows = (rows0, rows1)
    semi = (semi0, semi1)
    semg = (semg0, semg1)
    semo = (semo0, semo1)

    pltpu.sync_copy(Wp2.at[pl.ds(0, 104)], pos_v)
    pltpu.sync_copy(scale_h, s_v)
    pltpu.sync_copy(bias_h, b_v)

    sregs = tuple(s_v[pl.ds(_L * j, _L)] for j in range(_H // _L))
    bregs = tuple(b_v[pl.ds(_L * j, _L)] for j in range(_H // _L))
    lane = lax.iota(jnp.int32, _L)

    def tok0_of(c):
        return pl.multiple_of(wid * tpw + c * S, 8)

    def issue_idx(c, b):
        return pltpu.async_copy(x1d.at[pl.ds(tok0_of(c), S)],
                                idx[b].at[pl.ds(0, S)], semi[b])

    def wait_idx(b):
        pltpu.make_async_copy(x1d.at[pl.ds(tok0_of(0), S)],
                              idx[b].at[pl.ds(0, S)], semi[b]).wait()

    def issue_gather(b):
        for o, n in _SLICES:
            pltpu.async_copy(Ww2.at[idx[b].at[pl.ds(o, n)]],
                             rows[b].at[pl.ds(o, n)], semg[b])

    def wait_gather(b):
        for o, n in _SLICES:
            pltpu.make_async_copy(Ww2.at[idx[b].at[pl.ds(o, n)]],
                                  rows[b].at[pl.ds(o, n)], semg[b]).wait()

    def orow_of(gp):
        return pl.multiple_of((wid * tpw + gp * 2 * S) // 2, 8)

    def issue_scatter(gp, p):
        pltpu.async_copy(ob_v.at[pl.ds(p * S, S)],
                         out2.at[pl.ds(orow_of(gp), S)], semo[p])

    def wait_scatter(p):
        pltpu.make_async_copy(ob_v.at[pl.ds(p * S, S)],
                              out2.at[pl.ds(orow_of(0), S)], semo[p]).wait()

    def ln_one(e):
        sv = (e[0] + e[1]) + (e[2] + e[3])
        sq = (e[0] * e[0] + e[1] * e[1]) + (e[2] * e[2] + e[3] * e[3])
        tot = _sum16(sv, lane)
        tot2 = _sum16(sq, lane)
        mean = tot * jnp.float32(1.0 / _H)
        var = tot2 * jnp.float32(1.0 / _H) - mean * mean + jnp.float32(_EPS)
        r = _rsqrt16(var)
        return [(e[j] - mean) * (r * sregs[j]) + bregs[j]
                for j in range(_H // _L)]

    def compute(b, ob_base):
        def pair(t):
            tp = t >> 1
            for half in (0, 1):
                e = [rows[b][t + half, pl.ds(_L * j, _L)] +
                     pos_v[tp, pl.ds(64 * half + _L * j, _L)]
                     for j in range(_H // _L)]
                o = ln_one(e)
                for j in range(_H // _L):
                    ob_v[ob_base + tp, pl.ds(64 * half + _L * j, _L)] = o[j]
        plsc.parallel_loop(0, S, step=2, unroll=8)(pair)

    issue_idx(0, 0).wait()
    issue_gather(0)
    issue_idx(1, 1)

    def one_pair(gp, p, first, more):
        @pl.when(jnp.logical_not(first))
        def _():
            wait_scatter(p)
        wait_gather(0)
        wait_idx(1)
        issue_gather(1)
        compute(0, p * S)
        @pl.when(more)
        def _():
            issue_idx(2 * gp + 2, 0)
        wait_gather(1)
        @pl.when(more)
        def _():
            wait_idx(0)
            issue_gather(0)
        compute(1, p * S + SP)
        @pl.when(more)
        def _():
            issue_idx(2 * gp + 3, 1)
        issue_scatter(gp, p)

    def two_pairs(i, carry):
        one_pair(2 * i, 0, i < 1, jnp.bool_(True))
        one_pair(2 * i + 1, 1, i < 1, i < npair // 2 - 1)
        return carry

    lax.fori_loop(0, npair // 2, two_pairs, 0)
    wait_scatter(0)
    wait_scatter(1)


@functools.partial(jax.jit, static_argnames=())
def kernel(x, W_words, W_pos, ln_scale, ln_bias):
    B, S = x.shape
    V, H = W_words.shape
    T = B * S
    assert H == _H and T % (_NW * 2 * S) == 0 and S % 8 == 0

    x1d = x.astype(jnp.int32).reshape(T)
    Ww2 = jnp.pad(W_words, ((0, 0), (0, H)))
    Wp2 = W_pos.reshape(W_pos.shape[0] // 2, 2 * H)
    mesh = plsc.VectorSubcoreMesh(core_axis_name="c", subcore_axis_name="s",
                                  num_cores=_NC, num_subcores=_NS)
    run = pl.kernel(
        functools.partial(_tec_body, S, T),
        out_type=jax.ShapeDtypeStruct((T // 2, 2 * H), jnp.float32),
        mesh=mesh,
        scratch_types=[
            pltpu.VMEM((224,), jnp.int32),
            pltpu.VMEM((224,), jnp.int32),
            pltpu.VMEM((S, 2 * H), jnp.float32),
            pltpu.VMEM((S, 2 * H), jnp.float32),
            pltpu.VMEM((2 * S, 2 * H), jnp.float32),
            pltpu.VMEM((104, 2 * H), jnp.float32),
            pltpu.VMEM((H,), jnp.float32),
            pltpu.VMEM((H,), jnp.float32),
            pltpu.SemaphoreType.DMA,
            pltpu.SemaphoreType.DMA,
            pltpu.SemaphoreType.DMA,
            pltpu.SemaphoreType.DMA,
            pltpu.SemaphoreType.DMA,
            pltpu.SemaphoreType.DMA,
        ],
    )
    out2 = run(x1d, Ww2, Wp2, ln_scale, ln_bias)
    return out2.reshape(B, S, H)

# --- scband reference (transcript-rebuilt; emitter-appended) ---
"""Pipeline reference for scband-word-and-positional-embedding-23811298689689 (READ-ONLY COPY).

The authoritative reference and input builder live on the scoring server;
editing this copy changes nothing except your own understanding.
"""

import jax, jax.numpy as jnp
import numpy as np

VOCAB = 1000000
HIDDEN = 64
MAX_LEN = 1024
BATCH = 4096
SEQ = 200
EPS = 1e-8


def setup_inputs(seed: int = 0) -> dict:
    key = jax.random.key(seed)
    k_x, k_w, k_p = jax.random.split(key, 3)
    x = jax.random.randint(k_x, (BATCH, SEQ), 0, VOCAB, dtype=jnp.int64 if jax.config.jax_enable_x64 else jnp.int32)
    W_words = jax.random.normal(k_w, (VOCAB, HIDDEN), dtype=jnp.float32) * 0.02
    W_pos = jax.random.normal(k_p, (MAX_LEN, HIDDEN), dtype=jnp.float32) * 0.02
    ln_scale = jnp.ones((HIDDEN,), dtype=jnp.float32)
    ln_bias = jnp.zeros((HIDDEN,), dtype=jnp.float32)
    return {"x": x, "W_words": W_words, "W_pos": W_pos, "ln_scale": ln_scale, "ln_bias": ln_bias}


def reference(x, W_words, W_pos, ln_scale, ln_bias):
    # word embedding lookup (SparseCore gather)
    word_embeddings = jnp.take(W_words, x, axis=0)            # (B, S, H)
    # positional embedding: positions 0..MAX_LEN-1, tiled over batch, sliced to seq_len
    seq_len = x.shape[1]
    pos_embeddings = W_pos[:seq_len][None, :, :]               # (1, S, H)
    embeddings = word_embeddings + pos_embeddings              # broadcast over batch
    # LayerNorm (flax default: use_scale + use_bias), eps=1e-8
    mean = jnp.mean(embeddings, axis=-1, keepdims=True)
    var = jnp.var(embeddings, axis=-1, keepdims=True)
    normed = (embeddings - mean) * jax.lax.rsqrt(var + EPS)
    out = normed * ln_scale + ln_bias
    # dropout is deterministic (train=False) -> identity
    return out

if __name__ == "__main__":
    import jax
    _d = setup_inputs()
    print(jax.jit(kernel)(*tuple(_d.values())))

</pallas_src>

<mosaic_0001>
#map = affine_map<(d0, d1) -> (0)>
#map1 = affine_map<(d0, d1) -> (0, 0)>
module attributes {stable_mosaic.version = 14 : i64} {
  func.func @_tec_body(%arg0: i32, %arg1: i32, %arg2: memref<819200xi32, #tpu.memory_space<hbm>>, %arg3: memref<1000000x128xf32, #tpu.memory_space<hbm>>, %arg4: memref<512x128xf32, #tpu.memory_space<hbm>>, %arg5: memref<64xf32, #tpu.memory_space<hbm>>, %arg6: memref<64xf32, #tpu.memory_space<hbm>>, %arg7: memref<409600x128xf32, #tpu.memory_space<hbm>>, %arg8: memref<224xi32, #tpu.memory_space<vmem>>, %arg9: memref<224xi32, #tpu.memory_space<vmem>>, %arg10: memref<200x128xf32, #tpu.memory_space<vmem>>, %arg11: memref<200x128xf32, #tpu.memory_space<vmem>>, %arg12: memref<400x128xf32, #tpu.memory_space<vmem>>, %arg13: memref<104x128xf32, #tpu.memory_space<vmem>>, %arg14: memref<64xf32, #tpu.memory_space<vmem>>, %arg15: memref<64xf32, #tpu.memory_space<vmem>>, %arg16: memref<!tpu.dma_semaphore, #tpu.memory_space<semaphore_mem>>, %arg17: memref<!tpu.dma_semaphore, #tpu.memory_space<semaphore_mem>>, %arg18: memref<!tpu.dma_semaphore, #tpu.memory_space<semaphore_mem>>, %arg19: memref<!tpu.dma_semaphore, #tpu.memory_space<semaphore_mem>>, %arg20: memref<!tpu.dma_semaphore, #tpu.memory_space<semaphore_mem>>, %arg21: memref<!tpu.dma_semaphore, #tpu.memory_space<semaphore_mem>>) attributes {dimension_semantics = [#tpu.dimension_semantics<core_parallel>, #tpu.dimension_semantics<subcore_parallel>], iteration_bounds = array<i64: 2, 16>, scalar_prefetch = 0 : i64, scratch_operands = 14 : i64, tpu.core_type = #tpu.core_type<sc_vector_subcore>, window_params = [{transform_indices = #map}, {transform_indices = #map1}, {transform_indices = #map1}, {transform_indices = #map}, {transform_indices = #map}, {transform_indices = #map1}]} {
    %mul3A = arith.constant 2 : i32
    %mul3A_0 = arith.muli %arg1, %mul3A : i32
    %add3A = arith.addi %mul3A_0, %arg0 : i32
    "tpu.region"() ({
      %run_scoped3A = tpu.sem_alloc : memref<!tpu.dma_semaphore, #tpu.memory_space<semaphore_mem>>
      %dma_start3A_148 = arith.constant 0 : i32
      %dma_start3A_149 = arith.constant 0 : i32
      %dma_start3A_150 = tpu.memref_slice %arg4[%dma_start3A_148, %dma_start3A_149] : memref<512x128xf32, #tpu.memory_space<hbm>> -> memref<104x128xf32, #tpu.memory_space<hbm>>
      %dma_start3A_151 = arith.constant 0 : i32
      %dma_start3A_152 = arith.constant 0 : i32
      %dma_start3A_153 = tpu.memref_slice %arg4[%dma_start3A_151, %dma_start3A_152] : memref<512x128xf32, #tpu.memory_space<hbm>> -> memref<104x128xf32, #tpu.memory_space<hbm>>
      tpu.enqueue_dma source(%dma_start3A_153 : memref<104x128xf32, #tpu.memory_space<hbm>>) target(%arg13 : memref<104x128xf32, #tpu.memory_space<vmem>>) target_semaphore(%run_scoped3A : memref<!tpu.dma_semaphore, #tpu.memory_space<semaphore_mem>>)
      %dma_wait3A_154 = arith.constant 0 : i32
      %dma_wait3A_155 = arith.constant 0 : i32
      %dma_wait3A_156 = tpu.memref_slice %arg4[%dma_wait3A_154, %dma_wait3A_155] : memref<512x128xf32, #tpu.memory_space<hbm>> -> memref<104x128xf32, #tpu.memory_space<hbm>>
      %dma_wait3A_157 = arith.constant 0 : i32
      %dma_wait3A_158 = arith.constant 0 : i32
      %dma_wait3A_159 = tpu.memref_slice %arg4[%dma_wait3A_157, %dma_wait3A_158] : memref<512x128xf32, #tpu.memory_space<hbm>> -> memref<104x128xf32, #tpu.memory_space<hbm>>
      tpu.wait_dma2 semaphore(%run_scoped3A : memref<!tpu.dma_semaphore, #tpu.memory_space<semaphore_mem>>) src(%dma_wait3A_159 : memref<104x128xf32, #tpu.memory_space<hbm>>) dst(%arg13 : memref<104x128xf32, #tpu.memory_space<vmem>>)
      tpu.yield
    }) : () -> ()
    "tpu.region"() ({
      %run_scoped3A = tpu.sem_alloc : memref<!tpu.dma_semaphore, #tpu.memory_space<semaphore_mem>>
      tpu.enqueue_dma source(%arg5 : memref<64xf32, #tpu.memory_space<hbm>>) target(%arg14 : memref<64xf32, #tpu.memory_space<vmem>>) target_semaphore(%run_scoped3A : memref<!tpu.dma_semaphore, #tpu.memory_space<semaphore_mem>>)
      tpu.wait_dma2 semaphore(%run_scoped3A : memref<!tpu.dma_semaphore, #tpu.memory_space<semaphore_mem>>) src(%arg5 : memref<64xf32, #tpu.memory_space<hbm>>) dst(%arg14 : memref<64xf32, #tpu.memory_space<vmem>>)
      tpu.yield
    }) : () -> ()
    "tpu.region"() ({
      %run_scoped3A = tpu.sem_alloc : memref<!tpu.dma_semaphore, #tpu.memory_space<semaphore_mem>>
      tpu.enqueue_dma source(%arg6 : memref<64xf32, #tpu.memory_space<hbm>>) target(%arg15 : memref<64xf32, #tpu.memory_space<vmem>>) target_semaphore(%run_scoped3A : memref<!tpu.dma_semaphore, #tpu.memory_space<semaphore_mem>>)
      tpu.wait_dma2 semaphore(%run_scoped3A : memref<!tpu.dma_semaphore, #tpu.memory_space<semaphore_mem>>) src(%arg6 : memref<64xf32, #tpu.memory_space<hbm>>) dst(%arg15 : memref<64xf32, #tpu.memory_space<vmem>>)
      tpu.yield
    }) : () -> ()
    %get3A = arith.constant 0 : index
    %get3A_1 = tpu.vector_load %arg14[%get3A] {strides = array<i32>} : memref<64xf32, #tpu.memory_space<vmem>>, vector<16xf32>,
    %get3A_2 = vector.shape_cast %get3A_1 : vector<16xf32> to vector<16xf32>
    %get3A_3 = arith.constant 16 : index
    %get3A_4 = tpu.vector_load %arg14[%get3A_3] {strides = array<i32>} : memref<64xf32, #tpu.memory_space<vmem>>, vector<16xf32>,
    %get3A_5 = vector.shape_cast %get3A_4 : vector<16xf32> to vector<16xf32>
    %get3A_6 = arith.constant 32 : index
    %get3A_7 = tpu.vector_load %arg14[%get3A_6] {strides = array<i32>} : memref<64xf32, #tpu.memory_space<vmem>>, vector<16xf32>,
    %get3A_8 = vector.shape_cast %get3A_7 : vector<16xf32> to vector<16xf32>
    %get3A_9 = arith.constant 48 : index
    %get3A_10 = tpu.vector_load %arg14[%get3A_9] {strides = array<i32>} : memref<64xf32, #tpu.memory_space<vmem>>, vector<16xf32>,
    %get3A_11 = vector.shape_cast %get3A_10 : vector<16xf32> to vector<16xf32>
    %get3A_12 = arith.constant 0 : index
    %get3A_13 = tpu.vector_load %arg15[%get3A_12] {strides = array<i32>} : memref<64xf32, #tpu.memory_space<vmem>>, vector<16xf32>,
    %get3A_14 = vector.shape_cast %get3A_13 : vector<16xf32> to vector<16xf32>
    %get3A_15 = arith.constant 16 : index
    %get3A_16 = tpu.vector_load %arg15[%get3A_15] {strides = array<i32>} : memref<64xf32, #tpu.memory_space<vmem>>, vector<16xf32>,
    %get3A_17 = vector.shape_cast %get3A_16 : vector<16xf32> to vector<16xf32>
    %get3A_18 = arith.constant 32 : index
    %get3A_19 = tpu.vector_load %arg15[%get3A_18] {strides = array<i32>} : memref<64xf32, #tpu.memory_space<vmem>>, vector<16xf32>,
    %get3A_20 = vector.shape_cast %get3A_19 : vector<16xf32> to vector<16xf32>
    %get3A_21 = arith.constant 48 : index
    %get3A_22 = tpu.vector_load %arg15[%get3A_21] {strides = array<i32>} : memref<64xf32, #tpu.memory_space<vmem>>, vector<16xf32>,
    %get3A_23 = vector.shape_cast %get3A_22 : vector<16xf32> to vector<16xf32>
    %iota3A = tpu.iota {dimensions = array<i32: 0>} : vector<16xi32>
    %mul3A_24 = arith.constant 25600 : i32
    %mul3A_25 = arith.muli %add3A, %mul3A_24 : i32
    %add3A_26 = arith.constant 0 : i32
    %add3A_27 = arith.addi %mul3A_25, %add3A_26 : i32
    %multiple_of3A = tpu.assume_multiple %add3A_27, 8 : i32
    %dma_start3A = arith.constant 0 : i32
    %dma_start3A_28 = tpu.memref_slice %arg8[%dma_start3A] : memref<224xi32, #tpu.memory_space<vmem>> -> memref<200xi32, #tpu.memory_space<vmem>>
    %dma_start3A_29 = tpu.memref_slice %arg2[%multiple_of3A] : memref<819200xi32, #tpu.memory_space<hbm>> -> memref<200xi32, #tpu.memory_space<hbm>>
    %dma_start3A_30 = arith.constant 0 : i32
    %dma_start3A_31 = tpu.memref_slice %arg8[%dma_start3A_30] : memref<224xi32, #tpu.memory_space<vmem>> -> memref<200xi32, #tpu.memory_space<vmem>>
    %dma_start3A_32 = tpu.memref_slice %arg2[%multiple_of3A] : memref<819200xi32, #tpu.memory_space<hbm>> -> memref<200xi32, #tpu.memory_space<hbm>>
    tpu.enqueue_dma source(%dma_start3A_32 : memref<200xi32, #tpu.memory_space<hbm>>) target(%dma_start3A_31 : memref<200xi32, #tpu.memory_space<vmem>>) target_semaphore(%arg16 : memref<!tpu.dma_semaphore, #tpu.memory_space<semaphore_mem>>)
    %dma_wait3A = arith.constant 0 : i32
    %dma_wait3A_33 = tpu.memref_slice %arg8[%dma_wait3A] : memref<224xi32, #tpu.memory_space<vmem>> -> memref<200xi32, #tpu.memory_space<vmem>>
    %dma_wait3A_34 = tpu.memref_slice %arg2[%multiple_of3A] : memref<819200xi32, #tpu.memory_space<hbm>> -> memref<200xi32, #tpu.memory_space<hbm>>
    %dma_wait3A_35 = arith.constant 0 : i32
    %dma_wait3A_36 = tpu.memref_slice %arg8[%dma_wait3A_35] : memref<224xi32, #tpu.memory_space<vmem>> -> memref<200xi32, #tpu.memory_space<vmem>>
    %dma_wait3A_37 = tpu.memref_slice %arg2[%multiple_of3A] : memref<819200xi32, #tpu.memory_space<hbm>> -> memref<200xi32, #tpu.memory_space<hbm>>
    tpu.wait_dma2 semaphore(%arg16 : memref<!tpu.dma_semaphore, #tpu.memory_space<semaphore_mem>>) src(%dma_wait3A_37 : memref<200xi32, #tpu.memory_space<hbm>>) dst(%dma_wait3A_36 : memref<200xi32, #tpu.memory_space<vmem>>)
    %dma_start3A_38 = arith.constant 0 : i32
    %dma_start3A_39 = arith.constant 0 : i32
    %dma_start3A_40 = tpu.memref_slice %arg10[%dma_start3A_38, %dma_start3A_39] : memref<200x128xf32, #tpu.memory_space<vmem>> -> memref<80x128xf32, #tpu.memory_space<vmem>>
    %dma_start3A_41 = arith.constant 0 : i32
    %dma_start3A_42 = tpu.memref_slice %arg8[%dma_start3A_41] : memref<224xi32, #tpu.memory_space<vmem>> -> memref<80xi32, #tpu.memory_space<vmem>>
    %dma_start3A_43 = arith.constant 0 : i32
    %dma_start3A_44 = arith.constant 0 : i32
    %dma_start3A_45 = tpu.memref_slice %arg3[%dma_start3A_43, %dma_start3A_44] : memref<1000000x128xf32, #tpu.memory_space<hbm>> -> memref<1000000x128xf32, #tpu.memory_space<hbm>>
    tpu.enqueue_indirect_dma source(%dma_start3A_45 : memref<1000000x128xf32, #tpu.memory_space<hbm>>) target(%dma_start3A_40 : memref<80x128xf32, #tpu.memory_space<vmem>>) offsets(%dma_start3A_42 : memref<80xi32, #tpu.memory_space<vmem>>) semaphore(%arg18 : memref<!tpu.dma_semaphore, #tpu.memory_space<semaphore_mem>>)
    %dma_start3A_46 = arith.constant 80 : i32
    %dma_start3A_47 = arith.constant 0 : i32
    %dma_start3A_48 = tpu.memref_slice %arg10[%dma_start3A_46, %dma_start3A_47] : memref<200x128xf32, #tpu.memory_space<vmem>> -> memref<80x128xf32, #tpu.memory_space<vmem>>
    %dma_start3A_49 = arith.constant 80 : i32
    %dma_start3A_50 = tpu.memref_slice %arg8[%dma_start3A_49] : memref<224xi32, #tpu.memory_space<vmem>> -> memref<80xi32, #tpu.memory_space<vmem>>
    %dma_start3A_51 = arith.constant 0 : i32
    %dma_start3A_52 = arith.constant 0 : i32
    %dma_start3A_53 = tpu.memref_slice %arg3[%dma_start3A_51, %dma_start3A_52] : memref<1000000x128xf32, #tpu.memory_space<hbm>> -> memref<1000000x128xf32, #tpu.memory_space<hbm>>
    tpu.enqueue_indirect_dma source(%dma_start3A_53 : memref<1000000x128xf32, #tpu.memory_space<hbm>>) target(%dma_start3A_48 : memref<80x128xf32, #tpu.memory_space<vmem>>) offsets(%dma_start3A_50 : memref<80xi32, #tpu.memory_space<vmem>>) semaphore(%arg18 : memref<!tpu.dma_semaphore, #tpu.memory_space<semaphore_mem>>)
    %dma_start3A_54 = arith.constant 160 : i32
    %dma_start3A_55 = arith.constant 0 : i32
    %dma_start3A_56 = tpu.memref_slice %arg10[%dma_start3A_54, %dma_start3A_55] : memref<200x128xf32, #tpu.memory_space<vmem>> -> memref<40x128xf32, #tpu.memory_space<vmem>>
    %dma_start3A_57 = arith.constant 160 : i32
    %dma_start3A_58 = tpu.memref_slice %arg8[%dma_start3A_57] : memref<224xi32, #tpu.memory_space<vmem>> -> memref<40xi32, #tpu.memory_space<vmem>>
    %dma_start3A_59 = arith.constant 0 : i32
    %dma_start3A_60 = arith.constant 0 : i32
    %dma_start3A_61 = tpu.memref_slice %arg3[%dma_start3A_59, %dma_start3A_60] : memref<1000000x128xf32, #tpu.memory_space<hbm>> -> memref<1000000x128xf32, #tpu.memory_space<hbm>>
    tpu.enqueue_indirect_dma source(%dma_start3A_61 : memref<1000000x128xf32, #tpu.memory_space<hbm>>) target(%dma_start3A_56 : memref<40x128xf32, #tpu.memory_space<vmem>>) offsets(%dma_start3A_58 : memref<40xi32, #tpu.memory_space<vmem>>) semaphore(%arg18 : memref<!tpu.dma_semaphore, #tpu.memory_space<semaphore_mem>>)
    %mul3A_62 = arith.constant 25600 : i32
    %mul3A_63 = arith.muli %add3A, %mul3A_62 : i32
    %add3A_64 = arith.constant 200 : i32
    %add3A_65 = arith.addi %mul3A_63, %add3A_64 : i32
    %multiple_of3A_66 = tpu.assume_multiple %add3A_65, 8 : i32
    %dma_start3A_67 = arith.constant 0 : i32
    %dma_start3A_68 = tpu.memref_slice %arg9[%dma_start3A_67] : memref<224xi32, #tpu.memory_space<vmem>> -> memref<200xi32, #tpu.memory_space<vmem>>
    %dma_start3A_69 = tpu.memref_slice %arg2[%multiple_of3A_66] : memref<819200xi32, #tpu.memory_space<hbm>> -> memref<200xi32, #tpu.memory_space<hbm>>
    %dma_start3A_70 = arith.constant 0 : i32
    %dma_start3A_71 = tpu.memref_slice %arg9[%dma_start3A_70] : memref<224xi32, #tpu.memory_space<vmem>> -> memref<200xi32, #tpu.memory_space<vmem>>
    %dma_start3A_72 = tpu.memref_slice %arg2[%multiple_of3A_66] : memref<819200xi32, #tpu.memory_space<hbm>> -> memref<200xi32, #tpu.memory_space<hbm>>
    tpu.enqueue_dma source(%dma_start3A_72 : memref<200xi32, #tpu.memory_space<hbm>>) target(%dma_start3A_71 : memref<200xi32, #tpu.memory_space<vmem>>) target_semaphore(%arg17 : memref<!tpu.dma_semaphore, #tpu.memory_space<semaphore_mem>>)
    %scan3A = arith.constant 0 : i32
    %scan3A_73 = arith.constant 0 : i32
    %scan3A_74 = arith.constant 32 : i32
    %scan3A_75 = arith.addi %scan3A_73, %scan3A_74 : i32
    %scan3A_76 = arith.constant 1 : i32
    scf.for %scan3A_148 = %scan3A_73 to %scan3A_75 step %scan3A_76  : i32 {
      %mul3A_149 = arith.constant 2 : i32
      %mul3A_150 = arith.muli %mul3A_149, %scan3A_148 : i32
      %lt3A = arith.constant 1 : i32
      %lt3A_151 = arith.cmpi slt, %scan3A_148, %lt3A : i32
      %not3A = arith.constant true
      %not3A_152 = arith.xori %lt3A_151, %not3A : i1
      %convert_element_type3A = arith.extui %not3A_152 : i1 to i32
      %cond3A = arith.constant 0 : i32
      %cond3A_153 = arith.cmpi ne, %convert_element_type3A, %cond3A : i32
      scf.if %cond3A_153 {
        %mul3A_507 = arith.constant 25600 : i32
        %mul3A_508 = arith.muli %add3A, %mul3A_507 : i32
        %add3A_509 = arith.constant 0 : i32
        %add3A_510 = arith.addi %mul3A_508, %add3A_509 : i32
        %jit3A_511 = arith.constant 2 : i32
        %div3A_512 = arith.divsi %add3A_510, %jit3A_511 : i32
        %sign3A_513 = arith.constant 0 : i32
        %sign3A_514 = arith.cmpi sgt, %add3A_510, %sign3A_513 : i32
        %sign3A_515 = arith.extui %sign3A_514 : i1 to i32
        %sign3A_516 = arith.constant 0 : i32
        %sign3A_517 = arith.cmpi slt, %add3A_510, %sign3A_516 : i32
        %sign3A_518 = arith.extui %sign3A_517 : i1 to i32
        %sign3A_519 = arith.subi %sign3A_515, %sign3A_518 : i32
        %sign3A_520 = arith.constant 0 : i32
        %sign3A_521 = arith.cmpi sgt, %jit3A_511, %sign3A_520 : i32
        %sign3A_522 = arith.extui %sign3A_521 : i1 to i32
        %sign3A_523 = arith.constant 0 : i32
        %sign3A_524 = arith.cmpi slt, %jit3A_511, %sign3A_523 : i32
        %sign3A_525 = arith.extui %sign3A_524 : i1 to i32
        %sign3A_526 = arith.subi %sign3A_522, %sign3A_525 : i32
        %ne3A_527 = arith.cmpi ne, %sign3A_519, %sign3A_526 : i32
        %rem3A_528 = arith.remsi %add3A_510, %jit3A_511 : i32
        %ne3A_529 = arith.constant 0 : i32
        %ne3A_530 = arith.cmpi ne, %rem3A_528, %ne3A_529 : i32
        %and3A_531 = arith.andi %ne3A_527, %ne3A_530 : i1
        %sub3A_532 = arith.constant 1 : i32
        %sub3A_533 = arith.subi %div3A_512, %sub3A_532 : i32
        %select_n3A_534 = arith.select %and3A_531, %sub3A_533, %div3A_512 : i32
        %multiple_of3A_535 = tpu.assume_multiple %select_n3A_534, 8 : i32
        %dma_wait3A_536 = arith.constant 0 : i32
        %dma_wait3A_537 = arith.constant 0 : i32
        %dma_wait3A_538 = tpu.memref_slice %arg12[%dma_wait3A_536, %dma_wait3A_537] : memref<400x128xf32, #tpu.memory_space<vmem>> -> memref<200x128xf32, #tpu.memory_space<vmem>>
        %dma_wait3A_539 = arith.constant 0 : i32
        %dma_wait3A_540 = tpu.memref_slice %arg7[%multiple_of3A_535, %dma_wait3A_539] : memref<409600x128xf32, #tpu.memory_space<hbm>> -> memref<200x128xf32, #tpu.memory_space<hbm>>
        %dma_wait3A_541 = arith.constant 0 : i32
        %dma_wait3A_542 = tpu.memref_slice %arg7[%multiple_of3A_535, %dma_wait3A_541] : memref<409600x128xf32, #tpu.memory_space<hbm>> -> memref<200x128xf32, #tpu.memory_space<hbm>>
        %dma_wait3A_543 = arith.constant 0 : i32
        %dma_wait3A_544 = arith.constant 0 : i32
        %dma_wait3A_545 = tpu.memref_slice %arg12[%dma_wait3A_543, %dma_wait3A_544] : memref<400x128xf32, #tpu.memory_space<vmem>> -> memref<200x128xf32, #tpu.memory_space<vmem>>
        tpu.wait_dma2 semaphore(%arg20 : memref<!tpu.dma_semaphore, #tpu.memory_space<semaphore_mem>>) src(%dma_wait3A_545 : memref<200x128xf32, #tpu.memory_space<vmem>>) dst(%dma_wait3A_542 : memref<200x128xf32, #tpu.memory_space<hbm>>)
      } else {
      }
      %dma_wait3A_154 = arith.constant 0 : i32
      %dma_wait3A_155 = arith.constant 0 : i32
      %dma_wait3A_156 = tpu.memref_slice %arg10[%dma_wait3A_154, %dma_wait3A_155] : memref<200x128xf32, #tpu.memory_space<vmem>> -> memref<80x128xf32, #tpu.memory_space<vmem>>
      %dma_wait3A_157 = arith.constant 0 : i32
      %dma_wait3A_158 = tpu.memref_slice %arg8[%dma_wait3A_157] : memref<224xi32, #tpu.memory_space<vmem>> -> memref<80xi32, #tpu.memory_space<vmem>>
      %dma_wait3A_159 = arith.constant 0 : i32
      %dma_wait3A_160 = arith.constant 0 : i32
      %dma_wait3A_161 = tpu.memref_slice %arg3[%dma_wait3A_159, %dma_wait3A_160] : memref<1000000x128xf32, #tpu.memory_space<hbm>> -> memref<1000000x128xf32, #tpu.memory_space<hbm>>
      tpu.wait_indirect_dma semaphore(%arg18 : memref<!tpu.dma_semaphore, #tpu.memory_space<semaphore_mem>>) src(%dma_wait3A_161 : memref<1000000x128xf32, #tpu.memory_space<hbm>>) dst(%dma_wait3A_156 : memref<80x128xf32, #tpu.memory_space<vmem>>)
      %dma_wait3A_162 = arith.constant 80 : i32
      %dma_wait3A_163 = arith.constant 0 : i32
      %dma_wait3A_164 = tpu.memref_slice %arg10[%dma_wait3A_162, %dma_wait3A_163] : memref<200x128xf32, #tpu.memory_space<vmem>> -> memref<80x128xf32, #tpu.memory_space<vmem>>
      %dma_wait3A_165 = arith.constant 80 : i32
      %dma_wait3A_166 = tpu.memref_slice %arg8[%dma_wait3A_165] : memref<224xi32, #tpu.memory_space<vmem>> -> memref<80xi32, #tpu.memory_space<vmem>>
      %dma_wait3A_167 = arith.constant 0 : i32
      %dma_wait3A_168 = arith.constant 0 : i32
      %dma_wait3A_169 = tpu.memref_slice %arg3[%dma_wait3A_167, %dma_wait3A_168] : memref<1000000x128xf32, #tpu.memory_space<hbm>> -> memref<1000000x128xf32, #tpu.memory_space<hbm>>
      tpu.wait_indirect_dma semaphore(%arg18 : memref<!tpu.dma_semaphore, #tpu.memory_space<semaphore_mem>>) src(%dma_wait3A_169 : memref<1000000x128xf32, #tpu.memory_space<hbm>>) dst(%dma_wait3A_164 : memref<80x128xf32, #tpu.memory_space<vmem>>)
      %dma_wait3A_170 = arith.constant 160 : i32
      %dma_wait3A_171 = arith.constant 0 : i32
      %dma_wait3A_172 = tpu.memref_slice %arg10[%dma_wait3A_170, %dma_wait3A_171] : memref<200x128xf32, #tpu.memory_space<vmem>> -> memref<40x128xf32, #tpu.memory_space<vmem>>
      %dma_wait3A_173 = arith.constant 160 : i32
      %dma_wait3A_174 = tpu.memref_slice %arg8[%dma_wait3A_173] : memref<224xi32, #tpu.memory_space<vmem>> -> memref<40xi32, #tpu.memory_space<vmem>>
      %dma_wait3A_175 = arith.constant 0 : i32
      %dma_wait3A_176 = arith.constant 0 : i32
      %dma_wait3A_177 = tpu.memref_slice %arg3[%dma_wait3A_175, %dma_wait3A_176] : memref<1000000x128xf32, #tpu.memory_space<hbm>> -> memref<1000000x128xf32, #tpu.memory_space<hbm>>
      tpu.wait_indirect_dma semaphore(%arg18 : memref<!tpu.dma_semaphore, #tpu.memory_space<semaphore_mem>>) src(%dma_wait3A_177 : memref<1000000x128xf32, #tpu.memory_space<hbm>>) dst(%dma_wait3A_172 : memref<40x128xf32, #tpu.memory_space<vmem>>)
      %mul3A_178 = arith.constant 25600 : i32
      %mul3A_179 = arith.muli %add3A, %mul3A_178 : i32
      %add3A_180 = arith.constant 0 : i32
      %add3A_181 = arith.addi %mul3A_179, %add3A_180 : i32
      %multiple_of3A_182 = tpu.assume_multiple %add3A_181, 8 : i32
      %dma_wait3A_183 = arith.constant 0 : i32
      %dma_wait3A_184 = tpu.memref_slice %arg9[%dma_wait3A_183] : memref<224xi32, #tpu.memory_space<vmem>> -> memref<200xi32, #tpu.memory_space<vmem>>
      %dma_wait3A_185 = tpu.memref_slice %arg2[%multiple_of3A_182] : memref<819200xi32, #tpu.memory_space<hbm>> -> memref<200xi32, #tpu.memory_space<hbm>>
      %dma_wait3A_186 = arith.constant 0 : i32
      %dma_wait3A_187 = tpu.memref_slice %arg9[%dma_wait3A_186] : memref<224xi32, #tpu.memory_space<vmem>> -> memref<200xi32, #tpu.memory_space<vmem>>
      %dma_wait3A_188 = tpu.memref_slice %arg2[%multiple_of3A_182] : memref<819200xi32, #tpu.memory_space<hbm>> -> memref<200xi32, #tpu.memory_space<hbm>>
      tpu.wait_dma2 semaphore(%arg17 : memref<!tpu.dma_semaphore, #tpu.memory_space<semaphore_mem>>) src(%dma_wait3A_188 : memref<200xi32, #tpu.memory_space<hbm>>) dst(%dma_wait3A_187 : memref<200xi32, #tpu.memory_space<vmem>>)
      %dma_start3A_189 = arith.constant 0 : i32
      %dma_start3A_190 = arith.constant 0 : i32
      %dma_start3A_191 = tpu.memref_slice %arg11[%dma_start3A_189, %dma_start3A_190] : memref<200x128xf32, #tpu.memory_space<vmem>> -> memref<80x128xf32, #tpu.memory_space<vmem>>
      %dma_start3A_192 = arith.constant 0 : i32
      %dma_start3A_193 = tpu.memref_slice %arg9[%dma_start3A_192] : memref<224xi32, #tpu.memory_space<vmem>> -> memref<80xi32, #tpu.memory_space<vmem>>
      %dma_start3A_194 = arith.constant 0 : i32
      %dma_start3A_195 = arith.constant 0 : i32
      %dma_start3A_196 = tpu.memref_slice %arg3[%dma_start3A_194, %dma_start3A_195] : memref<1000000x128xf32, #tpu.memory_space<hbm>> -> memref<1000000x128xf32, #tpu.memory_space<hbm>>
      tpu.enqueue_indirect_dma source(%dma_start3A_196 : memref<1000000x128xf32, #tpu.memory_space<hbm>>) target(%dma_start3A_191 : memref<80x128xf32, #tpu.memory_space<vmem>>) offsets(%dma_start3A_193 : memref<80xi32, #tpu.memory_space<vmem>>) semaphore(%arg19 : memref<!tpu.dma_semaphore, #tpu.memory_space<semaphore_mem>>)
      %dma_start3A_197 = arith.constant 80 : i32
      %dma_start3A_198 = arith.constant 0 : i32
      %dma_start3A_199 = tpu.memref_slice %arg11[%dma_start3A_197, %dma_start3A_198] : memref<200x128xf32, #tpu.memory_space<vmem>> -> memref<80x128xf32, #tpu.memory_space<vmem>>
      %dma_start3A_200 = arith.constant 80 : i32
      %dma_start3A_201 = tpu.memref_slice %arg9[%dma_start3A_200] : memref<224xi32, #tpu.memory_space<vmem>> -> memref<80xi32, #tpu.memory_space<vmem>>
      %dma_start3A_202 = arith.constant 0 : i32
      %dma_start3A_203 = arith.constant 0 : i32
      %dma_start3A_204 = tpu.memref_slice %arg3[%dma_start3A_202, %dma_start3A_203] : memref<1000000x128xf32, #tpu.memory_space<hbm>> -> memref<1000000x128xf32, #tpu.memory_space<hbm>>
      tpu.enqueue_indirect_dma source(%dma_start3A_204 : memref<1000000x128xf32, #tpu.memory_space<hbm>>) target(%dma_start3A_199 : memref<80x128xf32, #tpu.memory_space<vmem>>) offsets(%dma_start3A_201 : memref<80xi32, #tpu.memory_space<vmem>>) semaphore(%arg19 : memref<!tpu.dma_semaphore, #tpu.memory_space<semaphore_mem>>)
      %dma_start3A_205 = arith.constant 160 : i32
      %dma_start3A_206 = arith.constant 0 : i32
      %dma_start3A_207 = tpu.memref_slice %arg11[%dma_start3A_205, %dma_start3A_206] : memref<200x128xf32, #tpu.memory_space<vmem>> -> memref<40x128xf32, #tpu.memory_space<vmem>>
      %dma_start3A_208 = arith.constant 160 : i32
      %dma_start3A_209 = tpu.memref_slice %arg9[%dma_start3A_208] : memref<224xi32, #tpu.memory_space<vmem>> -> memref<40xi32, #tpu.memory_space<vmem>>
      %dma_start3A_210 = arith.constant 0 : i32
      %dma_start3A_211 = arith.constant 0 : i32
      %dma_start3A_212 = tpu.memref_slice %arg3[%dma_start3A_210, %dma_start3A_211] : memref<1000000x128xf32, #tpu.memory_space<hbm>> -> memref<1000000x128xf32, #tpu.memory_space<hbm>>
      tpu.enqueue_indirect_dma source(%dma_start3A_212 : memref<1000000x128xf32, #tpu.memory_space<hbm>>) target(%dma_start3A_207 : memref<40x128xf32, #tpu.memory_space<vmem>>) offsets(%dma_start3A_209 : memref<40xi32, #tpu.memory_space<vmem>>) semaphore(%arg19 : memref<!tpu.dma_semaphore, #tpu.memory_space<semaphore_mem>>)
      %parallel_loop3A = arith.constant 0 : i32
      %parallel_loop3A_213 = arith.constant 200 : i32
      %parallel_loop3A_214 = arith.constant 2 : i32
      scf.for %parallel_loop3A_507 = %parallel_loop3A to %parallel_loop3A_213 step %parallel_loop3A_214  : i32 {
        %parallel_loop3A_508 = arith.constant 1 : i32
        %parallel_loop3A_509 = arith.shrsi %parallel_loop3A_507, %parallel_loop3A_508 : i32
        %parallel_loop3A_510 = arith.constant 0 : i32
        %parallel_loop3A_511 = arith.addi %parallel_loop3A_507, %parallel_loop3A_510 : i32
        %parallel_loop3A_512 = arith.index_cast %parallel_loop3A_511 : i32 to index
        %parallel_loop3A_513 = arith.constant 0 : index
        %parallel_loop3A_514 = tpu.vector_load %arg10[%parallel_loop3A_512, %parallel_loop3A_513] {strides = array<i32>} : memref<200x128xf32, #tpu.memory_space<vmem>>, vector<1x16xf32>,
        %parallel_loop3A_515 = vector.shape_cast %parallel_loop3A_514 : vector<1x16xf32> to vector<16xf32>
        %parallel_loop3A_516 = arith.index_cast %parallel_loop3A_509 : i32 to index
        %parallel_loop3A_517 = arith.constant 0 : index
        %parallel_loop3A_518 = tpu.vector_load %arg13[%parallel_loop3A_516, %parallel_loop3A_517] {strides = array<i32>} : memref<104x128xf32, #tpu.memory_space<vmem>>, vector<1x16xf32>,
        %parallel_loop3A_519 = vector.shape_cast %parallel_loop3A_518 : vector<1x16xf32> to vector<16xf32>
        %parallel_loop3A_520 = arith.addf %parallel_loop3A_515, %parallel_loop3A_519 : vector<16xf32>
        %parallel_loop3A_521 = arith.constant 0 : i32
        %parallel_loop3A_522 = arith.addi %parallel_loop3A_507, %parallel_loop3A_521 : i32
        %parallel_loop3A_523 = arith.index_cast %parallel_loop3A_522 : i32 to index
        %parallel_loop3A_524 = arith.constant 16 : index
        %parallel_loop3A_525 = tpu.vector_load %arg10[%parallel_loop3A_523, %parallel_loop3A_524] {strides = array<i32>} : memref<200x128xf32, #tpu.memory_space<vmem>>, vector<1x16xf32>,
        %parallel_loop3A_526 = vector.shape_cast %parallel_loop3A_525 : vector<1x16xf32> to vector<16xf32>
        %parallel_loop3A_527 = arith.index_cast %parallel_loop3A_509 : i32 to index
        %parallel_loop3A_528 = arith.constant 16 : index
        %parallel_loop3A_529 = tpu.vector_load %arg13[%parallel_loop3A_527, %parallel_loop3A_528] {strides = array<i32>} : memref<104x128xf32, #tpu.memory_space<vmem>>, vector<1x16xf32>,
        %parallel_loop3A_530 = vector.shape_cast %parallel_loop3A_529 : vector<1x16xf32> to vector<16xf32>
        %parallel_loop3A_531 = arith.addf %parallel_loop3A_526, %parallel_loop3A_530 : vector<16xf32>
        %parallel_loop3A_532 = arith.constant 0 : i32
        %parallel_loop3A_533 = arith.addi %parallel_loop3A_507, %parallel_loop3A_532 : i32
        %parallel_loop3A_534 = arith.index_cast %parallel_loop3A_533 : i32 to index
        %parallel_loop3A_535 = arith.constant 32 : index
        %parallel_loop3A_536 = tpu.vector_load %arg10[%parallel_loop3A_534, %parallel_loop3A_535] {strides = array<i32>} : memref<200x128xf32, #tpu.memory_space<vmem>>, vector<1x16xf32>,
        %parallel_loop3A_537 = vector.shape_cast %parallel_loop3A_536 : vector<1x16xf32> to vector<16xf32>
        %parallel_loop3A_538 = arith.index_cast %parallel_loop3A_509 : i32 to index
        %parallel_loop3A_539 = arith.constant 32 : index
        %parallel_loop3A_540 = tpu.vector_load %arg13[%parallel_loop3A_538, %parallel_loop3A_539] {strides = array<i32>} : memref<104x128xf32, #tpu.memory_space<vmem>>, vector<1x16xf32>,
        %parallel_loop3A_541 = vector.shape_cast %parallel_loop3A_540 : vector<1x16xf32> to vector<16xf32>
        %parallel_loop3A_542 = arith.addf %parallel_loop3A_537, %parallel_loop3A_541 : vector<16xf32>
        %parallel_loop3A_543 = arith.constant 0 : i32
        %parallel_loop3A_544 = arith.addi %parallel_loop3A_507, %parallel_loop3A_543 : i32
        %parallel_loop3A_545 = arith.index_cast %parallel_loop3A_544 : i32 to index
        %parallel_loop3A_546 = arith.constant 48 : index
        %parallel_loop3A_547 = tpu.vector_load %arg10[%parallel_loop3A_545, %parallel_loop3A_546] {strides = array<i32>} : memref<200x128xf32, #tpu.memory_space<vmem>>, vector<1x16xf32>,
        %parallel_loop3A_548 = vector.shape_cast %parallel_loop3A_547 : vector<1x16xf32> to vector<16xf32>
        %parallel_loop3A_549 = arith.index_cast %parallel_loop3A_509 : i32 to index
        %parallel_loop3A_550 = arith.constant 48 : index
        %parallel_loop3A_551 = tpu.vector_load %arg13[%parallel_loop3A_549, %parallel_loop3A_550] {strides = array<i32>} : memref<104x128xf32, #tpu.memory_space<vmem>>, vector<1x16xf32>,
        %parallel_loop3A_552 = vector.shape_cast %parallel_loop3A_551 : vector<1x16xf32> to vector<16xf32>
        %parallel_loop3A_553 = arith.addf %parallel_loop3A_548, %parallel_loop3A_552 : vector<16xf32>
        %parallel_loop3A_554 = arith.addf %parallel_loop3A_520, %parallel_loop3A_531 : vector<16xf32>
        %parallel_loop3A_555 = arith.addf %parallel_loop3A_542, %parallel_loop3A_553 : vector<16xf32>
        %parallel_loop3A_556 = arith.addf %parallel_loop3A_554, %parallel_loop3A_555 : vector<16xf32>
        %parallel_loop3A_557 = arith.mulf %parallel_loop3A_520, %parallel_loop3A_520 : vector<16xf32>
        %parallel_loop3A_558 = arith.mulf %parallel_loop3A_531, %parallel_loop3A_531 : vector<16xf32>
        %parallel_loop3A_559 = arith.addf %parallel_loop3A_557, %parallel_loop3A_558 : vector<16xf32>
        %parallel_loop3A_560 = arith.mulf %parallel_loop3A_542, %parallel_loop3A_542 : vector<16xf32>
        %parallel_loop3A_561 = arith.mulf %parallel_loop3A_553, %parallel_loop3A_553 : vector<16xf32>
        %parallel_loop3A_562 = arith.addf %parallel_loop3A_560, %parallel_loop3A_561 : vector<16xf32>
        %parallel_loop3A_563 = arith.addf %parallel_loop3A_559, %parallel_loop3A_562 : vector<16xf32>
        %parallel_loop3A_564 = arith.constant 8 : i32
        %parallel_loop3A_565 = vector.broadcast %parallel_loop3A_564 : i32 to vector<16xi32>
        %parallel_loop3A_566 = arith.xori %iota3A, %parallel_loop3A_565 : vector<16xi32>
        %parallel_loop3A_567 = vector.shape_cast %parallel_loop3A_566 : vector<16xi32> to vector<16x1xi32>
        %parallel_loop3A_568 = vector.shape_cast %parallel_loop3A_567 : vector<16x1xi32> to vector<16xi32>
        %parallel_loop3A_569 = tpu.dynamic_gather %parallel_loop3A_556[%parallel_loop3A_568] in [0] : vector<16xf32>, vector<16xi32> -> vector<16xf32>
        %parallel_loop3A_570 = arith.addf %parallel_loop3A_556, %parallel_loop3A_569 : vector<16xf32>
        %parallel_loop3A_571 = arith.constant 4 : i32
        %parallel_loop3A_572 = vector.broadcast %parallel_loop3A_571 : i32 to vector<16xi32>
        %parallel_loop3A_573 = arith.xori %iota3A, %parallel_loop3A_572 : vector<16xi32>
        %parallel_loop3A_574 = vector.shape_cast %parallel_loop3A_573 : vector<16xi32> to vector<16x1xi32>
        %parallel_loop3A_575 = vector.shape_cast %parallel_loop3A_574 : vector<16x1xi32> to vector<16xi32>
        %parallel_loop3A_576 = tpu.dynamic_gather %parallel_loop3A_570[%parallel_loop3A_575] in [0] : vector<16xf32>, vector<16xi32> -> vector<16xf32>
        %parallel_loop3A_577 = arith.addf %parallel_loop3A_570, %parallel_loop3A_576 : vector<16xf32>
        %parallel_loop3A_578 = arith.constant 2 : i32
        %parallel_loop3A_579 = vector.broadcast %parallel_loop3A_578 : i32 to vector<16xi32>
        %parallel_loop3A_580 = arith.xori %iota3A, %parallel_loop3A_579 : vector<16xi32>
        %parallel_loop3A_581 = vector.shape_cast %parallel_loop3A_580 : vector<16xi32> to vector<16x1xi32>
        %parallel_loop3A_582 = vector.shape_cast %parallel_loop3A_581 : vector<16x1xi32> to vector<16xi32>
        %parallel_loop3A_583 = tpu.dynamic_gather %parallel_loop3A_577[%parallel_loop3A_582] in [0] : vector<16xf32>, vector<16xi32> -> vector<16xf32>
        %parallel_loop3A_584 = arith.addf %parallel_loop3A_577, %parallel_loop3A_583 : vector<16xf32>
        %parallel_loop3A_585 = arith.constant 1 : i32
        %parallel_loop3A_586 = vector.broadcast %parallel_loop3A_585 : i32 to vector<16xi32>
        %parallel_loop3A_587 = arith.xori %iota3A, %parallel_loop3A_586 : vector<16xi32>
        %parallel_loop3A_588 = vector.shape_cast %parallel_loop3A_587 : vector<16xi32> to vector<16x1xi32>
        %parallel_loop3A_589 = vector.shape_cast %parallel_loop3A_588 : vector<16x1xi32> to vector<16xi32>
        %parallel_loop3A_590 = tpu.dynamic_gather %parallel_loop3A_584[%parallel_loop3A_589] in [0] : vector<16xf32>, vector<16xi32> -> vector<16xf32>
        %parallel_loop3A_591 = arith.addf %parallel_loop3A_584, %parallel_loop3A_590 : vector<16xf32>
        %parallel_loop3A_592 = arith.constant 8 : i32
        %parallel_loop3A_593 = vector.broadcast %parallel_loop3A_592 : i32 to vector<16xi32>
        %parallel_loop3A_594 = arith.xori %iota3A, %parallel_loop3A_593 : vector<16xi32>
        %parallel_loop3A_595 = vector.shape_cast %parallel_loop3A_594 : vector<16xi32> to vector<16x1xi32>
        %parallel_loop3A_596 = vector.shape_cast %parallel_loop3A_595 : vector<16x1xi32> to vector<16xi32>
        %parallel_loop3A_597 = tpu.dynamic_gather %parallel_loop3A_563[%parallel_loop3A_596] in [0] : vector<16xf32>, vector<16xi32> -> vector<16xf32>
        %parallel_loop3A_598 = arith.addf %parallel_loop3A_563, %parallel_loop3A_597 : vector<16xf32>
        %parallel_loop3A_599 = arith.constant 4 : i32
        %parallel_loop3A_600 = vector.broadcast %parallel_loop3A_599 : i32 to vector<16xi32>
        %parallel_loop3A_601 = arith.xori %iota3A, %parallel_loop3A_600 : vector<16xi32>
        %parallel_loop3A_602 = vector.shape_cast %parallel_loop3A_601 : vector<16xi32> to vector<16x1xi32>
        %parallel_loop3A_603 = vector.shape_cast %parallel_loop3A_602 : vector<16x1xi32> to vector<16xi32>
        %parallel_loop3A_604 = tpu.dynamic_gather %parallel_loop3A_598[%parallel_loop3A_603] in [0] : vector<16xf32>, vector<16xi32> -> vector<16xf32>
        %parallel_loop3A_605 = arith.addf %parallel_loop3A_598, %parallel_loop3A_604 : vector<16xf32>
        %parallel_loop3A_606 = arith.constant 2 : i32
        %parallel_loop3A_607 = vector.broadcast %parallel_loop3A_606 : i32 to vector<16xi32>
        %parallel_loop3A_608 = arith.xori %iota3A, %parallel_loop3A_607 : vector<16xi32>
        %parallel_loop3A_609 = vector.shape_cast %parallel_loop3A_608 : vector<16xi32> to vector<16x1xi32>
        %parallel_loop3A_610 = vector.shape_cast %parallel_loop3A_609 : vector<16x1xi32> to vector<16xi32>
        %parallel_loop3A_611 = tpu.dynamic_gather %parallel_loop3A_605[%parallel_loop3A_610] in [0] : vector<16xf32>, vector<16xi32> -> vector<16xf32>
        %parallel_loop3A_612 = arith.addf %parallel_loop3A_605, %parallel_loop3A_611 : vector<16xf32>
        %parallel_loop3A_613 = arith.constant 1 : i32
        %parallel_loop3A_614 = vector.broadcast %parallel_loop3A_613 : i32 to vector<16xi32>
        %parallel_loop3A_615 = arith.xori %iota3A, %parallel_loop3A_614 : vector<16xi32>
        %parallel_loop3A_616 = vector.shape_cast %parallel_loop3A_615 : vector<16xi32> to vector<16x1xi32>
        %parallel_loop3A_617 = vector.shape_cast %parallel_loop3A_616 : vector<16x1xi32> to vector<16xi32>
        %parallel_loop3A_618 = tpu.dynamic_gather %parallel_loop3A_612[%parallel_loop3A_617] in [0] : vector<16xf32>, vector<16xi32> -> vector<16xf32>
        %parallel_loop3A_619 = arith.addf %parallel_loop3A_612, %parallel_loop3A_618 : vector<16xf32>
        %parallel_loop3A_620 = arith.constant 1.562500e-02 : f32
        %parallel_loop3A_621 = vector.broadcast %parallel_loop3A_620 : f32 to vector<16xf32>
        %parallel_loop3A_622 = arith.mulf %parallel_loop3A_591, %parallel_loop3A_621 : vector<16xf32>
        %parallel_loop3A_623 = arith.constant 1.562500e-02 : f32
        %parallel_loop3A_624 = vector.broadcast %parallel_loop3A_623 : f32 to vector<16xf32>
        %parallel_loop3A_625 = arith.mulf %parallel_loop3A_619, %parallel_loop3A_624 : vector<16xf32>
        %parallel_loop3A_626 = arith.mulf %parallel_loop3A_622, %parallel_loop3A_622 : vector<16xf32>
        %parallel_loop3A_627 = arith.subf %parallel_loop3A_625, %parallel_loop3A_626 : vector<16xf32>
        %parallel_loop3A_628 = arith.constant 9.99999993E-9 : f32
        %parallel_loop3A_629 = vector.broadcast %parallel_loop3A_628 : f32 to vector<16xf32>
        %parallel_loop3A_630 = arith.addf %parallel_loop3A_627, %parallel_loop3A_629 : vector<16xf32>
        %parallel_loop3A_631 = tpu.bitcast %parallel_loop3A_630 : vector<16xf32> -> vector<16xi32>
        %parallel_loop3A_632 = arith.constant 1 : i32
        %parallel_loop3A_633 = vector.broadcast %parallel_loop3A_632 : i32 to vector<16xi32>
        %parallel_loop3A_634 = arith.shrsi %parallel_loop3A_631, %parallel_loop3A_633 : vector<16xi32>
        %parallel_loop3A_635 = arith.constant 1597463007 : i32
        %parallel_loop3A_636 = vector.broadcast %parallel_loop3A_635 : i32 to vector<16xi32>
        %parallel_loop3A_637 = arith.subi %parallel_loop3A_636, %parallel_loop3A_634 : vector<16xi32>
        %parallel_loop3A_638 = tpu.bitcast %parallel_loop3A_637 : vector<16xi32> -> vector<16xf32>
        %parallel_loop3A_639 = arith.constant -5.000000e-01 : f32
        %parallel_loop3A_640 = vector.broadcast %parallel_loop3A_639 : f32 to vector<16xf32>
        %parallel_loop3A_641 = arith.mulf %parallel_loop3A_630, %parallel_loop3A_640 : vector<16xf32>
        %parallel_loop3A_642 = arith.mulf %parallel_loop3A_641, %parallel_loop3A_638 : vector<16xf32>
        %parallel_loop3A_643 = arith.mulf %parallel_loop3A_642, %parallel_loop3A_638 : vector<16xf32>
        %parallel_loop3A_644 = arith.constant 1.500000e+00 : f32
        %parallel_loop3A_645 = vector.broadcast %parallel_loop3A_644 : f32 to vector<16xf32>
        %parallel_loop3A_646 = arith.addf %parallel_loop3A_645, %parallel_loop3A_643 : vector<16xf32>
        %parallel_loop3A_647 = arith.mulf %parallel_loop3A_638, %parallel_loop3A_646 : vector<16xf32>
        %parallel_loop3A_648 = arith.mulf %parallel_loop3A_641, %parallel_loop3A_647 : vector<16xf32>
        %parallel_loop3A_649 = arith.mulf %parallel_loop3A_648, %parallel_loop3A_647 : vector<16xf32>
        %parallel_loop3A_650 = arith.constant 1.500000e+00 : f32
        %parallel_loop3A_651 = vector.broadcast %parallel_loop3A_650 : f32 to vector<16xf32>
        %parallel_loop3A_652 = arith.addf %parallel_loop3A_651, %parallel_loop3A_649 : vector<16xf32>
        %parallel_loop3A_653 = arith.mulf %parallel_loop3A_647, %parallel_loop3A_652 : vector<16xf32>
        %parallel_loop3A_654 = arith.mulf %parallel_loop3A_641, %parallel_loop3A_653 : vector<16xf32>
        %parallel_loop3A_655 = arith.mulf %parallel_loop3A_654, %parallel_loop3A_653 : vector<16xf32>
        %parallel_loop3A_656 = arith.constant 1.500000e+00 : f32
        %parallel_loop3A_657 = vector.broadcast %parallel_loop3A_656 : f32 to vector<16xf32>
        %parallel_loop3A_658 = arith.addf %parallel_loop3A_657, %parallel_loop3A_655 : vector<16xf32>
        %parallel_loop3A_659 = arith.mulf %parallel_loop3A_653, %parallel_loop3A_658 : vector<16xf32>
        %parallel_loop3A_660 = arith.subf %parallel_loop3A_520, %parallel_loop3A_622 : vector<16xf32>
        %parallel_loop3A_661 = arith.mulf %parallel_loop3A_659, %get3A_2 : vector<16xf32>
        %parallel_loop3A_662 = arith.mulf %parallel_loop3A_660, %parallel_loop3A_661 : vector<16xf32>
        %parallel_loop3A_663 = arith.addf %parallel_loop3A_662, %get3A_14 : vector<16xf32>
        %parallel_loop3A_664 = arith.subf %parallel_loop3A_531, %parallel_loop3A_622 : vector<16xf32>
        %parallel_loop3A_665 = arith.mulf %parallel_loop3A_659, %get3A_5 : vector<16xf32>
        %parallel_loop3A_666 = arith.mulf %parallel_loop3A_664, %parallel_loop3A_665 : vector<16xf32>
        %parallel_loop3A_667 = arith.addf %parallel_loop3A_666, %get3A_17 : vector<16xf32>
        %parallel_loop3A_668 = arith.subf %parallel_loop3A_542, %parallel_loop3A_622 : vector<16xf32>
        %parallel_loop3A_669 = arith.mulf %parallel_loop3A_659, %get3A_8 : vector<16xf32>
        %parallel_loop3A_670 = arith.mulf %parallel_loop3A_668, %parallel_loop3A_669 : vector<16xf32>
        %parallel_loop3A_671 = arith.addf %parallel_loop3A_670, %get3A_20 : vector<16xf32>
        %parallel_loop3A_672 = arith.subf %parallel_loop3A_553, %parallel_loop3A_622 : vector<16xf32>
        %parallel_loop3A_673 = arith.mulf %parallel_loop3A_659, %get3A_11 : vector<16xf32>
        %parallel_loop3A_674 = arith.mulf %parallel_loop3A_672, %parallel_loop3A_673 : vector<16xf32>
        %parallel_loop3A_675 = arith.addf %parallel_loop3A_674, %get3A_23 : vector<16xf32>
        %parallel_loop3A_676 = arith.constant 0 : i32
        %parallel_loop3A_677 = arith.addi %parallel_loop3A_676, %parallel_loop3A_509 : i32
        %parallel_loop3A_678 = arith.index_cast %parallel_loop3A_677 : i32 to index
        %parallel_loop3A_679 = arith.constant 0 : index
        %parallel_loop3A_680 = tpu.vector_load %arg12[%parallel_loop3A_678, %parallel_loop3A_679] {strides = array<i32>} : memref<400x128xf32, #tpu.memory_space<vmem>>, vector<1x16xf32>,
        %parallel_loop3A_681 = vector.shape_cast %parallel_loop3A_680 : vector<1x16xf32> to vector<16xf32>
        %parallel_loop3A_682 = vector.shape_cast %parallel_loop3A_663 : vector<16xf32> to vector<1x16xf32>
        tpu.vector_store %arg12[%parallel_loop3A_678, %parallel_loop3A_679], %parallel_loop3A_682 {strides = array<i32>} : memref<400x128xf32, #tpu.memory_space<vmem>>, vector<1x16xf32>,
        %parallel_loop3A_683 = arith.constant 0 : i32
        %parallel_loop3A_684 = arith.addi %parallel_loop3A_683, %parallel_loop3A_509 : i32
        %parallel_loop3A_685 = arith.index_cast %parallel_loop3A_684 : i32 to index
        %parallel_loop3A_686 = arith.constant 16 : index
        %parallel_loop3A_687 = tpu.vector_load %arg12[%parallel_loop3A_685, %parallel_loop3A_686] {strides = array<i32>} : memref<400x128xf32, #tpu.memory_space<vmem>>, vector<1x16xf32>,
        %parallel_loop3A_688 = vector.shape_cast %parallel_loop3A_687 : vector<1x16xf32> to vector<16xf32>
        %parallel_loop3A_689 = vector.shape_cast %parallel_loop3A_667 : vector<16xf32> to vector<1x16xf32>
        tpu.vector_store %arg12[%parallel_loop3A_685, %parallel_loop3A_686], %parallel_loop3A_689 {strides = array<i32>} : memref<400x128xf32, #tpu.memory_space<vmem>>, vector<1x16xf32>,
        %parallel_loop3A_690 = arith.constant 0 : i32
        %parallel_loop3A_691 = arith.addi %parallel_loop3A_690, %parallel_loop3A_509 : i32
        %parallel_loop3A_692 = arith.index_cast %parallel_loop3A_691 : i32 to index
        %parallel_loop3A_693 = arith.constant 32 : index
        %parallel_loop3A_694 = tpu.vector_load %arg12[%parallel_loop3A_692, %parallel_loop3A_693] {strides = array<i32>} : memref<400x128xf32, #tpu.memory_space<vmem>>, vector<1x16xf32>,
        %parallel_loop3A_695 = vector.shape_cast %parallel_loop3A_694 : vector<1x16xf32> to vector<16xf32>
        %parallel_loop3A_696 = vector.shape_cast %parallel_loop3A_671 : vector<16xf32> to vector<1x16xf32>
        tpu.vector_store %arg12[%parallel_loop3A_692, %parallel_loop3A_693], %parallel_loop3A_696 {strides = array<i32>} : memref<400x128xf32, #tpu.memory_space<vmem>>, vector<1x16xf32>,
        %parallel_loop3A_697 = arith.constant 0 : i32
        %parallel_loop3A_698 = arith.addi %parallel_loop3A_697, %parallel_loop3A_509 : i32
        %parallel_loop3A_699 = arith.index_cast %parallel_loop3A_698 : i32 to index
        %parallel_loop3A_700 = arith.constant 48 : index
        %parallel_loop3A_701 = tpu.vector_load %arg12[%parallel_loop3A_699, %parallel_loop3A_700] {strides = array<i32>} : memref<400x128xf32, #tpu.memory_space<vmem>>, vector<1x16xf32>,
        %parallel_loop3A_702 = vector.shape_cast %parallel_loop3A_701 : vector<1x16xf32> to vector<16xf32>
        %parallel_loop3A_703 = vector.shape_cast %parallel_loop3A_675 : vector<16xf32> to vector<1x16xf32>
        tpu.vector_store %arg12[%parallel_loop3A_699, %parallel_loop3A_700], %parallel_loop3A_703 {strides = array<i32>} : memref<400x128xf32, #tpu.memory_space<vmem>>, vector<1x16xf32>,
        %parallel_loop3A_704 = arith.constant 1 : i32
        %parallel_loop3A_705 = arith.addi %parallel_loop3A_507, %parallel_loop3A_704 : i32
        %parallel_loop3A_706 = arith.index_cast %parallel_loop3A_705 : i32 to index
        %parallel_loop3A_707 = arith.constant 0 : index
        %parallel_loop3A_708 = tpu.vector_load %arg10[%parallel_loop3A_706, %parallel_loop3A_707] {strides = array<i32>} : memref<200x128xf32, #tpu.memory_space<vmem>>, vector<1x16xf32>,
        %parallel_loop3A_709 = vector.shape_cast %parallel_loop3A_708 : vector<1x16xf32> to vector<16xf32>
        %parallel_loop3A_710 = arith.index_cast %parallel_loop3A_509 : i32 to index
        %parallel_loop3A_711 = arith.constant 64 : index
        %parallel_loop3A_712 = tpu.vector_load %arg13[%parallel_loop3A_710, %parallel_loop3A_711] {strides = array<i32>} : memref<104x128xf32, #tpu.memory_space<vmem>>, vector<1x16xf32>,
        %parallel_loop3A_713 = vector.shape_cast %parallel_loop3A_712 : vector<1x16xf32> to vector<16xf32>
        %parallel_loop3A_714 = arith.addf %parallel_loop3A_709, %parallel_loop3A_713 : vector<16xf32>
        %parallel_loop3A_715 = arith.constant 1 : i32
        %parallel_loop3A_716 = arith.addi %parallel_loop3A_507, %parallel_loop3A_715 : i32
        %parallel_loop3A_717 = arith.index_cast %parallel_loop3A_716 : i32 to index
        %parallel_loop3A_718 = arith.constant 16 : index
        %parallel_loop3A_719 = tpu.vector_load %arg10[%parallel_loop3A_717, %parallel_loop3A_718] {strides = array<i32>} : memref<200x128xf32, #tpu.memory_space<vmem>>, vector<1x16xf32>,
        %parallel_loop3A_720 = vector.shape_cast %parallel_loop3A_719 : vector<1x16xf32> to vector<16xf32>
        %parallel_loop3A_721 = arith.index_cast %parallel_loop3A_509 : i32 to index
        %parallel_loop3A_722 = arith.constant 80 : index
        %parallel_loop3A_723 = tpu.vector_load %arg13[%parallel_loop3A_721, %parallel_loop3A_722] {strides = array<i32>} : memref<104x128xf32, #tpu.memory_space<vmem>>, vector<1x16xf32>,
        %parallel_loop3A_724 = vector.shape_cast %parallel_loop3A_723 : vector<1x16xf32> to vector<16xf32>
        %parallel_loop3A_725 = arith.addf %parallel_loop3A_720, %parallel_loop3A_724 : vector<16xf32>
        %parallel_loop3A_726 = arith.constant 1 : i32
        %parallel_loop3A_727 = arith.addi %parallel_loop3A_507, %parallel_loop3A_726 : i32
        %parallel_loop3A_728 = arith.index_cast %parallel_loop3A_727 : i32 to index
        %parallel_loop3A_729 = arith.constant 32 : index
        %parallel_loop3A_730 = tpu.vector_load %arg10[%parallel_loop3A_728, %parallel_loop3A_729] {strides = array<i32>} : memref<200x128xf32, #tpu.memory_space<vmem>>, vector<1x16xf32>,
        %parallel_loop3A_731 = vector.shape_cast %parallel_loop3A_730 : vector<1x16xf32> to vector<16xf32>
        %parallel_loop3A_732 = arith.index_cast %parallel_loop3A_509 : i32 to index
        %parallel_loop3A_733 = arith.constant 96 : index
        %parallel_loop3A_734 = tpu.vector_load %arg13[%parallel_loop3A_732, %parallel_loop3A_733] {strides = array<i32>} : memref<104x128xf32, #tpu.memory_space<vmem>>, vector<1x16xf32>,
        %parallel_loop3A_735 = vector.shape_cast %parallel_loop3A_734 : vector<1x16xf32> to vector<16xf32>
        %parallel_loop3A_736 = arith.addf %parallel_loop3A_731, %parallel_loop3A_735 : vector<16xf32>
        %parallel_loop3A_737 = arith.constant 1 : i32
        %parallel_loop3A_738 = arith.addi %parallel_loop3A_507, %parallel_loop3A_737 : i32
        %parallel_loop3A_739 = arith.index_cast %parallel_loop3A_738 : i32 to index
        %parallel_loop3A_740 = arith.constant 48 : index
        %parallel_loop3A_741 = tpu.vector_load %arg10[%parallel_loop3A_739, %parallel_loop3A_740] {strides = array<i32>} : memref<200x128xf32, #tpu.memory_space<vmem>>, vector<1x16xf32>,
        %parallel_loop3A_742 = vector.shape_cast %parallel_loop3A_741 : vector<1x16xf32> to vector<16xf32>
        %parallel_loop3A_743 = arith.index_cast %parallel_loop3A_509 : i32 to index
        %parallel_loop3A_744 = arith.constant 112 : index
        %parallel_loop3A_745 = tpu.vector_load %arg13[%parallel_loop3A_743, %parallel_loop3A_744] {strides = array<i32>} : memref<104x128xf32, #tpu.memory_space<vmem>>, vector<1x16xf32>,
        %parallel_loop3A_746 = vector.shape_cast %parallel_loop3A_745 : vector<1x16xf32> to vector<16xf32>
        %parallel_loop3A_747 = arith.addf %parallel_loop3A_742, %parallel_loop3A_746 : vector<16xf32>
        %parallel_loop3A_748 = arith.addf %parallel_loop3A_714, %parallel_loop3A_725 : vector<16xf32>
        %parallel_loop3A_749 = arith.addf %parallel_loop3A_736, %parallel_loop3A_747 : vector<16xf32>
        %parallel_loop3A_750 = arith.addf %parallel_loop3A_748, %parallel_loop3A_749 : vector<16xf32>
        %parallel_loop3A_751 = arith.mulf %parallel_loop3A_714, %parallel_loop3A_714 : vector<16xf32>
        %parallel_loop3A_752 = arith.mulf %parallel_loop3A_725, %parallel_loop3A_725 : vector<16xf32>
        %parallel_loop3A_753 = arith.addf %parallel_loop3A_751, %parallel_loop3A_752 : vector<16xf32>
        %parallel_loop3A_754 = arith.mulf %parallel_loop3A_736, %parallel_loop3A_736 : vector<16xf32>
        %parallel_loop3A_755 = arith.mulf %parallel_loop3A_747, %parallel_loop3A_747 : vector<16xf32>
        %parallel_loop3A_756 = arith.addf %parallel_loop3A_754, %parallel_loop3A_755 : vector<16xf32>
        %parallel_loop3A_757 = arith.addf %parallel_loop3A_753, %parallel_loop3A_756 : vector<16xf32>
        %parallel_loop3A_758 = arith.constant 8 : i32
        %parallel_loop3A_759 = vector.broadcast %parallel_loop3A_758 : i32 to vector<16xi32>
        %parallel_loop3A_760 = arith.xori %iota3A, %parallel_loop3A_759 : vector<16xi32>
        %parallel_loop3A_761 = vector.shape_cast %parallel_loop3A_760 : vector<16xi32> to vector<16x1xi32>
        %parallel_loop3A_762 = vector.shape_cast %parallel_loop3A_761 : vector<16x1xi32> to vector<16xi32>
        %parallel_loop3A_763 = tpu.dynamic_gather %parallel_loop3A_750[%parallel_loop3A_762] in [0] : vector<16xf32>, vector<16xi32> -> vector<16xf32>
        %parallel_loop3A_764 = arith.addf %parallel_loop3A_750, %parallel_loop3A_763 : vector<16xf32>
        %parallel_loop3A_765 = arith.constant 4 : i32
        %parallel_loop3A_766 = vector.broadcast %parallel_loop3A_765 : i32 to vector<16xi32>
        %parallel_loop3A_767 = arith.xori %iota3A, %parallel_loop3A_766 : vector<16xi32>
        %parallel_loop3A_768 = vector.shape_cast %parallel_loop3A_767 : vector<16xi32> to vector<16x1xi32>
        %parallel_loop3A_769 = vector.shape_cast %parallel_loop3A_768 : vector<16x1xi32> to vector<16xi32>
        %parallel_loop3A_770 = tpu.dynamic_gather %parallel_loop3A_764[%parallel_loop3A_769] in [0] : vector<16xf32>, vector<16xi32> -> vector<16xf32>
        %parallel_loop3A_771 = arith.addf %parallel_loop3A_764, %parallel_loop3A_770 : vector<16xf32>
        %parallel_loop3A_772 = arith.constant 2 : i32
        %parallel_loop3A_773 = vector.broadcast %parallel_loop3A_772 : i32 to vector<16xi32>
        %parallel_loop3A_774 = arith.xori %iota3A, %parallel_loop3A_773 : vector<16xi32>
        %parallel_loop3A_775 = vector.shape_cast %parallel_loop3A_774 : vector<16xi32> to vector<16x1xi32>
        %parallel_loop3A_776 = vector.shape_cast %parallel_loop3A_775 : vector<16x1xi32> to vector<16xi32>
        %parallel_loop3A_777 = tpu.dynamic_gather %parallel_loop3A_771[%parallel_loop3A_776] in [0] : vector<16xf32>, vector<16xi32> -> vector<16xf32>
        %parallel_loop3A_778 = arith.addf %parallel_loop3A_771, %parallel_loop3A_777 : vector<16xf32>
        %parallel_loop3A_779 = arith.constant 1 : i32
        %parallel_loop3A_780 = vector.broadcast %parallel_loop3A_779 : i32 to vector<16xi32>
        %parallel_loop3A_781 = arith.xori %iota3A, %parallel_loop3A_780 : vector<16xi32>
        %parallel_loop3A_782 = vector.shape_cast %parallel_loop3A_781 : vector<16xi32> to vector<16x1xi32>
        %parallel_loop3A_783 = vector.shape_cast %parallel_loop3A_782 : vector<16x1xi32> to vector<16xi32>
        %parallel_loop3A_784 = tpu.dynamic_gather %parallel_loop3A_778[%parallel_loop3A_783] in [0] : vector<16xf32>, vector<16xi32> -> vector<16xf32>
        %parallel_loop3A_785 = arith.addf %parallel_loop3A_778, %parallel_loop3A_784 : vector<16xf32>
        %parallel_loop3A_786 = arith.constant 8 : i32
        %parallel_loop3A_787 = vector.broadcast %parallel_loop3A_786 : i32 to vector<16xi32>
        %parallel_loop3A_788 = arith.xori %iota3A, %parallel_loop3A_787 : vector<16xi32>
        %parallel_loop3A_789 = vector.shape_cast %parallel_loop3A_788 : vector<16xi32> to vector<16x1xi32>
        %parallel_loop3A_790 = vector.shape_cast %parallel_loop3A_789 : vector<16x1xi32> to vector<16xi32>
        %parallel_loop3A_791 = tpu.dynamic_gather %parallel_loop3A_757[%parallel_loop3A_790] in [0] : vector<16xf32>, vector<16xi32> -> vector<16xf32>
        %parallel_loop3A_792 = arith.addf %parallel_loop3A_757, %parallel_loop3A_791 : vector<16xf32>
        %parallel_loop3A_793 = arith.constant 4 : i32
        %parallel_loop3A_794 = vector.broadcast %parallel_loop3A_793 : i32 to vector<16xi32>
        %parallel_loop3A_795 = arith.xori %iota3A, %parallel_loop3A_794 : vector<16xi32>
        %parallel_loop3A_796 = vector.shape_cast %parallel_loop3A_795 : vector<16xi32> to vector<16x1xi32>
        %parallel_loop3A_797 = vector.shape_cast %parallel_loop3A_796 : vector<16x1xi32> to vector<16xi32>
        %parallel_loop3A_798 = tpu.dynamic_gather %parallel_loop3A_792[%parallel_loop3A_797] in [0] : vector<16xf32>, vector<16xi32> -> vector<16xf32>
        %parallel_loop3A_799 = arith.addf %parallel_loop3A_792, %parallel_loop3A_798 : vector<16xf32>
        %parallel_loop3A_800 = arith.constant 2 : i32
        %parallel_loop3A_801 = vector.broadcast %parallel_loop3A_800 : i32 to vector<16xi32>
        %parallel_loop3A_802 = arith.xori %iota3A, %parallel_loop3A_801 : vector<16xi32>
        %parallel_loop3A_803 = vector.shape_cast %parallel_loop3A_802 : vector<16xi32> to vector<16x1xi32>
        %parallel_loop3A_804 = vector.shape_cast %parallel_loop3A_803 : vector<16x1xi32> to vector<16xi32>
        %parallel_loop3A_805 = tpu.dynamic_gather %parallel_loop3A_799[%parallel_loop3A_804] in [0] : vector<16xf32>, vector<16xi32> -> vector<16xf32>
        %parallel_loop3A_806 = arith.addf %parallel_loop3A_799, %parallel_loop3A_805 : vector<16xf32>
        %parallel_loop3A_807 = arith.constant 1 : i32
        %parallel_loop3A_808 = vector.broadcast %parallel_loop3A_807 : i32 to vector<16xi32>
        %parallel_loop3A_809 = arith.xori %iota3A, %parallel_loop3A_808 : vector<16xi32>
        %parallel_loop3A_810 = vector.shape_cast %parallel_loop3A_809 : vector<16xi32> to vector<16x1xi32>
        %parallel_loop3A_811 = vector.shape_cast %parallel_loop3A_810 : vector<16x1xi32> to vector<16xi32>
        %parallel_loop3A_812 = tpu.dynamic_gather %parallel_loop3A_806[%parallel_loop3A_811] in [0] : vector<16xf32>, vector<16xi32> -> vector<16xf32>
        %parallel_loop3A_813 = arith.addf %parallel_loop3A_806, %parallel_loop3A_812 : vector<16xf32>
        %parallel_loop3A_814 = arith.constant 1.562500e-02 : f32
        %parallel_loop3A_815 = vector.broadcast %parallel_loop3A_814 : f32 to vector<16xf32>
        %parallel_loop3A_816 = arith.mulf %parallel_loop3A_785, %parallel_loop3A_815 : vector<16xf32>
        %parallel_loop3A_817 = arith.constant 1.562500e-02 : f32
        %parallel_loop3A_818 = vector.broadcast %parallel_loop3A_817 : f32 to vector<16xf32>
        %parallel_loop3A_819 = arith.mulf %parallel_loop3A_813, %parallel_loop3A_818 : vector<16xf32>
        %parallel_loop3A_820 = arith.mulf %parallel_loop3A_816, %parallel_loop3A_816 : vector<16xf32>
        %parallel_loop3A_821 = arith.subf %parallel_loop3A_819, %parallel_loop3A_820 : vector<16xf32>
        %parallel_loop3A_822 = arith.constant 9.99999993E-9 : f32
        %parallel_loop3A_823 = vector.broadcast %parallel_loop3A_822 : f32 to vector<16xf32>
        %parallel_loop3A_824 = arith.addf %parallel_loop3A_821, %parallel_loop3A_823 : vector<16xf32>
        %parallel_loop3A_825 = tpu.bitcast %parallel_loop3A_824 : vector<16xf32> -> vector<16xi32>
        %parallel_loop3A_826 = arith.constant 1 : i32
        %parallel_loop3A_827 = vector.broadcast %parallel_loop3A_826 : i32 to vector<16xi32>
        %parallel_loop3A_828 = arith.shrsi %parallel_loop3A_825, %parallel_loop3A_827 : vector<16xi32>
        %parallel_loop3A_829 = arith.constant 1597463007 : i32
        %parallel_loop3A_830 = vector.broadcast %parallel_loop3A_829 : i32 to vector<16xi32>
        %parallel_loop3A_831 = arith.subi %parallel_loop3A_830, %parallel_loop3A_828 : vector<16xi32>
        %parallel_loop3A_832 = tpu.bitcast %parallel_loop3A_831 : vector<16xi32> -> vector<16xf32>
        %parallel_loop3A_833 = arith.constant -5.000000e-01 : f32
        %parallel_loop3A_834 = vector.broadcast %parallel_loop3A_833 : f32 to vector<16xf32>
        %parallel_loop3A_835 = arith.mulf %parallel_loop3A_824, %parallel_loop3A_834 : vector<16xf32>
        %parallel_loop3A_836 = arith.mulf %parallel_loop3A_835, %parallel_loop3A_832 : vector<16xf32>
        %parallel_loop3A_837 = arith.mulf %parallel_loop3A_836, %parallel_loop3A_832 : vector<16xf32>
        %parallel_loop3A_838 = arith.constant 1.500000e+00 : f32
        %parallel_loop3A_839 = vector.broadcast %parallel_loop3A_838 : f32 to vector<16xf32>
        %parallel_loop3A_840 = arith.addf %parallel_loop3A_839, %parallel_loop3A_837 : vector<16xf32>
        %parallel_loop3A_841 = arith.mulf %parallel_loop3A_832, %parallel_loop3A_840 : vector<16xf32>
        %parallel_loop3A_842 = arith.mulf %parallel_loop3A_835, %parallel_loop3A_841 : vector<16xf32>
        %parallel_loop3A_843 = arith.mulf %parallel_loop3A_842, %parallel_loop3A_841 : vector<16xf32>
        %parallel_loop3A_844 = arith.constant 1.500000e+00 : f32
        %parallel_loop3A_845 = vector.broadcast %parallel_loop3A_844 : f32 to vector<16xf32>
        %parallel_loop3A_846 = arith.addf %parallel_loop3A_845, %parallel_loop3A_843 : vector<16xf32>
        %parallel_loop3A_847 = arith.mulf %parallel_loop3A_841, %parallel_loop3A_846 : vector<16xf32>
        %parallel_loop3A_848 = arith.mulf %parallel_loop3A_835, %parallel_loop3A_847 : vector<16xf32>
        %parallel_loop3A_849 = arith.mulf %parallel_loop3A_848, %parallel_loop3A_847 : vector<16xf32>
        %parallel_loop3A_850 = arith.constant 1.500000e+00 : f32
        %parallel_loop3A_851 = vector.broadcast %parallel_loop3A_850 : f32 to vector<16xf32>
        %parallel_loop3A_852 = arith.addf %parallel_loop3A_851, %parallel_loop3A_849 : vector<16xf32>
        %parallel_loop3A_853 = arith.mulf %parallel_loop3A_847, %parallel_loop3A_852 : vector<16xf32>
        %parallel_loop3A_854 = arith.subf %parallel_loop3A_714, %parallel_loop3A_816 : vector<16xf32>
        %parallel_loop3A_855 = arith.mulf %parallel_loop3A_853, %get3A_2 : vector<16xf32>
        %parallel_loop3A_856 = arith.mulf %parallel_loop3A_854, %parallel_loop3A_855 : vector<16xf32>
        %parallel_loop3A_857 = arith.addf %parallel_loop3A_856, %get3A_14 : vector<16xf32>
        %parallel_loop3A_858 = arith.subf %parallel_loop3A_725, %parallel_loop3A_816 : vector<16xf32>
        %parallel_loop3A_859 = arith.mulf %parallel_loop3A_853, %get3A_5 : vector<16xf32>
        %parallel_loop3A_860 = arith.mulf %parallel_loop3A_858, %parallel_loop3A_859 : vector<16xf32>
        %parallel_loop3A_861 = arith.addf %parallel_loop3A_860, %get3A_17 : vector<16xf32>
        %parallel_loop3A_862 = arith.subf %parallel_loop3A_736, %parallel_loop3A_816 : vector<16xf32>
        %parallel_loop3A_863 = arith.mulf %parallel_loop3A_853, %get3A_8 : vector<16xf32>
        %parallel_loop3A_864 = arith.mulf %parallel_loop3A_862, %parallel_loop3A_863 : vector<16xf32>
        %parallel_loop3A_865 = arith.addf %parallel_loop3A_864, %get3A_20 : vector<16xf32>
        %parallel_loop3A_866 = arith.subf %parallel_loop3A_747, %parallel_loop3A_816 : vector<16xf32>
        %parallel_loop3A_867 = arith.mulf %parallel_loop3A_853, %get3A_11 : vector<16xf32>
        %parallel_loop3A_868 = arith.mulf %parallel_loop3A_866, %parallel_loop3A_867 : vector<16xf32>
        %parallel_loop3A_869 = arith.addf %parallel_loop3A_868, %get3A_23 : vector<16xf32>
        %parallel_loop3A_870 = arith.constant 0 : i32
        %parallel_loop3A_871 = arith.addi %parallel_loop3A_870, %parallel_loop3A_509 : i32
        %parallel_loop3A_872 = arith.index_cast %parallel_loop3A_871 : i32 to index
        %parallel_loop3A_873 = arith.constant 64 : index
        %parallel_loop3A_874 = tpu.vector_load %arg12[%parallel_loop3A_872, %parallel_loop3A_873] {strides = array<i32>} : memref<400x128xf32, #tpu.memory_space<vmem>>, vector<1x16xf32>,
        %parallel_loop3A_875 = vector.shape_cast %parallel_loop3A_874 : vector<1x16xf32> to vector<16xf32>
        %parallel_loop3A_876 = vector.shape_cast %parallel_loop3A_857 : vector<16xf32> to vector<1x16xf32>
        tpu.vector_store %arg12[%parallel_loop3A_872, %parallel_loop3A_873], %parallel_loop3A_876 {strides = array<i32>} : memref<400x128xf32, #tpu.memory_space<vmem>>, vector<1x16xf32>,
        %parallel_loop3A_877 = arith.constant 0 : i32
        %parallel_loop3A_878 = arith.addi %parallel_loop3A_877, %parallel_loop3A_509 : i32
        %parallel_loop3A_879 = arith.index_cast %parallel_loop3A_878 : i32 to index
        %parallel_loop3A_880 = arith.constant 80 : index
        %parallel_loop3A_881 = tpu.vector_load %arg12[%parallel_loop3A_879, %parallel_loop3A_880] {strides = array<i32>} : memref<400x128xf32, #tpu.memory_space<vmem>>, vector<1x16xf32>,
        %parallel_loop3A_882 = vector.shape_cast %parallel_loop3A_881 : vector<1x16xf32> to vector<16xf32>
        %parallel_loop3A_883 = vector.shape_cast %parallel_loop3A_861 : vector<16xf32> to vector<1x16xf32>
        tpu.vector_store %arg12[%parallel_loop3A_879, %parallel_loop3A_880], %parallel_loop3A_883 {strides = array<i32>} : memref<400x128xf32, #tpu.memory_space<vmem>>, vector<1x16xf32>,
        %parallel_loop3A_884 = arith.constant 0 : i32
        %parallel_loop3A_885 = arith.addi %parallel_loop3A_884, %parallel_loop3A_509 : i32
        %parallel_loop3A_886 = arith.index_cast %parallel_loop3A_885 : i32 to index
        %parallel_loop3A_887 = arith.constant 96 : index
        %parallel_loop3A_888 = tpu.vector_load %arg12[%parallel_loop3A_886, %parallel_loop3A_887] {strides = array<i32>} : memref<400x128xf32, #tpu.memory_space<vmem>>, vector<1x16xf32>,
        %parallel_loop3A_889 = vector.shape_cast %parallel_loop3A_888 : vector<1x16xf32> to vector<16xf32>
        %parallel_loop3A_890 = vector.shape_cast %parallel_loop3A_865 : vector<16xf32> to vector<1x16xf32>
        tpu.vector_store %arg12[%parallel_loop3A_886, %parallel_loop3A_887], %parallel_loop3A_890 {strides = array<i32>} : memref<400x128xf32, #tpu.memory_space<vmem>>, vector<1x16xf32>,
        %parallel_loop3A_891 = arith.constant 0 : i32
        %parallel_loop3A_892 = arith.addi %parallel_loop3A_891, %parallel_loop3A_509 : i32
        %parallel_loop3A_893 = arith.index_cast %parallel_loop3A_892 : i32 to index
        %parallel_loop3A_894 = arith.constant 112 : index
        %parallel_loop3A_895 = tpu.vector_load %arg12[%parallel_loop3A_893, %parallel_loop3A_894] {strides = array<i32>} : memref<400x128xf32, #tpu.memory_space<vmem>>, vector<1x16xf32>,
        %parallel_loop3A_896 = vector.shape_cast %parallel_loop3A_895 : vector<1x16xf32> to vector<16xf32>
        %parallel_loop3A_897 = vector.shape_cast %parallel_loop3A_869 : vector<16xf32> to vector<1x16xf32>
        tpu.vector_store %arg12[%parallel_loop3A_893, %parallel_loop3A_894], %parallel_loop3A_897 {strides = array<i32>} : memref<400x128xf32, #tpu.memory_space<vmem>>, vector<1x16xf32>,
      } {sc.loop_unroll_factor = 8 : i64, sc.parallel_access}
      %cond3A_215 = arith.constant 1 : i32
      %mul3A_216 = arith.constant 2 : i32
      %mul3A_217 = arith.muli %mul3A_216, %mul3A_150 : i32
      %add3A_218 = arith.constant 2 : i32
      %add3A_219 = arith.addi %mul3A_217, %add3A_218 : i32
      %mul3A_220 = arith.constant 25600 : i32
      %mul3A_221 = arith.muli %add3A, %mul3A_220 : i32
      %mul3A_222 = arith.constant 200 : i32
      %mul3A_223 = arith.muli %add3A_219, %mul3A_222 : i32
      %add3A_224 = arith.addi %mul3A_221, %mul3A_223 : i32
      %multiple_of3A_225 = tpu.assume_multiple %add3A_224, 8 : i32
      %dma_start3A_226 = arith.constant 0 : i32
      %dma_start3A_227 = tpu.memref_slice %arg8[%dma_start3A_226] : memref<224xi32, #tpu.memory_space<vmem>> -> memref<200xi32, #tpu.memory_space<vmem>>
      %dma_start3A_228 = tpu.memref_slice %arg2[%multiple_of3A_225] : memref<819200xi32, #tpu.memory_space<hbm>> -> memref<200xi32, #tpu.memory_space<hbm>>
      %dma_start3A_229 = arith.constant 0 : i32
      %dma_start3A_230 = tpu.memref_slice %arg8[%dma_start3A_229] : memref<224xi32, #tpu.memory_space<vmem>> -> memref<200xi32, #tpu.memory_space<vmem>>
      %dma_start3A_231 = tpu.memref_slice %arg2[%multiple_of3A_225] : memref<819200xi32, #tpu.memory_space<hbm>> -> memref<200xi32, #tpu.memory_space<hbm>>
      tpu.enqueue_dma source(%dma_start3A_231 : memref<200xi32, #tpu.memory_space<hbm>>) target(%dma_start3A_230 : memref<200xi32, #tpu.memory_space<vmem>>) target_semaphore(%arg16 : memref<!tpu.dma_semaphore, #tpu.memory_space<semaphore_mem>>)
      %dma_wait3A_232 = arith.constant 0 : i32
      %dma_wait3A_233 = arith.constant 0 : i32
      %dma_wait3A_234 = tpu.memref_slice %arg11[%dma_wait3A_232, %dma_wait3A_233] : memref<200x128xf32, #tpu.memory_space<vmem>> -> memref<80x128xf32, #tpu.memory_space<vmem>>
      %dma_wait3A_235 = arith.constant 0 : i32
      %dma_wait3A_236 = tpu.memref_slice %arg9[%dma_wait3A_235] : memref<224xi32, #tpu.memory_space<vmem>> -> memref<80xi32, #tpu.memory_space<vmem>>
      %dma_wait3A_237 = arith.constant 0 : i32
      %dma_wait3A_238 = arith.constant 0 : i32
      %dma_wait3A_239 = tpu.memref_slice %arg3[%dma_wait3A_237, %dma_wait3A_238] : memref<1000000x128xf32, #tpu.memory_space<hbm>> -> memref<1000000x128xf32, #tpu.memory_space<hbm>>
      tpu.wait_indirect_dma semaphore(%arg19 : memref<!tpu.dma_semaphore, #tpu.memory_space<semaphore_mem>>) src(%dma_wait3A_239 : memref<1000000x128xf32, #tpu.memory_space<hbm>>) dst(%dma_wait3A_234 : memref<80x128xf32, #tpu.memory_space<vmem>>)
      %dma_wait3A_240 = arith.constant 80 : i32
      %dma_wait3A_241 = arith.constant 0 : i32
      %dma_wait3A_242 = tpu.memref_slice %arg11[%dma_wait3A_240, %dma_wait3A_241] : memref<200x128xf32, #tpu.memory_space<vmem>> -> memref<80x128xf32, #tpu.memory_space<vmem>>
      %dma_wait3A_243 = arith.constant 80 : i32
      %dma_wait3A_244 = tpu.memref_slice %arg9[%dma_wait3A_243] : memref<224xi32, #tpu.memory_space<vmem>> -> memref<80xi32, #tpu.memory_space<vmem>>
      %dma_wait3A_245 = arith.constant 0 : i32
      %dma_wait3A_246 = arith.constant 0 : i32
      %dma_wait3A_247 = tpu.memref_slice %arg3[%dma_wait3A_245, %dma_wait3A_246] : memref<1000000x128xf32, #tpu.memory_space<hbm>> -> memref<1000000x128xf32, #tpu.memory_space<hbm>>
      tpu.wait_indirect_dma semaphore(%arg19 : memref<!tpu.dma_semaphore, #tpu.memory_space<semaphore_mem>>) src(%dma_wait3A_247 : memref<1000000x128xf32, #tpu.memory_space<hbm>>) dst(%dma_wait3A_242 : memref<80x128xf32, #tpu.memory_space<vmem>>)
      %dma_wait3A_248 = arith.constant 160 : i32
      %dma_wait3A_249 = arith.constant 0 : i32
      %dma_wait3A_250 = tpu.memref_slice %arg11[%dma_wait3A_248, %dma_wait3A_249] : memref<200x128xf32, #tpu.memory_space<vmem>> -> memref<40x128xf32, #tpu.memory_space<vmem>>
      %dma_wait3A_251 = arith.constant 160 : i32
      %dma_wait3A_252 = tpu.memref_slice %arg9[%dma_wait3A_251] : memref<224xi32, #tpu.memory_space<vmem>> -> memref<40xi32, #tpu.memory_space<vmem>>
      %dma_wait3A_253 = arith.constant 0 : i32
      %dma_wait3A_254 = arith.constant 0 : i32
      %dma_wait3A_255 = tpu.memref_slice %arg3[%dma_wait3A_253, %dma_wait3A_254] : memref<1000000x128xf32, #tpu.memory_space<hbm>> -> memref<1000000x128xf32, #tpu.memory_space<hbm>>
      tpu.wait_indirect_dma semaphore(%arg19 : memref<!tpu.dma_semaphore, #tpu.memory_space<semaphore_mem>>) src(%dma_wait3A_255 : memref<1000000x128xf32, #tpu.memory_space<hbm>>) dst(%dma_wait3A_250 : memref<40x128xf32, #tpu.memory_space<vmem>>)
      %cond3A_256 = arith.constant 1 : i32
      %mul3A_257 = arith.constant 25600 : i32
      %mul3A_258 = arith.muli %add3A, %mul3A_257 : i32
      %add3A_259 = arith.constant 0 : i32
      %add3A_260 = arith.addi %mul3A_258, %add3A_259 : i32
      %multiple_of3A_261 = tpu.assume_multiple %add3A_260, 8 : i32
      %dma_wait3A_262 = arith.constant 0 : i32
      %dma_wait3A_263 = tpu.memref_slice %arg8[%dma_wait3A_262] : memref<224xi32, #tpu.memory_space<vmem>> -> memref<200xi32, #tpu.memory_space<vmem>>
      %dma_wait3A_264 = tpu.memref_slice %arg2[%multiple_of3A_261] : memref<819200xi32, #tpu.memory_space<hbm>> -> memref<200xi32, #tpu.memory_space<hbm>>
      %dma_wait3A_265 = arith.constant 0 : i32
      %dma_wait3A_266 = tpu.memref_slice %arg8[%dma_wait3A_265] : memref<224xi32, #tpu.memory_space<vmem>> -> memref<200xi32, #tpu.memory_space<vmem>>
      %dma_wait3A_267 = tpu.memref_slice %arg2[%multiple_of3A_261] : memref<819200xi32, #tpu.memory_space<hbm>> -> memref<200xi32, #tpu.memory_space<hbm>>
      tpu.wait_dma2 semaphore(%arg16 : memref<!tpu.dma_semaphore, #tpu.memory_space<semaphore_mem>>) src(%dma_wait3A_267 : memref<200xi32, #tpu.memory_space<hbm>>) dst(%dma_wait3A_266 : memref<200xi32, #tpu.memory_space<vmem>>)
      %dma_start3A_268 = arith.constant 0 : i32
      %dma_start3A_269 = arith.constant 0 : i32
      %dma_start3A_270 = tpu.memref_slice %arg10[%dma_start3A_268, %dma_start3A_269] : memref<200x128xf32, #tpu.memory_space<vmem>> -> memref<80x128xf32, #tpu.memory_space<vmem>>
      %dma_start3A_271 = arith.constant 0 : i32
      %dma_start3A_272 = tpu.memref_slice %arg8[%dma_start3A_271] : memref<224xi32, #tpu.memory_space<vmem>> -> memref<80xi32, #tpu.memory_space<vmem>>
      %dma_start3A_273 = arith.constant 0 : i32
      %dma_start3A_274 = arith.constant 0 : i32
      %dma_start3A_275 = tpu.memref_slice %arg3[%dma_start3A_273, %dma_start3A_274] : memref<1000000x128xf32, #tpu.memory_space<hbm>> -> memref<1000000x128xf32, #tpu.memory_space<hbm>>
      tpu.enqueue_indirect_dma source(%dma_start3A_275 : memref<1000000x128xf32, #tpu.memory_space<hbm>>) target(%dma_start3A_270 : memref<80x128xf32, #tpu.memory_space<vmem>>) offsets(%dma_start3A_272 : memref<80xi32, #tpu.memory_space<vmem>>) semaphore(%arg18 : memref<!tpu.dma_semaphore, #tpu.memory_space<semaphore_mem>>)
      %dma_start3A_276 = arith.constant 80 : i32
      %dma_start3A_277 = arith.constant 0 : i32
      %dma_start3A_278 = tpu.memref_slice %arg10[%dma_start3A_276, %dma_start3A_277] : memref<200x128xf32, #tpu.memory_space<vmem>> -> memref<80x128xf32, #tpu.memory_space<vmem>>
      %dma_start3A_279 = arith.constant 80 : i32
      %dma_start3A_280 = tpu.memref_slice %arg8[%dma_start3A_279] : memref<224xi32, #tpu.memory_space<vmem>> -> memref<80xi32, #tpu.memory_space<vmem>>
      %dma_start3A_281 = arith.constant 0 : i32
      %dma_start3A_282 = arith.constant 0 : i32
      %dma_start3A_283 = tpu.memref_slice %arg3[%dma_start3A_281, %dma_start3A_282] : memref<1000000x128xf32, #tpu.memory_space<hbm>> -> memref<1000000x128xf32, #tpu.memory_space<hbm>>
      tpu.enqueue_indirect_dma source(%dma_start3A_283 : memref<1000000x128xf32, #tpu.memory_space<hbm>>) target(%dma_start3A_278 : memref<80x128xf32, #tpu.memory_space<vmem>>) offsets(%dma_start3A_280 : memref<80xi32, #tpu.memory_space<vmem>>) semaphore(%arg18 : memref<!tpu.dma_semaphore, #tpu.memory_space<semaphore_mem>>)
      %dma_start3A_284 = arith.constant 160 : i32
      %dma_start3A_285 = arith.constant 0 : i32
      %dma_start3A_286 = tpu.memref_slice %arg10[%dma_start3A_284, %dma_start3A_285] : memref<200x128xf32, #tpu.memory_space<vmem>> -> memref<40x128xf32, #tpu.memory_space<vmem>>
      %dma_start3A_287 = arith.constant 160 : i32
      %dma_start3A_288 = tpu.memref_slice %arg8[%dma_start3A_287] : memref<224xi32, #tpu.memory_space<vmem>> -> memref<40xi32, #tpu.memory_space<vmem>>
      %dma_start3A_289 = arith.constant 0 : i32
      %dma_start3A_290 = arith.constant 0 : i32
      %dma_start3A_291 = tpu.memref_slice %arg3[%dma_start3A_289, %dma_start3A_290] : memref<1000000x128xf32, #tpu.memory_space<hbm>> -> memref<1000000x128xf32, #tpu.memory_space<hbm>>
      tpu.enqueue_indirect_dma source(%dma_start3A_291 : memref<1000000x128xf32, #tpu.memory_space<hbm>>) target(%dma_start3A_286 : memref<40x128xf32, #tpu.memory_space<vmem>>) offsets(%dma_start3A_288 : memref<40xi32, #tpu.memory_space<vmem>>) semaphore(%arg18 : memref<!tpu.dma_semaphore, #tpu.memory_space<semaphore_mem>>)
      %parallel_loop3A_292 = arith.constant 0 : i32
      %parallel_loop3A_293 = arith.constant 200 : i32
      %parallel_loop3A_294 = arith.constant 2 : i32
      scf.for %parallel_loop3A_507 = %parallel_loop3A_292 to %parallel_loop3A_293 step %parallel_loop3A_294  : i32 {
        %parallel_loop3A_508 = arith.constant 1 : i32
        %parallel_loop3A_509 = arith.shrsi %parallel_loop3A_507, %parallel_loop3A_508 : i32
        %parallel_loop3A_510 = arith.constant 0 : i32
        %parallel_loop3A_511 = arith.addi %parallel_loop3A_507, %parallel_loop3A_510 : i32
        %parallel_loop3A_512 = arith.index_cast %parallel_loop3A_511 : i32 to index
        %parallel_loop3A_513 = arith.constant 0 : index
        %parallel_loop3A_514 = tpu.vector_load %arg11[%parallel_loop3A_512, %parallel_loop3A_513] {strides = array<i32>} : memref<200x128xf32, #tpu.memory_space<vmem>>, vector<1x16xf32>,
        %parallel_loop3A_515 = vector.shape_cast %parallel_loop3A_514 : vector<1x16xf32> to vector<16xf32>
        %parallel_loop3A_516 = arith.index_cast %parallel_loop3A_509 : i32 to index
        %parallel_loop3A_517 = arith.constant 0 : index
        %parallel_loop3A_518 = tpu.vector_load %arg13[%parallel_loop3A_516, %parallel_loop3A_517] {strides = array<i32>} : memref<104x128xf32, #tpu.memory_space<vmem>>, vector<1x16xf32>,
        %parallel_loop3A_519 = vector.shape_cast %parallel_loop3A_518 : vector<1x16xf32> to vector<16xf32>
        %parallel_loop3A_520 = arith.addf %parallel_loop3A_515, %parallel_loop3A_519 : vector<16xf32>
        %parallel_loop3A_521 = arith.constant 0 : i32
        %parallel_loop3A_522 = arith.addi %parallel_loop3A_507, %parallel_loop3A_521 : i32
        %parallel_loop3A_523 = arith.index_cast %parallel_loop3A_522 : i32 to index
        %parallel_loop3A_524 = arith.constant 16 : index
        %parallel_loop3A_525 = tpu.vector_load %arg11[%parallel_loop3A_523, %parallel_loop3A_524] {strides = array<i32>} : memref<200x128xf32, #tpu.memory_space<vmem>>, vector<1x16xf32>,
        %parallel_loop3A_526 = vector.shape_cast %parallel_loop3A_525 : vector<1x16xf32> to vector<16xf32>
        %parallel_loop3A_527 = arith.index_cast %parallel_loop3A_509 : i32 to index
        %parallel_loop3A_528 = arith.constant 16 : index
        %parallel_loop3A_529 = tpu.vector_load %arg13[%parallel_loop3A_527, %parallel_loop3A_528] {strides = array<i32>} : memref<104x128xf32, #tpu.memory_space<vmem>>, vector<1x16xf32>,
        %parallel_loop3A_530 = vector.shape_cast %parallel_loop3A_529 : vector<1x16xf32> to vector<16xf32>
        %parallel_loop3A_531 = arith.addf %parallel_loop3A_526, %parallel_loop3A_530 : vector<16xf32>
        %parallel_loop3A_532 = arith.constant 0 : i32
        %parallel_loop3A_533 = arith.addi %parallel_loop3A_507, %parallel_loop3A_532 : i32
        %parallel_loop3A_534 = arith.index_cast %parallel_loop3A_533 : i32 to index
        %parallel_loop3A_535 = arith.constant 32 : index
        %parallel_loop3A_536 = tpu.vector_load %arg11[%parallel_loop3A_534, %parallel_loop3A_535] {strides = array<i32>} : memref<200x128xf32, #tpu.memory_space<vmem>>, vector<1x16xf32>,
        %parallel_loop3A_537 = vector.shape_cast %parallel_loop3A_536 : vector<1x16xf32> to vector<16xf32>
        %parallel_loop3A_538 = arith.index_cast %parallel_loop3A_509 : i32 to index
        %parallel_loop3A_539 = arith.constant 32 : index
        %parallel_loop3A_540 = tpu.vector_load %arg13[%parallel_loop3A_538, %parallel_loop3A_539] {strides = array<i32>} : memref<104x128xf32, #tpu.memory_space<vmem>>, vector<1x16xf32>,
        %parallel_loop3A_541 = vector.shape_cast %parallel_loop3A_540 : vector<1x16xf32> to vector<16xf32>
        %parallel_loop3A_542 = arith.addf %parallel_loop3A_537, %parallel_loop3A_541 : vector<16xf32>
        %parallel_loop3A_543 = arith.constant 0 : i32
        %parallel_loop3A_544 = arith.addi %parallel_loop3A_507, %parallel_loop3A_543 : i32
        %parallel_loop3A_545 = arith.index_cast %parallel_loop3A_544 : i32 to index
        %parallel_loop3A_546 = arith.constant 48 : index
        %parallel_loop3A_547 = tpu.vector_load %arg11[%parallel_loop3A_545, %parallel_loop3A_546] {strides = array<i32>} : memref<200x128xf32, #tpu.memory_space<vmem>>, vector<1x16xf32>,
        %parallel_loop3A_548 = vector.shape_cast %parallel_loop3A_547 : vector<1x16xf32> to vector<16xf32>
        %parallel_loop3A_549 = arith.index_cast %parallel_loop3A_509 : i32 to index
        %parallel_loop3A_550 = arith.constant 48 : index
        %parallel_loop3A_551 = tpu.vector_load %arg13[%parallel_loop3A_549, %parallel_loop3A_550] {strides = array<i32>} : memref<104x128xf32, #tpu.memory_space<vmem>>, vector<1x16xf32>,
        %parallel_loop3A_552 = vector.shape_cast %parallel_loop3A_551 : vector<1x16xf32> to vector<16xf32>
        %parallel_loop3A_553 = arith.addf %parallel_loop3A_548, %parallel_loop3A_552 : vector<16xf32>
        %parallel_loop3A_554 = arith.addf %parallel_loop3A_520, %parallel_loop3A_531 : vector<16xf32>
        %parallel_loop3A_555 = arith.addf %parallel_loop3A_542, %parallel_loop3A_553 : vector<16xf32>
        %parallel_loop3A_556 = arith.addf %parallel_loop3A_554, %parallel_loop3A_555 : vector<16xf32>
        %parallel_loop3A_557 = arith.mulf %parallel_loop3A_520, %parallel_loop3A_520 : vector<16xf32>
        %parallel_loop3A_558 = arith.mulf %parallel_loop3A_531, %parallel_loop3A_531 : vector<16xf32>
        %parallel_loop3A_559 = arith.addf %parallel_loop3A_557, %parallel_loop3A_558 : vector<16xf32>
        %parallel_loop3A_560 = arith.mulf %parallel_loop3A_542, %parallel_loop3A_542 : vector<16xf32>
        %parallel_loop3A_561 = arith.mulf %parallel_loop3A_553, %parallel_loop3A_553 : vector<16xf32>
        %parallel_loop3A_562 = arith.addf %parallel_loop3A_560, %parallel_loop3A_561 : vector<16xf32>
        %parallel_loop3A_563 = arith.addf %parallel_loop3A_559, %parallel_loop3A_562 : vector<16xf32>
        %parallel_loop3A_564 = arith.constant 8 : i32
        %parallel_loop3A_565 = vector.broadcast %parallel_loop3A_564 : i32 to vector<16xi32>
        %parallel_loop3A_566 = arith.xori %iota3A, %parallel_loop3A_565 : vector<16xi32>
        %parallel_loop3A_567 = vector.shape_cast %parallel_loop3A_566 : vector<16xi32> to vector<16x1xi32>
        %parallel_loop3A_568 = vector.shape_cast %parallel_loop3A_567 : vector<16x1xi32> to vector<16xi32>
        %parallel_loop3A_569 = tpu.dynamic_gather %parallel_loop3A_556[%parallel_loop3A_568] in [0] : vector<16xf32>, vector<16xi32> -> vector<16xf32>
        %parallel_loop3A_570 = arith.addf %parallel_loop3A_556, %parallel_loop3A_569 : vector<16xf32>
        %parallel_loop3A_571 = arith.constant 4 : i32
        %parallel_loop3A_572 = vector.broadcast %parallel_loop3A_571 : i32 to vector<16xi32>
        %parallel_loop3A_573 = arith.xori %iota3A, %parallel_loop3A_572 : vector<16xi32>
        %parallel_loop3A_574 = vector.shape_cast %parallel_loop3A_573 : vector<16xi32> to vector<16x1xi32>
        %parallel_loop3A_575 = vector.shape_cast %parallel_loop3A_574 : vector<16x1xi32> to vector<16xi32>
        %parallel_loop3A_576 = tpu.dynamic_gather %parallel_loop3A_570[%parallel_loop3A_575] in [0] : vector<16xf32>, vector<16xi32> -> vector<16xf32>
        %parallel_loop3A_577 = arith.addf %parallel_loop3A_570, %parallel_loop3A_576 : vector<16xf32>
        %parallel_loop3A_578 = arith.constant 2 : i32
        %parallel_loop3A_579 = vector.broadcast %parallel_loop3A_578 : i32 to vector<16xi32>
        %parallel_loop3A_580 = arith.xori %iota3A, %parallel_loop3A_579 : vector<16xi32>
        %parallel_loop3A_581 = vector.shape_cast %parallel_loop3A_580 : vector<16xi32> to vector<16x1xi32>
        %parallel_loop3A_582 = vector.shape_cast %parallel_loop3A_581 : vector<16x1xi32> to vector<16xi32>
        %parallel_loop3A_583 = tpu.dynamic_gather %parallel_loop3A_577[%parallel_loop3A_582] in [0] : vector<16xf32>, vector<16xi32> -> vector<16xf32>
        %parallel_loop3A_584 = arith.addf %parallel_loop3A_577, %parallel_loop3A_583 : vector<16xf32>
        %parallel_loop3A_585 = arith.constant 1 : i32
        %parallel_loop3A_586 = vector.broadcast %parallel_loop3A_585 : i32 to vector<16xi32>
        %parallel_loop3A_587 = arith.xori %iota3A, %parallel_loop3A_586 : vector<16xi32>
        %parallel_loop3A_588 = vector.shape_cast %parallel_loop3A_587 : vector<16xi32> to vector<16x1xi32>
        %parallel_loop3A_589 = vector.shape_cast %parallel_loop3A_588 : vector<16x1xi32> to vector<16xi32>
        %parallel_loop3A_590 = tpu.dynamic_gather %parallel_loop3A_584[%parallel_loop3A_589] in [0] : vector<16xf32>, vector<16xi32> -> vector<16xf32>
        %parallel_loop3A_591 = arith.addf %parallel_loop3A_584, %parallel_loop3A_590 : vector<16xf32>
        %parallel_loop3A_592 = arith.constant 8 : i32
        %parallel_loop3A_593 = vector.broadcast %parallel_loop3A_592 : i32 to vector<16xi32>
        %parallel_loop3A_594 = arith.xori %iota3A, %parallel_loop3A_593 : vector<16xi32>
        %parallel_loop3A_595 = vector.shape_cast %parallel_loop3A_594 : vector<16xi32> to vector<16x1xi32>
        %parallel_loop3A_596 = vector.shape_cast %parallel_loop3A_595 : vector<16x1xi32> to vector<16xi32>
        %parallel_loop3A_597 = tpu.dynamic_gather %parallel_loop3A_563[%parallel_loop3A_596] in [0] : vector<16xf32>, vector<16xi32> -> vector<16xf32>
        %parallel_loop3A_598 = arith.addf %parallel_loop3A_563, %parallel_loop3A_597 : vector<16xf32>
        %parallel_loop3A_599 = arith.constant 4 : i32
        %parallel_loop3A_600 = vector.broadcast %parallel_loop3A_599 : i32 to vector<16xi32>
        %parallel_loop3A_601 = arith.xori %iota3A, %parallel_loop3A_600 : vector<16xi32>
        %parallel_loop3A_602 = vector.shape_cast %parallel_loop3A_601 : vector<16xi32> to vector<16x1xi32>
        %parallel_loop3A_603 = vector.shape_cast %parallel_loop3A_602 : vector<16x1xi32> to vector<16xi32>
        %parallel_loop3A_604 = tpu.dynamic_gather %parallel_loop3A_598[%parallel_loop3A_603] in [0] : vector<16xf32>, vector<16xi32> -> vector<16xf32>
        %parallel_loop3A_605 = arith.addf %parallel_loop3A_598, %parallel_loop3A_604 : vector<16xf32>
        %parallel_loop3A_606 = arith.constant 2 : i32
        %parallel_loop3A_607 = vector.broadcast %parallel_loop3A_606 : i32 to vector<16xi32>
        %parallel_loop3A_608 = arith.xori %iota3A, %parallel_loop3A_607 : vector<16xi32>
        %parallel_loop3A_609 = vector.shape_cast %parallel_loop3A_608 : vector<16xi32> to vector<16x1xi32>
        %parallel_loop3A_610 = vector.shape_cast %parallel_loop3A_609 : vector<16x1xi32> to vector<16xi32>
        %parallel_loop3A_611 = tpu.dynamic_gather %parallel_loop3A_605[%parallel_loop3A_610] in [0] : vector<16xf32>, vector<16xi32> -> vector<16xf32>
        %parallel_loop3A_612 = arith.addf %parallel_loop3A_605, %parallel_loop3A_611 : vector<16xf32>
        %parallel_loop3A_613 = arith.constant 1 : i32
        %parallel_loop3A_614 = vector.broadcast %parallel_loop3A_613 : i32 to vector<16xi32>
        %parallel_loop3A_615 = arith.xori %iota3A, %parallel_loop3A_614 : vector<16xi32>
        %parallel_loop3A_616 = vector.shape_cast %parallel_loop3A_615 : vector<16xi32> to vector<16x1xi32>
        %parallel_loop3A_617 = vector.shape_cast %parallel_loop3A_616 : vector<16x1xi32> to vector<16xi32>
        %parallel_loop3A_618 = tpu.dynamic_gather %parallel_loop3A_612[%parallel_loop3A_617] in [0] : vector<16xf32>, vector<16xi32> -> vector<16xf32>
        %parallel_loop3A_619 = arith.addf %parallel_loop3A_612, %parallel_loop3A_618 : vector<16xf32>
        %parallel_loop3A_620 = arith.constant 1.562500e-02 : f32
        %parallel_loop3A_621 = vector.broadcast %parallel_loop3A_620 : f32 to vector<16xf32>
        %parallel_loop3A_622 = arith.mulf %parallel_loop3A_591, %parallel_loop3A_621 : vector<16xf32>
        %parallel_loop3A_623 = arith.constant 1.562500e-02 : f32
        %parallel_loop3A_624 = vector.broadcast %parallel_loop3A_623 : f32 to vector<16xf32>
        %parallel_loop3A_625 = arith.mulf %parallel_loop3A_619, %parallel_loop3A_624 : vector<16xf32>
        %parallel_loop3A_626 = arith.mulf %parallel_loop3A_622, %parallel_loop3A_622 : vector<16xf32>
        %parallel_loop3A_627 = arith.subf %parallel_loop3A_625, %parallel_loop3A_626 : vector<16xf32>
        %parallel_loop3A_628 = arith.constant 9.99999993E-9 : f32
        %parallel_loop3A_629 = vector.broadcast %parallel_loop3A_628 : f32 to vector<16xf32>
        %parallel_loop3A_630 = arith.addf %parallel_loop3A_627, %parallel_loop3A_629 : vector<16xf32>
        %parallel_loop3A_631 = tpu.bitcast %parallel_loop3A_630 : vector<16xf32> -> vector<16xi32>
        %parallel_loop3A_632 = arith.constant 1 : i32
        %parallel_loop3A_633 = vector.broadcast %parallel_loop3A_632 : i32 to vector<16xi32>
        %parallel_loop3A_634 = arith.shrsi %parallel_loop3A_631, %parallel_loop3A_633 : vector<16xi32>
        %parallel_loop3A_635 = arith.constant 1597463007 : i32
        %parallel_loop3A_636 = vector.broadcast %parallel_loop3A_635 : i32 to vector<16xi32>
        %parallel_loop3A_637 = arith.subi %parallel_loop3A_636, %parallel_loop3A_634 : vector<16xi32>
        %parallel_loop3A_638 = tpu.bitcast %parallel_loop3A_637 : vector<16xi32> -> vector<16xf32>
        %parallel_loop3A_639 = arith.constant -5.000000e-01 : f32
        %parallel_loop3A_640 = vector.broadcast %parallel_loop3A_639 : f32 to vector<16xf32>
        %parallel_loop3A_641 = arith.mulf %parallel_loop3A_630, %parallel_loop3A_640 : vector<16xf32>
        %parallel_loop3A_642 = arith.mulf %parallel_loop3A_641, %parallel_loop3A_638 : vector<16xf32>
        %parallel_loop3A_643 = arith.mulf %parallel_loop3A_642, %parallel_loop3A_638 : vector<16xf32>
        %parallel_loop3A_644 = arith.constant 1.500000e+00 : f32
        %parallel_loop3A_645 = vector.broadcast %parallel_loop3A_644 : f32 to vector<16xf32>
        %parallel_loop3A_646 = arith.addf %parallel_loop3A_645, %parallel_loop3A_643 : vector<16xf32>
        %parallel_loop3A_647 = arith.mulf %parallel_loop3A_638, %parallel_loop3A_646 : vector<16xf32>
        %parallel_loop3A_648 = arith.mulf %parallel_loop3A_641, %parallel_loop3A_647 : vector<16xf32>
        %parallel_loop3A_649 = arith.mulf %parallel_loop3A_648, %parallel_loop3A_647 : vector<16xf32>
        %parallel_loop3A_650 = arith.constant 1.500000e+00 : f32
        %parallel_loop3A_651 = vector.broadcast %parallel_loop3A_650 : f32 to vector<16xf32>
        %parallel_loop3A_652 = arith.addf %parallel_loop3A_651, %parallel_loop3A_649 : vector<16xf32>
        %parallel_loop3A_653 = arith.mulf %parallel_loop3A_647, %parallel_loop3A_652 : vector<16xf32>
        %parallel_loop3A_654 = arith.mulf %parallel_loop3A_641, %parallel_loop3A_653 : vector<16xf32>
        %parallel_loop3A_655 = arith.mulf %parallel_loop3A_654, %parallel_loop3A_653 : vector<16xf32>
        %parallel_loop3A_656 = arith.constant 1.500000e+00 : f32
        %parallel_loop3A_657 = vector.broadcast %parallel_loop3A_656 : f32 to vector<16xf32>
        %parallel_loop3A_658 = arith.addf %parallel_loop3A_657, %parallel_loop3A_655 : vector<16xf32>
        %parallel_loop3A_659 = arith.mulf %parallel_loop3A_653, %parallel_loop3A_658 : vector<16xf32>
        %parallel_loop3A_660 = arith.subf %parallel_loop3A_520, %parallel_loop3A_622 : vector<16xf32>
        %parallel_loop3A_661 = arith.mulf %parallel_loop3A_659, %get3A_2 : vector<16xf32>
        %parallel_loop3A_662 = arith.mulf %parallel_loop3A_660, %parallel_loop3A_661 : vector<16xf32>
        %parallel_loop3A_663 = arith.addf %parallel_loop3A_662, %get3A_14 : vector<16xf32>
        %parallel_loop3A_664 = arith.subf %parallel_loop3A_531, %parallel_loop3A_622 : vector<16xf32>
        %parallel_loop3A_665 = arith.mulf %parallel_loop3A_659, %get3A_5 : vector<16xf32>
        %parallel_loop3A_666 = arith.mulf %parallel_loop3A_664, %parallel_loop3A_665 : vector<16xf32>
        %parallel_loop3A_667 = arith.addf %parallel_loop3A_666, %get3A_17 : vector<16xf32>
        %parallel_loop3A_668 = arith.subf %parallel_loop3A_542, %parallel_loop3A_622 : vector<16xf32>
        %parallel_loop3A_669 = arith.mulf %parallel_loop3A_659, %get3A_8 : vector<16xf32>
        %parallel_loop3A_670 = arith.mulf %parallel_loop3A_668, %parallel_loop3A_669 : vector<16xf32>
        %parallel_loop3A_671 = arith.addf %parallel_loop3A_670, %get3A_20 : vector<16xf32>
        %parallel_loop3A_672 = arith.subf %parallel_loop3A_553, %parallel_loop3A_622 : vector<16xf32>
        %parallel_loop3A_673 = arith.mulf %parallel_loop3A_659, %get3A_11 : vector<16xf32>
        %parallel_loop3A_674 = arith.mulf %parallel_loop3A_672, %parallel_loop3A_673 : vector<16xf32>
        %parallel_loop3A_675 = arith.addf %parallel_loop3A_674, %get3A_23 : vector<16xf32>
        %parallel_loop3A_676 = arith.constant 100 : i32
        %parallel_loop3A_677 = arith.addi %parallel_loop3A_676, %parallel_loop3A_509 : i32
        %parallel_loop3A_678 = arith.index_cast %parallel_loop3A_677 : i32 to index
        %parallel_loop3A_679 = arith.constant 0 : index
        %parallel_loop3A_680 = tpu.vector_load %arg12[%parallel_loop3A_678, %parallel_loop3A_679] {strides = array<i32>} : memref<400x128xf32, #tpu.memory_space<vmem>>, vector<1x16xf32>,
        %parallel_loop3A_681 = vector.shape_cast %parallel_loop3A_680 : vector<1x16xf32> to vector<16xf32>
        %parallel_loop3A_682 = vector.shape_cast %parallel_loop3A_663 : vector<16xf32> to vector<1x16xf32>
        tpu.vector_store %arg12[%parallel_loop3A_678, %parallel_loop3A_679], %parallel_loop3A_682 {strides = array<i32>} : memref<400x128xf32, #tpu.memory_space<vmem>>, vector<1x16xf32>,
        %parallel_loop3A_683 = arith.constant 100 : i32
        %parallel_loop3A_684 = arith.addi %parallel_loop3A_683, %parallel_loop3A_509 : i32
        %parallel_loop3A_685 = arith.index_cast %parallel_loop3A_684 : i32 to index
        %parallel_loop3A_686 = arith.constant 16 : index
        %parallel_loop3A_687 = tpu.vector_load %arg12[%parallel_loop3A_685, %parallel_loop3A_686] {strides = array<i32>} : memref<400x128xf32, #tpu.memory_space<vmem>>, vector<1x16xf32>,
        %parallel_loop3A_688 = vector.shape_cast %parallel_loop3A_687 : vector<1x16xf32> to vector<16xf32>
        %parallel_loop3A_689 = vector.shape_cast %parallel_loop3A_667 : vector<16xf32> to vector<1x16xf32>
        tpu.vector_store %arg12[%parallel_loop3A_685, %parallel_loop3A_686], %parallel_loop3A_689 {strides = array<i32>} : memref<400x128xf32, #tpu.memory_space<vmem>>, vector<1x16xf32>,
        %parallel_loop3A_690 = arith.constant 100 : i32
        %parallel_loop3A_691 = arith.addi %parallel_loop3A_690, %parallel_loop3A_509 : i32
        %parallel_loop3A_692 = arith.index_cast %parallel_loop3A_691 : i32 to index
        %parallel_loop3A_693 = arith.constant 32 : index
        %parallel_loop3A_694 = tpu.vector_load %arg12[%parallel_loop3A_692, %parallel_loop3A_693] {strides = array<i32>} : memref<400x128xf32, #tpu.memory_space<vmem>>, vector<1x16xf32>,
        %parallel_loop3A_695 = vector.shape_cast %parallel_loop3A_694 : vector<1x16xf32> to vector<16xf32>
        %parallel_loop3A_696 = vector.shape_cast %parallel_loop3A_671 : vector<16xf32> to vector<1x16xf32>
        tpu.vector_store %arg12[%parallel_loop3A_692, %parallel_loop3A_693], %parallel_loop3A_696 {strides = array<i32>} : memref<400x128xf32, #tpu.memory_space<vmem>>, vector<1x16xf32>,
        %parallel_loop3A_697 = arith.constant 100 : i32
        %parallel_loop3A_698 = arith.addi %parallel_loop3A_697, %parallel_loop3A_509 : i32
        %parallel_loop3A_699 = arith.index_cast %parallel_loop3A_698 : i32 to index
        %parallel_loop3A_700 = arith.constant 48 : index
        %parallel_loop3A_701 = tpu.vector_load %arg12[%parallel_loop3A_699, %parallel_loop3A_700] {strides = array<i32>} : memref<400x128xf32, #tpu.memory_space<vmem>>, vector<1x16xf32>,
        %parallel_loop3A_702 = vector.shape_cast %parallel_loop3A_701 : vector<1x16xf32> to vector<16xf32>
        %parallel_loop3A_703 = vector.shape_cast %parallel_loop3A_675 : vector<16xf32> to vector<1x16xf32>
        tpu.vector_store %arg12[%parallel_loop3A_699, %parallel_loop3A_700], %parallel_loop3A_703 {strides = array<i32>} : memref<400x128xf32, #tpu.memory_space<vmem>>, vector<1x16xf32>,
        %parallel_loop3A_704 = arith.constant 1 : i32
        %parallel_loop3A_705 = arith.addi %parallel_loop3A_507, %parallel_loop3A_704 : i32
        %parallel_loop3A_706 = arith.index_cast %parallel_loop3A_705 : i32 to index
        %parallel_loop3A_707 = arith.constant 0 : index
        %parallel_loop3A_708 = tpu.vector_load %arg11[%parallel_loop3A_706, %parallel_loop3A_707] {strides = array<i32>} : memref<200x128xf32, #tpu.memory_space<vmem>>, vector<1x16xf32>,
        %parallel_loop3A_709 = vector.shape_cast %parallel_loop3A_708 : vector<1x16xf32> to vector<16xf32>
        %parallel_loop3A_710 = arith.index_cast %parallel_loop3A_509 : i32 to index
        %parallel_loop3A_711 = arith.constant 64 : index
        %parallel_loop3A_712 = tpu.vector_load %arg13[%parallel_loop3A_710, %parallel_loop3A_711] {strides = array<i32>} : memref<104x128xf32, #tpu.memory_space<vmem>>, vector<1x16xf32>,
        %parallel_loop3A_713 = vector.shape_cast %parallel_loop3A_712 : vector<1x16xf32> to vector<16xf32>
        %parallel_loop3A_714 = arith.addf %parallel_loop3A_709, %parallel_loop3A_713 : vector<16xf32>
        %parallel_loop3A_715 = arith.constant 1 : i32
        %parallel_loop3A_716 = arith.addi %parallel_loop3A_507, %parallel_loop3A_715 : i32
        %parallel_loop3A_717 = arith.index_cast %parallel_loop3A_716 : i32 to index
        %parallel_loop3A_718 = arith.constant 16 : index
        %parallel_loop3A_719 = tpu.vector_load %arg11[%parallel_loop3A_717, %parallel_loop3A_718] {strides = array<i32>} : memref<200x128xf32, #tpu.memory_space<vmem>>, vector<1x16xf32>,
        %parallel_loop3A_720 = vector.shape_cast %parallel_loop3A_719 : vector<1x16xf32> to vector<16xf32>
        %parallel_loop3A_721 = arith.index_cast %parallel_loop3A_509 : i32 to index
        %parallel_loop3A_722 = arith.constant 80 : index
        %parallel_loop3A_723 = tpu.vector_load %arg13[%parallel_loop3A_721, %parallel_loop3A_722] {strides = array<i32>} : memref<104x128xf32, #tpu.memory_space<vmem>>, vector<1x16xf32>,
        %parallel_loop3A_724 = vector.shape_cast %parallel_loop3A_723 : vector<1x16xf32> to vector<16xf32>
        %parallel_loop3A_725 = arith.addf %parallel_loop3A_720, %parallel_loop3A_724 : vector<16xf32>
        %parallel_loop3A_726 = arith.constant 1 : i32
        %parallel_loop3A_727 = arith.addi %parallel_loop3A_507, %parallel_loop3A_726 : i32
        %parallel_loop3A_728 = arith.index_cast %parallel_loop3A_727 : i32 to index
        %parallel_loop3A_729 = arith.constant 32 : index
        %parallel_loop3A_730 = tpu.vector_load %arg11[%parallel_loop3A_728, %parallel_loop3A_729] {strides = array<i32>} : memref<200x128xf32, #tpu.memory_space<vmem>>, vector<1x16xf32>,
        %parallel_loop3A_731 = vector.shape_cast %parallel_loop3A_730 : vector<1x16xf32> to vector<16xf32>
        %parallel_loop3A_732 = arith.index_cast %parallel_loop3A_509 : i32 to index
        %parallel_loop3A_733 = arith.constant 96 : index
        %parallel_loop3A_734 = tpu.vector_load %arg13[%parallel_loop3A_732, %parallel_loop3A_733] {strides = array<i32>} : memref<104x128xf32, #tpu.memory_space<vmem>>, vector<1x16xf32>,
        %parallel_loop3A_735 = vector.shape_cast %parallel_loop3A_734 : vector<1x16xf32> to vector<16xf32>
        %parallel_loop3A_736 = arith.addf %parallel_loop3A_731, %parallel_loop3A_735 : vector<16xf32>
        %parallel_loop3A_737 = arith.constant 1 : i32
        %parallel_loop3A_738 = arith.addi %parallel_loop3A_507, %parallel_loop3A_737 : i32
        %parallel_loop3A_739 = arith.index_cast %parallel_loop3A_738 : i32 to index
        %parallel_loop3A_740 = arith.constant 48 : index
        %parallel_loop3A_741 = tpu.vector_load %arg11[%parallel_loop3A_739, %parallel_loop3A_740] {strides = array<i32>} : memref<200x128xf32, #tpu.memory_space<vmem>>, vector<1x16xf32>,
        %parallel_loop3A_742 = vector.shape_cast %parallel_loop3A_741 : vector<1x16xf32> to vector<16xf32>
        %parallel_loop3A_743 = arith.index_cast %parallel_loop3A_509 : i32 to index
        %parallel_loop3A_744 = arith.constant 112 : index
        %parallel_loop3A_745 = tpu.vector_load %arg13[%parallel_loop3A_743, %parallel_loop3A_744] {strides = array<i32>} : memref<104x128xf32, #tpu.memory_space<vmem>>, vector<1x16xf32>,
        %parallel_loop3A_746 = vector.shape_cast %parallel_loop3A_745 : vector<1x16xf32> to vector<16xf32>
        %parallel_loop3A_747 = arith.addf %parallel_loop3A_742, %parallel_loop3A_746 : vector<16xf32>
        %parallel_loop3A_748 = arith.addf %parallel_loop3A_714, %parallel_loop3A_725 : vector<16xf32>
        %parallel_loop3A_749 = arith.addf %parallel_loop3A_736, %parallel_loop3A_747 : vector<16xf32>
        %parallel_loop3A_750 = arith.addf %parallel_loop3A_748, %parallel_loop3A_749 : vector<16xf32>
        %parallel_loop3A_751 = arith.mulf %parallel_loop3A_714, %parallel_loop3A_714 : vector<16xf32>
        %parallel_loop3A_752 = arith.mulf %parallel_loop3A_725, %parallel_loop3A_725 : vector<16xf32>
        %parallel_loop3A_753 = arith.addf %parallel_loop3A_751, %parallel_loop3A_752 : vector<16xf32>
        %parallel_loop3A_754 = arith.mulf %parallel_loop3A_736, %parallel_loop3A_736 : vector<16xf32>
        %parallel_loop3A_755 = arith.mulf %parallel_loop3A_747, %parallel_loop3A_747 : vector<16xf32>
        %parallel_loop3A_756 = arith.addf %parallel_loop3A_754, %parallel_loop3A_755 : vector<16xf32>
        %parallel_loop3A_757 = arith.addf %parallel_loop3A_753, %parallel_loop3A_756 : vector<16xf32>
        %parallel_loop3A_758 = arith.constant 8 : i32
        %parallel_loop3A_759 = vector.broadcast %parallel_loop3A_758 : i32 to vector<16xi32>
        %parallel_loop3A_760 = arith.xori %iota3A, %parallel_loop3A_759 : vector<16xi32>
        %parallel_loop3A_761 = vector.shape_cast %parallel_loop3A_760 : vector<16xi32> to vector<16x1xi32>
        %parallel_loop3A_762 = vector.shape_cast %parallel_loop3A_761 : vector<16x1xi32> to vector<16xi32>
        %parallel_loop3A_763 = tpu.dynamic_gather %parallel_loop3A_750[%parallel_loop3A_762] in [0] : vector<16xf32>, vector<16xi32> -> vector<16xf32>
        %parallel_loop3A_764 = arith.addf %parallel_loop3A_750, %parallel_loop3A_763 : vector<16xf32>
        %parallel_loop3A_765 = arith.constant 4 : i32
        %parallel_loop3A_766 = vector.broadcast %parallel_loop3A_765 : i32 to vector<16xi32>
        %parallel_loop3A_767 = arith.xori %iota3A, %parallel_loop3A_766 : vector<16xi32>
        %parallel_loop3A_768 = vector.shape_cast %parallel_loop3A_767 : vector<16xi32> to vector<16x1xi32>
        %parallel_loop3A_769 = vector.shape_cast %parallel_loop3A_768 : vector<16x1xi32> to vector<16xi32>
        %parallel_loop3A_770 = tpu.dynamic_gather %parallel_loop3A_764[%parallel_loop3A_769] in [0] : vector<16xf32>, vector<16xi32> -> vector<16xf32>
        %parallel_loop3A_771 = arith.addf %parallel_loop3A_764, %parallel_loop3A_770 : vector<16xf32>
        %parallel_loop3A_772 = arith.constant 2 : i32
        %parallel_loop3A_773 = vector.broadcast %parallel_loop3A_772 : i32 to vector<16xi32>
        %parallel_loop3A_774 = arith.xori %iota3A, %parallel_loop3A_773 : vector<16xi32>
        %parallel_loop3A_775 = vector.shape_cast %parallel_loop3A_774 : vector<16xi32> to vector<16x1xi32>
        %parallel_loop3A_776 = vector.shape_cast %parallel_loop3A_775 : vector<16x1xi32> to vector<16xi32>
        %parallel_loop3A_777 = tpu.dynamic_gather %parallel_loop3A_771[%parallel_loop3A_776] in [0] : vector<16xf32>, vector<16xi32> -> vector<16xf32>
        %parallel_loop3A_778 = arith.addf %parallel_loop3A_771, %parallel_loop3A_777 : vector<16xf32>
        %parallel_loop3A_779 = arith.constant 1 : i32
        %parallel_loop3A_780 = vector.broadcast %parallel_loop3A_779 : i32 to vector<16xi32>
        %parallel_loop3A_781 = arith.xori %iota3A, %parallel_loop3A_780 : vector<16xi32>
        %parallel_loop3A_782 = vector.shape_cast %parallel_loop3A_781 : vector<16xi32> to vector<16x1xi32>
        %parallel_loop3A_783 = vector.shape_cast %parallel_loop3A_782 : vector<16x1xi32> to vector<16xi32>
        %parallel_loop3A_784 = tpu.dynamic_gather %parallel_loop3A_778[%parallel_loop3A_783] in [0] : vector<16xf32>, vector<16xi32> -> vector<16xf32>
        %parallel_loop3A_785 = arith.addf %parallel_loop3A_778, %parallel_loop3A_784 : vector<16xf32>
        %parallel_loop3A_786 = arith.constant 8 : i32
        %parallel_loop3A_787 = vector.broadcast %parallel_loop3A_786 : i32 to vector<16xi32>
        %parallel_loop3A_788 = arith.xori %iota3A, %parallel_loop3A_787 : vector<16xi32>
        %parallel_loop3A_789 = vector.shape_cast %parallel_loop3A_788 : vector<16xi32> to vector<16x1xi32>
        %parallel_loop3A_790 = vector.shape_cast %parallel_loop3A_789 : vector<16x1xi32> to vector<16xi32>
        %parallel_loop3A_791 = tpu.dynamic_gather %parallel_loop3A_757[%parallel_loop3A_790] in [0] : vector<16xf32>, vector<16xi32> -> vector<16xf32>
        %parallel_loop3A_792 = arith.addf %parallel_loop3A_757, %parallel_loop3A_791 : vector<16xf32>
        %parallel_loop3A_793 = arith.constant 4 : i32
        %parallel_loop3A_794 = vector.broadcast %parallel_loop3A_793 : i32 to vector<16xi32>
        %parallel_loop3A_795 = arith.xori %iota3A, %parallel_loop3A_794 : vector<16xi32>
        %parallel_loop3A_796 = vector.shape_cast %parallel_loop3A_795 : vector<16xi32> to vector<16x1xi32>
        %parallel_loop3A_797 = vector.shape_cast %parallel_loop3A_796 : vector<16x1xi32> to vector<16xi32>
        %parallel_loop3A_798 = tpu.dynamic_gather %parallel_loop3A_792[%parallel_loop3A_797] in [0] : vector<16xf32>, vector<16xi32> -> vector<16xf32>
        %parallel_loop3A_799 = arith.addf %parallel_loop3A_792, %parallel_loop3A_798 : vector<16xf32>
        %parallel_loop3A_800 = arith.constant 2 : i32
        %parallel_loop3A_801 = vector.broadcast %parallel_loop3A_800 : i32 to vector<16xi32>
        %parallel_loop3A_802 = arith.xori %iota3A, %parallel_loop3A_801 : vector<16xi32>
        %parallel_loop3A_803 = vector.shape_cast %parallel_loop3A_802 : vector<16xi32> to vector<16x1xi32>
        %parallel_loop3A_804 = vector.shape_cast %parallel_loop3A_803 : vector<16x1xi32> to vector<16xi32>
        %parallel_loop3A_805 = tpu.dynamic_gather %parallel_loop3A_799[%parallel_loop3A_804] in [0] : vector<16xf32>, vector<16xi32> -> vector<16xf32>
        %parallel_loop3A_806 = arith.addf %parallel_loop3A_799, %parallel_loop3A_805 : vector<16xf32>
        %parallel_loop3A_807 = arith.constant 1 : i32
        %parallel_loop3A_808 = vector.broadcast %parallel_loop3A_807 : i32 to vector<16xi32>
        %parallel_loop3A_809 = arith.xori %iota3A, %parallel_loop3A_808 : vector<16xi32>
        %parallel_loop3A_810 = vector.shape_cast %parallel_loop3A_809 : vector<16xi32> to vector<16x1xi32>
        %parallel_loop3A_811 = vector.shape_cast %parallel_loop3A_810 : vector<16x1xi32> to vector<16xi32>
        %parallel_loop3A_812 = tpu.dynamic_gather %parallel_loop3A_806[%parallel_loop3A_811] in [0] : vector<16xf32>, vector<16xi32> -> vector<16xf32>
        %parallel_loop3A_813 = arith.addf %parallel_loop3A_806, %parallel_loop3A_812 : vector<16xf32>
        %parallel_loop3A_814 = arith.constant 1.562500e-02 : f32
        %parallel_loop3A_815 = vector.broadcast %parallel_loop3A_814 : f32 to vector<16xf32>
        %parallel_loop3A_816 = arith.mulf %parallel_loop3A_785, %parallel_loop3A_815 : vector<16xf32>
        %parallel_loop3A_817 = arith.constant 1.562500e-02 : f32
        %parallel_loop3A_818 = vector.broadcast %parallel_loop3A_817 : f32 to vector<16xf32>
        %parallel_loop3A_819 = arith.mulf %parallel_loop3A_813, %parallel_loop3A_818 : vector<16xf32>
        %parallel_loop3A_820 = arith.mulf %parallel_loop3A_816, %parallel_loop3A_816 : vector<16xf32>
        %parallel_loop3A_821 = arith.subf %parallel_loop3A_819, %parallel_loop3A_820 : vector<16xf32>
        %parallel_loop3A_822 = arith.constant 9.99999993E-9 : f32
        %parallel_loop3A_823 = vector.broadcast %parallel_loop3A_822 : f32 to vector<16xf32>
        %parallel_loop3A_824 = arith.addf %parallel_loop3A_821, %parallel_loop3A_823 : vector<16xf32>
        %parallel_loop3A_825 = tpu.bitcast %parallel_loop3A_824 : vector<16xf32> -> vector<16xi32>
        %parallel_loop3A_826 = arith.constant 1 : i32
        %parallel_loop3A_827 = vector.broadcast %parallel_loop3A_826 : i32 to vector<16xi32>
        %parallel_loop3A_828 = arith.shrsi %parallel_loop3A_825, %parallel_loop3A_827 : vector<16xi32>
        %parallel_loop3A_829 = arith.constant 1597463007 : i32
        %parallel_loop3A_830 = vector.broadcast %parallel_loop3A_829 : i32 to vector<16xi32>
        %parallel_loop3A_831 = arith.subi %parallel_loop3A_830, %parallel_loop3A_828 : vector<16xi32>
        %parallel_loop3A_832 = tpu.bitcast %parallel_loop3A_831 : vector<16xi32> -> vector<16xf32>
        %parallel_loop3A_833 = arith.constant -5.000000e-01 : f32
        %parallel_loop3A_834 = vector.broadcast %parallel_loop3A_833 : f32 to vector<16xf32>
        %parallel_loop3A_835 = arith.mulf %parallel_loop3A_824, %parallel_loop3A_834 : vector<16xf32>
        %parallel_loop3A_836 = arith.mulf %parallel_loop3A_835, %parallel_loop3A_832 : vector<16xf32>
        %parallel_loop3A_837 = arith.mulf %parallel_loop3A_836, %parallel_loop3A_832 : vector<16xf32>
        %parallel_loop3A_838 = arith.constant 1.500000e+00 : f32
        %parallel_loop3A_839 = vector.broadcast %parallel_loop3A_838 : f32 to vector<16xf32>
        %parallel_loop3A_840 = arith.addf %parallel_loop3A_839, %parallel_loop3A_837 : vector<16xf32>
        %parallel_loop3A_841 = arith.mulf %parallel_loop3A_832, %parallel_loop3A_840 : vector<16xf32>
        %parallel_loop3A_842 = arith.mulf %parallel_loop3A_835, %parallel_loop3A_841 : vector<16xf32>
        %parallel_loop3A_843 = arith.mulf %parallel_loop3A_842, %parallel_loop3A_841 : vector<16xf32>
        %parallel_loop3A_844 = arith.constant 1.500000e+00 : f32
        %parallel_loop3A_845 = vector.broadcast %parallel_loop3A_844 : f32 to vector<16xf32>
        %parallel_loop3A_846 = arith.addf %parallel_loop3A_845, %parallel_loop3A_843 : vector<16xf32>
        %parallel_loop3A_847 = arith.mulf %parallel_loop3A_841, %parallel_loop3A_846 : vector<16xf32>
        %parallel_loop3A_848 = arith.mulf %parallel_loop3A_835, %parallel_loop3A_847 : vector<16xf32>
        %parallel_loop3A_849 = arith.mulf %parallel_loop3A_848, %parallel_loop3A_847 : vector<16xf32>
        %parallel_loop3A_850 = arith.constant 1.500000e+00 : f32
        %parallel_loop3A_851 = vector.broadcast %parallel_loop3A_850 : f32 to vector<16xf32>
        %parallel_loop3A_852 = arith.addf %parallel_loop3A_851, %parallel_loop3A_849 : vector<16xf32>
        %parallel_loop3A_853 = arith.mulf %parallel_loop3A_847, %parallel_loop3A_852 : vector<16xf32>
        %parallel_loop3A_854 = arith.subf %parallel_loop3A_714, %parallel_loop3A_816 : vector<16xf32>
        %parallel_loop3A_855 = arith.mulf %parallel_loop3A_853, %get3A_2 : vector<16xf32>
        %parallel_loop3A_856 = arith.mulf %parallel_loop3A_854, %parallel_loop3A_855 : vector<16xf32>
        %parallel_loop3A_857 = arith.addf %parallel_loop3A_856, %get3A_14 : vector<16xf32>
        %parallel_loop3A_858 = arith.subf %parallel_loop3A_725, %parallel_loop3A_816 : vector<16xf32>
        %parallel_loop3A_859 = arith.mulf %parallel_loop3A_853, %get3A_5 : vector<16xf32>
        %parallel_loop3A_860 = arith.mulf %parallel_loop3A_858, %parallel_loop3A_859 : vector<16xf32>
        %parallel_loop3A_861 = arith.addf %parallel_loop3A_860, %get3A_17 : vector<16xf32>
        %parallel_loop3A_862 = arith.subf %parallel_loop3A_736, %parallel_loop3A_816 : vector<16xf32>
        %parallel_loop3A_863 = arith.mulf %parallel_loop3A_853, %get3A_8 : vector<16xf32>
        %parallel_loop3A_864 = arith.mulf %parallel_loop3A_862, %parallel_loop3A_863 : vector<16xf32>
        %parallel_loop3A_865 = arith.addf %parallel_loop3A_864, %get3A_20 : vector<16xf32>
        %parallel_loop3A_866 = arith.subf %parallel_loop3A_747, %parallel_loop3A_816 : vector<16xf32>
        %parallel_loop3A_867 = arith.mulf %parallel_loop3A_853, %get3A_11 : vector<16xf32>
        %parallel_loop3A_868 = arith.mulf %parallel_loop3A_866, %parallel_loop3A_867 : vector<16xf32>
        %parallel_loop3A_869 = arith.addf %parallel_loop3A_868, %get3A_23 : vector<16xf32>
        %parallel_loop3A_870 = arith.constant 100 : i32
        %parallel_loop3A_871 = arith.addi %parallel_loop3A_870, %parallel_loop3A_509 : i32
        %parallel_loop3A_872 = arith.index_cast %parallel_loop3A_871 : i32 to index
        %parallel_loop3A_873 = arith.constant 64 : index
        %parallel_loop3A_874 = tpu.vector_load %arg12[%parallel_loop3A_872, %parallel_loop3A_873] {strides = array<i32>} : memref<400x128xf32, #tpu.memory_space<vmem>>, vector<1x16xf32>,
        %parallel_loop3A_875 = vector.shape_cast %parallel_loop3A_874 : vector<1x16xf32> to vector<16xf32>
        %parallel_loop3A_876 = vector.shape_cast %parallel_loop3A_857 : vector<16xf32> to vector<1x16xf32>
        tpu.vector_store %arg12[%parallel_loop3A_872, %parallel_loop3A_873], %parallel_loop3A_876 {strides = array<i32>} : memref<400x128xf32, #tpu.memory_space<vmem>>, vector<1x16xf32>,
        %parallel_loop3A_877 = arith.constant 100 : i32
        %parallel_loop3A_878 = arith.addi %parallel_loop3A_877, %parallel_loop3A_509 : i32
        %parallel_loop3A_879 = arith.index_cast %parallel_loop3A_878 : i32 to index
        %parallel_loop3A_880 = arith.constant 80 : index
        %parallel_loop3A_881 = tpu.vector_load %arg12[%parallel_loop3A_879, %parallel_loop3A_880] {strides = array<i32>} : memref<400x128xf32, #tpu.memory_space<vmem>>, vector<1x16xf32>,
        %parallel_loop3A_882 = vector.shape_cast %parallel_loop3A_881 : vector<1x16xf32> to vector<16xf32>
        %parallel_loop3A_883 = vector.shape_cast %parallel_loop3A_861 : vector<16xf32> to vector<1x16xf32>
        tpu.vector_store %arg12[%parallel_loop3A_879, %parallel_loop3A_880], %parallel_loop3A_883 {strides = array<i32>} : memref<400x128xf32, #tpu.memory_space<vmem>>, vector<1x16xf32>,
        %parallel_loop3A_884 = arith.constant 100 : i32
        %parallel_loop3A_885 = arith.addi %parallel_loop3A_884, %parallel_loop3A_509 : i32
        %parallel_loop3A_886 = arith.index_cast %parallel_loop3A_885 : i32 to index
        %parallel_loop3A_887 = arith.constant 96 : index
        %parallel_loop3A_888 = tpu.vector_load %arg12[%parallel_loop3A_886, %parallel_loop3A_887] {strides = array<i32>} : memref<400x128xf32, #tpu.memory_space<vmem>>, vector<1x16xf32>,
        %parallel_loop3A_889 = vector.shape_cast %parallel_loop3A_888 : vector<1x16xf32> to vector<16xf32>
        %parallel_loop3A_890 = vector.shape_cast %parallel_loop3A_865 : vector<16xf32> to vector<1x16xf32>
        tpu.vector_store %arg12[%parallel_loop3A_886, %parallel_loop3A_887], %parallel_loop3A_890 {strides = array<i32>} : memref<400x128xf32, #tpu.memory_space<vmem>>, vector<1x16xf32>,
        %parallel_loop3A_891 = arith.constant 100 : i32
        %parallel_loop3A_892 = arith.addi %parallel_loop3A_891, %parallel_loop3A_509 : i32
        %parallel_loop3A_893 = arith.index_cast %parallel_loop3A_892 : i32 to index
        %parallel_loop3A_894 = arith.constant 112 : index
        %parallel_loop3A_895 = tpu.vector_load %arg12[%parallel_loop3A_893, %parallel_loop3A_894] {strides = array<i32>} : memref<400x128xf32, #tpu.memory_space<vmem>>, vector<1x16xf32>,
        %parallel_loop3A_896 = vector.shape_cast %parallel_loop3A_895 : vector<1x16xf32> to vector<16xf32>
        %parallel_loop3A_897 = vector.shape_cast %parallel_loop3A_869 : vector<16xf32> to vector<1x16xf32>
        tpu.vector_store %arg12[%parallel_loop3A_893, %parallel_loop3A_894], %parallel_loop3A_897 {strides = array<i32>} : memref<400x128xf32, #tpu.memory_space<vmem>>, vector<1x16xf32>,
      } {sc.loop_unroll_factor = 8 : i64, sc.parallel_access}
      %cond3A_295 = arith.constant 1 : i32
      %mul3A_296 = arith.constant 2 : i32
      %mul3A_297 = arith.muli %mul3A_296, %mul3A_150 : i32
      %add3A_298 = arith.constant 3 : i32
      %add3A_299 = arith.addi %mul3A_297, %add3A_298 : i32
      %mul3A_300 = arith.constant 25600 : i32
      %mul3A_301 = arith.muli %add3A, %mul3A_300 : i32
      %mul3A_302 = arith.constant 200 : i32
      %mul3A_303 = arith.muli %add3A_299, %mul3A_302 : i32
      %add3A_304 = arith.addi %mul3A_301, %mul3A_303 : i32
      %multiple_of3A_305 = tpu.assume_multiple %add3A_304, 8 : i32
      %dma_start3A_306 = arith.constant 0 : i32
      %dma_start3A_307 = tpu.memref_slice %arg9[%dma_start3A_306] : memref<224xi32, #tpu.memory_space<vmem>> -> memref<200xi32, #tpu.memory_space<vmem>>
      %dma_start3A_308 = tpu.memref_slice %arg2[%multiple_of3A_305] : memref<819200xi32, #tpu.memory_space<hbm>> -> memref<200xi32, #tpu.memory_space<hbm>>
      %dma_start3A_309 = arith.constant 0 : i32
      %dma_start3A_310 = tpu.memref_slice %arg9[%dma_start3A_309] : memref<224xi32, #tpu.memory_space<vmem>> -> memref<200xi32, #tpu.memory_space<vmem>>
      %dma_start3A_311 = tpu.memref_slice %arg2[%multiple_of3A_305] : memref<819200xi32, #tpu.memory_space<hbm>> -> memref<200xi32, #tpu.memory_space<hbm>>
      tpu.enqueue_dma source(%dma_start3A_311 : memref<200xi32, #tpu.memory_space<hbm>>) target(%dma_start3A_310 : memref<200xi32, #tpu.memory_space<vmem>>) target_semaphore(%arg17 : memref<!tpu.dma_semaphore, #tpu.memory_space<semaphore_mem>>)
      %mul3A_312 = arith.constant 25600 : i32
      %mul3A_313 = arith.muli %add3A, %mul3A_312 : i32
      %mul3A_314 = arith.constant 2 : i32
      %mul3A_315 = arith.muli %mul3A_150, %mul3A_314 : i32
      %mul3A_316 = arith.constant 200 : i32
      %mul3A_317 = arith.muli %mul3A_315, %mul3A_316 : i32
      %add3A_318 = arith.addi %mul3A_313, %mul3A_317 : i32
      %jit3A_319 = arith.constant 2 : i32
      %div3A_320 = arith.divsi %add3A_318, %jit3A_319 : i32
      %sign3A_321 = arith.constant 0 : i32
      %sign3A_322 = arith.cmpi sgt, %add3A_318, %sign3A_321 : i32
      %sign3A_323 = arith.extui %sign3A_322 : i1 to i32
      %sign3A_324 = arith.constant 0 : i32
      %sign3A_325 = arith.cmpi slt, %add3A_318, %sign3A_324 : i32
      %sign3A_326 = arith.extui %sign3A_325 : i1 to i32
      %sign3A_327 = arith.subi %sign3A_323, %sign3A_326 : i32
      %sign3A_328 = arith.constant 0 : i32
      %sign3A_329 = arith.cmpi sgt, %jit3A_319, %sign3A_328 : i32
      %sign3A_330 = arith.extui %sign3A_329 : i1 to i32
      %sign3A_331 = arith.constant 0 : i32
      %sign3A_332 = arith.cmpi slt, %jit3A_319, %sign3A_331 : i32
      %sign3A_333 = arith.extui %sign3A_332 : i1 to i32
      %sign3A_334 = arith.subi %sign3A_330, %sign3A_333 : i32
      %ne3A_335 = arith.cmpi ne, %sign3A_327, %sign3A_334 : i32
      %rem3A_336 = arith.remsi %add3A_318, %jit3A_319 : i32
      %ne3A_337 = arith.constant 0 : i32
      %ne3A_338 = arith.cmpi ne, %rem3A_336, %ne3A_337 : i32
      %and3A_339 = arith.andi %ne3A_335, %ne3A_338 : i1
      %sub3A_340 = arith.constant 1 : i32
      %sub3A_341 = arith.subi %div3A_320, %sub3A_340 : i32
      %select_n3A_342 = arith.select %and3A_339, %sub3A_341, %div3A_320 : i32
      %multiple_of3A_343 = tpu.assume_multiple %select_n3A_342, 8 : i32
      %dma_start3A_344 = arith.constant 0 : i32
      %dma_start3A_345 = arith.constant 0 : i32
      %dma_start3A_346 = tpu.memref_slice %arg12[%dma_start3A_344, %dma_start3A_345] : memref<400x128xf32, #tpu.memory_space<vmem>> -> memref<200x128xf32, #tpu.memory_space<vmem>>
      %dma_start3A_347 = arith.constant 0 : i32
      %dma_start3A_348 = tpu.memref_slice %arg7[%multiple_of3A_343, %dma_start3A_347] : memref<409600x128xf32, #tpu.memory_space<hbm>> -> memref<200x128xf32, #tpu.memory_space<hbm>>
      %dma_start3A_349 = arith.constant 0 : i32
      %dma_start3A_350 = tpu.memref_slice %arg7[%multiple_of3A_343, %dma_start3A_349] : memref<409600x128xf32, #tpu.memory_space<hbm>> -> memref<200x128xf32, #tpu.memory_space<hbm>>
      %dma_start3A_351 = arith.constant 0 : i32
      %dma_start3A_352 = arith.constant 0 : i32
      %dma_start3A_353 = tpu.memref_slice %arg12[%dma_start3A_351, %dma_start3A_352] : memref<400x128xf32, #tpu.memory_space<vmem>> -> memref<200x128xf32, #tpu.memory_space<vmem>>
      tpu.enqueue_dma source(%dma_start3A_353 : memref<200x128xf32, #tpu.memory_space<vmem>>) target(%dma_start3A_350 : memref<200x128xf32, #tpu.memory_space<hbm>>) target_semaphore(%arg20 : memref<!tpu.dma_semaphore, #tpu.memory_space<semaphore_mem>>)
      %mul3A_354 = arith.constant 2 : i32
      %mul3A_355 = arith.muli %mul3A_354, %scan3A_148 : i32
      %add3A_356 = arith.constant 1 : i32
      %add3A_357 = arith.addi %mul3A_355, %add3A_356 : i32
      %lt3A_358 = arith.constant 1 : i32
      %lt3A_359 = arith.cmpi slt, %scan3A_148, %lt3A_358 : i32
      %lt3A_360 = arith.constant 31 : i32
      %lt3A_361 = arith.cmpi slt, %scan3A_148, %lt3A_360 : i32
      %not3A_362 = arith.constant true
      %not3A_363 = arith.xori %lt3A_359, %not3A_362 : i1
      %convert_element_type3A_364 = arith.extui %not3A_363 : i1 to i32
      %cond3A_365 = arith.constant 0 : i32
      %cond3A_366 = arith.cmpi ne, %convert_element_type3A_364, %cond3A_365 : i32
      scf.if %cond3A_366 {
        %mul3A_507 = arith.constant 25600 : i32
        %mul3A_508 = arith.muli %add3A, %mul3A_507 : i32
        %add3A_509 = arith.constant 0 : i32
        %add3A_510 = arith.addi %mul3A_508, %add3A_509 : i32
        %jit3A_511 = arith.constant 2 : i32
        %div3A_512 = arith.divsi %add3A_510, %jit3A_511 : i32
        %sign3A_513 = arith.constant 0 : i32
        %sign3A_514 = arith.cmpi sgt, %add3A_510, %sign3A_513 : i32
        %sign3A_515 = arith.extui %sign3A_514 : i1 to i32
        %sign3A_516 = arith.constant 0 : i32
        %sign3A_517 = arith.cmpi slt, %add3A_510, %sign3A_516 : i32
        %sign3A_518 = arith.extui %sign3A_517 : i1 to i32
        %sign3A_519 = arith.subi %sign3A_515, %sign3A_518 : i32
        %sign3A_520 = arith.constant 0 : i32
        %sign3A_521 = arith.cmpi sgt, %jit3A_511, %sign3A_520 : i32
        %sign3A_522 = arith.extui %sign3A_521 : i1 to i32
        %sign3A_523 = arith.constant 0 : i32
        %sign3A_524 = arith.cmpi slt, %jit3A_511, %sign3A_523 : i32
        %sign3A_525 = arith.extui %sign3A_524 : i1 to i32
        %sign3A_526 = arith.subi %sign3A_522, %sign3A_525 : i32
        %ne3A_527 = arith.cmpi ne, %sign3A_519, %sign3A_526 : i32
        %rem3A_528 = arith.remsi %add3A_510, %jit3A_511 : i32
        %ne3A_529 = arith.constant 0 : i32
        %ne3A_530 = arith.cmpi ne, %rem3A_528, %ne3A_529 : i32
        %and3A_531 = arith.andi %ne3A_527, %ne3A_530 : i1
        %sub3A_532 = arith.constant 1 : i32
        %sub3A_533 = arith.subi %div3A_512, %sub3A_532 : i32
        %select_n3A_534 = arith.select %and3A_531, %sub3A_533, %div3A_512 : i32
        %multiple_of3A_535 = tpu.assume_multiple %select_n3A_534, 8 : i32
        %dma_wait3A_536 = arith.constant 200 : i32
        %dma_wait3A_537 = arith.constant 0 : i32
        %dma_wait3A_538 = tpu.memref_slice %arg12[%dma_wait3A_536, %dma_wait3A_537] : memref<400x128xf32, #tpu.memory_space<vmem>> -> memref<200x128xf32, #tpu.memory_space<vmem>>
        %dma_wait3A_539 = arith.constant 0 : i32
        %dma_wait3A_540 = tpu.memref_slice %arg7[%multiple_of3A_535, %dma_wait3A_539] : memref<409600x128xf32, #tpu.memory_space<hbm>> -> memref<200x128xf32, #tpu.memory_space<hbm>>
        %dma_wait3A_541 = arith.constant 0 : i32
        %dma_wait3A_542 = tpu.memref_slice %arg7[%multiple_of3A_535, %dma_wait3A_541] : memref<409600x128xf32, #tpu.memory_space<hbm>> -> memref<200x128xf32, #tpu.memory_space<hbm>>
        %dma_wait3A_543 = arith.constant 200 : i32
        %dma_wait3A_544 = arith.constant 0 : i32
        %dma_wait3A_545 = tpu.memref_slice %arg12[%dma_wait3A_543, %dma_wait3A_544] : memref<400x128xf32, #tpu.memory_space<vmem>> -> memref<200x128xf32, #tpu.memory_space<vmem>>
        tpu.wait_dma2 semaphore(%arg21 : memref<!tpu.dma_semaphore, #tpu.memory_space<semaphore_mem>>) src(%dma_wait3A_545 : memref<200x128xf32, #tpu.memory_space<vmem>>) dst(%dma_wait3A_542 : memref<200x128xf32, #tpu.memory_space<hbm>>)
      } else {
      }
      %dma_wait3A_367 = arith.constant 0 : i32
      %dma_wait3A_368 = arith.constant 0 : i32
      %dma_wait3A_369 = tpu.memref_slice %arg10[%dma_wait3A_367, %dma_wait3A_368] : memref<200x128xf32, #tpu.memory_space<vmem>> -> memref<80x128xf32, #tpu.memory_space<vmem>>
      %dma_wait3A_370 = arith.constant 0 : i32
      %dma_wait3A_371 = tpu.memref_slice %arg8[%dma_wait3A_370] : memref<224xi32, #tpu.memory_space<vmem>> -> memref<80xi32, #tpu.memory_space<vmem>>
      %dma_wait3A_372 = arith.constant 0 : i32
      %dma_wait3A_373 = arith.constant 0 : i32
      %dma_wait3A_374 = tpu.memref_slice %arg3[%dma_wait3A_372, %dma_wait3A_373] : memref<1000000x128xf32, #tpu.memory_space<hbm>> -> memref<1000000x128xf32, #tpu.memory_space<hbm>>
      tpu.wait_indirect_dma semaphore(%arg18 : memref<!tpu.dma_semaphore, #tpu.memory_space<semaphore_mem>>) src(%dma_wait3A_374 : memref<1000000x128xf32, #tpu.memory_space<hbm>>) dst(%dma_wait3A_369 : memref<80x128xf32, #tpu.memory_space<vmem>>)
      %dma_wait3A_375 = arith.constant 80 : i32
      %dma_wait3A_376 = arith.constant 0 : i32
      %dma_wait3A_377 = tpu.memref_slice %arg10[%dma_wait3A_375, %dma_wait3A_376] : memref<200x128xf32, #tpu.memory_space<vmem>> -> memref<80x128xf32, #tpu.memory_space<vmem>>
      %dma_wait3A_378 = arith.constant 80 : i32
      %dma_wait3A_379 = tpu.memref_slice %arg8[%dma_wait3A_378] : memref<224xi32, #tpu.memory_space<vmem>> -> memref<80xi32, #tpu.memory_space<vmem>>
      %dma_wait3A_380 = arith.constant 0 : i32
      %dma_wait3A_381 = arith.constant 0 : i32
      %dma_wait3A_382 = tpu.memref_slice %arg3[%dma_wait3A_380, %dma_wait3A_381] : memref<1000000x128xf32, #tpu.memory_space<hbm>> -> memref<1000000x128xf32, #tpu.memory_space<hbm>>
      tpu.wait_indirect_dma semaphore(%arg18 : memref<!tpu.dma_semaphore, #tpu.memory_space<semaphore_mem>>) src(%dma_wait3A_382 : memref<1000000x128xf32, #tpu.memory_space<hbm>>) dst(%dma_wait3A_377 : memref<80x128xf32, #tpu.memory_space<vmem>>)
      %dma_wait3A_383 = arith.constant 160 : i32
      %dma_wait3A_384 = arith.constant 0 : i32
      %dma_wait3A_385 = tpu.memref_slice %arg10[%dma_wait3A_383, %dma_wait3A_384] : memref<200x128xf32, #tpu.memory_space<vmem>> -> memref<40x128xf32, #tpu.memory_space<vmem>>
      %dma_wait3A_386 = arith.constant 160 : i32
      %dma_wait3A_387 = tpu.memref_slice %arg8[%dma_wait3A_386] : memref<224xi32, #tpu.memory_space<vmem>> -> memref<40xi32, #tpu.memory_space<vmem>>
      %dma_wait3A_388 = arith.constant 0 : i32
      %dma_wait3A_389 = arith.constant 0 : i32
      %dma_wait3A_390 = tpu.memref_slice %arg3[%dma_wait3A_388, %dma_wait3A_389] : memref<1000000x128xf32, #tpu.memory_space<hbm>> -> memref<1000000x128xf32, #tpu.memory_space<hbm>>
      tpu.wait_indirect_dma semaphore(%arg18 : memref<!tpu.dma_semaphore, #tpu.memory_space<semaphore_mem>>) src(%dma_wait3A_390 : memref<1000000x128xf32, #tpu.memory_space<hbm>>) dst(%dma_wait3A_385 : memref<40x128xf32, #tpu.memory_space<vmem>>)
      %mul3A_391 = arith.constant 25600 : i32
      %mul3A_392 = arith.muli %add3A, %mul3A_391 : i32
      %add3A_393 = arith.constant 0 : i32
      %add3A_394 = arith.addi %mul3A_392, %add3A_393 : i32
      %multiple_of3A_395 = tpu.assume_multiple %add3A_394, 8 : i32
      %dma_wait3A_396 = arith.constant 0 : i32
      %dma_wait3A_397 = tpu.memref_slice %arg9[%dma_wait3A_396] : memref<224xi32, #tpu.memory_space<vmem>> -> memref<200xi32, #tpu.memory_space<vmem>>
      %dma_wait3A_398 = tpu.memref_slice %arg2[%multiple_of3A_395] : memref<819200xi32, #tpu.memory_space<hbm>> -> memref<200xi32, #tpu.memory_space<hbm>>
      %dma_wait3A_399 = arith.constant 0 : i32
      %dma_wait3A_400 = tpu.memref_slice %arg9[%dma_wait3A_399] : memref<224xi32, #tpu.memory_space<vmem>> -> memref<200xi32, #tpu.memory_space<vmem>>
      %dma_wait3A_401 = tpu.memref_slice %arg2[%multiple_of3A_395] : memref<819200xi32, #tpu.memory_space<hbm>> -> memref<200xi32, #tpu.memory_space<hbm>>
      tpu.wait_dma2 semaphore(%arg17 : memref<!tpu.dma_semaphore, #tpu.memory_space<semaphore_mem>>) src(%dma_wait3A_401 : memref<200xi32, #tpu.memory_space<hbm>>) dst(%dma_wait3A_400 : memref<200xi32, #tpu.memory_space<vmem>>)
      %dma_start3A_402 = arith.constant 0 : i32
      %dma_start3A_403 = arith.constant 0 : i32
      %dma_start3A_404 = tpu.memref_slice %arg11[%dma_start3A_402, %dma_start3A_403] : memref<200x128xf32, #tpu.memory_space<vmem>> -> memref<80x128xf32, #tpu.memory_space<vmem>>
      %dma_start3A_405 = arith.constant 0 : i32
      %dma_start3A_406 = tpu.memref_slice %arg9[%dma_start3A_405] : memref<224xi32, #tpu.memory_space<vmem>> -> memref<80xi32, #tpu.memory_space<vmem>>
      %dma_start3A_407 = arith.constant 0 : i32
      %dma_start3A_408 = arith.constant 0 : i32
      %dma_start3A_409 = tpu.memref_slice %arg3[%dma_start3A_407, %dma_start3A_408] : memref<1000000x128xf32, #tpu.memory_space<hbm>> -> memref<1000000x128xf32, #tpu.memory_space<hbm>>
      tpu.enqueue_indirect_dma source(%dma_start3A_409 : memref<1000000x128xf32, #tpu.memory_space<hbm>>) target(%dma_start3A_404 : memref<80x128xf32, #tpu.memory_space<vmem>>) offsets(%dma_start3A_406 : memref<80xi32, #tpu.memory_space<vmem>>) semaphore(%arg19 : memref<!tpu.dma_semaphore, #tpu.memory_space<semaphore_mem>>)
      %dma_start3A_410 = arith.constant 80 : i32
      %dma_start3A_411 = arith.constant 0 : i32
      %dma_start3A_412 = tpu.memref_slice %arg11[%dma_start3A_410, %dma_start3A_411] : memref<200x128xf32, #tpu.memory_space<vmem>> -> memref<80x128xf32, #tpu.memory_space<vmem>>
      %dma_start3A_413 = arith.constant 80 : i32
      %dma_start3A_414 = tpu.memref_slice %arg9[%dma_start3A_413] : memref<224xi32, #tpu.memory_space<vmem>> -> memref<80xi32, #tpu.memory_space<vmem>>
      %dma_start3A_415 = arith.constant 0 : i32
      %dma_start3A_416 = arith.constant 0 : i32
      %dma_start3A_417 = tpu.memref_slice %arg3[%dma_start3A_415, %dma_start3A_416] : memref<1000000x128xf32, #tpu.memory_space<hbm>> -> memref<1000000x128xf32, #tpu.memory_space<hbm>>
      tpu.enqueue_indirect_dma source(%dma_start3A_417 : memref<1000000x128xf32, #tpu.memory_space<hbm>>) target(%dma_start3A_412 : memref<80x128xf32, #tpu.memory_space<vmem>>) offsets(%dma_start3A_414 : memref<80xi32, #tpu.memory_space<vmem>>) semaphore(%arg19 : memref<!tpu.dma_semaphore, #tpu.memory_space<semaphore_mem>>)
      %dma_start3A_418 = arith.constant 160 : i32
      %dma_start3A_419 = arith.constant 0 : i32
      %dma_start3A_420 = tpu.memref_slice %arg11[%dma_start3A_418, %dma_start3A_419] : memref<200x128xf32, #tpu.memory_space<vmem>> -> memref<40x128xf32, #tpu.memory_space<vmem>>
      %dma_start3A_421 = arith.constant 160 : i32
      %dma_start3A_422 = tpu.memref_slice %arg9[%dma_start3A_421] : memref<224xi32, #tpu.memory_space<vmem>> -> memref<40xi32, #tpu.memory_space<vmem>>
      %dma_start3A_423 = arith.constant 0 : i32
      %dma_start3A_424 = arith.constant 0 : i32
      %dma_start3A_425 = tpu.memref_slice %arg3[%dma_start3A_423, %dma_start3A_424] : memref<1000000x128xf32, #tpu.memory_space<hbm>> -> memref<1000000x128xf32, #tpu.memory_space<hbm>>
      tpu.enqueue_indirect_dma source(%dma_start3A_425 : memref<1000000x128xf32, #tpu.memory_space<hbm>>) target(%dma_start3A_420 : memref<40x128xf32, #tpu.memory_space<vmem>>) offsets(%dma_start3A_422 : memref<40xi32, #tpu.memory_space<vmem>>) semaphore(%arg19 : memref<!tpu.dma_semaphore, #tpu.memory_space<semaphore_mem>>)
      %parallel_loop3A_426 = arith.constant 0 : i32
      %parallel_loop3A_427 = arith.constant 200 : i32
      %parallel_loop3A_428 = arith.constant 2 : i32
      scf.for %parallel_loop3A_507 = %parallel_loop3A_426 to %parallel_loop3A_427 step %parallel_loop3A_428  : i32 {
        %parallel_loop3A_508 = arith.constant 1 : i32
        %parallel_loop3A_509 = arith.shrsi %parallel_loop3A_507, %parallel_loop3A_508 : i32
        %parallel_loop3A_510 = arith.constant 0 : i32
        %parallel_loop3A_511 = arith.addi %parallel_loop3A_507, %parallel_loop3A_510 : i32
        %parallel_loop3A_512 = arith.index_cast %parallel_loop3A_511 : i32 to index
        %parallel_loop3A_513 = arith.constant 0 : index
        %parallel_loop3A_514 = tpu.vector_load %arg10[%parallel_loop3A_512, %parallel_loop3A_513] {strides = array<i32>} : memref<200x128xf32, #tpu.memory_space<vmem>>, vector<1x16xf32>,
        %parallel_loop3A_515 = vector.shape_cast %parallel_loop3A_514 : vector<1x16xf32> to vector<16xf32>
        %parallel_loop3A_516 = arith.index_cast %parallel_loop3A_509 : i32 to index
        %parallel_loop3A_517 = arith.constant 0 : index
        %parallel_loop3A_518 = tpu.vector_load %arg13[%parallel_loop3A_516, %parallel_loop3A_517] {strides = array<i32>} : memref<104x128xf32, #tpu.memory_space<vmem>>, vector<1x16xf32>,
        %parallel_loop3A_519 = vector.shape_cast %parallel_loop3A_518 : vector<1x16xf32> to vector<16xf32>
        %parallel_loop3A_520 = arith.addf %parallel_loop3A_515, %parallel_loop3A_519 : vector<16xf32>
        %parallel_loop3A_521 = arith.constant 0 : i32
        %parallel_loop3A_522 = arith.addi %parallel_loop3A_507, %parallel_loop3A_521 : i32
        %parallel_loop3A_523 = arith.index_cast %parallel_loop3A_522 : i32 to index
        %parallel_loop3A_524 = arith.constant 16 : index
        %parallel_loop3A_525 = tpu.vector_load %arg10[%parallel_loop3A_523, %parallel_loop3A_524] {strides = array<i32>} : memref<200x128xf32, #tpu.memory_space<vmem>>, vector<1x16xf32>,
        %parallel_loop3A_526 = vector.shape_cast %parallel_loop3A_525 : vector<1x16xf32> to vector<16xf32>
        %parallel_loop3A_527 = arith.index_cast %parallel_loop3A_509 : i32 to index
        %parallel_loop3A_528 = arith.constant 16 : index
        %parallel_loop3A_529 = tpu.vector_load %arg13[%parallel_loop3A_527, %parallel_loop3A_528] {strides = array<i32>} : memref<104x128xf32, #tpu.memory_space<vmem>>, vector<1x16xf32>,
        %parallel_loop3A_530 = vector.shape_cast %parallel_loop3A_529 : vector<1x16xf32> to vector<16xf32>
        %parallel_loop3A_531 = arith.addf %parallel_loop3A_526, %parallel_loop3A_530 : vector<16xf32>
        %parallel_loop3A_532 = arith.constant 0 : i32
        %parallel_loop3A_533 = arith.addi %parallel_loop3A_507, %parallel_loop3A_532 : i32
        %parallel_loop3A_534 = arith.index_cast %parallel_loop3A_533 : i32 to index
        %parallel_loop3A_535 = arith.constant 32 : index
        %parallel_loop3A_536 = tpu.vector_load %arg10[%parallel_loop3A_534, %parallel_loop3A_535] {strides = array<i32>} : memref<200x128xf32, #tpu.memory_space<vmem>>, vector<1x16xf32>,
        %parallel_loop3A_537 = vector.shape_cast %parallel_loop3A_536 : vector<1x16xf32> to vector<16xf32>
        %parallel_loop3A_538 = arith.index_cast %parallel_loop3A_509 : i32 to index
        %parallel_loop3A_539 = arith.constant 32 : index
        %parallel_loop3A_540 = tpu.vector_load %arg13[%parallel_loop3A_538, %parallel_loop3A_539] {strides = array<i32>} : memref<104x128xf32, #tpu.memory_space<vmem>>, vector<1x16xf32>,
        %parallel_loop3A_541 = vector.shape_cast %parallel_loop3A_540 : vector<1x16xf32> to vector<16xf32>
        %parallel_loop3A_542 = arith.addf %parallel_loop3A_537, %parallel_loop3A_541 : vector<16xf32>
        %parallel_loop3A_543 = arith.constant 0 : i32
        %parallel_loop3A_544 = arith.addi %parallel_loop3A_507, %parallel_loop3A_543 : i32
        %parallel_loop3A_545 = arith.index_cast %parallel_loop3A_544 : i32 to index
        %parallel_loop3A_546 = arith.constant 48 : index
        %parallel_loop3A_547 = tpu.vector_load %arg10[%parallel_loop3A_545, %parallel_loop3A_546] {strides = array<i32>} : memref<200x128xf32, #tpu.memory_space<vmem>>, vector<1x16xf32>,
        %parallel_loop3A_548 = vector.shape_cast %parallel_loop3A_547 : vector<1x16xf32> to vector<16xf32>
        %parallel_loop3A_549 = arith.index_cast %parallel_loop3A_509 : i32 to index
        %parallel_loop3A_550 = arith.constant 48 : index
        %parallel_loop3A_551 = tpu.vector_load %arg13[%parallel_loop3A_549, %parallel_loop3A_550] {strides = array<i32>} : memref<104x128xf32, #tpu.memory_space<vmem>>, vector<1x16xf32>,
        %parallel_loop3A_552 = vector.shape_cast %parallel_loop3A_551 : vector<1x16xf32> to vector<16xf32>
        %parallel_loop3A_553 = arith.addf %parallel_loop3A_548, %parallel_loop3A_552 : vector<16xf32>
        %parallel_loop3A_554 = arith.addf %parallel_loop3A_520, %parallel_loop3A_531 : vector<16xf32>
        %parallel_loop3A_555 = arith.addf %parallel_loop3A_542, %parallel_loop3A_553 : vector<16xf32>
        %parallel_loop3A_556 = arith.addf %parallel_loop3A_554, %parallel_loop3A_555 : vector<16xf32>
        %parallel_loop3A_557 = arith.mulf %parallel_loop3A_520, %parallel_loop3A_520 : vector<16xf32>
        %parallel_loop3A_558 = arith.mulf %parallel_loop3A_531, %parallel_loop3A_531 : vector<16xf32>
        %parallel_loop3A_559 = arith.addf %parallel_loop3A_557, %parallel_loop3A_558 : vector<16xf32>
        %parallel_loop3A_560 = arith.mulf %parallel_loop3A_542, %parallel_loop3A_542 : vector<16xf32>
        %parallel_loop3A_561 = arith.mulf %parallel_loop3A_553, %parallel_loop3A_553 : vector<16xf32>
        %parallel_loop3A_562 = arith.addf %parallel_loop3A_560, %parallel_loop3A_561 : vector<16xf32>
        %parallel_loop3A_563 = arith.addf %parallel_loop3A_559, %parallel_loop3A_562 : vector<16xf32>
        %parallel_loop3A_564 = arith.constant 8 : i32
        %parallel_loop3A_565 = vector.broadcast %parallel_loop3A_564 : i32 to vector<16xi32>
        %parallel_loop3A_566 = arith.xori %iota3A, %parallel_loop3A_565 : vector<16xi32>
        %parallel_loop3A_567 = vector.shape_cast %parallel_loop3A_566 : vector<16xi32> to vector<16x1xi32>
        %parallel_loop3A_568 = vector.shape_cast %parallel_loop3A_567 : vector<16x1xi32> to vector<16xi32>
        %parallel_loop3A_569 = tpu.dynamic_gather %parallel_loop3A_556[%parallel_loop3A_568] in [0] : vector<16xf32>, vector<16xi32> -> vector<16xf32>
        %parallel_loop3A_570 = arith.addf %parallel_loop3A_556, %parallel_loop3A_569 : vector<16xf32>
        %parallel_loop3A_571 = arith.constant 4 : i32
        %parallel_loop3A_572 = vector.broadcast %parallel_loop3A_571 : i32 to vector<16xi32>
        %parallel_loop3A_573 = arith.xori %iota3A, %parallel_loop3A_572 : vector<16xi32>
        %parallel_loop3A_574 = vector.shape_cast %parallel_loop3A_573 : vector<16xi32> to vector<16x1xi32>
        %parallel_loop3A_575 = vector.shape_cast %parallel_loop3A_574 : vector<16x1xi32> to vector<16xi32>
        %parallel_loop3A_576 = tpu.dynamic_gather %parallel_loop3A_570[%parallel_loop3A_575] in [0] : vector<16xf32>, vector<16xi32> -> vector<16xf32>
        %parallel_loop3A_577 = arith.addf %parallel_loop3A_570, %parallel_loop3A_576 : vector<16xf32>
        %parallel_loop3A_578 = arith.constant 2 : i32
        %parallel_loop3A_579 = vector.broadcast %parallel_loop3A_578 : i32 to vector<16xi32>
        %parallel_loop3A_580 = arith.xori %iota3A, %parallel_loop3A_579 : vector<16xi32>
        %parallel_loop3A_581 = vector.shape_cast %parallel_loop3A_580 : vector<16xi32> to vector<16x1xi32>
        %parallel_loop3A_582 = vector.shape_cast %parallel_loop3A_581 : vector<16x1xi32> to vector<16xi32>
        %parallel_loop3A_583 = tpu.dynamic_gather %parallel_loop3A_577[%parallel_loop3A_582] in [0] : vector<16xf32>, vector<16xi32> -> vector<16xf32>
        %parallel_loop3A_584 = arith.addf %parallel_loop3A_577, %parallel_loop3A_583 : vector<16xf32>
        %parallel_loop3A_585 = arith.constant 1 : i32
        %parallel_loop3A_586 = vector.broadcast %parallel_loop3A_585 : i32 to vector<16xi32>
        %parallel_loop3A_587 = arith.xori %iota3A, %parallel_loop3A_586 : vector<16xi32>
        %parallel_loop3A_588 = vector.shape_cast %parallel_loop3A_587 : vector<16xi32> to vector<16x1xi32>
        %parallel_loop3A_589 = vector.shape_cast %parallel_loop3A_588 : vector<16x1xi32> to vector<16xi32>
        %parallel_loop3A_590 = tpu.dynamic_gather %parallel_loop3A_584[%parallel_loop3A_589] in [0] : vector<16xf32>, vector<16xi32> -> vector<16xf32>
        %parallel_loop3A_591 = arith.addf %parallel_loop3A_584, %parallel_loop3A_590 : vector<16xf32>
        %parallel_loop3A_592 = arith.constant 8 : i32
        %parallel_loop3A_593 = vector.broadcast %parallel_loop3A_592 : i32 to vector<16xi32>
        %parallel_loop3A_594 = arith.xori %iota3A, %parallel_loop3A_593 : vector<16xi32>
        %parallel_loop3A_595 = vector.shape_cast %parallel_loop3A_594 : vector<16xi32> to vector<16x1xi32>
        %parallel_loop3A_596 = vector.shape_cast %parallel_loop3A_595 : vector<16x1xi32> to vector<16xi32>
        %parallel_loop3A_597 = tpu.dynamic_gather %parallel_loop3A_563[%parallel_loop3A_596] in [0] : vector<16xf32>, vector<16xi32> -> vector<16xf32>
        %parallel_loop3A_598 = arith.addf %parallel_loop3A_563, %parallel_loop3A_597 : vector<16xf32>
        %parallel_loop3A_599 = arith.constant 4 : i32
        %parallel_loop3A_600 = vector.broadcast %parallel_loop3A_599 : i32 to vector<16xi32>
        %parallel_loop3A_601 = arith.xori %iota3A, %parallel_loop3A_600 : vector<16xi32>
        %parallel_loop3A_602 = vector.shape_cast %parallel_loop3A_601 : vector<16xi32> to vector<16x1xi32>
        %parallel_loop3A_603 = vector.shape_cast %parallel_loop3A_602 : vector<16x1xi32> to vector<16xi32>
        %parallel_loop3A_604 = tpu.dynamic_gather %parallel_loop3A_598[%parallel_loop3A_603] in [0] : vector<16xf32>, vector<16xi32> -> vector<16xf32>
        %parallel_loop3A_605 = arith.addf %parallel_loop3A_598, %parallel_loop3A_604 : vector<16xf32>
        %parallel_loop3A_606 = arith.constant 2 : i32
        %parallel_loop3A_607 = vector.broadcast %parallel_loop3A_606 : i32 to vector<16xi32>
        %parallel_loop3A_608 = arith.xori %iota3A, %parallel_loop3A_607 : vector<16xi32>
        %parallel_loop3A_609 = vector.shape_cast %parallel_loop3A_608 : vector<16xi32> to vector<16x1xi32>
        %parallel_loop3A_610 = vector.shape_cast %parallel_loop3A_609 : vector<16x1xi32> to vector<16xi32>
        %parallel_loop3A_611 = tpu.dynamic_gather %parallel_loop3A_605[%parallel_loop3A_610] in [0] : vector<16xf32>, vector<16xi32> -> vector<16xf32>
        %parallel_loop3A_612 = arith.addf %parallel_loop3A_605, %parallel_loop3A_611 : vector<16xf32>
        %parallel_loop3A_613 = arith.constant 1 : i32
        %parallel_loop3A_614 = vector.broadcast %parallel_loop3A_613 : i32 to vector<16xi32>
        %parallel_loop3A_615 = arith.xori %iota3A, %parallel_loop3A_614 : vector<16xi32>
        %parallel_loop3A_616 = vector.shape_cast %parallel_loop3A_615 : vector<16xi32> to vector<16x1xi32>
        %parallel_loop3A_617 = vector.shape_cast %parallel_loop3A_616 : vector<16x1xi32> to vector<16xi32>
        %parallel_loop3A_618 = tpu.dynamic_gather %parallel_loop3A_612[%parallel_loop3A_617] in [0] : vector<16xf32>, vector<16xi32> -> vector<16xf32>
        %parallel_loop3A_619 = arith.addf %parallel_loop3A_612, %parallel_loop3A_618 : vector<16xf32>
        %parallel_loop3A_620 = arith.constant 1.562500e-02 : f32
        %parallel_loop3A_621 = vector.broadcast %parallel_loop3A_620 : f32 to vector<16xf32>
        %parallel_loop3A_622 = arith.mulf %parallel_loop3A_591, %parallel_loop3A_621 : vector<16xf32>
        %parallel_loop3A_623 = arith.constant 1.562500e-02 : f32
        %parallel_loop3A_624 = vector.broadcast %parallel_loop3A_623 : f32 to vector<16xf32>
        %parallel_loop3A_625 = arith.mulf %parallel_loop3A_619, %parallel_loop3A_624 : vector<16xf32>
        %parallel_loop3A_626 = arith.mulf %parallel_loop3A_622, %parallel_loop3A_622 : vector<16xf32>
        %parallel_loop3A_627 = arith.subf %parallel_loop3A_625, %parallel_loop3A_626 : vector<16xf32>
        %parallel_loop3A_628 = arith.constant 9.99999993E-9 : f32
        %parallel_loop3A_629 = vector.broadcast %parallel_loop3A_628 : f32 to vector<16xf32>
        %parallel_loop3A_630 = arith.addf %parallel_loop3A_627, %parallel_loop3A_629 : vector<16xf32>
        %parallel_loop3A_631 = tpu.bitcast %parallel_loop3A_630 : vector<16xf32> -> vector<16xi32>
        %parallel_loop3A_632 = arith.constant 1 : i32
        %parallel_loop3A_633 = vector.broadcast %parallel_loop3A_632 : i32 to vector<16xi32>
        %parallel_loop3A_634 = arith.shrsi %parallel_loop3A_631, %parallel_loop3A_633 : vector<16xi32>
        %parallel_loop3A_635 = arith.constant 1597463007 : i32
        %parallel_loop3A_636 = vector.broadcast %parallel_loop3A_635 : i32 to vector<16xi32>
        %parallel_loop3A_637 = arith.subi %parallel_loop3A_636, %parallel_loop3A_634 : vector<16xi32>
        %parallel_loop3A_638 = tpu.bitcast %parallel_loop3A_637 : vector<16xi32> -> vector<16xf32>
        %parallel_loop3A_639 = arith.constant -5.000000e-01 : f32
        %parallel_loop3A_640 = vector.broadcast %parallel_loop3A_639 : f32 to vector<16xf32>
        %parallel_loop3A_641 = arith.mulf %parallel_loop3A_630, %parallel_loop3A_640 : vector<16xf32>
        %parallel_loop3A_642 = arith.mulf %parallel_loop3A_641, %parallel_loop3A_638 : vector<16xf32>
        %parallel_loop3A_643 = arith.mulf %parallel_loop3A_642, %parallel_loop3A_638 : vector<16xf32>
        %parallel_loop3A_644 = arith.constant 1.500000e+00 : f32
        %parallel_loop3A_645 = vector.broadcast %parallel_loop3A_644 : f32 to vector<16xf32>
        %parallel_loop3A_646 = arith.addf %parallel_loop3A_645, %parallel_loop3A_643 : vector<16xf32>
        %parallel_loop3A_647 = arith.mulf %parallel_loop3A_638, %parallel_loop3A_646 : vector<16xf32>
        %parallel_loop3A_648 = arith.mulf %parallel_loop3A_641, %parallel_loop3A_647 : vector<16xf32>
        %parallel_loop3A_649 = arith.mulf %parallel_loop3A_648, %parallel_loop3A_647 : vector<16xf32>
        %parallel_loop3A_650 = arith.constant 1.500000e+00 : f32
        %parallel_loop3A_651 = vector.broadcast %parallel_loop3A_650 : f32 to vector<16xf32>
        %parallel_loop3A_652 = arith.addf %parallel_loop3A_651, %parallel_loop3A_649 : vector<16xf32>
        %parallel_loop3A_653 = arith.mulf %parallel_loop3A_647, %parallel_loop3A_652 : vector<16xf32>
        %parallel_loop3A_654 = arith.mulf %parallel_loop3A_641, %parallel_loop3A_653 : vector<16xf32>
        %parallel_loop3A_655 = arith.mulf %parallel_loop3A_654, %parallel_loop3A_653 : vector<16xf32>
        %parallel_loop3A_656 = arith.constant 1.500000e+00 : f32
        %parallel_loop3A_657 = vector.broadcast %parallel_loop3A_656 : f32 to vector<16xf32>
        %parallel_loop3A_658 = arith.addf %parallel_loop3A_657, %parallel_loop3A_655 : vector<16xf32>
        %parallel_loop3A_659 = arith.mulf %parallel_loop3A_653, %parallel_loop3A_658 : vector<16xf32>
        %parallel_loop3A_660 = arith.subf %parallel_loop3A_520, %parallel_loop3A_622 : vector<16xf32>
        %parallel_loop3A_661 = arith.mulf %parallel_loop3A_659, %get3A_2 : vector<16xf32>
        %parallel_loop3A_662 = arith.mulf %parallel_loop3A_660, %parallel_loop3A_661 : vector<16xf32>
        %parallel_loop3A_663 = arith.addf %parallel_loop3A_662, %get3A_14 : vector<16xf32>
        %parallel_loop3A_664 = arith.subf %parallel_loop3A_531, %parallel_loop3A_622 : vector<16xf32>
        %parallel_loop3A_665 = arith.mulf %parallel_loop3A_659, %get3A_5 : vector<16xf32>
        %parallel_loop3A_666 = arith.mulf %parallel_loop3A_664, %parallel_loop3A_665 : vector<16xf32>
        %parallel_loop3A_667 = arith.addf %parallel_loop3A_666, %get3A_17 : vector<16xf32>
        %parallel_loop3A_668 = arith.subf %parallel_loop3A_542, %parallel_loop3A_622 : vector<16xf32>
        %parallel_loop3A_669 = arith.mulf %parallel_loop3A_659, %get3A_8 : vector<16xf32>
        %parallel_loop3A_670 = arith.mulf %parallel_loop3A_668, %parallel_loop3A_669 : vector<16xf32>
        %parallel_loop3A_671 = arith.addf %parallel_loop3A_670, %get3A_20 : vector<16xf32>
        %parallel_loop3A_672 = arith.subf %parallel_loop3A_553, %parallel_loop3A_622 : vector<16xf32>
        %parallel_loop3A_673 = arith.mulf %parallel_loop3A_659, %get3A_11 : vector<16xf32>
        %parallel_loop3A_674 = arith.mulf %parallel_loop3A_672, %parallel_loop3A_673 : vector<16xf32>
        %parallel_loop3A_675 = arith.addf %parallel_loop3A_674, %get3A_23 : vector<16xf32>
        %parallel_loop3A_676 = arith.constant 200 : i32
        %parallel_loop3A_677 = arith.addi %parallel_loop3A_676, %parallel_loop3A_509 : i32
        %parallel_loop3A_678 = arith.index_cast %parallel_loop3A_677 : i32 to index
        %parallel_loop3A_679 = arith.constant 0 : index
        %parallel_loop3A_680 = tpu.vector_load %arg12[%parallel_loop3A_678, %parallel_loop3A_679] {strides = array<i32>} : memref<400x128xf32, #tpu.memory_space<vmem>>, vector<1x16xf32>,
        %parallel_loop3A_681 = vector.shape_cast %parallel_loop3A_680 : vector<1x16xf32> to vector<16xf32>
        %parallel_loop3A_682 = vector.shape_cast %parallel_loop3A_663 : vector<16xf32> to vector<1x16xf32>
        tpu.vector_store %arg12[%parallel_loop3A_678, %parallel_loop3A_679], %parallel_loop3A_682 {strides = array<i32>} : memref<400x128xf32, #tpu.memory_space<vmem>>, vector<1x16xf32>,
        %parallel_loop3A_683 = arith.constant 200 : i32
        %parallel_loop3A_684 = arith.addi %parallel_loop3A_683, %parallel_loop3A_509 : i32
        %parallel_loop3A_685 = arith.index_cast %parallel_loop3A_684 : i32 to index
        %parallel_loop3A_686 = arith.constant 16 : index
        %parallel_loop3A_687 = tpu.vector_load %arg12[%parallel_loop3A_685, %parallel_loop3A_686] {strides = array<i32>} : memref<400x128xf32, #tpu.memory_space<vmem>>, vector<1x16xf32>,
        %parallel_loop3A_688 = vector.shape_cast %parallel_loop3A_687 : vector<1x16xf32> to vector<16xf32>
        %parallel_loop3A_689 = vector.shape_cast %parallel_loop3A_667 : vector<16xf32> to vector<1x16xf32>
        tpu.vector_store %arg12[%parallel_loop3A_685, %parallel_loop3A_686], %parallel_loop3A_689 {strides = array<i32>} : memref<400x128xf32, #tpu.memory_space<vmem>>, vector<1x16xf32>,
        %parallel_loop3A_690 = arith.constant 200 : i32
        %parallel_loop3A_691 = arith.addi %parallel_loop3A_690, %parallel_loop3A_509 : i32
        %parallel_loop3A_692 = arith.index_cast %parallel_loop3A_691 : i32 to index
        %parallel_loop3A_693 = arith.constant 32 : index
        %parallel_loop3A_694 = tpu.vector_load %arg12[%parallel_loop3A_692, %parallel_loop3A_693] {strides = array<i32>} : memref<400x128xf32, #tpu.memory_space<vmem>>, vector<1x16xf32>,
        %parallel_loop3A_695 = vector.shape_cast %parallel_loop3A_694 : vector<1x16xf32> to vector<16xf32>
        %parallel_loop3A_696 = vector.shape_cast %parallel_loop3A_671 : vector<16xf32> to vector<1x16xf32>
        tpu.vector_store %arg12[%parallel_loop3A_692, %parallel_loop3A_693], %parallel_loop3A_696 {strides = array<i32>} : memref<400x128xf32, #tpu.memory_space<vmem>>, vector<1x16xf32>,
        %parallel_loop3A_697 = arith.constant 200 : i32
        %parallel_loop3A_698 = arith.addi %parallel_loop3A_697, %parallel_loop3A_509 : i32
        %parallel_loop3A_699 = arith.index_cast %parallel_loop3A_698 : i32 to index
        %parallel_loop3A_700 = arith.constant 48 : index
        %parallel_loop3A_701 = tpu.vector_load %arg12[%parallel_loop3A_699, %parallel_loop3A_700] {strides = array<i32>} : memref<400x128xf32, #tpu.memory_space<vmem>>, vector<1x16xf32>,
        %parallel_loop3A_702 = vector.shape_cast %parallel_loop3A_701 : vector<1x16xf32> to vector<16xf32>
        %parallel_loop3A_703 = vector.shape_cast %parallel_loop3A_675 : vector<16xf32> to vector<1x16xf32>
        tpu.vector_store %arg12[%parallel_loop3A_699, %parallel_loop3A_700], %parallel_loop3A_703 {strides = array<i32>} : memref<400x128xf32, #tpu.memory_space<vmem>>, vector<1x16xf32>,
        %parallel_loop3A_704 = arith.constant 1 : i32
        %parallel_loop3A_705 = arith.addi %parallel_loop3A_507, %parallel_loop3A_704 : i32
        %parallel_loop3A_706 = arith.index_cast %parallel_loop3A_705 : i32 to index
        %parallel_loop3A_707 = arith.constant 0 : index
        %parallel_loop3A_708 = tpu.vector_load %arg10[%parallel_loop3A_706, %parallel_loop3A_707] {strides = array<i32>} : memref<200x128xf32, #tpu.memory_space<vmem>>, vector<1x16xf32>,
        %parallel_loop3A_709 = vector.shape_cast %parallel_loop3A_708 : vector<1x16xf32> to vector<16xf32>
        %parallel_loop3A_710 = arith.index_cast %parallel_loop3A_509 : i32 to index
        %parallel_loop3A_711 = arith.constant 64 : index
        %parallel_loop3A_712 = tpu.vector_load %arg13[%parallel_loop3A_710, %parallel_loop3A_711] {strides = array<i32>} : memref<104x128xf32, #tpu.memory_space<vmem>>, vector<1x16xf32>,
        %parallel_loop3A_713 = vector.shape_cast %parallel_loop3A_712 : vector<1x16xf32> to vector<16xf32>
        %parallel_loop3A_714 = arith.addf %parallel_loop3A_709, %parallel_loop3A_713 : vector<16xf32>
        %parallel_loop3A_715 = arith.constant 1 : i32
        %parallel_loop3A_716 = arith.addi %parallel_loop3A_507, %parallel_loop3A_715 : i32
        %parallel_loop3A_717 = arith.index_cast %parallel_loop3A_716 : i32 to index
        %parallel_loop3A_718 = arith.constant 16 : index
        %parallel_loop3A_719 = tpu.vector_load %arg10[%parallel_loop3A_717, %parallel_loop3A_718] {strides = array<i32>} : memref<200x128xf32, #tpu.memory_space<vmem>>, vector<1x16xf32>,
        %parallel_loop3A_720 = vector.shape_cast %parallel_loop3A_719 : vector<1x16xf32> to vector<16xf32>
        %parallel_loop3A_721 = arith.index_cast %parallel_loop3A_509 : i32 to index
        %parallel_loop3A_722 = arith.constant 80 : index
        %parallel_loop3A_723 = tpu.vector_load %arg13[%parallel_loop3A_721, %parallel_loop3A_722] {strides = array<i32>} : memref<104x128xf32, #tpu.memory_space<vmem>>, vector<1x16xf32>,
        %parallel_loop3A_724 = vector.shape_cast %parallel_loop3A_723 : vector<1x16xf32> to vector<16xf32>
        %parallel_loop3A_725 = arith.addf %parallel_loop3A_720, %parallel_loop3A_724 : vector<16xf32>
        %parallel_loop3A_726 = arith.constant 1 : i32
        %parallel_loop3A_727 = arith.addi %parallel_loop3A_507, %parallel_loop3A_726 : i32
        %parallel_loop3A_728 = arith.index_cast %parallel_loop3A_727 : i32 to index
        %parallel_loop3A_729 = arith.constant 32 : index
        %parallel_loop3A_730 = tpu.vector_load %arg10[%parallel_loop3A_728, %parallel_loop3A_729] {strides = array<i32>} : memref<200x128xf32, #tpu.memory_space<vmem>>, vector<1x16xf32>,
        %parallel_loop3A_731 = vector.shape_cast %parallel_loop3A_730 : vector<1x16xf32> to vector<16xf32>
        %parallel_loop3A_732 = arith.index_cast %parallel_loop3A_509 : i32 to index
        %parallel_loop3A_733 = arith.constant 96 : index
        %parallel_loop3A_734 = tpu.vector_load %arg13[%parallel_loop3A_732, %parallel_loop3A_733] {strides = array<i32>} : memref<104x128xf32, #tpu.memory_space<vmem>>, vector<1x16xf32>,
        %parallel_loop3A_735 = vector.shape_cast %parallel_loop3A_734 : vector<1x16xf32> to vector<16xf32>
        %parallel_loop3A_736 = arith.addf %parallel_loop3A_731, %parallel_loop3A_735 : vector<16xf32>
        %parallel_loop3A_737 = arith.constant 1 : i32
        %parallel_loop3A_738 = arith.addi %parallel_loop3A_507, %parallel_loop3A_737 : i32
        %parallel_loop3A_739 = arith.index_cast %parallel_loop3A_738 : i32 to index
        %parallel_loop3A_740 = arith.constant 48 : index
        %parallel_loop3A_741 = tpu.vector_load %arg10[%parallel_loop3A_739, %parallel_loop3A_740] {strides = array<i32>} : memref<200x128xf32, #tpu.memory_space<vmem>>, vector<1x16xf32>,
        %parallel_loop3A_742 = vector.shape_cast %parallel_loop3A_741 : vector<1x16xf32> to vector<16xf32>
        %parallel_loop3A_743 = arith.index_cast %parallel_loop3A_509 : i32 to index
        %parallel_loop3A_744 = arith.constant 112 : index
        %parallel_loop3A_745 = tpu.vector_load %arg13[%parallel_loop3A_743, %parallel_loop3A_744] {strides = array<i32>} : memref<104x128xf32, #tpu.memory_space<vmem>>, vector<1x16xf32>,
        %parallel_loop3A_746 = vector.shape_cast %parallel_loop3A_745 : vector<1x16xf32> to vector<16xf32>
        %parallel_loop3A_747 = arith.addf %parallel_loop3A_742, %parallel_loop3A_746 : vector<16xf32>
        %parallel_loop3A_748 = arith.addf %parallel_loop3A_714, %parallel_loop3A_725 : vector<16xf32>
        %parallel_loop3A_749 = arith.addf %parallel_loop3A_736, %parallel_loop3A_747 : vector<16xf32>
        %parallel_loop3A_750 = arith.addf %parallel_loop3A_748, %parallel_loop3A_749 : vector<16xf32>
        %parallel_loop3A_751 = arith.mulf %parallel_loop3A_714, %parallel_loop3A_714 : vector<16xf32>
        %parallel_loop3A_752 = arith.mulf %parallel_loop3A_725, %parallel_loop3A_725 : vector<16xf32>
        %parallel_loop3A_753 = arith.addf %parallel_loop3A_751, %parallel_loop3A_752 : vector<16xf32>
        %parallel_loop3A_754 = arith.mulf %parallel_loop3A_736, %parallel_loop3A_736 : vector<16xf32>
        %parallel_loop3A_755 = arith.mulf %parallel_loop3A_747, %parallel_loop3A_747 : vector<16xf32>
        %parallel_loop3A_756 = arith.addf %parallel_loop3A_754, %parallel_loop3A_755 : vector<16xf32>
        %parallel_loop3A_757 = arith.addf %parallel_loop3A_753, %parallel_loop3A_756 : vector<16xf32>
        %parallel_loop3A_758 = arith.constant 8 : i32
        %parallel_loop3A_759 = vector.broadcast %parallel_loop3A_758 : i32 to vector<16xi32>
        %parallel_loop3A_760 = arith.xori %iota3A, %parallel_loop3A_759 : vector<16xi32>
        %parallel_loop3A_761 = vector.shape_cast %parallel_loop3A_760 : vector<16xi32> to vector<16x1xi32>
        %parallel_loop3A_762 = vector.shape_cast %parallel_loop3A_761 : vector<16x1xi32> to vector<16xi32>
        %parallel_loop3A_763 = tpu.dynamic_gather %parallel_loop3A_750[%parallel_loop3A_762] in [0] : vector<16xf32>, vector<16xi32> -> vector<16xf32>
        %parallel_loop3A_764 = arith.addf %parallel_loop3A_750, %parallel_loop3A_763 : vector<16xf32>
        %parallel_loop3A_765 = arith.constant 4 : i32
        %parallel_loop3A_766 = vector.broadcast %parallel_loop3A_765 : i32 to vector<16xi32>
        %parallel_loop3A_767 = arith.xori %iota3A, %parallel_loop3A_766 : vector<16xi32>
        %parallel_loop3A_768 = vector.shape_cast %parallel_loop3A_767 : vector<16xi32> to vector<16x1xi32>
        %parallel_loop3A_769 = vector.shape_cast %parallel_loop3A_768 : vector<16x1xi32> to vector<16xi32>
        %parallel_loop3A_770 = tpu.dynamic_gather %parallel_loop3A_764[%parallel_loop3A_769] in [0] : vector<16xf32>, vector<16xi32> -> vector<16xf32>
        %parallel_loop3A_771 = arith.addf %parallel_loop3A_764, %parallel_loop3A_770 : vector<16xf32>
        %parallel_loop3A_772 = arith.constant 2 : i32
        %parallel_loop3A_773 = vector.broadcast %parallel_loop3A_772 : i32 to vector<16xi32>
        %parallel_loop3A_774 = arith.xori %iota3A, %parallel_loop3A_773 : vector<16xi32>
        %parallel_loop3A_775 = vector.shape_cast %parallel_loop3A_774 : vector<16xi32> to vector<16x1xi32>
        %parallel_loop3A_776 = vector.shape_cast %parallel_loop3A_775 : vector<16x1xi32> to vector<16xi32>
        %parallel_loop3A_777 = tpu.dynamic_gather %parallel_loop3A_771[%parallel_loop3A_776] in [0] : vector<16xf32>, vector<16xi32> -> vector<16xf32>
        %parallel_loop3A_778 = arith.addf %parallel_loop3A_771, %parallel_loop3A_777 : vector<16xf32>
        %parallel_loop3A_779 = arith.constant 1 : i32
        %parallel_loop3A_780 = vector.broadcast %parallel_loop3A_779 : i32 to vector<16xi32>
        %parallel_loop3A_781 = arith.xori %iota3A, %parallel_loop3A_780 : vector<16xi32>
        %parallel_loop3A_782 = vector.shape_cast %parallel_loop3A_781 : vector<16xi32> to vector<16x1xi32>
        %parallel_loop3A_783 = vector.shape_cast %parallel_loop3A_782 : vector<16x1xi32> to vector<16xi32>
        %parallel_loop3A_784 = tpu.dynamic_gather %parallel_loop3A_778[%parallel_loop3A_783] in [0] : vector<16xf32>, vector<16xi32> -> vector<16xf32>
        %parallel_loop3A_785 = arith.addf %parallel_loop3A_778, %parallel_loop3A_784 : vector<16xf32>
        %parallel_loop3A_786 = arith.constant 8 : i32
        %parallel_loop3A_787 = vector.broadcast %parallel_loop3A_786 : i32 to vector<16xi32>
        %parallel_loop3A_788 = arith.xori %iota3A, %parallel_loop3A_787 : vector<16xi32>
        %parallel_loop3A_789 = vector.shape_cast %parallel_loop3A_788 : vector<16xi32> to vector<16x1xi32>
        %parallel_loop3A_790 = vector.shape_cast %parallel_loop3A_789 : vector<16x1xi32> to vector<16xi32>
        %parallel_loop3A_791 = tpu.dynamic_gather %parallel_loop3A_757[%parallel_loop3A_790] in [0] : vector<16xf32>, vector<16xi32> -> vector<16xf32>
        %parallel_loop3A_792 = arith.addf %parallel_loop3A_757, %parallel_loop3A_791 : vector<16xf32>
        %parallel_loop3A_793 = arith.constant 4 : i32
        %parallel_loop3A_794 = vector.broadcast %parallel_loop3A_793 : i32 to vector<16xi32>
        %parallel_loop3A_795 = arith.xori %iota3A, %parallel_loop3A_794 : vector<16xi32>
        %parallel_loop3A_796 = vector.shape_cast %parallel_loop3A_795 : vector<16xi32> to vector<16x1xi32>
        %parallel_loop3A_797 = vector.shape_cast %parallel_loop3A_796 : vector<16x1xi32> to vector<16xi32>
        %parallel_loop3A_798 = tpu.dynamic_gather %parallel_loop3A_792[%parallel_loop3A_797] in [0] : vector<16xf32>, vector<16xi32> -> vector<16xf32>
        %parallel_loop3A_799 = arith.addf %parallel_loop3A_792, %parallel_loop3A_798 : vector<16xf32>
        %parallel_loop3A_800 = arith.constant 2 : i32
        %parallel_loop3A_801 = vector.broadcast %parallel_loop3A_800 : i32 to vector<16xi32>
        %parallel_loop3A_802 = arith.xori %iota3A, %parallel_loop3A_801 : vector<16xi32>
        %parallel_loop3A_803 = vector.shape_cast %parallel_loop3A_802 : vector<16xi32> to vector<16x1xi32>
        %parallel_loop3A_804 = vector.shape_cast %parallel_loop3A_803 : vector<16x1xi32> to vector<16xi32>
        %parallel_loop3A_805 = tpu.dynamic_gather %parallel_loop3A_799[%parallel_loop3A_804] in [0] : vector<16xf32>, vector<16xi32> -> vector<16xf32>
        %parallel_loop3A_806 = arith.addf %parallel_loop3A_799, %parallel_loop3A_805 : vector<16xf32>
        %parallel_loop3A_807 = arith.constant 1 : i32
        %parallel_loop3A_808 = vector.broadcast %parallel_loop3A_807 : i32 to vector<16xi32>
        %parallel_loop3A_809 = arith.xori %iota3A, %parallel_loop3A_808 : vector<16xi32>
        %parallel_loop3A_810 = vector.shape_cast %parallel_loop3A_809 : vector<16xi32> to vector<16x1xi32>
        %parallel_loop3A_811 = vector.shape_cast %parallel_loop3A_810 : vector<16x1xi32> to vector<16xi32>
        %parallel_loop3A_812 = tpu.dynamic_gather %parallel_loop3A_806[%parallel_loop3A_811] in [0] : vector<16xf32>, vector<16xi32> -> vector<16xf32>
        %parallel_loop3A_813 = arith.addf %parallel_loop3A_806, %parallel_loop3A_812 : vector<16xf32>
        %parallel_loop3A_814 = arith.constant 1.562500e-02 : f32
        %parallel_loop3A_815 = vector.broadcast %parallel_loop3A_814 : f32 to vector<16xf32>
        %parallel_loop3A_816 = arith.mulf %parallel_loop3A_785, %parallel_loop3A_815 : vector<16xf32>
        %parallel_loop3A_817 = arith.constant 1.562500e-02 : f32
        %parallel_loop3A_818 = vector.broadcast %parallel_loop3A_817 : f32 to vector<16xf32>
        %parallel_loop3A_819 = arith.mulf %parallel_loop3A_813, %parallel_loop3A_818 : vector<16xf32>
        %parallel_loop3A_820 = arith.mulf %parallel_loop3A_816, %parallel_loop3A_816 : vector<16xf32>
        %parallel_loop3A_821 = arith.subf %parallel_loop3A_819, %parallel_loop3A_820 : vector<16xf32>
        %parallel_loop3A_822 = arith.constant 9.99999993E-9 : f32
        %parallel_loop3A_823 = vector.broadcast %parallel_loop3A_822 : f32 to vector<16xf32>
        %parallel_loop3A_824 = arith.addf %parallel_loop3A_821, %parallel_loop3A_823 : vector<16xf32>
        %parallel_loop3A_825 = tpu.bitcast %parallel_loop3A_824 : vector<16xf32> -> vector<16xi32>
        %parallel_loop3A_826 = arith.constant 1 : i32
        %parallel_loop3A_827 = vector.broadcast %parallel_loop3A_826 : i32 to vector<16xi32>
        %parallel_loop3A_828 = arith.shrsi %parallel_loop3A_825, %parallel_loop3A_827 : vector<16xi32>
        %parallel_loop3A_829 = arith.constant 1597463007 : i32
        %parallel_loop3A_830 = vector.broadcast %parallel_loop3A_829 : i32 to vector<16xi32>
        %parallel_loop3A_831 = arith.subi %parallel_loop3A_830, %parallel_loop3A_828 : vector<16xi32>
        %parallel_loop3A_832 = tpu.bitcast %parallel_loop3A_831 : vector<16xi32> -> vector<16xf32>
        %parallel_loop3A_833 = arith.constant -5.000000e-01 : f32
        %parallel_loop3A_834 = vector.broadcast %parallel_loop3A_833 : f32 to vector<16xf32>
        %parallel_loop3A_835 = arith.mulf %parallel_loop3A_824, %parallel_loop3A_834 : vector<16xf32>
        %parallel_loop3A_836 = arith.mulf %parallel_loop3A_835, %parallel_loop3A_832 : vector<16xf32>
        %parallel_loop3A_837 = arith.mulf %parallel_loop3A_836, %parallel_loop3A_832 : vector<16xf32>
        %parallel_loop3A_838 = arith.constant 1.500000e+00 : f32
        %parallel_loop3A_839 = vector.broadcast %parallel_loop3A_838 : f32 to vector<16xf32>
        %parallel_loop3A_840 = arith.addf %parallel_loop3A_839, %parallel_loop3A_837 : vector<16xf32>
        %parallel_loop3A_841 = arith.mulf %parallel_loop3A_832, %parallel_loop3A_840 : vector<16xf32>
        %parallel_loop3A_842 = arith.mulf %parallel_loop3A_835, %parallel_loop3A_841 : vector<16xf32>
        %parallel_loop3A_843 = arith.mulf %parallel_loop3A_842, %parallel_loop3A_841 : vector<16xf32>
        %parallel_loop3A_844 = arith.constant 1.500000e+00 : f32
        %parallel_loop3A_845 = vector.broadcast %parallel_loop3A_844 : f32 to vector<16xf32>
        %parallel_loop3A_846 = arith.addf %parallel_loop3A_845, %parallel_loop3A_843 : vector<16xf32>
        %parallel_loop3A_847 = arith.mulf %parallel_loop3A_841, %parallel_loop3A_846 : vector<16xf32>
        %parallel_loop3A_848 = arith.mulf %parallel_loop3A_835, %parallel_loop3A_847 : vector<16xf32>
        %parallel_loop3A_849 = arith.mulf %parallel_loop3A_848, %parallel_loop3A_847 : vector<16xf32>
        %parallel_loop3A_850 = arith.constant 1.500000e+00 : f32
        %parallel_loop3A_851 = vector.broadcast %parallel_loop3A_850 : f32 to vector<16xf32>
        %parallel_loop3A_852 = arith.addf %parallel_loop3A_851, %parallel_loop3A_849 : vector<16xf32>
        %parallel_loop3A_853 = arith.mulf %parallel_loop3A_847, %parallel_loop3A_852 : vector<16xf32>
        %parallel_loop3A_854 = arith.subf %parallel_loop3A_714, %parallel_loop3A_816 : vector<16xf32>
        %parallel_loop3A_855 = arith.mulf %parallel_loop3A_853, %get3A_2 : vector<16xf32>
        %parallel_loop3A_856 = arith.mulf %parallel_loop3A_854, %parallel_loop3A_855 : vector<16xf32>
        %parallel_loop3A_857 = arith.addf %parallel_loop3A_856, %get3A_14 : vector<16xf32>
        %parallel_loop3A_858 = arith.subf %parallel_loop3A_725, %parallel_loop3A_816 : vector<16xf32>
        %parallel_loop3A_859 = arith.mulf %parallel_loop3A_853, %get3A_5 : vector<16xf32>
        %parallel_loop3A_860 = arith.mulf %parallel_loop3A_858, %parallel_loop3A_859 : vector<16xf32>
        %parallel_loop3A_861 = arith.addf %parallel_loop3A_860, %get3A_17 : vector<16xf32>
        %parallel_loop3A_862 = arith.subf %parallel_loop3A_736, %parallel_loop3A_816 : vector<16xf32>
        %parallel_loop3A_863 = arith.mulf %parallel_loop3A_853, %get3A_8 : vector<16xf32>
        %parallel_loop3A_864 = arith.mulf %parallel_loop3A_862, %parallel_loop3A_863 : vector<16xf32>
        %parallel_loop3A_865 = arith.addf %parallel_loop3A_864, %get3A_20 : vector<16xf32>
        %parallel_loop3A_866 = arith.subf %parallel_loop3A_747, %parallel_loop3A_816 : vector<16xf32>
        %parallel_loop3A_867 = arith.mulf %parallel_loop3A_853, %get3A_11 : vector<16xf32>
        %parallel_loop3A_868 = arith.mulf %parallel_loop3A_866, %parallel_loop3A_867 : vector<16xf32>
        %parallel_loop3A_869 = arith.addf %parallel_loop3A_868, %get3A_23 : vector<16xf32>
        %parallel_loop3A_870 = arith.constant 200 : i32
        %parallel_loop3A_871 = arith.addi %parallel_loop3A_870, %parallel_loop3A_509 : i32
        %parallel_loop3A_872 = arith.index_cast %parallel_loop3A_871 : i32 to index
        %parallel_loop3A_873 = arith.constant 64 : index
        %parallel_loop3A_874 = tpu.vector_load %arg12[%parallel_loop3A_872, %parallel_loop3A_873] {strides = array<i32>} : memref<400x128xf32, #tpu.memory_space<vmem>>, vector<1x16xf32>,
        %parallel_loop3A_875 = vector.shape_cast %parallel_loop3A_874 : vector<1x16xf32> to vector<16xf32>
        %parallel_loop3A_876 = vector.shape_cast %parallel_loop3A_857 : vector<16xf32> to vector<1x16xf32>
        tpu.vector_store %arg12[%parallel_loop3A_872, %parallel_loop3A_873], %parallel_loop3A_876 {strides = array<i32>} : memref<400x128xf32, #tpu.memory_space<vmem>>, vector<1x16xf32>,
        %parallel_loop3A_877 = arith.constant 200 : i32
        %parallel_loop3A_878 = arith.addi %parallel_loop3A_877, %parallel_loop3A_509 : i32
        %parallel_loop3A_879 = arith.index_cast %parallel_loop3A_878 : i32 to index
        %parallel_loop3A_880 = arith.constant 80 : index
        %parallel_loop3A_881 = tpu.vector_load %arg12[%parallel_loop3A_879, %parallel_loop3A_880] {strides = array<i32>} : memref<400x128xf32, #tpu.memory_space<vmem>>, vector<1x16xf32>,
        %parallel_loop3A_882 = vector.shape_cast %parallel_loop3A_881 : vector<1x16xf32> to vector<16xf32>
        %parallel_loop3A_883 = vector.shape_cast %parallel_loop3A_861 : vector<16xf32> to vector<1x16xf32>
        tpu.vector_store %arg12[%parallel_loop3A_879, %parallel_loop3A_880], %parallel_loop3A_883 {strides = array<i32>} : memref<400x128xf32, #tpu.memory_space<vmem>>, vector<1x16xf32>,
        %parallel_loop3A_884 = arith.constant 200 : i32
        %parallel_loop3A_885 = arith.addi %parallel_loop3A_884, %parallel_loop3A_509 : i32
        %parallel_loop3A_886 = arith.index_cast %parallel_loop3A_885 : i32 to index
        %parallel_loop3A_887 = arith.constant 96 : index
        %parallel_loop3A_888 = tpu.vector_load %arg12[%parallel_loop3A_886, %parallel_loop3A_887] {strides = array<i32>} : memref<400x128xf32, #tpu.memory_space<vmem>>, vector<1x16xf32>,
        %parallel_loop3A_889 = vector.shape_cast %parallel_loop3A_888 : vector<1x16xf32> to vector<16xf32>
        %parallel_loop3A_890 = vector.shape_cast %parallel_loop3A_865 : vector<16xf32> to vector<1x16xf32>
        tpu.vector_store %arg12[%parallel_loop3A_886, %parallel_loop3A_887], %parallel_loop3A_890 {strides = array<i32>} : memref<400x128xf32, #tpu.memory_space<vmem>>, vector<1x16xf32>,
        %parallel_loop3A_891 = arith.constant 200 : i32
        %parallel_loop3A_892 = arith.addi %parallel_loop3A_891, %parallel_loop3A_509 : i32
        %parallel_loop3A_893 = arith.index_cast %parallel_loop3A_892 : i32 to index
        %parallel_loop3A_894 = arith.constant 112 : index
        %parallel_loop3A_895 = tpu.vector_load %arg12[%parallel_loop3A_893, %parallel_loop3A_894] {strides = array<i32>} : memref<400x128xf32, #tpu.memory_space<vmem>>, vector<1x16xf32>,
        %parallel_loop3A_896 = vector.shape_cast %parallel_loop3A_895 : vector<1x16xf32> to vector<16xf32>
        %parallel_loop3A_897 = vector.shape_cast %parallel_loop3A_869 : vector<16xf32> to vector<1x16xf32>
        tpu.vector_store %arg12[%parallel_loop3A_893, %parallel_loop3A_894], %parallel_loop3A_897 {strides = array<i32>} : memref<400x128xf32, #tpu.memory_space<vmem>>, vector<1x16xf32>,
      } {sc.loop_unroll_factor = 8 : i64, sc.parallel_access}
      %convert_element_type3A_429 = arith.extui %lt3A_361 : i1 to i32
      %cond3A_430 = arith.constant 0 : i32
      %cond3A_431 = arith.cmpi ne, %convert_element_type3A_429, %cond3A_430 : i32
      scf.if %cond3A_431 {
        %mul3A_507 = arith.constant 2 : i32
        %mul3A_508 = arith.muli %mul3A_507, %add3A_357 : i32
        %add3A_509 = arith.constant 2 : i32
        %add3A_510 = arith.addi %mul3A_508, %add3A_509 : i32
        %mul3A_511 = arith.constant 25600 : i32
        %mul3A_512 = arith.muli %add3A, %mul3A_511 : i32
        %mul3A_513 = arith.constant 200 : i32
        %mul3A_514 = arith.muli %add3A_510, %mul3A_513 : i32
        %add3A_515 = arith.addi %mul3A_512, %mul3A_514 : i32
        %multiple_of3A_516 = tpu.assume_multiple %add3A_515, 8 : i32
        %dma_start3A_517 = arith.constant 0 : i32
        %dma_start3A_518 = tpu.memref_slice %arg8[%dma_start3A_517] : memref<224xi32, #tpu.memory_space<vmem>> -> memref<200xi32, #tpu.memory_space<vmem>>
        %dma_start3A_519 = tpu.memref_slice %arg2[%multiple_of3A_516] : memref<819200xi32, #tpu.memory_space<hbm>> -> memref<200xi32, #tpu.memory_space<hbm>>
        %dma_start3A_520 = arith.constant 0 : i32
        %dma_start3A_521 = tpu.memref_slice %arg8[%dma_start3A_520] : memref<224xi32, #tpu.memory_space<vmem>> -> memref<200xi32, #tpu.memory_space<vmem>>
        %dma_start3A_522 = tpu.memref_slice %arg2[%multiple_of3A_516] : memref<819200xi32, #tpu.memory_space<hbm>> -> memref<200xi32, #tpu.memory_space<hbm>>
        tpu.enqueue_dma source(%dma_start3A_522 : memref<200xi32, #tpu.memory_space<hbm>>) target(%dma_start3A_521 : memref<200xi32, #tpu.memory_space<vmem>>) target_semaphore(%arg16 : memref<!tpu.dma_semaphore, #tpu.memory_space<semaphore_mem>>)
      } else {
      }
      %dma_wait3A_432 = arith.constant 0 : i32
      %dma_wait3A_433 = arith.constant 0 : i32
      %dma_wait3A_434 = tpu.memref_slice %arg11[%dma_wait3A_432, %dma_wait3A_433] : memref<200x128xf32, #tpu.memory_space<vmem>> -> memref<80x128xf32, #tpu.memory_space<vmem>>
      %dma_wait3A_435 = arith.constant 0 : i32
      %dma_wait3A_436 = tpu.memref_slice %arg9[%dma_wait3A_435] : memref<224xi32, #tpu.memory_space<vmem>> -> memref<80xi32, #tpu.memory_space<vmem>>
      %dma_wait3A_437 = arith.constant 0 : i32
      %dma_wait3A_438 = arith.constant 0 : i32
      %dma_wait3A_439 = tpu.memref_slice %arg3[%dma_wait3A_437, %dma_wait3A_438] : memref<1000000x128xf32, #tpu.memory_space<hbm>> -> memref<1000000x128xf32, #tpu.memory_space<hbm>>
      tpu.wait_indirect_dma semaphore(%arg19 : memref<!tpu.dma_semaphore, #tpu.memory_space<semaphore_mem>>) src(%dma_wait3A_439 : memref<1000000x128xf32, #tpu.memory_space<hbm>>) dst(%dma_wait3A_434 : memref<80x128xf32, #tpu.memory_space<vmem>>)
      %dma_wait3A_440 = arith.constant 80 : i32
      %dma_wait3A_441 = arith.constant 0 : i32
      %dma_wait3A_442 = tpu.memref_slice %arg11[%dma_wait3A_440, %dma_wait3A_441] : memref<200x128xf32, #tpu.memory_space<vmem>> -> memref<80x128xf32, #tpu.memory_space<vmem>>
      %dma_wait3A_443 = arith.constant 80 : i32
      %dma_wait3A_444 = tpu.memref_slice %arg9[%dma_wait3A_443] : memref<224xi32, #tpu.memory_space<vmem>> -> memref<80xi32, #tpu.memory_space<vmem>>
      %dma_wait3A_445 = arith.constant 0 : i32
      %dma_wait3A_446 = arith.constant 0 : i32
      %dma_wait3A_447 = tpu.memref_slice %arg3[%dma_wait3A_445, %dma_wait3A_446] : memref<1000000x128xf32, #tpu.memory_space<hbm>> -> memref<1000000x128xf32, #tpu.memory_space<hbm>>
      tpu.wait_indirect_dma semaphore(%arg19 : memref<!tpu.dma_semaphore, #tpu.memory_space<semaphore_mem>>) src(%dma_wait3A_447 : memref<1000000x128xf32, #tpu.memory_space<hbm>>) dst(%dma_wait3A_442 : memref<80x128xf32, #tpu.memory_space<vmem>>)
      %dma_wait3A_448 = arith.constant 160 : i32
      %dma_wait3A_449 = arith.constant 0 : i32
      %dma_wait3A_450 = tpu.memref_slice %arg11[%dma_wait3A_448, %dma_wait3A_449] : memref<200x128xf32, #tpu.memory_space<vmem>> -> memref<40x128xf32, #tpu.memory_space<vmem>>
      %dma_wait3A_451 = arith.constant 160 : i32
      %dma_wait3A_452 = tpu.memref_slice %arg9[%dma_wait3A_451] : memref<224xi32, #tpu.memory_space<vmem>> -> memref<40xi32, #tpu.memory_space<vmem>>
      %dma_wait3A_453 = arith.constant 0 : i32
      %dma_wait3A_454 = arith.constant 0 : i32
      %dma_wait3A_455 = tpu.memref_slice %arg3[%dma_wait3A_453, %dma_wait3A_454] : memref<1000000x128xf32, #tpu.memory_space<hbm>> -> memref<1000000x128xf32, #tpu.memory_space<hbm>>
      tpu.wait_indirect_dma semaphore(%arg19 : memref<!tpu.dma_semaphore, #tpu.memory_space<semaphore_mem>>) src(%dma_wait3A_455 : memref<1000000x128xf32, #tpu.memory_space<hbm>>) dst(%dma_wait3A_450 : memref<40x128xf32, #tpu.memory_space<vmem>>)
      %convert_element_type3A_456 = arith.extui %lt3A_361 : i1 to i32
      %cond3A_457 = arith.constant 0 : i32
      %cond3A_458 = arith.cmpi ne, %convert_element_type3A_456, %cond3A_457 : i32
      scf.if %cond3A_458 {
        %mul3A_507 = arith.constant 25600 : i32
        %mul3A_508 = arith.muli %add3A, %mul3A_507 : i32
        %add3A_509 = arith.constant 0 : i32
        %add3A_510 = arith.addi %mul3A_508, %add3A_509 : i32
        %multiple_of3A_511 = tpu.assume_multiple %add3A_510, 8 : i32
        %dma_wait3A_512 = arith.constant 0 : i32
        %dma_wait3A_513 = tpu.memref_slice %arg8[%dma_wait3A_512] : memref<224xi32, #tpu.memory_space<vmem>> -> memref<200xi32, #tpu.memory_space<vmem>>
        %dma_wait3A_514 = tpu.memref_slice %arg2[%multiple_of3A_511] : memref<819200xi32, #tpu.memory_space<hbm>> -> memref<200xi32, #tpu.memory_space<hbm>>
        %dma_wait3A_515 = arith.constant 0 : i32
        %dma_wait3A_516 = tpu.memref_slice %arg8[%dma_wait3A_515] : memref<224xi32, #tpu.memory_space<vmem>> -> memref<200xi32, #tpu.memory_space<vmem>>
        %dma_wait3A_517 = tpu.memref_slice %arg2[%multiple_of3A_511] : memref<819200xi32, #tpu.memory_space<hbm>> -> memref<200xi32, #tpu.memory_space<hbm>>
        tpu.wait_dma2 semaphore(%arg16 : memref<!tpu.dma_semaphore, #tpu.memory_space<semaphore_mem>>) src(%dma_wait3A_517 : memref<200xi32, #tpu.memory_space<hbm>>) dst(%dma_wait3A_516 : memref<200xi32, #tpu.memory_space<vmem>>)
        %dma_start3A_518 = arith.constant 0 : i32
        %dma_start3A_519 = arith.constant 0 : i32
        %dma_start3A_520 = tpu.memref_slice %arg10[%dma_start3A_518, %dma_start3A_519] : memref<200x128xf32, #tpu.memory_space<vmem>> -> memref<80x128xf32, #tpu.memory_space<vmem>>
        %dma_start3A_521 = arith.constant 0 : i32
        %dma_start3A_522 = tpu.memref_slice %arg8[%dma_start3A_521] : memref<224xi32, #tpu.memory_space<vmem>> -> memref<80xi32, #tpu.memory_space<vmem>>
        %dma_start3A_523 = arith.constant 0 : i32
        %dma_start3A_524 = arith.constant 0 : i32
        %dma_start3A_525 = tpu.memref_slice %arg3[%dma_start3A_523, %dma_start3A_524] : memref<1000000x128xf32, #tpu.memory_space<hbm>> -> memref<1000000x128xf32, #tpu.memory_space<hbm>>
        tpu.enqueue_indirect_dma source(%dma_start3A_525 : memref<1000000x128xf32, #tpu.memory_space<hbm>>) target(%dma_start3A_520 : memref<80x128xf32, #tpu.memory_space<vmem>>) offsets(%dma_start3A_522 : memref<80xi32, #tpu.memory_space<vmem>>) semaphore(%arg18 : memref<!tpu.dma_semaphore, #tpu.memory_space<semaphore_mem>>)
        %dma_start3A_526 = arith.constant 80 : i32
        %dma_start3A_527 = arith.constant 0 : i32
        %dma_start3A_528 = tpu.memref_slice %arg10[%dma_start3A_526, %dma_start3A_527] : memref<200x128xf32, #tpu.memory_space<vmem>> -> memref<80x128xf32, #tpu.memory_space<vmem>>
        %dma_start3A_529 = arith.constant 80 : i32
        %dma_start3A_530 = tpu.memref_slice %arg8[%dma_start3A_529] : memref<224xi32, #tpu.memory_space<vmem>> -> memref<80xi32, #tpu.memory_space<vmem>>
        %dma_start3A_531 = arith.constant 0 : i32
        %dma_start3A_532 = arith.constant 0 : i32
        %dma_start3A_533 = tpu.memref_slice %arg3[%dma_start3A_531, %dma_start3A_532] : memref<1000000x128xf32, #tpu.memory_space<hbm>> -> memref<1000000x128xf32, #tpu.memory_space<hbm>>
        tpu.enqueue_indirect_dma source(%dma_start3A_533 : memref<1000000x128xf32, #tpu.memory_space<hbm>>) target(%dma_start3A_528 : memref<80x128xf32, #tpu.memory_space<vmem>>) offsets(%dma_start3A_530 : memref<80xi32, #tpu.memory_space<vmem>>) semaphore(%arg18 : memref<!tpu.dma_semaphore, #tpu.memory_space<semaphore_mem>>)
        %dma_start3A_534 = arith.constant 160 : i32
        %dma_start3A_535 = arith.constant 0 : i32
        %dma_start3A_536 = tpu.memref_slice %arg10[%dma_start3A_534, %dma_start3A_535] : memref<200x128xf32, #tpu.memory_space<vmem>> -> memref<40x128xf32, #tpu.memory_space<vmem>>
        %dma_start3A_537 = arith.constant 160 : i32
        %dma_start3A_538 = tpu.memref_slice %arg8[%dma_start3A_537] : memref<224xi32, #tpu.memory_space<vmem>> -> memref<40xi32, #tpu.memory_space<vmem>>
        %dma_start3A_539 = arith.constant 0 : i32
        %dma_start3A_540 = arith.constant 0 : i32
        %dma_start3A_541 = tpu.memref_slice %arg3[%dma_start3A_539, %dma_start3A_540] : memref<1000000x128xf32, #tpu.memory_space<hbm>> -> memref<1000000x128xf32, #tpu.memory_space<hbm>>
        tpu.enqueue_indirect_dma source(%dma_start3A_541 : memref<1000000x128xf32, #tpu.memory_space<hbm>>) target(%dma_start3A_536 : memref<40x128xf32, #tpu.memory_space<vmem>>) offsets(%dma_start3A_538 : memref<40xi32, #tpu.memory_space<vmem>>) semaphore(%arg18 : memref<!tpu.dma_semaphore, #tpu.memory_space<semaphore_mem>>)
      } else {
      }
      %parallel_loop3A_459 = arith.constant 0 : i32
      %parallel_loop3A_460 = arith.constant 200 : i32
      %parallel_loop3A_461 = arith.constant 2 : i32
      scf.for %parallel_loop3A_507 = %parallel_loop3A_459 to %parallel_loop3A_460 step %parallel_loop3A_461  : i32 {
        %parallel_loop3A_508 = arith.constant 1 : i32
        %parallel_loop3A_509 = arith.shrsi %parallel_loop3A_507, %parallel_loop3A_508 : i32
        %parallel_loop3A_510 = arith.constant 0 : i32
        %parallel_loop3A_511 = arith.addi %parallel_loop3A_507, %parallel_loop3A_510 : i32
        %parallel_loop3A_512 = arith.index_cast %parallel_loop3A_511 : i32 to index
        %parallel_loop3A_513 = arith.constant 0 : index
        %parallel_loop3A_514 = tpu.vector_load %arg11[%parallel_loop3A_512, %parallel_loop3A_513] {strides = array<i32>} : memref<200x128xf32, #tpu.memory_space<vmem>>, vector<1x16xf32>,
        %parallel_loop3A_515 = vector.shape_cast %parallel_loop3A_514 : vector<1x16xf32> to vector<16xf32>
        %parallel_loop3A_516 = arith.index_cast %parallel_loop3A_509 : i32 to index
        %parallel_loop3A_517 = arith.constant 0 : index
        %parallel_loop3A_518 = tpu.vector_load %arg13[%parallel_loop3A_516, %parallel_loop3A_517] {strides = array<i32>} : memref<104x128xf32, #tpu.memory_space<vmem>>, vector<1x16xf32>,
        %parallel_loop3A_519 = vector.shape_cast %parallel_loop3A_518 : vector<1x16xf32> to vector<16xf32>
        %parallel_loop3A_520 = arith.addf %parallel_loop3A_515, %parallel_loop3A_519 : vector<16xf32>
        %parallel_loop3A_521 = arith.constant 0 : i32
        %parallel_loop3A_522 = arith.addi %parallel_loop3A_507, %parallel_loop3A_521 : i32
        %parallel_loop3A_523 = arith.index_cast %parallel_loop3A_522 : i32 to index
        %parallel_loop3A_524 = arith.constant 16 : index
        %parallel_loop3A_525 = tpu.vector_load %arg11[%parallel_loop3A_523, %parallel_loop3A_524] {strides = array<i32>} : memref<200x128xf32, #tpu.memory_space<vmem>>, vector<1x16xf32>,
        %parallel_loop3A_526 = vector.shape_cast %parallel_loop3A_525 : vector<1x16xf32> to vector<16xf32>
        %parallel_loop3A_527 = arith.index_cast %parallel_loop3A_509 : i32 to index
        %parallel_loop3A_528 = arith.constant 16 : index
        %parallel_loop3A_529 = tpu.vector_load %arg13[%parallel_loop3A_527, %parallel_loop3A_528] {strides = array<i32>} : memref<104x128xf32, #tpu.memory_space<vmem>>, vector<1x16xf32>,
        %parallel_loop3A_530 = vector.shape_cast %parallel_loop3A_529 : vector<1x16xf32> to vector<16xf32>
        %parallel_loop3A_531 = arith.addf %parallel_loop3A_526, %parallel_loop3A_530 : vector<16xf32>
        %parallel_loop3A_532 = arith.constant 0 : i32
        %parallel_loop3A_533 = arith.addi %parallel_loop3A_507, %parallel_loop3A_532 : i32
        %parallel_loop3A_534 = arith.index_cast %parallel_loop3A_533 : i32 to index
        %parallel_loop3A_535 = arith.constant 32 : index
        %parallel_loop3A_536 = tpu.vector_load %arg11[%parallel_loop3A_534, %parallel_loop3A_535] {strides = array<i32>} : memref<200x128xf32, #tpu.memory_space<vmem>>, vector<1x16xf32>,
        %parallel_loop3A_537 = vector.shape_cast %parallel_loop3A_536 : vector<1x16xf32> to vector<16xf32>
        %parallel_loop3A_538 = arith.index_cast %parallel_loop3A_509 : i32 to index
        %parallel_loop3A_539 = arith.constant 32 : index
        %parallel_loop3A_540 = tpu.vector_load %arg13[%parallel_loop3A_538, %parallel_loop3A_539] {strides = array<i32>} : memref<104x128xf32, #tpu.memory_space<vmem>>, vector<1x16xf32>,
        %parallel_loop3A_541 = vector.shape_cast %parallel_loop3A_540 : vector<1x16xf32> to vector<16xf32>
        %parallel_loop3A_542 = arith.addf %parallel_loop3A_537, %parallel_loop3A_541 : vector<16xf32>
        %parallel_loop3A_543 = arith.constant 0 : i32
        %parallel_loop3A_544 = arith.addi %parallel_loop3A_507, %parallel_loop3A_543 : i32
        %parallel_loop3A_545 = arith.index_cast %parallel_loop3A_544 : i32 to index
        %parallel_loop3A_546 = arith.constant 48 : index
        %parallel_loop3A_547 = tpu.vector_load %arg11[%parallel_loop3A_545, %parallel_loop3A_546] {strides = array<i32>} : memref<200x128xf32, #tpu.memory_space<vmem>>, vector<1x16xf32>,
        %parallel_loop3A_548 = vector.shape_cast %parallel_loop3A_547 : vector<1x16xf32> to vector<16xf32>
        %parallel_loop3A_549 = arith.index_cast %parallel_loop3A_509 : i32 to index
        %parallel_loop3A_550 = arith.constant 48 : index
        %parallel_loop3A_551 = tpu.vector_load %arg13[%parallel_loop3A_549, %parallel_loop3A_550] {strides = array<i32>} : memref<104x128xf32, #tpu.memory_space<vmem>>, vector<1x16xf32>,
        %parallel_loop3A_552 = vector.shape_cast %parallel_loop3A_551 : vector<1x16xf32> to vector<16xf32>
        %parallel_loop3A_553 = arith.addf %parallel_loop3A_548, %parallel_loop3A_552 : vector<16xf32>
        %parallel_loop3A_554 = arith.addf %parallel_loop3A_520, %parallel_loop3A_531 : vector<16xf32>
        %parallel_loop3A_555 = arith.addf %parallel_loop3A_542, %parallel_loop3A_553 : vector<16xf32>
        %parallel_loop3A_556 = arith.addf %parallel_loop3A_554, %parallel_loop3A_555 : vector<16xf32>
        %parallel_loop3A_557 = arith.mulf %parallel_loop3A_520, %parallel_loop3A_520 : vector<16xf32>
        %parallel_loop3A_558 = arith.mulf %parallel_loop3A_531, %parallel_loop3A_531 : vector<16xf32>
        %parallel_loop3A_559 = arith.addf %parallel_loop3A_557, %parallel_loop3A_558 : vector<16xf32>
        %parallel_loop3A_560 = arith.mulf %parallel_loop3A_542, %parallel_loop3A_542 : vector<16xf32>
        %parallel_loop3A_561 = arith.mulf %parallel_loop3A_553, %parallel_loop3A_553 : vector<16xf32>
        %parallel_loop3A_562 = arith.addf %parallel_loop3A_560, %parallel_loop3A_561 : vector<16xf32>
        %parallel_loop3A_563 = arith.addf %parallel_loop3A_559, %parallel_loop3A_562 : vector<16xf32>
        %parallel_loop3A_564 = arith.constant 8 : i32
        %parallel_loop3A_565 = vector.broadcast %parallel_loop3A_564 : i32 to vector<16xi32>
        %parallel_loop3A_566 = arith.xori %iota3A, %parallel_loop3A_565 : vector<16xi32>
        %parallel_loop3A_567 = vector.shape_cast %parallel_loop3A_566 : vector<16xi32> to vector<16x1xi32>
        %parallel_loop3A_568 = vector.shape_cast %parallel_loop3A_567 : vector<16x1xi32> to vector<16xi32>
        %parallel_loop3A_569 = tpu.dynamic_gather %parallel_loop3A_556[%parallel_loop3A_568] in [0] : vector<16xf32>, vector<16xi32> -> vector<16xf32>
        %parallel_loop3A_570 = arith.addf %parallel_loop3A_556, %parallel_loop3A_569 : vector<16xf32>
        %parallel_loop3A_571 = arith.constant 4 : i32
        %parallel_loop3A_572 = vector.broadcast %parallel_loop3A_571 : i32 to vector<16xi32>
        %parallel_loop3A_573 = arith.xori %iota3A, %parallel_loop3A_572 : vector<16xi32>
        %parallel_loop3A_574 = vector.shape_cast %parallel_loop3A_573 : vector<16xi32> to vector<16x1xi32>
        %parallel_loop3A_575 = vector.shape_cast %parallel_loop3A_574 : vector<16x1xi32> to vector<16xi32>
        %parallel_loop3A_576 = tpu.dynamic_gather %parallel_loop3A_570[%parallel_loop3A_575] in [0] : vector<16xf32>, vector<16xi32> -> vector<16xf32>
        %parallel_loop3A_577 = arith.addf %parallel_loop3A_570, %parallel_loop3A_576 : vector<16xf32>
        %parallel_loop3A_578 = arith.constant 2 : i32
        %parallel_loop3A_579 = vector.broadcast %parallel_loop3A_578 : i32 to vector<16xi32>
        %parallel_loop3A_580 = arith.xori %iota3A, %parallel_loop3A_579 : vector<16xi32>
        %parallel_loop3A_581 = vector.shape_cast %parallel_loop3A_580 : vector<16xi32> to vector<16x1xi32>
        %parallel_loop3A_582 = vector.shape_cast %parallel_loop3A_581 : vector<16x1xi32> to vector<16xi32>
        %parallel_loop3A_583 = tpu.dynamic_gather %parallel_loop3A_577[%parallel_loop3A_582] in [0] : vector<16xf32>, vector<16xi32> -> vector<16xf32>
        %parallel_loop3A_584 = arith.addf %parallel_loop3A_577, %parallel_loop3A_583 : vector<16xf32>
        %parallel_loop3A_585 = arith.constant 1 : i32
        %parallel_loop3A_586 = vector.broadcast %parallel_loop3A_585 : i32 to vector<16xi32>
        %parallel_loop3A_587 = arith.xori %iota3A, %parallel_loop3A_586 : vector<16xi32>
        %parallel_loop3A_588 = vector.shape_cast %parallel_loop3A_587 : vector<16xi32> to vector<16x1xi32>
        %parallel_loop3A_589 = vector.shape_cast %parallel_loop3A_588 : vector<16x1xi32> to vector<16xi32>
        %parallel_loop3A_590 = tpu.dynamic_gather %parallel_loop3A_584[%parallel_loop3A_589] in [0] : vector<16xf32>, vector<16xi32> -> vector<16xf32>
        %parallel_loop3A_591 = arith.addf %parallel_loop3A_584, %parallel_loop3A_590 : vector<16xf32>
        %parallel_loop3A_592 = arith.constant 8 : i32
        %parallel_loop3A_593 = vector.broadcast %parallel_loop3A_592 : i32 to vector<16xi32>
        %parallel_loop3A_594 = arith.xori %iota3A, %parallel_loop3A_593 : vector<16xi32>
        %parallel_loop3A_595 = vector.shape_cast %parallel_loop3A_594 : vector<16xi32> to vector<16x1xi32>
        %parallel_loop3A_596 = vector.shape_cast %parallel_loop3A_595 : vector<16x1xi32> to vector<16xi32>
        %parallel_loop3A_597 = tpu.dynamic_gather %parallel_loop3A_563[%parallel_loop3A_596] in [0] : vector<16xf32>, vector<16xi32> -> vector<16xf32>
        %parallel_loop3A_598 = arith.addf %parallel_loop3A_563, %parallel_loop3A_597 : vector<16xf32>
        %parallel_loop3A_599 = arith.constant 4 : i32
        %parallel_loop3A_600 = vector.broadcast %parallel_loop3A_599 : i32 to vector<16xi32>
        %parallel_loop3A_601 = arith.xori %iota3A, %parallel_loop3A_600 : vector<16xi32>
        %parallel_loop3A_602 = vector.shape_cast %parallel_loop3A_601 : vector<16xi32> to vector<16x1xi32>
        %parallel_loop3A_603 = vector.shape_cast %parallel_loop3A_602 : vector<16x1xi32> to vector<16xi32>
        %parallel_loop3A_604 = tpu.dynamic_gather %parallel_loop3A_598[%parallel_loop3A_603] in [0] : vector<16xf32>, vector<16xi32> -> vector<16xf32>
        %parallel_loop3A_605 = arith.addf %parallel_loop3A_598, %parallel_loop3A_604 : vector<16xf32>
        %parallel_loop3A_606 = arith.constant 2 : i32
        %parallel_loop3A_607 = vector.broadcast %parallel_loop3A_606 : i32 to vector<16xi32>
        %parallel_loop3A_608 = arith.xori %iota3A, %parallel_loop3A_607 : vector<16xi32>
        %parallel_loop3A_609 = vector.shape_cast %parallel_loop3A_608 : vector<16xi32> to vector<16x1xi32>
        %parallel_loop3A_610 = vector.shape_cast %parallel_loop3A_609 : vector<16x1xi32> to vector<16xi32>
        %parallel_loop3A_611 = tpu.dynamic_gather %parallel_loop3A_605[%parallel_loop3A_610] in [0] : vector<16xf32>, vector<16xi32> -> vector<16xf32>
        %parallel_loop3A_612 = arith.addf %parallel_loop3A_605, %parallel_loop3A_611 : vector<16xf32>
        %parallel_loop3A_613 = arith.constant 1 : i32
        %parallel_loop3A_614 = vector.broadcast %parallel_loop3A_613 : i32 to vector<16xi32>
        %parallel_loop3A_615 = arith.xori %iota3A, %parallel_loop3A_614 : vector<16xi32>
        %parallel_loop3A_616 = vector.shape_cast %parallel_loop3A_615 : vector<16xi32> to vector<16x1xi32>
        %parallel_loop3A_617 = vector.shape_cast %parallel_loop3A_616 : vector<16x1xi32> to vector<16xi32>
        %parallel_loop3A_618 = tpu.dynamic_gather %parallel_loop3A_612[%parallel_loop3A_617] in [0] : vector<16xf32>, vector<16xi32> -> vector<16xf32>
        %parallel_loop3A_619 = arith.addf %parallel_loop3A_612, %parallel_loop3A_618 : vector<16xf32>
        %parallel_loop3A_620 = arith.constant 1.562500e-02 : f32
        %parallel_loop3A_621 = vector.broadcast %parallel_loop3A_620 : f32 to vector<16xf32>
        %parallel_loop3A_622 = arith.mulf %parallel_loop3A_591, %parallel_loop3A_621 : vector<16xf32>
        %parallel_loop3A_623 = arith.constant 1.562500e-02 : f32
        %parallel_loop3A_624 = vector.broadcast %parallel_loop3A_623 : f32 to vector<16xf32>
        %parallel_loop3A_625 = arith.mulf %parallel_loop3A_619, %parallel_loop3A_624 : vector<16xf32>
        %parallel_loop3A_626 = arith.mulf %parallel_loop3A_622, %parallel_loop3A_622 : vector<16xf32>
        %parallel_loop3A_627 = arith.subf %parallel_loop3A_625, %parallel_loop3A_626 : vector<16xf32>
        %parallel_loop3A_628 = arith.constant 9.99999993E-9 : f32
        %parallel_loop3A_629 = vector.broadcast %parallel_loop3A_628 : f32 to vector<16xf32>
        %parallel_loop3A_630 = arith.addf %parallel_loop3A_627, %parallel_loop3A_629 : vector<16xf32>
        %parallel_loop3A_631 = tpu.bitcast %parallel_loop3A_630 : vector<16xf32> -> vector<16xi32>
        %parallel_loop3A_632 = arith.constant 1 : i32
        %parallel_loop3A_633 = vector.broadcast %parallel_loop3A_632 : i32 to vector<16xi32>
        %parallel_loop3A_634 = arith.shrsi %parallel_loop3A_631, %parallel_loop3A_633 : vector<16xi32>
        %parallel_loop3A_635 = arith.constant 1597463007 : i32
        %parallel_loop3A_636 = vector.broadcast %parallel_loop3A_635 : i32 to vector<16xi32>
        %parallel_loop3A_637 = arith.subi %parallel_loop3A_636, %parallel_loop3A_634 : vector<16xi32>
        %parallel_loop3A_638 = tpu.bitcast %parallel_loop3A_637 : vector<16xi32> -> vector<16xf32>
        %parallel_loop3A_639 = arith.constant -5.000000e-01 : f32
        %parallel_loop3A_640 = vector.broadcast %parallel_loop3A_639 : f32 to vector<16xf32>
        %parallel_loop3A_641 = arith.mulf %parallel_loop3A_630, %parallel_loop3A_640 : vector<16xf32>
        %parallel_loop3A_642 = arith.mulf %parallel_loop3A_641, %parallel_loop3A_638 : vector<16xf32>
        %parallel_loop3A_643 = arith.mulf %parallel_loop3A_642, %parallel_loop3A_638 : vector<16xf32>
        %parallel_loop3A_644 = arith.constant 1.500000e+00 : f32
        %parallel_loop3A_645 = vector.broadcast %parallel_loop3A_644 : f32 to vector<16xf32>
        %parallel_loop3A_646 = arith.addf %parallel_loop3A_645, %parallel_loop3A_643 : vector<16xf32>
        %parallel_loop3A_647 = arith.mulf %parallel_loop3A_638, %parallel_loop3A_646 : vector<16xf32>
        %parallel_loop3A_648 = arith.mulf %parallel_loop3A_641, %parallel_loop3A_647 : vector<16xf32>
        %parallel_loop3A_649 = arith.mulf %parallel_loop3A_648, %parallel_loop3A_647 : vector<16xf32>
        %parallel_loop3A_650 = arith.constant 1.500000e+00 : f32
        %parallel_loop3A_651 = vector.broadcast %parallel_loop3A_650 : f32 to vector<16xf32>
        %parallel_loop3A_652 = arith.addf %parallel_loop3A_651, %parallel_loop3A_649 : vector<16xf32>
        %parallel_loop3A_653 = arith.mulf %parallel_loop3A_647, %parallel_loop3A_652 : vector<16xf32>
        %parallel_loop3A_654 = arith.mulf %parallel_loop3A_641, %parallel_loop3A_653 : vector<16xf32>
        %parallel_loop3A_655 = arith.mulf %parallel_loop3A_654, %parallel_loop3A_653 : vector<16xf32>
        %parallel_loop3A_656 = arith.constant 1.500000e+00 : f32
        %parallel_loop3A_657 = vector.broadcast %parallel_loop3A_656 : f32 to vector<16xf32>
        %parallel_loop3A_658 = arith.addf %parallel_loop3A_657, %parallel_loop3A_655 : vector<16xf32>
        %parallel_loop3A_659 = arith.mulf %parallel_loop3A_653, %parallel_loop3A_658 : vector<16xf32>
        %parallel_loop3A_660 = arith.subf %parallel_loop3A_520, %parallel_loop3A_622 : vector<16xf32>
        %parallel_loop3A_661 = arith.mulf %parallel_loop3A_659, %get3A_2 : vector<16xf32>
        %parallel_loop3A_662 = arith.mulf %parallel_loop3A_660, %parallel_loop3A_661 : vector<16xf32>
        %parallel_loop3A_663 = arith.addf %parallel_loop3A_662, %get3A_14 : vector<16xf32>
        %parallel_loop3A_664 = arith.subf %parallel_loop3A_531, %parallel_loop3A_622 : vector<16xf32>
        %parallel_loop3A_665 = arith.mulf %parallel_loop3A_659, %get3A_5 : vector<16xf32>
        %parallel_loop3A_666 = arith.mulf %parallel_loop3A_664, %parallel_loop3A_665 : vector<16xf32>
        %parallel_loop3A_667 = arith.addf %parallel_loop3A_666, %get3A_17 : vector<16xf32>
        %parallel_loop3A_668 = arith.subf %parallel_loop3A_542, %parallel_loop3A_622 : vector<16xf32>
        %parallel_loop3A_669 = arith.mulf %parallel_loop3A_659, %get3A_8 : vector<16xf32>
        %parallel_loop3A_670 = arith.mulf %parallel_loop3A_668, %parallel_loop3A_669 : vector<16xf32>
        %parallel_loop3A_671 = arith.addf %parallel_loop3A_670, %get3A_20 : vector<16xf32>
        %parallel_loop3A_672 = arith.subf %parallel_loop3A_553, %parallel_loop3A_622 : vector<16xf32>
        %parallel_loop3A_673 = arith.mulf %parallel_loop3A_659, %get3A_11 : vector<16xf32>
        %parallel_loop3A_674 = arith.mulf %parallel_loop3A_672, %parallel_loop3A_673 : vector<16xf32>
        %parallel_loop3A_675 = arith.addf %parallel_loop3A_674, %get3A_23 : vector<16xf32>
        %parallel_loop3A_676 = arith.constant 300 : i32
        %parallel_loop3A_677 = arith.addi %parallel_loop3A_676, %parallel_loop3A_509 : i32
        %parallel_loop3A_678 = arith.index_cast %parallel_loop3A_677 : i32 to index
        %parallel_loop3A_679 = arith.constant 0 : index
        %parallel_loop3A_680 = tpu.vector_load %arg12[%parallel_loop3A_678, %parallel_loop3A_679] {strides = array<i32>} : memref<400x128xf32, #tpu.memory_space<vmem>>, vector<1x16xf32>,
        %parallel_loop3A_681 = vector.shape_cast %parallel_loop3A_680 : vector<1x16xf32> to vector<16xf32>
        %parallel_loop3A_682 = vector.shape_cast %parallel_loop3A_663 : vector<16xf32> to vector<1x16xf32>
        tpu.vector_store %arg12[%parallel_loop3A_678, %parallel_loop3A_679], %parallel_loop3A_682 {strides = array<i32>} : memref<400x128xf32, #tpu.memory_space<vmem>>, vector<1x16xf32>,
        %parallel_loop3A_683 = arith.constant 300 : i32
        %parallel_loop3A_684 = arith.addi %parallel_loop3A_683, %parallel_loop3A_509 : i32
        %parallel_loop3A_685 = arith.index_cast %parallel_loop3A_684 : i32 to index
        %parallel_loop3A_686 = arith.constant 16 : index
        %parallel_loop3A_687 = tpu.vector_load %arg12[%parallel_loop3A_685, %parallel_loop3A_686] {strides = array<i32>} : memref<400x128xf32, #tpu.memory_space<vmem>>, vector<1x16xf32>,
        %parallel_loop3A_688 = vector.shape_cast %parallel_loop3A_687 : vector<1x16xf32> to vector<16xf32>
        %parallel_loop3A_689 = vector.shape_cast %parallel_loop3A_667 : vector<16xf32> to vector<1x16xf32>
        tpu.vector_store %arg12[%parallel_loop3A_685, %parallel_loop3A_686], %parallel_loop3A_689 {strides = array<i32>} : memref<400x128xf32, #tpu.memory_space<vmem>>, vector<1x16xf32>,
        %parallel_loop3A_690 = arith.constant 300 : i32
        %parallel_loop3A_691 = arith.addi %parallel_loop3A_690, %parallel_loop3A_509 : i32
        %parallel_loop3A_692 = arith.index_cast %parallel_loop3A_691 : i32 to index
        %parallel_loop3A_693 = arith.constant 32 : index
        %parallel_loop3A_694 = tpu.vector_load %arg12[%parallel_loop3A_692, %parallel_loop3A_693] {strides = array<i32>} : memref<400x128xf32, #tpu.memory_space<vmem>>, vector<1x16xf32>,
        %parallel_loop3A_695 = vector.shape_cast %parallel_loop3A_694 : vector<1x16xf32> to vector<16xf32>
        %parallel_loop3A_696 = vector.shape_cast %parallel_loop3A_671 : vector<16xf32> to vector<1x16xf32>
        tpu.vector_store %arg12[%parallel_loop3A_692, %parallel_loop3A_693], %parallel_loop3A_696 {strides = array<i32>} : memref<400x128xf32, #tpu.memory_space<vmem>>, vector<1x16xf32>,
        %parallel_loop3A_697 = arith.constant 300 : i32
        %parallel_loop3A_698 = arith.addi %parallel_loop3A_697, %parallel_loop3A_509 : i32
        %parallel_loop3A_699 = arith.index_cast %parallel_loop3A_698 : i32 to index
        %parallel_loop3A_700 = arith.constant 48 : index
        %parallel_loop3A_701 = tpu.vector_load %arg12[%parallel_loop3A_699, %parallel_loop3A_700] {strides = array<i32>} : memref<400x128xf32, #tpu.memory_space<vmem>>, vector<1x16xf32>,
        %parallel_loop3A_702 = vector.shape_cast %parallel_loop3A_701 : vector<1x16xf32> to vector<16xf32>
        %parallel_loop3A_703 = vector.shape_cast %parallel_loop3A_675 : vector<16xf32> to vector<1x16xf32>
        tpu.vector_store %arg12[%parallel_loop3A_699, %parallel_loop3A_700], %parallel_loop3A_703 {strides = array<i32>} : memref<400x128xf32, #tpu.memory_space<vmem>>, vector<1x16xf32>,
        %parallel_loop3A_704 = arith.constant 1 : i32
        %parallel_loop3A_705 = arith.addi %parallel_loop3A_507, %parallel_loop3A_704 : i32
        %parallel_loop3A_706 = arith.index_cast %parallel_loop3A_705 : i32 to index
        %parallel_loop3A_707 = arith.constant 0 : index
        %parallel_loop3A_708 = tpu.vector_load %arg11[%parallel_loop3A_706, %parallel_loop3A_707] {strides = array<i32>} : memref<200x128xf32, #tpu.memory_space<vmem>>, vector<1x16xf32>,
        %parallel_loop3A_709 = vector.shape_cast %parallel_loop3A_708 : vector<1x16xf32> to vector<16xf32>
        %parallel_loop3A_710 = arith.index_cast %parallel_loop3A_509 : i32 to index
        %parallel_loop3A_711 = arith.constant 64 : index
        %parallel_loop3A_712 = tpu.vector_load %arg13[%parallel_loop3A_710, %parallel_loop3A_711] {strides = array<i32>} : memref<104x128xf32, #tpu.memory_space<vmem>>, vector<1x16xf32>,
        %parallel_loop3A_713 = vector.shape_cast %parallel_loop3A_712 : vector<1x16xf32> to vector<16xf32>
        %parallel_loop3A_714 = arith.addf %parallel_loop3A_709, %parallel_loop3A_713 : vector<16xf32>
        %parallel_loop3A_715 = arith.constant 1 : i32
        %parallel_loop3A_716 = arith.addi %parallel_loop3A_507, %parallel_loop3A_715 : i32
        %parallel_loop3A_717 = arith.index_cast %parallel_loop3A_716 : i32 to index
        %parallel_loop3A_718 = arith.constant 16 : index
        %parallel_loop3A_719 = tpu.vector_load %arg11[%parallel_loop3A_717, %parallel_loop3A_718] {strides = array<i32>} : memref<200x128xf32, #tpu.memory_space<vmem>>, vector<1x16xf32>,
        %parallel_loop3A_720 = vector.shape_cast %parallel_loop3A_719 : vector<1x16xf32> to vector<16xf32>
        %parallel_loop3A_721 = arith.index_cast %parallel_loop3A_509 : i32 to index
        %parallel_loop3A_722 = arith.constant 80 : index
        %parallel_loop3A_723 = tpu.vector_load %arg13[%parallel_loop3A_721, %parallel_loop3A_722] {strides = array<i32>} : memref<104x128xf32, #tpu.memory_space<vmem>>, vector<1x16xf32>,
        %parallel_loop3A_724 = vector.shape_cast %parallel_loop3A_723 : vector<1x16xf32> to vector<16xf32>
        %parallel_loop3A_725 = arith.addf %parallel_loop3A_720, %parallel_loop3A_724 : vector<16xf32>
        %parallel_loop3A_726 = arith.constant 1 : i32
        %parallel_loop3A_727 = arith.addi %parallel_loop3A_507, %parallel_loop3A_726 : i32
        %parallel_loop3A_728 = arith.index_cast %parallel_loop3A_727 : i32 to index
        %parallel_loop3A_729 = arith.constant 32 : index
        %parallel_loop3A_730 = tpu.vector_load %arg11[%parallel_loop3A_728, %parallel_loop3A_729] {strides = array<i32>} : memref<200x128xf32, #tpu.memory_space<vmem>>, vector<1x16xf32>,
        %parallel_loop3A_731 = vector.shape_cast %parallel_loop3A_730 : vector<1x16xf32> to vector<16xf32>
        %parallel_loop3A_732 = arith.index_cast %parallel_loop3A_509 : i32 to index
        %parallel_loop3A_733 = arith.constant 96 : index
        %parallel_loop3A_734 = tpu.vector_load %arg13[%parallel_loop3A_732, %parallel_loop3A_733] {strides = array<i32>} : memref<104x128xf32, #tpu.memory_space<vmem>>, vector<1x16xf32>,
        %parallel_loop3A_735 = vector.shape_cast %parallel_loop3A_734 : vector<1x16xf32> to vector<16xf32>
        %parallel_loop3A_736 = arith.addf %parallel_loop3A_731, %parallel_loop3A_735 : vector<16xf32>
        %parallel_loop3A_737 = arith.constant 1 : i32
        %parallel_loop3A_738 = arith.addi %parallel_loop3A_507, %parallel_loop3A_737 : i32
        %parallel_loop3A_739 = arith.index_cast %parallel_loop3A_738 : i32 to index
        %parallel_loop3A_740 = arith.constant 48 : index
        %parallel_loop3A_741 = tpu.vector_load %arg11[%parallel_loop3A_739, %parallel_loop3A_740] {strides = array<i32>} : memref<200x128xf32, #tpu.memory_space<vmem>>, vector<1x16xf32>,
        %parallel_loop3A_742 = vector.shape_cast %parallel_loop3A_741 : vector<1x16xf32> to vector<16xf32>
        %parallel_loop3A_743 = arith.index_cast %parallel_loop3A_509 : i32 to index
        %parallel_loop3A_744 = arith.constant 112 : index
        %parallel_loop3A_745 = tpu.vector_load %arg13[%parallel_loop3A_743, %parallel_loop3A_744] {strides = array<i32>} : memref<104x128xf32, #tpu.memory_space<vmem>>, vector<1x16xf32>,
        %parallel_loop3A_746 = vector.shape_cast %parallel_loop3A_745 : vector<1x16xf32> to vector<16xf32>
        %parallel_loop3A_747 = arith.addf %parallel_loop3A_742, %parallel_loop3A_746 : vector<16xf32>
        %parallel_loop3A_748 = arith.addf %parallel_loop3A_714, %parallel_loop3A_725 : vector<16xf32>
        %parallel_loop3A_749 = arith.addf %parallel_loop3A_736, %parallel_loop3A_747 : vector<16xf32>
        %parallel_loop3A_750 = arith.addf %parallel_loop3A_748, %parallel_loop3A_749 : vector<16xf32>
        %parallel_loop3A_751 = arith.mulf %parallel_loop3A_714, %parallel_loop3A_714 : vector<16xf32>
        %parallel_loop3A_752 = arith.mulf %parallel_loop3A_725, %parallel_loop3A_725 : vector<16xf32>
        %parallel_loop3A_753 = arith.addf %parallel_loop3A_751, %parallel_loop3A_752 : vector<16xf32>
        %parallel_loop3A_754 = arith.mulf %parallel_loop3A_736, %parallel_loop3A_736 : vector<16xf32>
        %parallel_loop3A_755 = arith.mulf %parallel_loop3A_747, %parallel_loop3A_747 : vector<16xf32>
        %parallel_loop3A_756 = arith.addf %parallel_loop3A_754, %parallel_loop3A_755 : vector<16xf32>
        %parallel_loop3A_757 = arith.addf %parallel_loop3A_753, %parallel_loop3A_756 : vector<16xf32>
        %parallel_loop3A_758 = arith.constant 8 : i32
        %parallel_loop3A_759 = vector.broadcast %parallel_loop3A_758 : i32 to vector<16xi32>
        %parallel_loop3A_760 = arith.xori %iota3A, %parallel_loop3A_759 : vector<16xi32>
        %parallel_loop3A_761 = vector.shape_cast %parallel_loop3A_760 : vector<16xi32> to vector<16x1xi32>
        %parallel_loop3A_762 = vector.shape_cast %parallel_loop3A_761 : vector<16x1xi32> to vector<16xi32>
        %parallel_loop3A_763 = tpu.dynamic_gather %parallel_loop3A_750[%parallel_loop3A_762] in [0] : vector<16xf32>, vector<16xi32> -> vector<16xf32>
        %parallel_loop3A_764 = arith.addf %parallel_loop3A_750, %parallel_loop3A_763 : vector<16xf32>
        %parallel_loop3A_765 = arith.constant 4 : i32
        %parallel_loop3A_766 = vector.broadcast %parallel_loop3A_765 : i32 to vector<16xi32>
        %parallel_loop3A_767 = arith.xori %iota3A, %parallel_loop3A_766 : vector<16xi32>
        %parallel_loop3A_768 = vector.shape_cast %parallel_loop3A_767 : vector<16xi32> to vector<16x1xi32>
        %parallel_loop3A_769 = vector.shape_cast %parallel_loop3A_768 : vector<16x1xi32> to vector<16xi32>
        %parallel_loop3A_770 = tpu.dynamic_gather %parallel_loop3A_764[%parallel_loop3A_769] in [0] : vector<16xf32>, vector<16xi32> -> vector<16xf32>
        %parallel_loop3A_771 = arith.addf %parallel_loop3A_764, %parallel_loop3A_770 : vector<16xf32>
        %parallel_loop3A_772 = arith.constant 2 : i32
        %parallel_loop3A_773 = vector.broadcast %parallel_loop3A_772 : i32 to vector<16xi32>
        %parallel_loop3A_774 = arith.xori %iota3A, %parallel_loop3A_773 : vector<16xi32>
        %parallel_loop3A_775 = vector.shape_cast %parallel_loop3A_774 : vector<16xi32> to vector<16x1xi32>
        %parallel_loop3A_776 = vector.shape_cast %parallel_loop3A_775 : vector<16x1xi32> to vector<16xi32>
        %parallel_loop3A_777 = tpu.dynamic_gather %parallel_loop3A_771[%parallel_loop3A_776] in [0] : vector<16xf32>, vector<16xi32> -> vector<16xf32>
        %parallel_loop3A_778 = arith.addf %parallel_loop3A_771, %parallel_loop3A_777 : vector<16xf32>
        %parallel_loop3A_779 = arith.constant 1 : i32
        %parallel_loop3A_780 = vector.broadcast %parallel_loop3A_779 : i32 to vector<16xi32>
        %parallel_loop3A_781 = arith.xori %iota3A, %parallel_loop3A_780 : vector<16xi32>
        %parallel_loop3A_782 = vector.shape_cast %parallel_loop3A_781 : vector<16xi32> to vector<16x1xi32>
        %parallel_loop3A_783 = vector.shape_cast %parallel_loop3A_782 : vector<16x1xi32> to vector<16xi32>
        %parallel_loop3A_784 = tpu.dynamic_gather %parallel_loop3A_778[%parallel_loop3A_783] in [0] : vector<16xf32>, vector<16xi32> -> vector<16xf32>
        %parallel_loop3A_785 = arith.addf %parallel_loop3A_778, %parallel_loop3A_784 : vector<16xf32>
        %parallel_loop3A_786 = arith.constant 8 : i32
        %parallel_loop3A_787 = vector.broadcast %parallel_loop3A_786 : i32 to vector<16xi32>
        %parallel_loop3A_788 = arith.xori %iota3A, %parallel_loop3A_787 : vector<16xi32>
        %parallel_loop3A_789 = vector.shape_cast %parallel_loop3A_788 : vector<16xi32> to vector<16x1xi32>
        %parallel_loop3A_790 = vector.shape_cast %parallel_loop3A_789 : vector<16x1xi32> to vector<16xi32>
        %parallel_loop3A_791 = tpu.dynamic_gather %parallel_loop3A_757[%parallel_loop3A_790] in [0] : vector<16xf32>, vector<16xi32> -> vector<16xf32>
        %parallel_loop3A_792 = arith.addf %parallel_loop3A_757, %parallel_loop3A_791 : vector<16xf32>
        %parallel_loop3A_793 = arith.constant 4 : i32
        %parallel_loop3A_794 = vector.broadcast %parallel_loop3A_793 : i32 to vector<16xi32>
        %parallel_loop3A_795 = arith.xori %iota3A, %parallel_loop3A_794 : vector<16xi32>
        %parallel_loop3A_796 = vector.shape_cast %parallel_loop3A_795 : vector<16xi32> to vector<16x1xi32>
        %parallel_loop3A_797 = vector.shape_cast %parallel_loop3A_796 : vector<16x1xi32> to vector<16xi32>
        %parallel_loop3A_798 = tpu.dynamic_gather %parallel_loop3A_792[%parallel_loop3A_797] in [0] : vector<16xf32>, vector<16xi32> -> vector<16xf32>
        %parallel_loop3A_799 = arith.addf %parallel_loop3A_792, %parallel_loop3A_798 : vector<16xf32>
        %parallel_loop3A_800 = arith.constant 2 : i32
        %parallel_loop3A_801 = vector.broadcast %parallel_loop3A_800 : i32 to vector<16xi32>
        %parallel_loop3A_802 = arith.xori %iota3A, %parallel_loop3A_801 : vector<16xi32>
        %parallel_loop3A_803 = vector.shape_cast %parallel_loop3A_802 : vector<16xi32> to vector<16x1xi32>
        %parallel_loop3A_804 = vector.shape_cast %parallel_loop3A_803 : vector<16x1xi32> to vector<16xi32>
        %parallel_loop3A_805 = tpu.dynamic_gather %parallel_loop3A_799[%parallel_loop3A_804] in [0] : vector<16xf32>, vector<16xi32> -> vector<16xf32>
        %parallel_loop3A_806 = arith.addf %parallel_loop3A_799, %parallel_loop3A_805 : vector<16xf32>
        %parallel_loop3A_807 = arith.constant 1 : i32
        %parallel_loop3A_808 = vector.broadcast %parallel_loop3A_807 : i32 to vector<16xi32>
        %parallel_loop3A_809 = arith.xori %iota3A, %parallel_loop3A_808 : vector<16xi32>
        %parallel_loop3A_810 = vector.shape_cast %parallel_loop3A_809 : vector<16xi32> to vector<16x1xi32>
        %parallel_loop3A_811 = vector.shape_cast %parallel_loop3A_810 : vector<16x1xi32> to vector<16xi32>
        %parallel_loop3A_812 = tpu.dynamic_gather %parallel_loop3A_806[%parallel_loop3A_811] in [0] : vector<16xf32>, vector<16xi32> -> vector<16xf32>
        %parallel_loop3A_813 = arith.addf %parallel_loop3A_806, %parallel_loop3A_812 : vector<16xf32>
        %parallel_loop3A_814 = arith.constant 1.562500e-02 : f32
        %parallel_loop3A_815 = vector.broadcast %parallel_loop3A_814 : f32 to vector<16xf32>
        %parallel_loop3A_816 = arith.mulf %parallel_loop3A_785, %parallel_loop3A_815 : vector<16xf32>
        %parallel_loop3A_817 = arith.constant 1.562500e-02 : f32
        %parallel_loop3A_818 = vector.broadcast %parallel_loop3A_817 : f32 to vector<16xf32>
        %parallel_loop3A_819 = arith.mulf %parallel_loop3A_813, %parallel_loop3A_818 : vector<16xf32>
        %parallel_loop3A_820 = arith.mulf %parallel_loop3A_816, %parallel_loop3A_816 : vector<16xf32>
        %parallel_loop3A_821 = arith.subf %parallel_loop3A_819, %parallel_loop3A_820 : vector<16xf32>
        %parallel_loop3A_822 = arith.constant 9.99999993E-9 : f32
        %parallel_loop3A_823 = vector.broadcast %parallel_loop3A_822 : f32 to vector<16xf32>
        %parallel_loop3A_824 = arith.addf %parallel_loop3A_821, %parallel_loop3A_823 : vector<16xf32>
        %parallel_loop3A_825 = tpu.bitcast %parallel_loop3A_824 : vector<16xf32> -> vector<16xi32>
        %parallel_loop3A_826 = arith.constant 1 : i32
        %parallel_loop3A_827 = vector.broadcast %parallel_loop3A_826 : i32 to vector<16xi32>
        %parallel_loop3A_828 = arith.shrsi %parallel_loop3A_825, %parallel_loop3A_827 : vector<16xi32>
        %parallel_loop3A_829 = arith.constant 1597463007 : i32
        %parallel_loop3A_830 = vector.broadcast %parallel_loop3A_829 : i32 to vector<16xi32>
        %parallel_loop3A_831 = arith.subi %parallel_loop3A_830, %parallel_loop3A_828 : vector<16xi32>
        %parallel_loop3A_832 = tpu.bitcast %parallel_loop3A_831 : vector<16xi32> -> vector<16xf32>
        %parallel_loop3A_833 = arith.constant -5.000000e-01 : f32
        %parallel_loop3A_834 = vector.broadcast %parallel_loop3A_833 : f32 to vector<16xf32>
        %parallel_loop3A_835 = arith.mulf %parallel_loop3A_824, %parallel_loop3A_834 : vector<16xf32>
        %parallel_loop3A_836 = arith.mulf %parallel_loop3A_835, %parallel_loop3A_832 : vector<16xf32>
        %parallel_loop3A_837 = arith.mulf %parallel_loop3A_836, %parallel_loop3A_832 : vector<16xf32>
        %parallel_loop3A_838 = arith.constant 1.500000e+00 : f32
        %parallel_loop3A_839 = vector.broadcast %parallel_loop3A_838 : f32 to vector<16xf32>
        %parallel_loop3A_840 = arith.addf %parallel_loop3A_839, %parallel_loop3A_837 : vector<16xf32>
        %parallel_loop3A_841 = arith.mulf %parallel_loop3A_832, %parallel_loop3A_840 : vector<16xf32>
        %parallel_loop3A_842 = arith.mulf %parallel_loop3A_835, %parallel_loop3A_841 : vector<16xf32>
        %parallel_loop3A_843 = arith.mulf %parallel_loop3A_842, %parallel_loop3A_841 : vector<16xf32>
        %parallel_loop3A_844 = arith.constant 1.500000e+00 : f32
        %parallel_loop3A_845 = vector.broadcast %parallel_loop3A_844 : f32 to vector<16xf32>
        %parallel_loop3A_846 = arith.addf %parallel_loop3A_845, %parallel_loop3A_843 : vector<16xf32>
        %parallel_loop3A_847 = arith.mulf %parallel_loop3A_841, %parallel_loop3A_846 : vector<16xf32>
        %parallel_loop3A_848 = arith.mulf %parallel_loop3A_835, %parallel_loop3A_847 : vector<16xf32>
        %parallel_loop3A_849 = arith.mulf %parallel_loop3A_848, %parallel_loop3A_847 : vector<16xf32>
        %parallel_loop3A_850 = arith.constant 1.500000e+00 : f32
        %parallel_loop3A_851 = vector.broadcast %parallel_loop3A_850 : f32 to vector<16xf32>
        %parallel_loop3A_852 = arith.addf %parallel_loop3A_851, %parallel_loop3A_849 : vector<16xf32>
        %parallel_loop3A_853 = arith.mulf %parallel_loop3A_847, %parallel_loop3A_852 : vector<16xf32>
        %parallel_loop3A_854 = arith.subf %parallel_loop3A_714, %parallel_loop3A_816 : vector<16xf32>
        %parallel_loop3A_855 = arith.mulf %parallel_loop3A_853, %get3A_2 : vector<16xf32>
        %parallel_loop3A_856 = arith.mulf %parallel_loop3A_854, %parallel_loop3A_855 : vector<16xf32>
        %parallel_loop3A_857 = arith.addf %parallel_loop3A_856, %get3A_14 : vector<16xf32>
        %parallel_loop3A_858 = arith.subf %parallel_loop3A_725, %parallel_loop3A_816 : vector<16xf32>
        %parallel_loop3A_859 = arith.mulf %parallel_loop3A_853, %get3A_5 : vector<16xf32>
        %parallel_loop3A_860 = arith.mulf %parallel_loop3A_858, %parallel_loop3A_859 : vector<16xf32>
        %parallel_loop3A_861 = arith.addf %parallel_loop3A_860, %get3A_17 : vector<16xf32>
        %parallel_loop3A_862 = arith.subf %parallel_loop3A_736, %parallel_loop3A_816 : vector<16xf32>
        %parallel_loop3A_863 = arith.mulf %parallel_loop3A_853, %get3A_8 : vector<16xf32>
        %parallel_loop3A_864 = arith.mulf %parallel_loop3A_862, %parallel_loop3A_863 : vector<16xf32>
        %parallel_loop3A_865 = arith.addf %parallel_loop3A_864, %get3A_20 : vector<16xf32>
        %parallel_loop3A_866 = arith.subf %parallel_loop3A_747, %parallel_loop3A_816 : vector<16xf32>
        %parallel_loop3A_867 = arith.mulf %parallel_loop3A_853, %get3A_11 : vector<16xf32>
        %parallel_loop3A_868 = arith.mulf %parallel_loop3A_866, %parallel_loop3A_867 : vector<16xf32>
        %parallel_loop3A_869 = arith.addf %parallel_loop3A_868, %get3A_23 : vector<16xf32>
        %parallel_loop3A_870 = arith.constant 300 : i32
        %parallel_loop3A_871 = arith.addi %parallel_loop3A_870, %parallel_loop3A_509 : i32
        %parallel_loop3A_872 = arith.index_cast %parallel_loop3A_871 : i32 to index
        %parallel_loop3A_873 = arith.constant 64 : index
        %parallel_loop3A_874 = tpu.vector_load %arg12[%parallel_loop3A_872, %parallel_loop3A_873] {strides = array<i32>} : memref<400x128xf32, #tpu.memory_space<vmem>>, vector<1x16xf32>,
        %parallel_loop3A_875 = vector.shape_cast %parallel_loop3A_874 : vector<1x16xf32> to vector<16xf32>
        %parallel_loop3A_876 = vector.shape_cast %parallel_loop3A_857 : vector<16xf32> to vector<1x16xf32>
        tpu.vector_store %arg12[%parallel_loop3A_872, %parallel_loop3A_873], %parallel_loop3A_876 {strides = array<i32>} : memref<400x128xf32, #tpu.memory_space<vmem>>, vector<1x16xf32>,
        %parallel_loop3A_877 = arith.constant 300 : i32
        %parallel_loop3A_878 = arith.addi %parallel_loop3A_877, %parallel_loop3A_509 : i32
        %parallel_loop3A_879 = arith.index_cast %parallel_loop3A_878 : i32 to index
        %parallel_loop3A_880 = arith.constant 80 : index
        %parallel_loop3A_881 = tpu.vector_load %arg12[%parallel_loop3A_879, %parallel_loop3A_880] {strides = array<i32>} : memref<400x128xf32, #tpu.memory_space<vmem>>, vector<1x16xf32>,
        %parallel_loop3A_882 = vector.shape_cast %parallel_loop3A_881 : vector<1x16xf32> to vector<16xf32>
        %parallel_loop3A_883 = vector.shape_cast %parallel_loop3A_861 : vector<16xf32> to vector<1x16xf32>
        tpu.vector_store %arg12[%parallel_loop3A_879, %parallel_loop3A_880], %parallel_loop3A_883 {strides = array<i32>} : memref<400x128xf32, #tpu.memory_space<vmem>>, vector<1x16xf32>,
        %parallel_loop3A_884 = arith.constant 300 : i32
        %parallel_loop3A_885 = arith.addi %parallel_loop3A_884, %parallel_loop3A_509 : i32
        %parallel_loop3A_886 = arith.index_cast %parallel_loop3A_885 : i32 to index
        %parallel_loop3A_887 = arith.constant 96 : index
        %parallel_loop3A_888 = tpu.vector_load %arg12[%parallel_loop3A_886, %parallel_loop3A_887] {strides = array<i32>} : memref<400x128xf32, #tpu.memory_space<vmem>>, vector<1x16xf32>,
        %parallel_loop3A_889 = vector.shape_cast %parallel_loop3A_888 : vector<1x16xf32> to vector<16xf32>
        %parallel_loop3A_890 = vector.shape_cast %parallel_loop3A_865 : vector<16xf32> to vector<1x16xf32>
        tpu.vector_store %arg12[%parallel_loop3A_886, %parallel_loop3A_887], %parallel_loop3A_890 {strides = array<i32>} : memref<400x128xf32, #tpu.memory_space<vmem>>, vector<1x16xf32>,
        %parallel_loop3A_891 = arith.constant 300 : i32
        %parallel_loop3A_892 = arith.addi %parallel_loop3A_891, %parallel_loop3A_509 : i32
        %parallel_loop3A_893 = arith.index_cast %parallel_loop3A_892 : i32 to index
        %parallel_loop3A_894 = arith.constant 112 : index
        %parallel_loop3A_895 = tpu.vector_load %arg12[%parallel_loop3A_893, %parallel_loop3A_894] {strides = array<i32>} : memref<400x128xf32, #tpu.memory_space<vmem>>, vector<1x16xf32>,
        %parallel_loop3A_896 = vector.shape_cast %parallel_loop3A_895 : vector<1x16xf32> to vector<16xf32>
        %parallel_loop3A_897 = vector.shape_cast %parallel_loop3A_869 : vector<16xf32> to vector<1x16xf32>
        tpu.vector_store %arg12[%parallel_loop3A_893, %parallel_loop3A_894], %parallel_loop3A_897 {strides = array<i32>} : memref<400x128xf32, #tpu.memory_space<vmem>>, vector<1x16xf32>,
      } {sc.loop_unroll_factor = 8 : i64, sc.parallel_access}
      %convert_element_type3A_462 = arith.extui %lt3A_361 : i1 to i32
      %cond3A_463 = arith.constant 0 : i32
      %cond3A_464 = arith.cmpi ne, %convert_element_type3A_462, %cond3A_463 : i32
      scf.if %cond3A_464 {
        %mul3A_507 = arith.constant 2 : i32
        %mul3A_508 = arith.muli %mul3A_507, %add3A_357 : i32
        %add3A_509 = arith.constant 3 : i32
        %add3A_510 = arith.addi %mul3A_508, %add3A_509 : i32
        %mul3A_511 = arith.constant 25600 : i32
        %mul3A_512 = arith.muli %add3A, %mul3A_511 : i32
        %mul3A_513 = arith.constant 200 : i32
        %mul3A_514 = arith.muli %add3A_510, %mul3A_513 : i32
        %add3A_515 = arith.addi %mul3A_512, %mul3A_514 : i32
        %multiple_of3A_516 = tpu.assume_multiple %add3A_515, 8 : i32
        %dma_start3A_517 = arith.constant 0 : i32
        %dma_start3A_518 = tpu.memref_slice %arg9[%dma_start3A_517] : memref<224xi32, #tpu.memory_space<vmem>> -> memref<200xi32, #tpu.memory_space<vmem>>
        %dma_start3A_519 = tpu.memref_slice %arg2[%multiple_of3A_516] : memref<819200xi32, #tpu.memory_space<hbm>> -> memref<200xi32, #tpu.memory_space<hbm>>
        %dma_start3A_520 = arith.constant 0 : i32
        %dma_start3A_521 = tpu.memref_slice %arg9[%dma_start3A_520] : memref<224xi32, #tpu.memory_space<vmem>> -> memref<200xi32, #tpu.memory_space<vmem>>
        %dma_start3A_522 = tpu.memref_slice %arg2[%multiple_of3A_516] : memref<819200xi32, #tpu.memory_space<hbm>> -> memref<200xi32, #tpu.memory_space<hbm>>
        tpu.enqueue_dma source(%dma_start3A_522 : memref<200xi32, #tpu.memory_space<hbm>>) target(%dma_start3A_521 : memref<200xi32, #tpu.memory_space<vmem>>) target_semaphore(%arg17 : memref<!tpu.dma_semaphore, #tpu.memory_space<semaphore_mem>>)
      } else {
      }
      %mul3A_465 = arith.constant 25600 : i32
      %mul3A_466 = arith.muli %add3A, %mul3A_465 : i32
      %mul3A_467 = arith.constant 2 : i32
      %mul3A_468 = arith.muli %add3A_357, %mul3A_467 : i32
      %mul3A_469 = arith.constant 200 : i32
      %mul3A_470 = arith.muli %mul3A_468, %mul3A_469 : i32
      %add3A_471 = arith.addi %mul3A_466, %mul3A_470 : i32
      %jit3A_472 = arith.constant 2 : i32
      %div3A_473 = arith.divsi %add3A_471, %jit3A_472 : i32
      %sign3A_474 = arith.constant 0 : i32
      %sign3A_475 = arith.cmpi sgt, %add3A_471, %sign3A_474 : i32
      %sign3A_476 = arith.extui %sign3A_475 : i1 to i32
      %sign3A_477 = arith.constant 0 : i32
      %sign3A_478 = arith.cmpi slt, %add3A_471, %sign3A_477 : i32
      %sign3A_479 = arith.extui %sign3A_478 : i1 to i32
      %sign3A_480 = arith.subi %sign3A_476, %sign3A_479 : i32
      %sign3A_481 = arith.constant 0 : i32
      %sign3A_482 = arith.cmpi sgt, %jit3A_472, %sign3A_481 : i32
      %sign3A_483 = arith.extui %sign3A_482 : i1 to i32
      %sign3A_484 = arith.constant 0 : i32
      %sign3A_485 = arith.cmpi slt, %jit3A_472, %sign3A_484 : i32
      %sign3A_486 = arith.extui %sign3A_485 : i1 to i32
      %sign3A_487 = arith.subi %sign3A_483, %sign3A_486 : i32
      %ne3A_488 = arith.cmpi ne, %sign3A_480, %sign3A_487 : i32
      %rem3A_489 = arith.remsi %add3A_471, %jit3A_472 : i32
      %ne3A_490 = arith.constant 0 : i32
      %ne3A_491 = arith.cmpi ne, %rem3A_489, %ne3A_490 : i32
      %and3A_492 = arith.andi %ne3A_488, %ne3A_491 : i1
      %sub3A_493 = arith.constant 1 : i32
      %sub3A_494 = arith.subi %div3A_473, %sub3A_493 : i32
      %select_n3A_495 = arith.select %and3A_492, %sub3A_494, %div3A_473 : i32
      %multiple_of3A_496 = tpu.assume_multiple %select_n3A_495, 8 : i32
      %dma_start3A_497 = arith.constant 200 : i32
      %dma_start3A_498 = arith.constant 0 : i32
      %dma_start3A_499 = tpu.memref_slice %arg12[%dma_start3A_497, %dma_start3A_498] : memref<400x128xf32, #tpu.memory_space<vmem>> -> memref<200x128xf32, #tpu.memory_space<vmem>>
      %dma_start3A_500 = arith.constant 0 : i32
      %dma_start3A_501 = tpu.memref_slice %arg7[%multiple_of3A_496, %dma_start3A_500] : memref<409600x128xf32, #tpu.memory_space<hbm>> -> memref<200x128xf32, #tpu.memory_space<hbm>>
      %dma_start3A_502 = arith.constant 0 : i32
      %dma_start3A_503 = tpu.memref_slice %arg7[%multiple_of3A_496, %dma_start3A_502] : memref<409600x128xf32, #tpu.memory_space<hbm>> -> memref<200x128xf32, #tpu.memory_space<hbm>>
      %dma_start3A_504 = arith.constant 200 : i32
      %dma_start3A_505 = arith.constant 0 : i32
      %dma_start3A_506 = tpu.memref_slice %arg12[%dma_start3A_504, %dma_start3A_505] : memref<400x128xf32, #tpu.memory_space<vmem>> -> memref<200x128xf32, #tpu.memory_space<vmem>>
      tpu.enqueue_dma source(%dma_start3A_506 : memref<200x128xf32, #tpu.memory_space<vmem>>) target(%dma_start3A_503 : memref<200x128xf32, #tpu.memory_space<hbm>>) target_semaphore(%arg21 : memref<!tpu.dma_semaphore, #tpu.memory_space<semaphore_mem>>)
    }
    %scan3A_77 = arith.constant 32 : i32
    %mul3A_78 = arith.constant 25600 : i32
    %mul3A_79 = arith.muli %add3A, %mul3A_78 : i32
    %add3A_80 = arith.constant 0 : i32
    %add3A_81 = arith.addi %mul3A_79, %add3A_80 : i32
    %jit3A = arith.constant 2 : i32
    %div3A = arith.divsi %add3A_81, %jit3A : i32
    %sign3A = arith.constant 0 : i32
    %sign3A_82 = arith.cmpi sgt, %add3A_81, %sign3A : i32
    %sign3A_83 = arith.extui %sign3A_82 : i1 to i32
    %sign3A_84 = arith.constant 0 : i32
    %sign3A_85 = arith.cmpi slt, %add3A_81, %sign3A_84 : i32
    %sign3A_86 = arith.extui %sign3A_85 : i1 to i32
    %sign3A_87 = arith.subi %sign3A_83, %sign3A_86 : i32
    %sign3A_88 = arith.constant 0 : i32
    %sign3A_89 = arith.cmpi sgt, %jit3A, %sign3A_88 : i32
    %sign3A_90 = arith.extui %sign3A_89 : i1 to i32
    %sign3A_91 = arith.constant 0 : i32
    %sign3A_92 = arith.cmpi slt, %jit3A, %sign3A_91 : i32
    %sign3A_93 = arith.extui %sign3A_92 : i1 to i32
    %sign3A_94 = arith.subi %sign3A_90, %sign3A_93 : i32
    %ne3A = arith.cmpi ne, %sign3A_87, %sign3A_94 : i32
    %rem3A = arith.remsi %add3A_81, %jit3A : i32
    %ne3A_95 = arith.constant 0 : i32
    %ne3A_96 = arith.cmpi ne, %rem3A, %ne3A_95 : i32
    %and3A = arith.andi %ne3A, %ne3A_96 : i1
    %sub3A = arith.constant 1 : i32
    %sub3A_97 = arith.subi %div3A, %sub3A : i32
    %select_n3A = arith.select %and3A, %sub3A_97, %div3A : i32
    %multiple_of3A_98 = tpu.assume_multiple %select_n3A, 8 : i32
    %dma_wait3A_99 = arith.constant 0 : i32
    %dma_wait3A_100 = arith.constant 0 : i32
    %dma_wait3A_101 = tpu.memref_slice %arg12[%dma_wait3A_99, %dma_wait3A_100] : memref<400x128xf32, #tpu.memory_space<vmem>> -> memref<200x128xf32, #tpu.memory_space<vmem>>
    %dma_wait3A_102 = arith.constant 0 : i32
    %dma_wait3A_103 = tpu.memref_slice %arg7[%multiple_of3A_98, %dma_wait3A_102] : memref<409600x128xf32, #tpu.memory_space<hbm>> -> memref<200x128xf32, #tpu.memory_space<hbm>>
    %dma_wait3A_104 = arith.constant 0 : i32
    %dma_wait3A_105 = tpu.memref_slice %arg7[%multiple_of3A_98, %dma_wait3A_104] : memref<409600x128xf32, #tpu.memory_space<hbm>> -> memref<200x128xf32, #tpu.memory_space<hbm>>
    %dma_wait3A_106 = arith.constant 0 : i32
    %dma_wait3A_107 = arith.constant 0 : i32
    %dma_wait3A_108 = tpu.memref_slice %arg12[%dma_wait3A_106, %dma_wait3A_107] : memref<400x128xf32, #tpu.memory_space<vmem>> -> memref<200x128xf32, #tpu.memory_space<vmem>>
    tpu.wait_dma2 semaphore(%arg20 : memref<!tpu.dma_semaphore, #tpu.memory_space<semaphore_mem>>) src(%dma_wait3A_108 : memref<200x128xf32, #tpu.memory_space<vmem>>) dst(%dma_wait3A_105 : memref<200x128xf32, #tpu.memory_space<hbm>>)
    %mul3A_109 = arith.constant 25600 : i32
    %mul3A_110 = arith.muli %add3A, %mul3A_109 : i32
    %add3A_111 = arith.constant 0 : i32
    %add3A_112 = arith.addi %mul3A_110, %add3A_111 : i32
    %jit3A_113 = arith.constant 2 : i32
    %div3A_114 = arith.divsi %add3A_112, %jit3A_113 : i32
    %sign3A_115 = arith.constant 0 : i32
    %sign3A_116 = arith.cmpi sgt, %add3A_112, %sign3A_115 : i32
    %sign3A_117 = arith.extui %sign3A_116 : i1 to i32
    %sign3A_118 = arith.constant 0 : i32
    %sign3A_119 = arith.cmpi slt, %add3A_112, %sign3A_118 : i32
    %sign3A_120 = arith.extui %sign3A_119 : i1 to i32
    %sign3A_121 = arith.subi %sign3A_117, %sign3A_120 : i32
    %sign3A_122 = arith.constant 0 : i32
    %sign3A_123 = arith.cmpi sgt, %jit3A_113, %sign3A_122 : i32
    %sign3A_124 = arith.extui %sign3A_123 : i1 to i32
    %sign3A_125 = arith.constant 0 : i32
    %sign3A_126 = arith.cmpi slt, %jit3A_113, %sign3A_125 : i32
    %sign3A_127 = arith.extui %sign3A_126 : i1 to i32
    %sign3A_128 = arith.subi %sign3A_124, %sign3A_127 : i32
    %ne3A_129 = arith.cmpi ne, %sign3A_121, %sign3A_128 : i32
    %rem3A_130 = arith.remsi %add3A_112, %jit3A_113 : i32
    %ne3A_131 = arith.constant 0 : i32
    %ne3A_132 = arith.cmpi ne, %rem3A_130, %ne3A_131 : i32
    %and3A_133 = arith.andi %ne3A_129, %ne3A_132 : i1
    %sub3A_134 = arith.constant 1 : i32
    %sub3A_135 = arith.subi %div3A_114, %sub3A_134 : i32
    %select_n3A_136 = arith.select %and3A_133, %sub3A_135, %div3A_114 : i32
    %multiple_of3A_137 = tpu.assume_multiple %select_n3A_136, 8 : i32
    %dma_wait3A_138 = arith.constant 200 : i32
    %dma_wait3A_139 = arith.constant 0 : i32
    %dma_wait3A_140 = tpu.memref_slice %arg12[%dma_wait3A_138, %dma_wait3A_139] : memref<400x128xf32, #tpu.memory_space<vmem>> -> memref<200x128xf32, #tpu.memory_space<vmem>>
    %dma_wait3A_141 = arith.constant 0 : i32
    %dma_wait3A_142 = tpu.memref_slice %arg7[%multiple_of3A_137, %dma_wait3A_141] : memref<409600x128xf32, #tpu.memory_space<hbm>> -> memref<200x128xf32, #tpu.memory_space<hbm>>
    %dma_wait3A_143 = arith.constant 0 : i32
    %dma_wait3A_144 = tpu.memref_slice %arg7[%multiple_of3A_137, %dma_wait3A_143] : memref<409600x128xf32, #tpu.memory_space<hbm>> -> memref<200x128xf32, #tpu.memory_space<hbm>>
    %dma_wait3A_145 = arith.constant 200 : i32
    %dma_wait3A_146 = arith.constant 0 : i32
    %dma_wait3A_147 = tpu.memref_slice %arg12[%dma_wait3A_145, %dma_wait3A_146] : memref<400x128xf32, #tpu.memory_space<vmem>> -> memref<200x128xf32, #tpu.memory_space<vmem>>
    tpu.wait_dma2 semaphore(%arg21 : memref<!tpu.dma_semaphore, #tpu.memory_space<semaphore_mem>>) src(%dma_wait3A_147 : memref<200x128xf32, #tpu.memory_space<vmem>>) dst(%dma_wait3A_144 : memref<200x128xf32, #tpu.memory_space<hbm>>)
    return
  }
}

</mosaic_0001>

<sc_bundles>
// kernel: kernel.3.cloned.1.call-start
scs
__scs_entry_jumppad:
0x0: {  	(pc) =	sbr.rel $0x88, $3  }
0x1: {  	(tag) =	ssettag $0x0;
	lr =	simm.s32 $0x1  }
0x2: {  	[smem:$0x3F9C] =	sst lr;
	_ =	strace $0xD0000000  }
0x3: {  	_ = 	snop  }
0x4: {  	_ = 	snop  }
0x5: {  	_ = 	snop  }
0x6: {  	_ = 	snop  }
0x7: {  	_ = 	snop  }
__scs_overlays_trampoline_lowered:
0x8: {  	[smem:$0x3FAB] =	sst s0  }
0x9: {  	[smem:$0x3FAC] =	sst s1  }
0xa: {  	[smem:$0x3FAD] =	sst s2  }
0xb: {  	[smem:$0x3FAE] =	sst s3  }
0xc: {  	[smem:$0x3FAF] =	sst s4  }
0xd: {  	[smem:$0x3FB0] =	sst s5  }
0xe: {  	[smem:$0x3FB1] =	sst s6  }
0xf: {  	[smem:$0x3FB2] =	sst s7  }
0x10: {  	[smem:$0x3FB3] =	sst s8  }
0x11: {  	[smem:$0x3FB4] =	sst s9;
	s0 =	simm.s32 @!p0 $0x0  }
0x12: {  	s1 =	sld [smem:$0x3F9A];
	s0 =	simm.s32 @p0 $0x1  }
0x13: {  	[smem:$0x3FB5] =	sst s0;
	s0 =	simm.s32 @!p1 $0x0  }
0x14: {  	s2 =	sld [smem:$0x3F99];
	s0 =	simm.s32 @p1 $0x1  }
0x15: {  	[smem:$0x3FB6] =	sst s0;
	s0 =	simm.s32 @!p2 $0x0  }
0x16: {  	s3 =	sld [smem:$0x3FDB];
	s0 =	simm.s32 @p2 $0x1  }
0x17: {  	s4 =	simm.s32 $0x1BF5;
	[smem:$0x3FB8] =	sst s0  }
0x18: {  	s0 =	sld [smem:$0x3F9B];
	_ =	swait.ge [sflag:s4], $0x0  }
0x19: {  	s7 =	sld [smem:$0x3F9C]  }
0x1a: {  	s8 =	sadd.s32 $0xFFFFE003, lr  }
0x1b: {  	s9 =	sadd.s32 $0xFFFFFEF7, lr;
	s5 =	simm.s32 $0xFFFFFFFF;
	p2 =	slt.u32 s8, $0xFFFFF086  }
0x1c: {  	p1 =	slt.u32 s9, $0xF7A;
	s5 =	simm.s32 @!p2 $0x0  }
0x1d: {  	s5 =	simm.s32 @p1 $0x1;
	p0 =	seq.s32 s7, s2  }
0x1e: {  	s7 =	smul.u32 @!p0 $0xF7A, s2;
	p2 =	seq.s32 @!p0 s5, $0x0  }
0x1f: {  	s9 =	smul.u32 $0xF7A, s1;
	s8 =	simm.s32 @!p0 $0x1BF5;
	p2 =	por !p2, p0  }
0x20: {  	[sflag:s8] =	ssyncset.s32 @!p0 $0xFFFFF086;
	s6 =	sadd.s32 @!p0 s3, s7;
	s7 =	simm.s32 @!p0 $0x108  }
0x21: {  	s3 =	sadd.s32 s3, s9;
	s6 =	sadd.s32 @!p0 $0x88, s6;
	s7 =	simm.s32 @p2 $0x1082  }
0x22: {  	[simem:s7], [sflag:s8] =	dma.local @!p0 [hbm:s6], $0xF7A  }
0x23: {  	s9 =	sor.u32 $0xD0000000, s2;
	s6 =	simm.s32 $0x108;
	_ =	swait.ge @!p0 [sflag:s8], $0x0  }
0x24: {  	s3 =	sadd.s32 $0x88, s3;
	s6 =	simm.s32 @!p1 $0x1082;
	[sflag:s4] =	ssyncset.s32 $0xFFFFF086  }
0x25: {  	[simem:s6], [sflag:s4] =	dma.local [hbm:s3], $0xF7A  }
0x26: {  	[smem:$0x3F9C] =	sst s1;
	(tag) =	ssettag s2;
	_ =	strace s9  }
0x27: {  	s1 =	sld [smem:$0x3FAC]  }
0x28: {  	s2 =	sld [smem:$0x3FAD]  }
0x29: {  	s4 =	sld [smem:$0x3FAF]  }
0x2a: {  	p0 =	seq.s32 s5, $0x0;
	s5 =	sld [smem:$0x3FB0]  }
0x2b: {  	s6 =	sld [smem:$0x3FB1]  }
0x2c: {  	s7 =	sld [smem:$0x3FB2]  }
0x2d: {  	s3 =	simm.s32 $0x108;
	s8 =	sld [smem:$0x3FB3]  }
0x2e: {  	s3 =	simm.s32 @!p0 $0x1082;
	s9 =	sld [smem:$0x3FB4]  }
0x2f: {  	lr =	sadd.s32 s0, s3;
	s0 =	sld [smem:$0x3FAB]  }
0x30: {  	s3 =	sld [smem:$0x3FAE]  }
0x31: {  	[smem:$0x3FB7] =	sst s10  }
0x32: {  	s10 =	sld [smem:$0x3FB5];
	_ =	sdelay $0x3  }
0x33: {  	p0 =	seq.s32 s10, $0x1;
	s10 =	sld [smem:$0x3FB7];
	_ =	sdelay $0x3  }
0x34: {  	[smem:$0x3FB7] =	sst s10  }
0x35: {  	s10 =	sld [smem:$0x3FB6];
	_ =	sdelay $0x3  }
0x36: {  	p1 =	seq.s32 s10, $0x1;
	s10 =	sld [smem:$0x3FB7];
	_ =	sdelay $0x3  }
0x37: {  	[smem:$0x3FB7] =	sst s10  }
0x38: {  	s10 =	sld [smem:$0x3FB8]  }
0x39: {  	_ = 	snop;
	(pc) =	sbr.ind lr, $3  }
0x3a: {  	_ = 	snop  }
0x3b: {  	_ = 	snop  }
0x3c: {  	p2 =	seq.s32 s10, $0x1;
	s10 =	sld [smem:$0x3FB7]  }
0x3d: {  	_ =	shalt  }
0x3e: {  	_ =	shalt  }
0x3f: {  	_ =	shalt  }
0x40: {  	_ =	shalt  }
0x41: {  	_ =	shalt  }
0x42: {  	_ =	shalt  }
0x43: {  	_ =	shalt  }
0x44: {  	_ =	shalt  }
0x45: {  	_ =	shalt  }
0x46: {  	_ =	shalt  }
0x47: {  	_ =	shalt  }
0x48: {  	_ =	shalt  }
0x49: {  	_ =	shalt  }
0x4a: {  	_ =	shalt  }
0x4b: {  	_ =	shalt  }
0x4c: {  	_ =	shalt  }
0x4d: {  	_ =	shalt  }
0x4e: {  	_ =	shalt  }
0x4f: {  	_ =	shalt  }
0x50: {  	_ =	shalt  }
0x51: {  	_ =	shalt  }
0x52: {  	_ =	shalt  }
0x53: {  	_ =	shalt  }
0x54: {  	_ =	shalt  }
0x55: {  	_ =	shalt  }
0x56: {  	_ =	shalt  }
0x57: {  	_ =	shalt  }
0x58: {  	_ =	shalt  }
0x59: {  	_ =	shalt  }
0x5a: {  	_ =	shalt  }
0x5b: {  	_ =	shalt  }
0x5c: {  	_ =	shalt  }
0x5d: {  	_ =	shalt  }
0x5e: {  	_ =	shalt  }
0x5f: {  	_ =	shalt  }
0x60: {  	_ =	shalt  }
0x61: {  	_ =	shalt  }
0x62: {  	_ =	shalt  }
0x63: {  	_ =	shalt  }
0x64: {  	_ =	shalt  }
0x65: {  	_ =	shalt  }
0x66: {  	_ =	shalt  }
0x67: {  	_ =	shalt  }
0x68: {  	_ =	shalt  }
0x69: {  	_ =	shalt  }
0x6a: {  	_ =	shalt  }
0x6b: {  	_ =	shalt  }
0x6c: {  	_ =	shalt  }
0x6d: {  	_ =	shalt  }
0x6e: {  	_ =	shalt  }
0x6f: {  	_ =	shalt  }
0x70: {  	_ =	shalt  }
0x71: {  	_ =	shalt  }
0x72: {  	_ =	shalt  }
0x73: {  	_ =	shalt  }
0x74: {  	_ =	shalt  }
0x75: {  	_ =	shalt  }
0x76: {  	_ =	shalt  }
0x77: {  	_ =	shalt  }
0x78: {  	_ =	shalt  }
0x79: {  	_ =	shalt  }
0x7a: {  	_ =	shalt  }
0x7b: {  	_ =	shalt  }
0x7c: {  	_ =	shalt  }
0x7d: {  	_ =	shalt  }
0x7e: {  	_ =	shalt  }
0x7f: {  	_ =	shalt  }
0x80: {  	_ =	shalt  }
0x81: {  	_ =	shalt  }
0x82: {  	_ =	shalt  }
0x83: {  	_ =	shalt  }
0x84: {  	_ =	shalt  }
0x85: {  	_ =	shalt  }
0x86: {  	_ =	shalt  }
0x87: {  	_ =	shalt  }
.Lfunc_end0:
.L_simem_size_0:
called_computation.1_lowered:
.L_overlay_start_0:
0x88: {  	s2 =	sld [smem:$0x3FD9]  }
0x89: {  	s3 =	sld [smem:$0x3FFE];
	_ =	sdelay $0x1  }
0x8a: {  	s1 =	srdreg.scid  }
0x8b: {  	s0 =	sand.u32 $0x1, s1  }
0x8c: {  	s17 =	sshll.u32 s0, $0xA;
	s2 =	sadd.s32 s3, s2  }
0x8d: {  	s2 =	sadd.s32 s2, s17  }
0x8e: {  	[smem:$0x3FC3] =	sst s2  }
0x8f: {  	_ = 	snop  }
0x90: {  	s2 =	sld [smem:$0x3FC6]  }
0x91: {  	s18 =	sld [smem:$0x3FC5]  }
0x92: {  	s4 =	sld [smem:$0x3FD0];
	(tm) =	ssettm $0x1  }
0x93: {  	s5 =	sld [smem:$0x3FFB];
	_ =	sdelay $0x3  }
0x94: {  	_ =	strace s5  }
0x95: {  	s5 =	sld [smem:$0x3FFC];
	_ =	sdelay $0x3  }
0x96: {  	_ =	strace s5  }
0x97: {  	s5 =	sld [smem:$0x3FFD];
	_ =	sdelay $0x3  }
0x98: {  	_ =	strace s5  }
0x99: {  	_ =	strace $0x8FFFFFFF  }
0x9a: {  	s19 =	sld [smem:$0x3FDB];
	_ =	sdelay $0x1  }
0x9b: {  	s6 =	simm.s32 $_scs_section_size  }
0x9c: {  	s7 =	simm.s32 $_size__tile_overlayer_lowered;
	s8 =	simm.s32 $_tile_overlayer_lowered  }
0x9d: {  	s22 =	simm.s32 $0x1BFF;
	s21 =	sshll.u32 s8, $0x1;
	s5 =	sadd.s32 s6, s19  }
0x9e: {  	s9 =	simm.s32 $0x0;
	s20 =	sshll.u32 s7, $0x1;
	s7 =	sadd.s32 s21, s5  }
0x9f: {  	[timem:s9], [sflag:s22] =	dma.local [hbm:s7], s20  }
0xa0: {  	_ =	swait.ge [sflag:s22], s20  }
0xa1: {  	s6 =	ssub.s32 $0x0, s20;
	[sflag:s22] =	ssyncset.done $0x0  }
0xa2: {  	[sflag:s22] =	ssyncadd.s32 s6;
	_ =	sdelay $0x1  }
0xa3: {  	s23 =	simm.s32 $0x1B8B  }
0xa4: {  	_ =	swait.ge [sflag:s23], $0x1  }
0xa5: {  	[sflag:s23] =	ssyncset.done $0x0  }
0xa6: {  	s25 =	simm.s32 $0x1B8E;
	s24 =	sld [smem:$0x3FFE];
	[sflag:s23] =	ssyncadd.s32 $0xFFFFFFFF  }
0xa7: {  	s26 =	simm.s32 $execute0_lowered;
	[smem:$0x3FD2] =	sst s25  }
0xa8: {  	s7 =	sshll.u32 s26, $0x1;
	_ =	strace $0x80000046;
	[dreg:$0x1] =	wrdreg $0xFFFFFFFF  }
0xa9: {  	s28 =	simm.s32 $_size_execute0_lowered;
	s5 =	sadd.s32 s5, s7;
	[dreg:$0x0] =	wrdreg $0x0  }
0xaa: {  	s7 =	sshll.u32 s28, $0x1;
	[dreg:$0x2] =	wrdreg s5  }
0xab: {  	[dreg:$0x3] =	wrdreg s7  }
0xac: {  	[dreg:$0x4] =	wrdreg $0xC0  }
0xad: {  	_ =	task [dreg:s9], $0x5FFFF  }
0xae: {  	[dreg:$0x1] =	wrdreg $0xFFFFFFFF  }
0xaf: {  	[dreg:$0x0] =	wrdreg $0x60  }
0xb0: {  	[dreg:$0x2] =	wrdreg s24  }
0xb1: {  	[dreg:$0x3] =	wrdreg s2  }
0xb2: {  	[dreg:$0x4] =	wrdreg s18  }
0xb3: {  	[dreg:$0x5] =	wrdreg s4  }
0xb4: {  	[dreg:$0x6] =	wrdreg $0x9  }
0xb5: {  	_ =	task.clear_ibuf [dreg:s9], $0x7FFFF;
	_ =	strace $0x90000046  }
0xb6: {  	s29 =	simm.s32 $0x9;
	_ =	strace $0x80000048  }
0xb7: {  	_ =	swait.ge [sflag:s29], $0x1  }
0xb8: {  	[sflag:s29] =	ssyncadd.s32 $0xFFFFFFFF  }
0xb9: {  	_ =	strace $0x90000048  }
0xba: {  	_ =	sfence  }
0xbb: {  	s30 =	sld [smem:$0x0];
	_ =	sdelay $0x2  }
0xbc: {  	s31 =	sshll.u32 s1, $0xD;
	s1 =	sshrl.u32 s1, $0x2  }
0xbd: {  	s3 =	sand.u32 $0x4000, s31;
	s1 =	sadd.s32 s1, s30  }
0xbe: {  	s0 =	sor.u32 s3, s0;
	s1 =	sshll.u32 s1, $0x11  }
0xbf: {  	s0 =	sor.u32 s1, s0  }
0xc0: {  	s0 =	sadd.s32 $0x8F2B, s0  }
0xc1: {  	[sflag:s0] =	ssyncadd.remote.s32 $0x1  }
0xc2: {  	_ =	sfence.sel $0xFFFF  }
0xc3: {  	[dreg:$0x0] =	wrdreg $0xFFFFFFFF;
	(pc) =	sbr.abs _section_cstart, $3  }
0xc4: {  	[dreg:$0x1] =	wrdreg $0xFFFFFFFF  }
0xc5: {  	_ =	task.clear_ibuf [dreg:s9], $0x2FFFF;
	_ =	strace $0x9FFFFFFF  }
0xc6: {  	(tm) =	ssettm $0x7FFFFFFF  }
0xc7: {  	_ =	shalt  }
tec
execute0_lowered:
.L_overlay_start_1:
0x0: {  	(tag) =	ssettag $0x1  }
0x1: {  	s0 =	rddreg [dreg:$0x0];
	s1 =	srdreg.scid  }
0x2: {  	s2 =	stileid.u32;
	s4 =	rddreg [dreg:$0x3];
	v0 =	vimm.s32 $0xFEDCBA98  }
0x3: {  	s5 =	simm.s32 $0x0;
	v1 =	vimm.s32 $0x76543210;
	v2 =	vimm.s32 $0xBA98FEDC;
	s19 =	simm.s32 $0x1;
	s20 =	simm.s32 $0x50  }
0x4: {  	v3 =	vimm.s32 $0x32107654;
	s22 =	simm.s32 $0x2A00;
	s23 =	simm.s32 $0x28;
	s24 =	simm.s32 $0xA0  }
0x5: {  	v4 =	vimm.s32 $0xDCFE98BA;
	v5 =	vimm.s32 $0x54761032;
	s25 =	simm.s32 $0x5200;
	s28 =	simm.s32 $0x3;
	s29 =	simm.s32 $0x2  }
0x6: {  	v6 =	vimm.s32 $0xEFCDAB89;
	v7 =	vimm.s32 $0x67452301;
	s30 =	simm.s32 $0x6600;
	s31 =	simm.s32 $0x150;
	s3 =	simm.s32 $0x4  }
0x7: {  	s11 =	simm.s32 $0x0;
	s1 =	sand.u32 $0x1, s1;
	s2 =	sshll.u32 s2, $0x1;
	v0 =	vunpack.c.l.s4.s8 v0;
	v1 =	vunpack.c.l.s4.s8 v1;
	v2 =	vunpack.c.l.s4.s8 v2  }
0x8: {  	[smem:$0x7FF] =	sst s5;
	s7 =	sadd.s32 $0xF43000, s0;
	s8 =	sadd.s32 $0xF5E000, s0;
	v3 =	vunpack.c.l.s4.s8 v3;
	v4 =	vunpack.c.l.s4.s8 v4;
	v5 =	vunpack.c.l.s4.s8 v5  }
0x9: {  	s0 =	sadd.s32 $0xF5C000, s0;
	v6 =	vunpack.c.l.s4.s8 v6;
	v7 =	vunpack.c.l.s4.s8 v7;
	s2 =	sor.u32 s1, s2;
	s1 =	ssub.s32 $0x2, s1;
	v0 =	vunpack.c.0.s8.s32 v0  }
0xa: {  	_ =	strace $0x80000047;
	s6 =	smul.u32 $0x6400, s2;
	s26 =	sshrl.u32 s1, $0x1;
	v2 =	vunpack.c.0.s8.s32 v2;
	v3 =	vunpack.c.0.s8.s32 v3;
	v4 =	vunpack.c.0.s8.s32 v4  }
0xb: {  	[dreg:$0x5] =	wrdreg s0;
	v5 =	vunpack.c.0.s8.s32 v5;
	v6 =	vunpack.c.0.s8.s32 v6;
	v7 =	vunpack.c.0.s8.s32 v7;
	s0 =	ssub.s32 s1, s26;
	s26 =	simm.s32 $0x100  }
0xc: {  	v1 =	vunpack.c.0.s8.s32 v1;
	s1 =	simm.s32 $0xB600;
	s2 =	sshrl.u32 s6, $0x3;
	s0 =	smax.u32 s0, $0x1;
	v2 =	vcombine.low v3, v2  }
0xd: {  	s12 =	sor.u32 $0x190, s6;
	v3 =	vcombine.low v5, v4;
	v4 =	vcombine.low v7, v6;
	v0 =	vand.u32 $0xF, v0;
	s2 =	sadd.s32 s7, s2;
	[dreg:$0x8] =	wrdreg s0  }
0xe: {  	s13 =	sor.u32 $0x258, s6;
	v0 =	vcombine.low v0, v1;
	[dreg:$0x6] =	wrdreg s2;
	s2 =	sadd.s32 $0x19, s2  }
0xf: {  	s0 =	simm.s32 $0x1A0;
	v1 =	vand.u32 $0xF, v2;
	v2 =	vand.u32 $0xF, v3;
	v3 =	vand.u32 $0xF, v4;
	[dreg:$0x7] =	wrdreg s2;
	s2 =	simm.s32 $0x8E00  }
.LBB2_1:
0x10: {  	[dreg:$0x9] =	wrdreg s11  }
0x11: {  	s9 =	rddreg [dreg:$0x5];
	s10 =	simm.s32 $0x19200;
	s21 =	simm.s32 $0x7  }
0x12: {  	[tilespmem:s10], [sflag:$0x7] =	stream.linear.gather [hbm4b:s9+s5], $0x3400, $0x38;
	[tilespmem:$0x1C700] =	vst v63  }
0x13: {  	_ =	swait.ge [sflag:s21], $0x3400  }
0x14: {  	[sflag:s21] =	ssyncset.done $0x0  }
0x15: {  	[sflag:s21] =	ssyncadd.s32 $0xFFFFCC00  }
0x16: {  	s14 =	simm.s32 $0x1C600;
	s10 =	rddreg [dreg:$0x1]  }
0x17: {  	[tilespmem:s14], [sflag:$0x7] =	stream.linear.gather [hbm4b:s10+s5], $0x80, $0x38;
	[tilespmem:$0x1C700] =	vst v63  }
0x18: {  	_ =	swait.ge [sflag:s21], $0x80  }
0x19: {  	[sflag:s21] =	ssyncset.done $0x0  }
0x1a: {  	[sflag:s21] =	ssyncadd.s32 $0xFFFFFF80  }
0x1b: {  	s16 =	simm.s32 $0x1C680;
	s15 =	rddreg [dreg:$0x2]  }
0x1c: {  	[tilespmem:s16], [sflag:$0x7] =	stream.linear.gather [hbm4b:s15+s5], $0x80, $0x38;
	[tilespmem:$0x1C700] =	vst v63  }
0x1d: {  	_ =	swait.ge [sflag:s21], $0x80  }
0x1e: {  	[sflag:s21] =	ssyncset.done $0x0  }
0x1f: {  	[sflag:s21] =	ssyncadd.s32 $0xFFFFFF80  }
0x20: {  	v28 =	vld [tilespmem:$0x1C600]  }
0x21: {  	v29 =	vld [tilespmem:$0x1C610]  }
0x22: {  	v6 =	vld [tilespmem:$0x1C620]  }
0x23: {  	v7 =	vld [tilespmem:$0x1C630]  }
0x24: {  	v8 =	vld [tilespmem:$0x1C680]  }
0x25: {  	v9 =	vld [tilespmem:$0x1C690]  }
0x26: {  	s17 =	rddreg [dreg:$0x6];
	v10 =	vld [tilespmem:$0x1C6A0]  }
0x27: {  	v11 =	vld [tilespmem:$0x1C6B0];
	[tilespmem:s5], [sflag:$0x1] =	stream.linear.gather [hbm4b:s17+s5], $0xC8, $0x38  }
0x28: {  	_ =	swait.ge [sflag:s19], $0xC8  }
0x29: {  	[sflag:s19] =	ssyncset.done $0x0  }
0x2a: {  	s18 =	simm.s32 $0x200;
	[sflag:s19] =	ssyncadd.s32 $0xFFFFFF38  }
0x2b: {  	[tilespmem:s18], [sflag:$0x3] =	stream.indirect.gather [hbm4b:s8+s20], $0x80, s5, s20, $0xb8;
	[tilespmem:$0x1C700] =	vst v63  }
0x2c: {  	_ = 	snop  }
0x2d: {  	[tilespmem:s22], [sflag:$0x3] =	stream.indirect.gather [hbm4b:s8+s20], $0x80, s20, s20, $0xb8;
	[tilespmem:$0x1C700] =	vst v63  }
0x2e: {  	[tilespmem:$0x1FFE0] =	vst v28  }
0x2f: {  	[tilespmem:s25], [sflag:$0x3] =	stream.indirect.gather [hbm4b:s8+s23], $0x80, s24, s23, $0xb8;
	[tilespmem:$0x1C700] =	vst v63  }
0x30: {  	s17 =	simm.s32 $0x0;
	s21 =	rddreg [dreg:$0x7];
	[tilespmem:$0x1FFF0] =	vst v29  }
0x31: {  	[tilespmem:s26], [sflag:$0x2] =	stream.linear.gather [hbm4b:s21+s5], $0xC8, $0x38;
	[tilespmem:$0x1C700] =	vst v63  }
.LBB2_2:
0x32: {  	p0 =	seq.s32 s17, $0x0  }
0x33: {  	s9 =	simm.s32 @!p0 $0x5  }
0x34: {  	_ =	swait.ge @!p0 [sflag:s9], $0x6400  }
0x35: {  	[sflag:s9] =	ssyncset.done @!p0 $0x0  }
0x36: {  	[sflag:s9] =	ssyncadd.s32 @!p0 $0xFFFF9C00  }
0x37: {  	_ =	swait.ge [sflag:s28], $0x2800  }
0x38: {  	[sflag:s28] =	ssyncset.done $0x0  }
0x39: {  	[sflag:s28] =	ssyncadd.s32 $0xFFFFD800  }
0x3a: {  	_ =	swait.ge [sflag:s28], $0x2800  }
0x3b: {  	[sflag:s28] =	ssyncset.done $0x0  }
0x3c: {  	[sflag:s28] =	ssyncadd.s32 $0xFFFFD800  }
0x3d: {  	_ =	swait.ge [sflag:s28], $0x1400  }
0x3e: {  	[sflag:s28] =	ssyncset.done $0x0  }
0x3f: {  	[sflag:s28] =	ssyncadd.s32 $0xFFFFEC00  }
0x40: {  	_ =	swait.ge [sflag:s29], $0xC8  }
0x41: {  	[sflag:s29] =	ssyncset.done $0x0  }
0x42: {  	[sflag:s29] =	ssyncadd.s32 $0xFFFFFF38  }
0x43: {  	[tilespmem:s30], [sflag:$0x4] =	stream.indirect.gather [hbm4b:s8+s20], $0x80, s26, s20, $0xb8;
	[tilespmem:$0x1C700] =	vst v63  }
0x44: {  	s10 =	simm.s32 $0xFFFFFFF0  }
0x45: {  	[tilespmem:s2], [sflag:$0x4] =	stream.indirect.gather [hbm4b:s8+s20], $0x80, s31, s20, $0xb8;
	[tilespmem:$0x1C700] =	vst v63  }
0x46: {  	s16 =	simm.s32 $0x600;
	s18 =	simm.s32 $0x19400;
	s9 =	simm.s32 $0xCC00  }
0x47: {  	[tilespmem:s1], [sflag:$0x4] =	stream.indirect.gather [hbm4b:s8+s23], $0x80, s0, s23, $0xb8;
	[tilespmem:$0x1C700] =	vst v63  }
.LBB2_3:
0x48: {  	v12 =	vld [tilespmem:s16+$0xFFFFFC00]  }
0x49: {  	v13 =	vld [tilespmem:s18+$0xFFFFFE00]  }
0x4a: {  	v14 =	vld [tilespmem:s16+$0xFFFFFC10]  }
0x4b: {  	v15 =	vld [tilespmem:s18+$0xFFFFFE10]  }
0x4c: {  	v16 =	vld [tilespmem:s16+$0xFFFFFC20]  }
0x4d: {  	v17 =	vld [tilespmem:s18+$0xFFFFFE20]  }
0x4e: {  	v18 =	vld [tilespmem:s16+$0xFFFFFC30]  }
0x4f: {  	v19 =	vld [tilespmem:s18+$0xFFFFFE30];
	_ =	sdelay $0x3  }
0x50: {  	v12 =	vadd.f32 v13, v12;
	v46 =	vadd.f32 v15, v14  }
0x51: {  	v47 =	vadd.f32 v17, v16;
	v48 =	vadd.f32 v19, v18  }
0x52: {  	v15 =	vadd.f32 v46, v12  }
0x53: {  	v17 =	vadd.f32 v48, v47;
	v49 =	vmul.f32 v12, v12;
	v50 =	vmul.f32 v46, v46  }
0x54: {  	v20 =	vmul.f32 v47, v47;
	v21 =	vmul.f32 v48, v48  }
0x55: {  	v15 =	vadd.f32 v17, v15  }
0x56: {  	v51 =	vadd.f32 v50, v49;
	v52 =	vadd.f32 v21, v20;
	_ =	sdelay $0x1  }
0x57: {  	v17 =	vadd.f32 v52, v51;
	v53 =	vperm.xlane v15, v0;
	_ =	sdelay $0x1  }
0x58: {  	v15 =	vadd.f32 v15, v53;
	v54 =	vperm.xlane v17, v0;
	_ =	sdelay $0x1  }
0x59: {  	v55 =	vperm.xlane v15, v1;
	v17 =	vadd.f32 v54, v17;
	_ =	sdelay $0x1  }
0x5a: {  	v15 =	vadd.f32 v15, v55;
	v18 =	vperm.xlane v17, v1;
	_ =	sdelay $0x1  }
0x5b: {  	v19 =	vperm.xlane v15, v2;
	v17 =	vadd.f32 v18, v17;
	_ =	sdelay $0x1  }
0x5c: {  	v15 =	vadd.f32 v15, v19;
	v18 =	vperm.xlane v17, v2;
	_ =	sdelay $0x1  }
0x5d: {  	v19 =	vperm.xlane v15, v3;
	v17 =	vadd.f32 v18, v17;
	_ =	sdelay $0x1  }
0x5e: {  	v15 =	vadd.f32 v15, v19;
	v18 =	vperm.xlane v17, v3;
	_ =	sdelay $0x1  }
0x5f: {  	v17 =	vadd.f32 v18, v17;
	v56 =	vmul.f32 $1.562500000e-02, v15;
	_ =	sdelay $0x1  }
0x60: {  	v57 =	vmul.f32 $1.562500000e-02, v17;
	v58 =	vmul.f32 v56, v56;
	_ =	sdelay $0x1  }
0x61: {  	v15 =	vsub.f32 v57, v58;
	_ =	sdelay $0x1  }
0x62: {  	v15 =	vadd.f32 $9.999999930e-09, v15;
	_ =	sdelay $0x1  }
0x63: {  	v59 =	vshra.s32 v15, $0x1;
	v15 =	vmul.f32 $-5.000000000e-01, v15  }
0x64: {  	v17 =	vsub.s32 $0x5F3759DF, v59  }
0x65: {  	v60 =	vmul.f32 v17, v15;
	_ =	sdelay $0x1  }
0x66: {  	v18 =	vmul.f32 v17, v60;
	_ =	sdelay $0x1  }
0x67: {  	v18 =	vadd.f32 $1.500000000e+00, v18;
	_ =	sdelay $0x1  }
0x68: {  	v17 =	vmul.f32 v17, v18;
	_ =	sdelay $0x1  }
0x69: {  	v18 =	vmul.f32 v17, v15  }
0x6a: {  	v61 =	vld [tilespmem:s16+$0xFFFFFD00]  }
0x6b: {  	v62 =	vld [tilespmem:s18+$0xFFFFFE80];
	v18 =	vmul.f32 v18, v17  }
0x6c: {  	v22 =	vld [tilespmem:s16+$0xFFFFFD10]  }
0x6d: {  	v23 =	vld [tilespmem:s18+$0xFFFFFE90];
	v18 =	vadd.f32 $1.500000000e+00, v18  }
0x6e: {  	v63 =	vld [tilespmem:s16+$0xFFFFFD20]  }
0x6f: {  	v24 =	vld [tilespmem:s18+$0xFFFFFEA0];
	v17 =	vmul.f32 v18, v17  }
0x70: {  	v25 =	vld [tilespmem:s16+$0xFFFFFD30]  }
0x71: {  	v26 =	vld [tilespmem:s18+$0xFFFFFEB0];
	v15 =	vmul.f32 v17, v15;
	_ =	sdelay $0x1  }
0x72: {  	v20 =	vadd.f32 v62, v61;
	v19 =	vadd.f32 v23, v22;
	v15 =	vmul.f32 v15, v17  }
0x73: {  	v4 =	vld [tilespmem:$0x1FFE0]  }
0x74: {  	v22 =	vadd.f32 v19, v20;
	v27 =	vadd.f32 $1.500000000e+00, v15  }
0x75: {  	v33 =	vmul.f32 v20, v20;
	v18 =	vadd.f32 v24, v63;
	v15 =	vadd.f32 v26, v25  }
0x76: {  	v34 =	vmul.f32 v19, v19;
	v12 =	vsub.f32 v12, v56;
	v17 =	vmul.f32 v27, v17  }
0x77: {  	v35 =	vmul.f32 v18, v18;
	v32 =	vadd.f32 v15, v18;
	v27 =	vmul.f32 v15, v15  }
0x78: {  	v13 =	vsub.f32 v46, v56;
	v24 =	vadd.f32 v34, v33;
	v28 =	vmul.f32 v17, v4  }
0x79: {  	v22 =	vadd.f32 v32, v22;
	v36 =	vmul.f32 v17, v29;
	v37 =	vadd.f32 v27, v35  }
0x7a: {  	v14 =	vsub.f32 v47, v56;
	v40 =	vmul.f32 v17, v6;
	v17 =	vmul.f32 v17, v7  }
0x7b: {  	v12 =	vmul.f32 v28, v12;
	v38 =	vadd.f32 v37, v24;
	v39 =	vperm.xlane v22, v0  }
0x7c: {  	v16 =	vsub.f32 v48, v56;
	v13 =	vmul.f32 v36, v13;
	v14 =	vmul.f32 v40, v14  }
0x7d: {  	v41 =	vadd.f32 v22, v39;
	v42 =	vperm.xlane v38, v0;
	v12 =	vadd.f32 v12, v8  }
0x7e: {  	v16 =	vmul.f32 v17, v16;
	v13 =	vadd.f32 v13, v9  }
0x7f: {  	v14 =	vadd.f32 v14, v10;
	v43 =	vperm.xlane v41, v1;
	v22 =	vadd.f32 v42, v38;
	[tilespmem:s9+$0xFFFFFE00] =	vst v12  }
0x80: {  	v44 =	vadd.f32 v16, v11;
	[tilespmem:s9+$0xFFFFFE10] =	vst v13  }
0x81: {  	[tilespmem:s9+$0xFFFFFE20] =	vst v14;
	v45 =	vadd.f32 v41, v43;
	v46 =	vperm.xlane v22, v1  }
0x82: {  	[tilespmem:s9+$0xFFFFFE30] =	vst v44  }
0x83: {  	v49 =	vld [tilespmem:s16+$0xFFFFFC80];
	v47 =	vperm.xlane v45, v2;
	v48 =	vadd.f32 v46, v22  }
0x84: {  	v52 =	vld [tilespmem:s16+$0xFFFFFC90]  }
0x85: {  	v53 =	vld [tilespmem:s18+$0xFFFFFE50];
	v12 =	vadd.f32 v45, v47;
	v51 =	vperm.xlane v48, v2  }
0x86: {  	v55 =	vld [tilespmem:s16+$0xFFFFFCA0]  }
0x87: {  	v56 =	vld [tilespmem:s18+$0xFFFFFE60];
	v54 =	vperm.xlane v12, v3;
	v13 =	vadd.f32 v51, v48  }
0x88: {  	v58 =	vld [tilespmem:s16+$0xFFFFFCB0]  }
0x89: {  	v59 =	vld [tilespmem:s18+$0xFFFFFE70];
	v12 =	vadd.f32 v12, v54;
	v57 =	vperm.xlane v13, v3  }
0x8a: {  	v50 =	vld [tilespmem:s18+$0xFFFFFE40]  }
0x8b: {  	v13 =	vadd.f32 v57, v13;
	v23 =	vmul.f32 $1.562500000e-02, v12;
	_ =	sdelay $0x1  }
0x8c: {  	v31 =	vld [tilespmem:s16+$0xFFFFFE20];
	v14 =	vadd.f32 v56, v55;
	v27 =	vmul.f32 $1.562500000e-02, v13;
	v28 =	vmul.f32 v23, v23  }
0x8d: {  	v61 =	vld [tilespmem:s16+$0xFFFFFE00];
	v16 =	vadd.f32 v59, v58;
	v12 =	vadd.f32 v53, v52  }
0x8e: {  	v62 =	vld [tilespmem:s18+$0xFFFFFF00];
	v13 =	vadd.f32 v50, v49;
	v60 =	vsub.f32 v27, v28  }
0x8f: {  	v34 =	vld [tilespmem:s18+$0xFFFFFF20];
	v26 =	vadd.f32 v16, v14;
	v32 =	vmul.f32 v14, v14  }
0x90: {  	v35 =	vld [tilespmem:s16+$0xFFFFFE30];
	v33 =	vmul.f32 v16, v16;
	v38 =	vadd.f32 v12, v13;
	v17 =	vadd.f32 $9.999999930e-09, v60  }
0x91: {  	v40 =	vld [tilespmem:s18+$0xFFFFFF30];
	v29 =	vmul.f32 v12, v12;
	v27 =	vmul.f32 v13, v13  }
0x92: {  	v63 =	vld [tilespmem:s16+$0xFFFFFE10];
	v25 =	vadd.f32 v26, v38;
	v30 =	vshra.s32 v17, $0x1;
	v17 =	vmul.f32 $-5.000000000e-01, v17  }
0x93: {  	v28 =	vld [tilespmem:s18+$0xFFFFFF10];
	v27 =	vadd.f32 v29, v27;
	v29 =	vadd.f32 v33, v32;
	v30 =	vsub.s32 $0x5F3759DF, v30  }
0x94: {  	v39 =	vmul.f32 v30, v17  }
0x95: {  	v41 =	vperm.xlane v25, v0;
	v29 =	vadd.f32 v29, v27  }
0x96: {  	v24 =	vadd.f32 v34, v31;
	v21 =	vadd.f32 v40, v35;
	v26 =	vmul.f32 v30, v39  }
0x97: {  	v27 =	vadd.f32 v62, v61;
	v33 =	vadd.f32 v25, v41;
	v36 =	vperm.xlane v29, v0  }
0x98: {  	v44 =	vmul.f32 v24, v24;
	v25 =	vadd.f32 v28, v63;
	v26 =	vadd.f32 $1.500000000e+00, v26  }
0x99: {  	v45 =	vmul.f32 v21, v21;
	v42 =	vperm.xlane v33, v1;
	v28 =	vadd.f32 v36, v29  }
0x9a: {  	v29 =	vadd.f32 v25, v27;
	v26 =	vmul.f32 v30, v26;
	v30 =	vadd.f32 v21, v24  }
0x9b: {  	v31 =	vmul.f32 v27, v27;
	v43 =	vmul.f32 v25, v25;
	v22 =	vadd.f32 v33, v42  }
0x9c: {  	v46 =	vperm.xlane v28, v1;
	v47 =	vmul.f32 v26, v17;
	v29 =	vadd.f32 v30, v29  }
0x9d: {  	v30 =	vadd.f32 v43, v31;
	v31 =	vadd.f32 v45, v44  }
0x9e: {  	v28 =	vadd.f32 v46, v28;
	v48 =	vmul.f32 v47, v26  }
0x9f: {  	v49 =	vperm.xlane v22, v2;
	v30 =	vadd.f32 v31, v30;
	v31 =	vperm.xlane v29, v0  }
0xa0: {  	v50 =	vperm.xlane v28, v2;
	v32 =	vadd.f32 $1.500000000e+00, v48  }
0xa1: {  	v22 =	vadd.f32 v22, v49;
	v29 =	vadd.f32 v29, v31  }
0xa2: {  	v28 =	vadd.f32 v50, v28;
	v31 =	vperm.xlane v30, v0;
	v26 =	vmul.f32 v32, v26  }
0xa3: {  	v51 =	vperm.xlane v22, v3;
	v52 =	vperm.xlane v29, v1  }
0xa4: {  	v30 =	vadd.f32 v31, v30;
	v31 =	vperm.xlane v28, v3;
	v17 =	vmul.f32 v26, v17  }
0xa5: {  	v22 =	vadd.f32 v22, v51;
	v29 =	vadd.f32 v29, v52  }
0xa6: {  	v53 =	vperm.xlane v30, v1;
	v28 =	vadd.f32 v31, v28;
	v31 =	vmul.f32 v17, v26  }
0xa7: {  	v4 =	vld [tilespmem:$0x1FFE0];
	v17 =	vmul.f32 $1.562500000e-02, v22  }
0xa8: {  	v54 =	vperm.xlane v29, v2;
	v30 =	vadd.f32 v53, v30;
	v31 =	vadd.f32 $1.500000000e+00, v31  }
0xa9: {  	v28 =	vmul.f32 $1.562500000e-02, v28;
	v55 =	vmul.f32 v17, v17  }
0xaa: {  	v22 =	vadd.f32 v29, v54;
	v29 =	vperm.xlane v30, v2;
	v26 =	vmul.f32 v31, v26  }
0xab: {  	v31 =	vsub.f32 v28, v55  }
0xac: {  	v28 =	vperm.xlane v22, v3;
	v29 =	vadd.f32 v29, v30;
	v56 =	vmul.f32 v26, v4;
	v4 =	vld [tilespmem:$0x1FFF0]  }
0xad: {  	v37 =	vld [tilespmem:s16+$0xFFFFFF30];
	v20 =	vsub.f32 v20, v23;
	v18 =	vsub.f32 v18, v23  }
0xae: {  	v40 =	vld [tilespmem:s18+$0xFFFFFFA0];
	v22 =	vadd.f32 v22, v28;
	v28 =	vperm.xlane v29, v3;
	v60 =	vmul.f32 v26, v6  }
0xaf: {  	v57 =	vld [tilespmem:s18+$0xFFFFFF80];
	v15 =	vsub.f32 v15, v23;
	v63 =	vmul.f32 v26, v7;
	v20 =	vmul.f32 v56, v20  }
0xb0: {  	v30 =	vld [tilespmem:s16+$0xFFFFFF00];
	v29 =	vadd.f32 v28, v29;
	v28 =	vmul.f32 $1.562500000e-02, v22;
	v18 =	vmul.f32 v60, v18  }
0xb1: {  	v59 =	vld [tilespmem:s16+$0xFFFFFF10];
	v19 =	vsub.f32 v19, v23;
	v15 =	vmul.f32 v63, v15;
	v58 =	vmul.f32 v26, v4  }
0xb2: {  	v61 =	vld [tilespmem:s18+$0xFFFFFF90];
	v20 =	vadd.f32 v20, v8;
	v41 =	vmul.f32 $1.562500000e-02, v29;
	v29 =	vmul.f32 v28, v28  }
0xb3: {  	v62 =	vld [tilespmem:s16+$0xFFFFFF20];
	v31 =	vadd.f32 $9.999999930e-09, v31;
	v18 =	vadd.f32 v18, v10;
	v19 =	vmul.f32 v58, v19  }
0xb4: {  	v42 =	vld [tilespmem:s18+$0xFFFFFFB0];
	v15 =	vadd.f32 v15, v11;
	[tilespmem:s9+$0xFFFFFE80] =	vst v20;
	v43 =	vsub.f32 v41, v29  }
0xb5: {  	v32 =	vadd.f32 v57, v30;
	[tilespmem:s9+$0xFFFFFEA0] =	vst v18;
	v19 =	vadd.f32 v19, v9  }
0xb6: {  	v44 =	vshra.s32 v31, $0x1;
	[tilespmem:s9+$0xFFFFFEB0] =	vst v15;
	v45 =	vadd.f32 $9.999999930e-09, v43  }
0xb7: {  	v46 =	vsub.s32 $0x5F3759DF, v44;
	v26 =	vadd.f32 v61, v59;
	v51 =	vmul.f32 v32, v32;
	[tilespmem:s9+$0xFFFFFE90] =	vst v19  }
0xb8: {  	v29 =	vmul.f32 $-5.000000000e-01, v31;
	v48 =	vshra.s32 v45, $0x1;
	v31 =	vmul.f32 $-5.000000000e-01, v45;
	v30 =	vld [tilespmem:s16+$0xFFFFFD80]  }
0xb9: {  	v15 =	vadd.f32 v42, v37;
	v19 =	vadd.f32 v40, v62;
	v23 =	vsub.s32 $0x5F3759DF, v48;
	v47 =	vld [tilespmem:s18+$0xFFFFFEC0]  }
0xba: {  	v49 =	vadd.f32 v26, v32;
	v36 =	vmul.f32 v26, v26;
	v50 =	vld [tilespmem:s16+$0xFFFFFD90];
	v42 =	vmul.f32 v23, v31  }
0xbb: {  	v39 =	vmul.f32 v15, v15;
	v41 =	vld [tilespmem:s16+$0xFFFFFDA0];
	v34 =	vadd.f32 v15, v19;
	v38 =	vmul.f32 v19, v19  }
0xbc: {  	v35 =	vadd.f32 v36, v51;
	v40 =	vmul.f32 v46, v29;
	v53 =	vld [tilespmem:s18+$0xFFFFFEE0];
	v57 =	vmul.f32 v23, v42  }
0xbd: {  	v56 =	vld [tilespmem:s16+$0xFFFFFDB0];
	v18 =	vadd.f32 v34, v49;
	v54 =	vadd.f32 v39, v38  }
0xbe: {  	v58 =	vld [tilespmem:s18+$0xFFFFFEF0];
	v55 =	vmul.f32 v46, v40;
	v40 =	vadd.f32 $1.500000000e+00, v57  }
0xbf: {  	v52 =	vld [tilespmem:s18+$0xFFFFFED0];
	v35 =	vadd.f32 v54, v35;
	v59 =	vperm.xlane v18, v0  }
0xc0: {  	v38 =	vadd.f32 $1.500000000e+00, v55;
	v22 =	vadd.f32 v47, v30;
	v30 =	vmul.f32 v23, v40  }
0xc1: {  	v36 =	vadd.f32 v18, v59;
	v43 =	vperm.xlane v35, v0  }
0xc2: {  	v38 =	vmul.f32 v46, v38;
	v20 =	vadd.f32 v53, v41;
	v61 =	vmul.f32 v30, v31  }
0xc3: {  	v23 =	vadd.f32 v58, v56;
	v60 =	vperm.xlane v36, v1;
	v35 =	vadd.f32 v43, v35  }
0xc4: {  	v18 =	vadd.f32 v52, v50;
	v63 =	vmul.f32 v22, v22;
	v34 =	vmul.f32 v61, v30  }
0xc5: {  	v47 =	vmul.f32 v20, v20;
	v33 =	vadd.f32 v36, v60;
	v62 =	vperm.xlane v35, v1  }
0xc6: {  	v39 =	vadd.f32 v23, v20;
	v48 =	vmul.f32 v23, v23;
	v34 =	vadd.f32 $1.500000000e+00, v34  }
0xc7: {  	v37 =	vadd.f32 v18, v22;
	v46 =	vperm.xlane v33, v2;
	v35 =	vadd.f32 v62, v35  }
0xc8: {  	v45 =	vmul.f32 v18, v18;
	v30 =	vmul.f32 v34, v30  }
0xc9: {  	v37 =	vadd.f32 v39, v37;
	v33 =	vadd.f32 v33, v46;
	v49 =	vperm.xlane v35, v2  }
0xca: {  	v40 =	vadd.f32 v45, v63;
	v36 =	vadd.f32 v48, v47;
	v31 =	vmul.f32 v30, v31  }
0xcb: {  	v51 =	vperm.xlane v33, v3;
	v35 =	vadd.f32 v49, v35  }
0xcc: {  	v50 =	vperm.xlane v37, v0;
	v36 =	vadd.f32 v36, v40;
	v31 =	vmul.f32 v31, v30  }
0xcd: {  	v27 =	vsub.f32 v27, v28;
	v33 =	vadd.f32 v33, v51;
	v53 =	vperm.xlane v35, v3  }
0xce: {  	v4 =	vld [tilespmem:$0x1FFE0];
	v34 =	vadd.f32 v37, v50;
	v40 =	vperm.xlane v36, v0;
	v31 =	vadd.f32 $1.500000000e+00, v31  }
0xcf: {  	v52 =	vmul.f32 v38, v29;
	v35 =	vadd.f32 v53, v35;
	v33 =	vmul.f32 $1.562500000e-02, v33  }
0xd0: {  	v54 =	vperm.xlane v34, v1;
	v36 =	vadd.f32 v40, v36;
	v30 =	vmul.f32 v31, v30  }
0xd1: {  	v25 =	vsub.f32 v25, v28;
	v35 =	vmul.f32 $1.562500000e-02, v35;
	v56 =	vmul.f32 v33, v33  }
0xd2: {  	v24 =	vsub.f32 v24, v28;
	v34 =	vadd.f32 v34, v54;
	v40 =	vperm.xlane v36, v1  }
0xd3: {  	v55 =	vmul.f32 v52, v38;
	v59 =	vmul.f32 v30, v4;
	v4 =	vld [tilespmem:$0x1FFF0];
	v35 =	vsub.f32 v35, v56  }
0xd4: {  	v21 =	vsub.f32 v21, v28;
	v58 =	vld [tilespmem:s16+$0x0];
	v57 =	vperm.xlane v34, v2;
	v36 =	vadd.f32 v40, v36  }
0xd5: {  	v52 =	vld [tilespmem:s18+$0x10];
	v31 =	vadd.f32 $1.500000000e+00, v55;
	v61 =	vadd.f32 $9.999999930e-09, v35  }
0xd6: {  	v60 =	vld [tilespmem:s18+$0x0];
	v37 =	vadd.f32 v34, v57;
	v54 =	vmul.f32 v30, v6;
	v28 =	vmul.f32 v30, v7  }
0xd7: {  	v62 =	vld [tilespmem:s16+$0x10];
	v27 =	vmul.f32 v59, v27;
	v44 =	vshra.s32 v61, $0x1;
	v45 =	vmul.f32 $-5.000000000e-01, v61  }
0xd8: {  	v47 =	vld [tilespmem:s18+$0x20];
	v24 =	vmul.f32 v54, v24;
	v53 =	vmul.f32 v30, v4;
	v44 =	vsub.s32 $0x5F3759DF, v44  }
0xd9: {  	v48 =	vld [tilespmem:s16+$0x30];
	v21 =	vmul.f32 v28, v21;
	v27 =	vadd.f32 v27, v8;
	v30 =	vmul.f32 v44, v45  }
0xda: {  	v46 =	vld [tilespmem:s16+$0x20];
	v63 =	vperm.xlane v36, v2;
	v24 =	vadd.f32 v24, v10;
	v25 =	vmul.f32 v53, v25  }
0xdb: {  	v55 =	vld [tilespmem:s18+$0x30];
	v34 =	vadd.f32 v60, v58;
	v21 =	vadd.f32 v21, v11;
	[tilespmem:s9+$0xFFFFFF00] =	vst v27;
	v28 =	vmul.f32 v44, v30  }
0xdc: {  	v43 =	vmul.f32 v31, v38;
	v31 =	vadd.f32 v52, v62;
	[tilespmem:s9+$0xFFFFFF20] =	vst v24;
	v25 =	vadd.f32 v25, v9  }
0xdd: {  	v36 =	vadd.f32 v63, v36;
	v56 =	vperm.xlane v37, v3;
	[tilespmem:s9+$0xFFFFFF30] =	vst v21;
	v27 =	vadd.f32 $1.500000000e+00, v28  }
0xde: {  	v39 =	vmul.f32 v34, v34;
	v40 =	vmul.f32 v31, v31;
	[tilespmem:s9+$0xFFFFFF10] =	vst v25  }
0xdf: {  	v57 =	vperm.xlane v36, v3;
	v30 =	vadd.f32 v47, v46;
	v35 =	vld [tilespmem:s16+$0xFFFFFE80];
	v21 =	vmul.f32 v44, v27  }
0xe0: {  	v28 =	vmul.f32 v43, v29;
	v29 =	vadd.f32 v55, v48;
	v25 =	vadd.f32 v37, v56;
	v37 =	vld [tilespmem:s18+$0xFFFFFF40]  }
0xe1: {  	v24 =	vadd.f32 v57, v36;
	v59 =	vmul.f32 v30, v30;
	v60 =	vld [tilespmem:s16+$0xFFFFFE90];
	v44 =	vmul.f32 v21, v45  }
0xe2: {  	v61 =	vld [tilespmem:s18+$0xFFFFFF50];
	v27 =	vadd.f32 v31, v34;
	v58 =	vadd.f32 v29, v30;
	v42 =	vmul.f32 v29, v29  }
0xe3: {  	v39 =	vadd.f32 v40, v39;
	v63 =	vld [tilespmem:s16+$0xFFFFFEA0];
	v25 =	vmul.f32 $1.562500000e-02, v25;
	v52 =	vmul.f32 v44, v21  }
0xe4: {  	v24 =	vmul.f32 $1.562500000e-02, v24;
	v54 =	vld [tilespmem:s18+$0xFFFFFF60];
	v27 =	vadd.f32 v58, v27;
	v62 =	vadd.f32 v42, v59  }
0xe5: {  	v56 =	vld [tilespmem:s16+$0xFFFFFEB0];
	v28 =	vmul.f32 v28, v43;
	v53 =	vmul.f32 v25, v25;
	v42 =	vadd.f32 $1.500000000e+00, v52  }
0xe6: {  	v57 =	vld [tilespmem:s18+$0xFFFFFF70];
	v39 =	vadd.f32 v62, v39;
	v55 =	vperm.xlane v27, v0  }
0xe7: {  	v48 =	vadd.f32 $1.500000000e+00, v28;
	v24 =	vsub.f32 v24, v53;
	v42 =	vmul.f32 v42, v21  }
0xe8: {  	v28 =	vadd.f32 v37, v35;
	v40 =	vadd.f32 v27, v55;
	v27 =	vperm.xlane v39, v0  }
0xe9: {  	v49 =	vadd.f32 $9.999999930e-09, v24;
	v24 =	vadd.f32 v54, v63;
	v59 =	vmul.f32 v42, v45  }
0xea: {  	v62 =	vmul.f32 v28, v28;
	v58 =	vperm.xlane v40, v1;
	v39 =	vadd.f32 v27, v39  }
0xeb: {  	v27 =	vadd.f32 v61, v60;
	v21 =	vadd.f32 v57, v56;
	v35 =	vmul.f32 v59, v42  }
0xec: {  	v4 =	vld [tilespmem:$0x1FFE0];
	v51 =	vmul.f32 v24, v24;
	v60 =	vadd.f32 v40, v58;
	v61 =	vperm.xlane v39, v1  }
0xed: {  	v38 =	vadd.f32 v27, v28;
	v50 =	vmul.f32 v27, v27;
	v35 =	vadd.f32 $1.500000000e+00, v35  }
0xee: {  	v52 =	vmul.f32 v21, v21;
	v63 =	vperm.xlane v60, v2;
	v37 =	vadd.f32 v61, v39  }
0xef: {  	v46 =	vadd.f32 v21, v24;
	v39 =	vadd.f32 v50, v62;
	v35 =	vmul.f32 v35, v42  }
0xf0: {  	v54 =	vadd.f32 v52, v51;
	v36 =	vadd.f32 v60, v63;
	v53 =	vperm.xlane v37, v2  }
0xf1: {  	v32 =	vsub.f32 v32, v33;
	v59 =	vadd.f32 v46, v38;
	v56 =	vmul.f32 v35, v4;
	v4 =	vld [tilespmem:$0x1FFF0]  }
0xf2: {  	v39 =	vadd.f32 v54, v39;
	v55 =	vperm.xlane v36, v3;
	v37 =	vadd.f32 v53, v37  }
0xf3: {  	v26 =	vsub.f32 v26, v33;
	v19 =	vsub.f32 v19, v33;
	v63 =	vperm.xlane v59, v0  }
0xf4: {  	v45 =	vperm.xlane v39, v0;
	v36 =	vadd.f32 v36, v55;
	v58 =	vperm.xlane v37, v3  }
0xf5: {  	v15 =	vsub.f32 v15, v33;
	v60 =	vmul.f32 v35, v6;
	v32 =	vmul.f32 v56, v32  }
0xf6: {  	v37 =	vadd.f32 v58, v37;
	v38 =	vmul.f32 $1.562500000e-02, v36;
	v57 =	vmul.f32 v35, v4  }
0xf7: {  	v44 =	vadd.f32 v59, v63;
	v19 =	vmul.f32 v60, v19;
	v35 =	vmul.f32 v35, v7  }
0xf8: {  	v61 =	vmul.f32 $1.562500000e-02, v37;
	v32 =	vadd.f32 v32, v8;
	v4 =	vld [tilespmem:$0x1FFE0];
	v26 =	vmul.f32 v57, v26  }
0xf9: {  	v62 =	vmul.f32 v38, v38;
	v19 =	vadd.f32 v19, v10;
	v15 =	vmul.f32 v35, v15  }
0xfa: {  	v37 =	vmul.f32 v48, v43;
	v48 =	vperm.xlane v44, v1;
	[tilespmem:s9+$0xFFFFFF80] =	vst v32;
	v26 =	vadd.f32 v26, v9  }
0xfb: {  	v33 =	vsub.f32 v61, v62;
	[tilespmem:s9+$0xFFFFFFA0] =	vst v19;
	v15 =	vadd.f32 v15, v11  }
0xfc: {  	v47 =	vshra.s32 v49, $0x1;
	v36 =	vadd.f32 v45, v39;
	v51 =	vadd.f32 v44, v48;
	[tilespmem:s9+$0xFFFFFF90] =	vst v26  }
0xfd: {  	v39 =	vmul.f32 $-5.000000000e-01, v49;
	v46 =	vadd.f32 $9.999999930e-09, v33;
	v53 =	vmul.f32 v37, v4;
	v4 =	vld [tilespmem:$0x1FFF0];
	[tilespmem:s9+$0xFFFFFFB0] =	vst v15  }
0xfe: {  	v52 =	vperm.xlane v36, v1;
	v32 =	vsub.s32 $0x5F3759DF, v47;
	v56 =	vperm.xlane v51, v2;
	v35 =	vld [tilespmem:s16+$0xFFFFFF80]  }
0xff: {  	v13 =	vsub.f32 v13, v17;
	v55 =	vmul.f32 v32, v39;
	v50 =	vshra.s32 v46, $0x1;
	v41 =	vld [tilespmem:s18+$0xFFFFFFC0]  }
0x100: {  	v40 =	vmul.f32 $-5.000000000e-01, v46;
	v19 =	vadd.f32 v51, v56;
	v26 =	vadd.f32 v52, v36;
	v36 =	vld [tilespmem:s16+$0xFFFFFF90]  }
0x101: {  	v12 =	vsub.f32 v12, v17;
	v43 =	vmul.f32 v32, v55;
	v15 =	vsub.s32 $0x5F3759DF, v50;
	v47 =	vld [tilespmem:s16+$0xFFFFFFA0]  }
0x102: {  	v14 =	vsub.f32 v14, v17;
	v54 =	vmul.f32 v15, v40;
	v45 =	vld [tilespmem:s18+$0xFFFFFFE0];
	v61 =	vperm.xlane v19, v3  }
0x103: {  	v16 =	vsub.f32 v16, v17;
	v34 =	vsub.f32 v34, v38;
	v62 =	vld [tilespmem:s16+$0xFFFFFFB0];
	v58 =	vperm.xlane v26, v2  }
0x104: {  	v60 =	vadd.f32 $1.500000000e+00, v43;
	v63 =	vld [tilespmem:s18+$0xFFFFFFF0];
	v42 =	vmul.f32 v15, v54;
	v54 =	vadd.f32 v19, v61  }
0x105: {  	v46 =	vld [tilespmem:s18+$0xFFFFFFD0];
	v13 =	vmul.f32 v53, v13;
	v57 =	vmul.f32 v37, v4;
	v26 =	vadd.f32 v58, v26  }
0x106: {  	v59 =	vadd.f32 $1.500000000e+00, v42;
	v42 =	vmul.f32 v32, v60;
	v33 =	vmul.f32 $1.562500000e-02, v54  }
0x107: {  	v12 =	vmul.f32 v57, v12;
	v55 =	vperm.xlane v26, v3;
	v32 =	vadd.f32 v41, v35  }
0x108: {  	v19 =	vadd.f32 v45, v47;
	v50 =	vmul.f32 v15, v59;
	v57 =	vmul.f32 v42, v39  }
0x109: {  	v15 =	vadd.f32 v63, v62;
	v61 =	vmul.f32 v33, v33;
	v51 =	vadd.f32 v55, v26  }
0x10a: {  	v26 =	vadd.f32 v46, v36;
	v63 =	vmul.f32 v32, v32;
	v53 =	vmul.f32 v19, v19  }
0x10b: {  	v31 =	vsub.f32 v31, v38;
	v56 =	vmul.f32 v50, v40;
	v59 =	vmul.f32 v57, v42  }
0x10c: {  	v45 =	vadd.f32 v15, v19;
	v54 =	vmul.f32 v15, v15;
	v62 =	vadd.f32 v26, v32  }
0x10d: {  	v60 =	vmul.f32 $1.562500000e-02, v51;
	v52 =	vmul.f32 v26, v26;
	v36 =	vadd.f32 $1.500000000e+00, v59  }
0x10e: {  	v58 =	vmul.f32 v56, v50;
	v56 =	vadd.f32 v54, v53;
	v44 =	vadd.f32 v45, v62  }
0x10f: {  	v48 =	vmul.f32 v37, v6;
	v41 =	vsub.f32 v60, v61;
	v55 =	vadd.f32 v52, v63  }
0x110: {  	v35 =	vadd.f32 $1.500000000e+00, v58;
	v36 =	vmul.f32 v36, v42;
	v57 =	vperm.xlane v44, v0  }
0x111: {  	v14 =	vmul.f32 v48, v14;
	v47 =	vld [tilespmem:s16+$0x110];
	v41 =	vadd.f32 $9.999999930e-09, v41;
	v42 =	vadd.f32 v56, v55  }
0x112: {  	v46 =	vld [tilespmem:s16+$0x100];
	v35 =	vmul.f32 v35, v50;
	v39 =	vmul.f32 v36, v39;
	v58 =	vadd.f32 v44, v57  }
0x113: {  	v63 =	vld [tilespmem:s16+$0x120];
	v59 =	vshra.s32 v41, $0x1;
	v41 =	vmul.f32 $-5.000000000e-01, v41;
	v61 =	vperm.xlane v42, v0  }
0x114: {  	v50 =	vld [tilespmem:s18+$0x90];
	v40 =	vmul.f32 v35, v40;
	v45 =	vsub.s32 $0x5F3759DF, v59;
	v39 =	vmul.f32 v39, v36  }
0x115: {  	v30 =	vsub.f32 v30, v38;
	v44 =	vld [tilespmem:s18+$0x80];
	v60 =	vperm.xlane v58, v1;
	v62 =	vmul.f32 v45, v41  }
0x116: {  	v37 =	vmul.f32 v37, v7;
	v57 =	vld [tilespmem:s18+$0xA0];
	v42 =	vadd.f32 v61, v42;
	v40 =	vmul.f32 v40, v35  }
0x117: {  	v4 =	vld [tilespmem:$0x1FFE0];
	v39 =	vadd.f32 $1.500000000e+00, v39;
	v43 =	vadd.f32 v58, v60;
	v58 =	vmul.f32 v45, v62  }
0x118: {  	v16 =	vmul.f32 v37, v16;
	v53 =	vperm.xlane v42, v1;
	v40 =	vadd.f32 $1.500000000e+00, v40  }
0x119: {  	v39 =	vmul.f32 v39, v36;
	v36 =	vadd.f32 v50, v47;
	v49 =	vadd.f32 $1.500000000e+00, v58  }
0x11a: {  	v54 =	vld [tilespmem:s18+$0xB0];
	v37 =	vadd.f32 v44, v46;
	v60 =	vperm.xlane v43, v2;
	v40 =	vmul.f32 v40, v35  }
0x11b: {  	v52 =	vld [tilespmem:s16+$0x130];
	v35 =	vadd.f32 v57, v63;
	v55 =	vmul.f32 v36, v36;
	v44 =	vmul.f32 v45, v49  }
0x11c: {  	v17 =	vadd.f32 v43, v60;
	v59 =	vmul.f32 v40, v4;
	v4 =	vld [tilespmem:$0x1FFF0];
	v62 =	vmul.f32 v40, v6  }
0x11d: {  	v42 =	vadd.f32 v53, v42;
	v56 =	vmul.f32 v35, v35;
	v58 =	vmul.f32 v40, v7  }
0x11e: {  	v29 =	vsub.f32 v29, v38;
	v49 =	vperm.xlane v17, v3;
	v34 =	vmul.f32 v59, v34  }
0x11f: {  	v46 =	vadd.f32 v36, v37;
	v30 =	vmul.f32 v62, v30;
	v62 =	vperm.xlane v42, v2  }
0x120: {  	v29 =	vmul.f32 v58, v29;
	v43 =	vadd.f32 v34, v8;
	v34 =	vadd.f32 v54, v52  }
0x121: {  	v54 =	vmul.f32 v37, v37;
	v30 =	vadd.f32 v30, v10;
	v61 =	vmul.f32 v40, v4  }
0x122: {  	v42 =	vadd.f32 v62, v42;
	v4 =	vld [tilespmem:$0x1FFE0];
	v63 =	vadd.f32 v34, v35;
	v57 =	vmul.f32 v34, v34  }
0x123: {  	v29 =	vadd.f32 v29, v11;
	v60 =	vadd.f32 v55, v54;
	v31 =	vmul.f32 v61, v31  }
0x124: {  	[tilespmem:s9+$0x0] =	vst v43;
	v52 =	vperm.xlane v42, v3;
	v59 =	vadd.f32 v63, v46;
	v61 =	vadd.f32 v57, v56  }
0x125: {  	v51 =	vmul.f32 v44, v41;
	v17 =	vadd.f32 v17, v49;
	[tilespmem:s9+$0x20] =	vst v30;
	v31 =	vadd.f32 v31, v9  }
0x126: {  	[tilespmem:s9+$0x30] =	vst v29;
	v42 =	vadd.f32 v52, v42;
	v52 =	vld [tilespmem:s16+$0x200];
	v63 =	vadd.f32 v61, v60;
	v48 =	vperm.xlane v59, v0  }
0x127: {  	v40 =	vmul.f32 v51, v44;
	v29 =	vmul.f32 v39, v4;
	v4 =	vld [tilespmem:$0x1FFF0];
	[tilespmem:s9+$0x10] =	vst v31;
	v31 =	vsub.f32 v22, v25  }
0x128: {  	v22 =	vmul.f32 $1.562500000e-02, v17;
	v30 =	vadd.f32 v59, v48;
	v50 =	vperm.xlane v63, v0;
	v45 =	vld [tilespmem:s16+$0x80]  }
0x129: {  	v40 =	vadd.f32 $1.500000000e+00, v40;
	v42 =	vmul.f32 $1.562500000e-02, v42;
	v43 =	vld [tilespmem:s18+$0x40]  }
0x12a: {  	v47 =	vld [tilespmem:s16+$0x90];
	v56 =	vmul.f32 v22, v22;
	v53 =	vperm.xlane v30, v1;
	v38 =	vadd.f32 v50, v63  }
0x12b: {  	v54 =	vsub.f32 v18, v25;
	v49 =	vld [tilespmem:s18+$0x50];
	v18 =	vmul.f32 v29, v31;
	v29 =	vmul.f32 v40, v44  }
0x12c: {  	v20 =	vsub.f32 v20, v25;
	v46 =	vld [tilespmem:s18+$0x70];
	v30 =	vadd.f32 v30, v53;
	v55 =	vperm.xlane v38, v1  }
0x12d: {  	v23 =	vsub.f32 v23, v25;
	v40 =	vld [tilespmem:s18+$0x60];
	v31 =	vsub.f32 v42, v56;
	v41 =	vmul.f32 v29, v41  }
0x12e: {  	v60 =	vmul.f32 v39, v6;
	v44 =	vld [tilespmem:s16+$0xB0];
	v58 =	vperm.xlane v30, v2;
	v38 =	vadd.f32 v55, v38  }
0x12f: {  	v50 =	vld [tilespmem:s16+$0xA0];
	v57 =	vmul.f32 v39, v4;
	v31 =	vadd.f32 $9.999999930e-09, v31;
	v41 =	vmul.f32 v41, v29  }
0x130: {  	v20 =	vmul.f32 v60, v20;
	v4 =	vld [tilespmem:$0x1FFE0];
	v30 =	vadd.f32 v30, v58;
	v59 =	vperm.xlane v38, v2  }
0x131: {  	v63 =	vld [tilespmem:s18+$0x130];
	v17 =	vmul.f32 v57, v54;
	v61 =	vshra.s32 v31, $0x1;
	v41 =	vadd.f32 $1.500000000e+00, v41  }
0x132: {  	v54 =	vld [tilespmem:s18+$0x100];
	v42 =	vmul.f32 $-5.000000000e-01, v31;
	v51 =	vperm.xlane v30, v3;
	v38 =	vadd.f32 v59, v38  }
0x133: {  	v56 =	vld [tilespmem:s18+$0x110];
	v57 =	vmul.f32 v39, v7;
	v53 =	vsub.s32 $0x5F3759DF, v61;
	v39 =	vmul.f32 v41, v29  }
0x134: {  	v58 =	vld [tilespmem:s16+$0x230];
	v55 =	vmul.f32 v53, v42;
	v30 =	vadd.f32 v30, v51;
	v31 =	vperm.xlane v38, v3  }
0x135: {  	v28 =	vsub.f32 v28, v33;
	v23 =	vmul.f32 v57, v23;
	v41 =	vld [tilespmem:s18+$0x120];
	v59 =	vmul.f32 v39, v4  }
0x136: {  	v62 =	vmul.f32 v53, v55;
	v51 =	vld [tilespmem:s16+$0x210];
	v31 =	vadd.f32 v31, v38;
	v48 =	vmul.f32 $1.562500000e-02, v30  }
0x137: {  	v25 =	vmul.f32 v59, v28;
	v28 =	vadd.f32 v46, v44;
	v44 =	vadd.f32 v54, v52;
	v38 =	vld [tilespmem:s16+$0x220]  }
0x138: {  	v60 =	vadd.f32 $1.500000000e+00, v62;
	v29 =	vmul.f32 $1.562500000e-02, v31;
	v55 =	vmul.f32 v48, v48  }
0x139: {  	v30 =	vadd.f32 v43, v45;
	v52 =	vmul.f32 v44, v44;
	v31 =	vadd.f32 v49, v47  }
0x13a: {  	v4 =	vmul.f32 v28, v28;
	v57 =	vsub.f32 v29, v55;
	v29 =	vadd.f32 v40, v50  }
0x13b: {  	v47 =	vmul.f32 v30, v30;
	v46 =	vadd.f32 v31, v30;
	v40 =	vadd.f32 v56, v51  }
0x13c: {  	v49 =	vmul.f32 v31, v31;
	v41 =	vadd.f32 v41, v38;
	v38 =	vadd.f32 v63, v58  }
0x13d: {  	v62 =	vld [tilespmem:s18+$0x190];
	v45 =	vadd.f32 $9.999999930e-09, v57;
	v51 =	vadd.f32 v28, v29;
	v54 =	vmul.f32 v40, v40  }
0x13e: {  	v43 =	vld [tilespmem:s16+$0x300];
	v59 =	vadd.f32 v40, v44;
	v56 =	vmul.f32 v41, v41;
	v57 =	vmul.f32 v38, v38  }
0x13f: {  	v55 =	vld [tilespmem:s18+$0x180];
	v61 =	vadd.f32 v38, v41;
	v50 =	vmul.f32 $-5.000000000e-01, v45;
	v45 =	vshra.s32 v45, $0x1  }
0x140: {  	v58 =	vld [tilespmem:s16+$0x310];
	v52 =	vadd.f32 v54, v52;
	v54 =	vadd.f32 v57, v56;
	v57 =	vmul.f32 v29, v29  }
0x141: {  	v47 =	vadd.f32 v49, v47;
	v45 =	vsub.s32 $0x5F3759DF, v45;
	v56 =	vld [tilespmem:s16+$0x320];
	v59 =	vadd.f32 v61, v59  }
0x142: {  	v46 =	vadd.f32 v51, v46;
	v61 =	vld [tilespmem:s18+$0x1A0];
	v63 =	vmul.f32 v45, v50;
	v4 =	vadd.f32 v4, v57  }
0x143: {  	v52 =	vadd.f32 v54, v52;
	v54 =	vld [tilespmem:s16+$0x330];
	v49 =	vperm.xlane v59, v0  }
0x144: {  	v57 =	vld [tilespmem:s18+$0x1B0];
	v51 =	vmul.f32 v45, v63;
	v63 =	vperm.xlane v46, v0;
	v4 =	vadd.f32 v4, v47  }
0x145: {  	v5 =	vperm.xlane v52, v0;
	v49 =	vadd.f32 v59, v49;
	v47 =	vadd.f32 v55, v43  }
0x146: {  	v51 =	vadd.f32 $1.500000000e+00, v51;
	v59 =	vadd.f32 v46, v63  }
0x147: {  	v53 =	vmul.f32 v53, v60;
	v46 =	vadd.f32 v62, v58;
	v5 =	vadd.f32 v5, v52  }
0x148: {  	v60 =	vperm.xlane v49, v1;
	v51 =	vmul.f32 v45, v51;
	v45 =	vadd.f32 v61, v56  }
0x149: {  	v43 =	vadd.f32 v57, v54;
	v54 =	vadd.f32 v46, v47  }
0x14a: {  	v57 =	vmul.f32 v47, v47;
	v58 =	vmul.f32 v46, v46;
	v49 =	vadd.f32 v49, v60  }
0x14b: {  	v62 =	vld [tilespmem:$0x1FFF0];
	v61 =	vperm.xlane v5, v1;
	v55 =	vmul.f32 v51, v50;
	v56 =	vadd.f32 v43, v45  }
0x14c: {  	v52 =	vmul.f32 v45, v45;
	v60 =	vmul.f32 v43, v43  }
0x14d: {  	v5 =	vadd.f32 v61, v5;
	v54 =	vadd.f32 v56, v54;
	v56 =	vperm.xlane v49, v2  }
0x14e: {  	v57 =	vadd.f32 v58, v57;
	v52 =	vadd.f32 v60, v52  }
0x14f: {  	v55 =	vmul.f32 v55, v51;
	v49 =	vadd.f32 v49, v56;
	v56 =	vperm.xlane v5, v2  }
0x150: {  	v58 =	vmul.f32 v39, v62;
	v52 =	vadd.f32 v52, v57  }
0x151: {  	v55 =	vadd.f32 $1.500000000e+00, v55;
	v57 =	vperm.xlane v54, v0;
	v5 =	vadd.f32 v56, v5  }
0x152: {  	v14 =	vadd.f32 v14, v10;
	v63 =	vperm.xlane v49, v3;
	v61 =	vperm.xlane v52, v0  }
0x153: {  	v51 =	vmul.f32 v55, v51;
	v54 =	vadd.f32 v54, v57;
	v62 =	vperm.xlane v5, v3  }
0x154: {  	v49 =	vadd.f32 v49, v63;
	v52 =	vadd.f32 v61, v52;
	v61 =	vperm.xlane v4, v0  }
0x155: {  	v57 =	vperm.xlane v59, v1;
	v63 =	vperm.xlane v54, v1;
	v5 =	vadd.f32 v62, v5  }
0x156: {  	v49 =	vmul.f32 $1.562500000e-02, v49;
	v62 =	vperm.xlane v52, v1;
	v4 =	vadd.f32 v61, v4  }
0x157: {  	v50 =	vmul.f32 v51, v50;
	v54 =	vadd.f32 v54, v63;
	v5 =	vmul.f32 $1.562500000e-02, v5  }
0x158: {  	v63 =	vmul.f32 v49, v49;
	v52 =	vadd.f32 v62, v52;
	v62 =	vperm.xlane v4, v1  }
0x159: {  	v57 =	vadd.f32 v59, v57;
	v50 =	vmul.f32 v50, v51;
	v61 =	vperm.xlane v54, v2  }
0x15a: {  	v5 =	vsub.f32 v5, v63;
	v4 =	vadd.f32 v62, v4;
	v62 =	vld [tilespmem:$0x1FFE0]  }
0x15b: {  	v50 =	vadd.f32 $1.500000000e+00, v50;
	v54 =	vadd.f32 v54, v61;
	v63 =	vperm.xlane v52, v2  }
0x15c: {  	v13 =	vadd.f32 v13, v8;
	v56 =	vperm.xlane v57, v2;
	v5 =	vadd.f32 $9.999999930e-09, v5  }
0x15d: {  	v50 =	vmul.f32 v50, v51;
	v61 =	vperm.xlane v54, v3;
	v52 =	vadd.f32 v63, v52  }
0x15e: {  	v37 =	vsub.f32 v37, v48;
	v56 =	vadd.f32 v57, v56;
	v63 =	vshra.s32 v5, $0x1  }
0x15f: {  	v51 =	vadd.f32 v54, v61;
	v54 =	vperm.xlane v52, v3;
	v55 =	vmul.f32 v50, v62  }
0x160: {  	v5 =	vmul.f32 $-5.000000000e-01, v5;
	v61 =	vperm.xlane v4, v2;
	v59 =	vsub.s32 $0x5F3759DF, v63  }
0x161: {  	v52 =	vadd.f32 v54, v52;
	v54 =	vld [tilespmem:$0x1FFF0];
	v55 =	vmul.f32 v55, v37;
	v37 =	vmul.f32 $1.562500000e-02, v51  }
0x162: {  	v57 =	vmul.f32 v59, v5;
	v4 =	vadd.f32 v61, v4;
	v61 =	vmul.f32 v50, v6  }
0x163: {  	v35 =	vsub.f32 v35, v48;
	v52 =	vmul.f32 $1.562500000e-02, v52;
	v63 =	vmul.f32 v37, v37  }
0x164: {  	v27 =	vsub.f32 v27, v33;
	v36 =	vsub.f32 v36, v48;
	v62 =	vmul.f32 v59, v57  }
0x165: {  	v60 =	vmul.f32 v53, v42;
	v35 =	vmul.f32 v61, v35;
	v52 =	vsub.f32 v52, v63  }
0x166: {  	v34 =	vsub.f32 v34, v48;
	v51 =	vmul.f32 v50, v54;
	v54 =	vadd.f32 $1.500000000e+00, v62  }
0x167: {  	v60 =	vmul.f32 v60, v53;
	v35 =	vadd.f32 v35, v10;
	v52 =	vadd.f32 $9.999999930e-09, v52  }
0x168: {  	v62 =	vmul.f32 v50, v7;
	v63 =	vadd.f32 v55, v8;
	v50 =	vmul.f32 v59, v54  }
0x169: {  	v36 =	vmul.f32 v51, v36;
	v59 =	vshra.s32 v52, $0x1;
	v52 =	vmul.f32 $-5.000000000e-01, v52  }
0x16a: {  	v51 =	vperm.xlane v56, v3;
	v57 =	vmul.f32 v50, v5;
	v48 =	vsub.s32 $0x5F3759DF, v59  }
0x16b: {  	v34 =	vmul.f32 v62, v34;
	v62 =	vadd.f32 $1.500000000e+00, v60;
	v60 =	vmul.f32 v48, v52  }
0x16c: {  	[tilespmem:s9+$0x80] =	vst v63;
	v63 =	vperm.xlane v4, v3;
	v36 =	vadd.f32 v36, v9;
	v61 =	vmul.f32 v57, v50  }
0x16d: {  	[tilespmem:s9+$0xA0] =	vst v35;
	v34 =	vadd.f32 v34, v11;
	v51 =	vadd.f32 v56, v51;
	v35 =	vmul.f32 v48, v60  }
0x16e: {  	v53 =	vmul.f32 v62, v53;
	v59 =	vsub.f32 v24, v33;
	[tilespmem:s9+$0x90] =	vst v36;
	v61 =	vadd.f32 $1.500000000e+00, v61  }
0x16f: {  	v24 =	vmul.f32 v58, v27;
	v57 =	vmul.f32 v39, v6;
	[tilespmem:s9+$0xB0] =	vst v34;
	v35 =	vadd.f32 $1.500000000e+00, v35  }
0x170: {  	v4 =	vadd.f32 v63, v4;
	v36 =	vmul.f32 $1.562500000e-02, v51;
	v54 =	vld [tilespmem:s16+$0x180];
	v34 =	vmul.f32 v61, v50  }
0x171: {  	v12 =	vadd.f32 v12, v9;
	v42 =	vmul.f32 v53, v42;
	v51 =	vld [tilespmem:s18+$0xC0];
	v61 =	vmul.f32 v48, v35  }
0x172: {  	v16 =	vadd.f32 v16, v11;
	v4 =	vmul.f32 $1.562500000e-02, v4;
	v56 =	vld [tilespmem:s18+$0xD0];
	v5 =	vmul.f32 v34, v5  }
0x173: {  	v32 =	vsub.f32 v32, v22;
	v55 =	vmul.f32 v36, v36;
	v50 =	vld [tilespmem:s16+$0x190];
	v63 =	vmul.f32 v61, v52  }
0x174: {  	v44 =	vsub.f32 v44, v49;
	v58 =	vld [tilespmem:s18+$0xF0];
	v42 =	vmul.f32 v42, v53;
	v5 =	vmul.f32 v5, v34  }
0x175: {  	v40 =	vsub.f32 v40, v49;
	v60 =	vld [tilespmem:s16+$0x1A0];
	v27 =	vmul.f32 v57, v59;
	v57 =	vmul.f32 v63, v61  }
0x176: {  	v4 =	vsub.f32 v4, v55;
	v55 =	vld [tilespmem:s18+$0xE0];
	v5 =	vadd.f32 $1.500000000e+00, v5  }
0x177: {  	v62 =	vadd.f32 $1.500000000e+00, v42;
	v42 =	vld [tilespmem:s16+$0x1B0];
	v63 =	vadd.f32 $1.500000000e+00, v57  }
0x178: {  	v4 =	vadd.f32 $9.999999930e-09, v4;
	v5 =	vmul.f32 v5, v34;
	v34 =	vadd.f32 v56, v50;
	v56 =	vld [tilespmem:$0x1FFE0]  }
0x179: {  	v41 =	vsub.f32 v41, v49;
	v38 =	vsub.f32 v38, v49;
	v50 =	vmul.f32 v63, v61;
	v61 =	vld [tilespmem:$0x1FFF0]  }
0x17a: {  	v47 =	vsub.f32 v47, v37;
	v48 =	vmul.f32 v62, v53;
	v62 =	vshra.s32 v4, $0x1  }
0x17b: {  	v35 =	vadd.f32 v51, v54;
	v51 =	vsub.s32 $0x5F3759DF, v62;
	v62 =	vmul.f32 v5, v6  }
0x17c: {  	v59 =	vsub.f32 v21, v33;
	v49 =	vmul.f32 $-5.000000000e-01, v4;
	v52 =	vmul.f32 v50, v52  }
0x17d: {  	v33 =	vadd.f32 v55, v60;
	v41 =	vmul.f32 v62, v41;
	v57 =	vmul.f32 v5, v56  }
0x17e: {  	v21 =	vadd.f32 v58, v42;
	v52 =	vmul.f32 v52, v50;
	v53 =	vmul.f32 v5, v61  }
0x17f: {  	v60 =	vadd.f32 v34, v35;
	v44 =	vmul.f32 v57, v44;
	v5 =	vmul.f32 v5, v7  }
0x180: {  	v63 =	vadd.f32 v21, v33;
	v62 =	vld [tilespmem:$0x1FFF0];
	v4 =	vadd.f32 v41, v10;
	v40 =	vmul.f32 v53, v40  }
0x181: {  	v56 =	vadd.f32 $1.500000000e+00, v52;
	v44 =	vadd.f32 v44, v8;
	v5 =	vmul.f32 v5, v38  }
0x182: {  	[tilespmem:s9+$0x120] =	vst v4;
	v38 =	vadd.f32 v63, v60;
	v60 =	vld [tilespmem:$0x1FFE0];
	v40 =	vadd.f32 v40, v9  }
0x183: {  	v39 =	vmul.f32 v39, v7;
	v4 =	vmul.f32 v56, v50;
	[tilespmem:s9+$0x100] =	vst v44;
	v5 =	vadd.f32 v5, v11  }
0x184: {  	v46 =	vsub.f32 v46, v37;
	v42 =	vmul.f32 v33, v33;
	v58 =	vmul.f32 v34, v34;
	[tilespmem:s9+$0x110] =	vst v40  }
0x185: {  	v45 =	vsub.f32 v45, v37;
	v57 =	vmul.f32 v35, v35;
	v54 =	vmul.f32 v4, v62;
	v62 =	vld [tilespmem:$0x1FFE0];
	[tilespmem:s9+$0x130] =	vst v5  }
0x186: {  	v37 =	vsub.f32 v43, v37;
	v61 =	vperm.xlane v38, v0;
	v63 =	vmul.f32 v4, v6;
	v44 =	vld [tilespmem:s16+$0x280]  }
0x187: {  	v41 =	vadd.f32 v58, v57;
	v5 =	vmul.f32 v21, v21;
	v50 =	vmul.f32 v4, v60;
	v53 =	vld [tilespmem:s18+$0x140]  }
0x188: {  	v40 =	vmul.f32 v51, v49;
	v38 =	vadd.f32 v38, v61;
	v55 =	vld [tilespmem:s16+$0x290];
	v46 =	vmul.f32 v54, v46  }
0x189: {  	v56 =	vld [tilespmem:s18+$0x150];
	v4 =	vmul.f32 v4, v7;
	v5 =	vadd.f32 v5, v42;
	v47 =	vmul.f32 v50, v47  }
0x18a: {  	v45 =	vmul.f32 v63, v45;
	v42 =	vld [tilespmem:s16+$0x2A0];
	v60 =	vmul.f32 v51, v40;
	v46 =	vadd.f32 v46, v9  }
0x18b: {  	v4 =	vmul.f32 v4, v37;
	v5 =	vadd.f32 v5, v41;
	v41 =	vld [tilespmem:s16+$0x2B0];
	v58 =	vadd.f32 v47, v8  }
0x18c: {  	v19 =	vsub.f32 v19, v22;
	v57 =	vperm.xlane v38, v1;
	v61 =	vadd.f32 v45, v10;
	v47 =	vld [tilespmem:s18+$0x160];
	[tilespmem:s9+$0x190] =	vst v46  }
0x18d: {  	v43 =	vmul.f32 v39, v59;
	v37 =	vadd.f32 $1.500000000e+00, v60;
	v4 =	vadd.f32 v4, v11;
	[tilespmem:s9+$0x180] =	vst v58;
	v58 =	vld [tilespmem:s18+$0x170]  }
0x18e: {  	v45 =	vsub.f32 v26, v22;
	v63 =	vmul.f32 v48, v62;
	[tilespmem:s9+$0x1A0] =	vst v61;
	v61 =	vadd.f32 v38, v57  }
0x18f: {  	v60 =	vperm.xlane v5, v0;
	v50 =	vmul.f32 v51, v37;
	v38 =	vadd.f32 v53, v44;
	[tilespmem:s9+$0x1B0] =	vst v4;
	v4 =	vld [tilespmem:$0x1FFF0]  }
0x190: {  	v40 =	vmul.f32 v63, v32;
	v26 =	vadd.f32 v56, v55;
	v62 =	vperm.xlane v61, v2;
	v39 =	vld [tilespmem:s16+$0x380]  }
0x191: {  	v5 =	vadd.f32 v60, v5;
	v53 =	vld [tilespmem:s18+$0x1C0];
	v63 =	vmul.f32 v50, v49;
	v54 =	vmul.f32 v38, v38  }
0x192: {  	v51 =	vld [tilespmem:s18+$0x1D0];
	v55 =	vmul.f32 v26, v26;
	v32 =	vadd.f32 v47, v42;
	v37 =	vadd.f32 v58, v41  }
0x193: {  	v56 =	vld [tilespmem:s16+$0x3A0];
	v42 =	vadd.f32 v61, v62;
	v60 =	vperm.xlane v5, v1;
	v61 =	vadd.f32 v26, v38  }
0x194: {  	v59 =	vld [tilespmem:s18+$0x1E0];
	v4 =	vmul.f32 v48, v4;
	v57 =	vmul.f32 v32, v32;
	v52 =	vadd.f32 v37, v32  }
0x195: {  	v54 =	vadd.f32 v55, v54;
	v41 =	vld [tilespmem:s16+$0x390];
	v46 =	vperm.xlane v42, v3;
	v58 =	vmul.f32 v37, v37  }
0x196: {  	v5 =	vadd.f32 v60, v5;
	v60 =	vmul.f32 v63, v50;
	v47 =	vadd.f32 v52, v61;
	v52 =	vld [tilespmem:s16+$0x3B0]  }
0x197: {  	v46 =	vadd.f32 v42, v46;
	v62 =	vadd.f32 v58, v57;
	v57 =	vld [tilespmem:s18+$0x1F0]  }
0x198: {  	v63 =	vperm.xlane v5, v2;
	v44 =	vmul.f32 v4, v45;
	v4 =	vadd.f32 $1.500000000e+00, v60  }
0x199: {  	v42 =	vadd.f32 v53, v39;
	v39 =	vadd.f32 v59, v56;
	v61 =	vperm.xlane v47, v0  }
0x19a: {  	v5 =	vadd.f32 v63, v5;
	v54 =	vadd.f32 v62, v54;
	v62 =	vmul.f32 v48, v6  }
0x19b: {  	v4 =	vmul.f32 v4, v50;
	v41 =	vadd.f32 v51, v41;
	v47 =	vadd.f32 v47, v61  }
0x19c: {  	v55 =	vperm.xlane v54, v0;
	v45 =	vmul.f32 v62, v19;
	v19 =	vadd.f32 v57, v52  }
0x19d: {  	v53 =	vadd.f32 v41, v42;
	v61 =	vmul.f32 v41, v41;
	v62 =	vmul.f32 v39, v39  }
0x19e: {  	v63 =	vperm.xlane v47, v1;
	v52 =	vadd.f32 v55, v54;
	v60 =	vadd.f32 v19, v39  }
0x19f: {  	v15 =	vsub.f32 v15, v22;
	v55 =	vmul.f32 v42, v42;
	v57 =	vmul.f32 v19, v19  }
0x1a0: {  	v47 =	vadd.f32 v47, v63;
	v53 =	vadd.f32 v60, v53;
	v60 =	vperm.xlane v52, v1  }
0x1a1: {  	v63 =	vperm.xlane v5, v3;
	v55 =	vadd.f32 v61, v55;
	v51 =	vadd.f32 v57, v62  }
0x1a2: {  	v50 =	vmul.f32 $1.562500000e-02, v46;
	v61 =	vperm.xlane v47, v2;
	v52 =	vadd.f32 v60, v52  }
0x1a3: {  	v5 =	vadd.f32 v63, v5;
	v46 =	vadd.f32 v51, v55;
	v62 =	vperm.xlane v53, v0  }
0x1a4: {  	v63 =	vmul.f32 v50, v50;
	v47 =	vadd.f32 v47, v61;
	v54 =	vperm.xlane v52, v2  }
0x1a5: {  	v5 =	vmul.f32 $1.562500000e-02, v5;
	v51 =	vadd.f32 v53, v62;
	v60 =	vperm.xlane v46, v0  }
0x1a6: {  	v20 =	vadd.f32 v20, v10;
	v56 =	vperm.xlane v47, v3;
	v52 =	vadd.f32 v54, v52  }
0x1a7: {  	v5 =	vsub.f32 v5, v63;
	v61 =	vperm.xlane v51, v1;
	v46 =	vadd.f32 v60, v46  }
0x1a8: {  	v49 =	vmul.f32 v4, v49;
	v47 =	vadd.f32 v47, v56;
	v62 =	vperm.xlane v52, v3  }
0x1a9: {  	v5 =	vadd.f32 $9.999999930e-09, v5;
	v51 =	vadd.f32 v51, v61;
	v63 =	vperm.xlane v46, v1  }
0x1aa: {  	v49 =	vmul.f32 v49, v4;
	v47 =	vmul.f32 $1.562500000e-02, v47;
	v52 =	vadd.f32 v62, v52  }
0x1ab: {  	v53 =	vmul.f32 $-5.000000000e-01, v5;
	v57 =	vperm.xlane v51, v2;
	v46 =	vadd.f32 v63, v46  }
0x1ac: {  	v30 =	vsub.f32 v30, v36;
	v58 =	vmul.f32 v47, v47;
	v52 =	vmul.f32 $1.562500000e-02, v52  }
0x1ad: {  	v5 =	vshra.s32 v5, $0x1;
	v62 =	vld [tilespmem:$0x1FFE0];
	v51 =	vadd.f32 v51, v57;
	v59 =	vperm.xlane v46, v2  }
0x1ae: {  	v49 =	vadd.f32 $1.500000000e+00, v49;
	v5 =	vsub.s32 $0x5F3759DF, v5;
	v52 =	vsub.f32 v52, v58  }
0x1af: {  	v63 =	vld [tilespmem:$0x1FFF0];
	v60 =	vmul.f32 v5, v53;
	v61 =	vperm.xlane v51, v3;
	v46 =	vadd.f32 v59, v46  }
0x1b0: {  	v48 =	vmul.f32 v48, v7;
	v4 =	vmul.f32 v49, v4;
	v52 =	vadd.f32 $9.999999930e-09, v52  }
0x1b1: {  	v49 =	vmul.f32 v5, v60;
	v51 =	vadd.f32 v51, v61;
	v60 =	vperm.xlane v46, v3  }
0x1b2: {  	v55 =	vmul.f32 v4, v62;
	v61 =	vshra.s32 v52, $0x1;
	v52 =	vmul.f32 $-5.000000000e-01, v52  }
0x1b3: {  	v54 =	vadd.f32 v60, v46;
	v46 =	vmul.f32 $1.562500000e-02, v51;
	v57 =	vsub.s32 $0x5F3759DF, v61  }
0x1b4: {  	v56 =	vmul.f32 v4, v63;
	v49 =	vadd.f32 $1.500000000e+00, v49;
	v62 =	vmul.f32 v57, v52  }
0x1b5: {  	v31 =	vsub.f32 v31, v36;
	v63 =	vmul.f32 $1.562500000e-02, v54;
	v51 =	vmul.f32 v46, v46  }
0x1b6: {  	v29 =	vsub.f32 v29, v36;
	v28 =	vsub.f32 v28, v36;
	v5 =	vmul.f32 v5, v49  }
0x1b7: {  	v15 =	vmul.f32 v48, v15;
	v22 =	vmul.f32 v57, v62;
	v59 =	vsub.f32 v63, v51  }
0x1b8: {  	v21 =	vsub.f32 v21, v50;
	v30 =	vmul.f32 v55, v30;
	v58 =	vmul.f32 v5, v53  }
0x1b9: {  	v31 =	vmul.f32 v56, v31;
	v22 =	vadd.f32 $1.500000000e+00, v22;
	v48 =	vadd.f32 $9.999999930e-09, v59  }
0x1ba: {  	v15 =	vadd.f32 v15, v11;
	v61 =	vmul.f32 v4, v6;
	v60 =	vmul.f32 v58, v5  }
0x1bb: {  	v22 =	vmul.f32 v57, v22;
	v62 =	vshra.s32 v48, $0x1;
	v48 =	vmul.f32 $-5.000000000e-01, v48  }
0x1bc: {  	v4 =	vmul.f32 v4, v7;
	v49 =	vadd.f32 $1.500000000e+00, v60;
	v51 =	vsub.s32 $0x5F3759DF, v62  }
0x1bd: {  	v55 =	vsub.f32 v34, v50;
	v63 =	vmul.f32 v22, v52;
	v56 =	vmul.f32 v51, v48  }
0x1be: {  	v29 =	vmul.f32 v61, v29;
	v61 =	vadd.f32 v23, v11;
	v5 =	vmul.f32 v49, v5  }
0x1bf: {  	[tilespmem:s9+$0xFFFFFE60] =	vst v14;
	v34 =	vadd.f32 v31, v9;
	v49 =	vmul.f32 v63, v22;
	v36 =	vmul.f32 v51, v56  }
0x1c0: {  	v4 =	vmul.f32 v4, v28;
	[tilespmem:s9+$0xFFFFFEF0] =	vst v61;
	v61 =	vadd.f32 v40, v8;
	v53 =	vmul.f32 v5, v53  }
0x1c1: {  	[tilespmem:s9+$0xFFFFFE40] =	vst v13;
	v49 =	vadd.f32 $1.500000000e+00, v49;
	v60 =	vadd.f32 $1.500000000e+00, v36  }
0x1c2: {  	[tilespmem:s9+$0xFFFFFE50] =	vst v12;
	v40 =	vsub.f32 v38, v47;
	v4 =	vadd.f32 v4, v11;
	v58 =	vmul.f32 v53, v5  }
0x1c3: {  	[tilespmem:s9+$0xFFFFFE70] =	vst v16;
	v28 =	vld [tilespmem:$0x1FFE0];
	v59 =	vadd.f32 v17, v9;
	v14 =	vmul.f32 v49, v22;
	v16 =	vmul.f32 v51, v60  }
0x1c4: {  	[tilespmem:s9+$0xFFFFFEE0] =	vst v20;
	v57 =	vadd.f32 v18, v8;
	v18 =	vadd.f32 $1.500000000e+00, v58  }
0x1c5: {  	[tilespmem:s9+$0xFFFFFFF0] =	vst v15;
	v36 =	vadd.f32 v27, v10;
	v27 =	vld [tilespmem:$0x1FFF0];
	v51 =	vmul.f32 v14, v52;
	v52 =	vmul.f32 v16, v48  }
0x1c6: {  	[tilespmem:s9+$0xFFFFFFC0] =	vst v61;
	v61 =	vsub.f32 v19, v46;
	v62 =	vadd.f32 v25, v8;
	v5 =	vmul.f32 v18, v5  }
0x1c7: {  	[tilespmem:s9+$0x50] =	vst v34;
	v25 =	vadd.f32 v45, v10;
	v63 =	vadd.f32 v24, v9;
	v24 =	vmul.f32 v52, v16  }
0x1c8: {  	[tilespmem:s9+$0x70] =	vst v4;
	v45 =	vsub.f32 v32, v47;
	v53 =	vsub.f32 v35, v50;
	v54 =	vmul.f32 v5, v28  }
0x1c9: {  	[tilespmem:s9+$0xFFFFFEC0] =	vst v57;
	v56 =	vsub.f32 v33, v50;
	v57 =	vmul.f32 v5, v6;
	v60 =	vadd.f32 $1.500000000e+00, v24  }
0x1ca: {  	[tilespmem:s9+$0xFFFFFED0] =	vst v59;
	v33 =	vadd.f32 v30, v8;
	v27 =	vmul.f32 v5, v27;
	v20 =	vmul.f32 v54, v53  }
0x1cb: {  	[tilespmem:s9+$0xFFFFFF50] =	vst v63;
	v49 =	vadd.f32 v43, v11;
	v18 =	vmul.f32 v51, v14;
	v63 =	vmul.f32 v60, v16  }
0x1cc: {  	[tilespmem:s9+$0xFFFFFF60] =	vst v36;
	v36 =	vadd.f32 v29, v10;
	v22 =	vmul.f32 v57, v56;
	v5 =	vmul.f32 v5, v7  }
0x1cd: {  	[tilespmem:s9+$0xFFFFFF40] =	vst v62;
	v29 =	vld [tilespmem:$0x1FFF0];
	v54 =	vsub.f32 v42, v46;
	v59 =	vadd.f32 $1.500000000e+00, v18;
	v35 =	vmul.f32 v63, v48  }
0x1ce: {  	[tilespmem:s9+$0xFFFFFFE0] =	vst v25;
	v56 =	vsub.f32 v41, v46;
	v58 =	vmul.f32 v27, v55;
	v20 =	vadd.f32 v20, v8  }
0x1cf: {  	[tilespmem:s9+$0x40] =	vst v33;
	v4 =	vadd.f32 v22, v10;
	v62 =	vmul.f32 v59, v14;
	v23 =	vmul.f32 v35, v63  }
0x1d0: {  	[tilespmem:s9+$0xFFFFFF70] =	vst v49;
	v5 =	vmul.f32 v5, v21;
	v24 =	vadd.f32 v44, v9;
	v44 =	vsub.f32 v26, v47  }
0x1d1: {  	[tilespmem:s9+$0x60] =	vst v36;
	v13 =	vadd.f32 v58, v9;
	v43 =	vmul.f32 v62, v28;
	v50 =	vadd.f32 $1.500000000e+00, v23  }
0x1d2: {  	[tilespmem:s9+$0xC0] =	vst v20;
	v5 =	vadd.f32 v5, v11;
	v49 =	vmul.f32 v62, v29;
	v52 =	vmul.f32 v62, v6  }
0x1d3: {  	[tilespmem:s9+$0xE0] =	vst v4;
	v59 =	vsub.f32 v39, v46;
	v15 =	vmul.f32 v43, v40;
	v14 =	vmul.f32 v50, v63  }
0x1d4: {  	[tilespmem:s9+$0xFFFFFFD0] =	vst v24;
	v48 =	vsub.f32 v37, v47;
	v12 =	vmul.f32 v62, v7;
	v51 =	vmul.f32 v49, v44  }
0x1d5: {  	[tilespmem:s9+$0xD0] =	vst v13;
	v53 =	vmul.f32 v52, v45;
	v15 =	vadd.f32 v15, v8;
	v55 =	vmul.f32 v14, v28  }
0x1d6: {  	[tilespmem:s9+$0xF0] =	vst v5;
	v4 =	vmul.f32 v12, v48;
	v58 =	vadd.f32 v51, v9;
	v57 =	vmul.f32 v14, v29  }
0x1d7: {  	v13 =	vadd.f32 v53, v10;
	[tilespmem:s9+$0x140] =	vst v15;
	v60 =	vmul.f32 v14, v6;
	v5 =	vmul.f32 v55, v54  }
0x1d8: {  	s10 =	sadd.s32 $0x10, s10;
	v4 =	vadd.f32 v4, v11;
	[tilespmem:s9+$0x150] =	vst v58;
	v14 =	vmul.f32 v14, v7;
	v12 =	vmul.f32 v57, v56  }
0x1d9: {  	p1 =	slt.u32 s10, $0xB0;
	[tilespmem:s9+$0x160] =	vst v13;
	v62 =	vmul.f32 v60, v59;
	v5 =	vadd.f32 v5, v8  }
.Ltmp0:
0x1da: {  	[tilespmem:s9+$0x170] =	vst v4;
	v63 =	vmul.f32 v14, v61;
	v4 =	vadd.f32 v12, v9;
	(pc) =	sbr.rel @p1 .LBB2_3-.Ltmp0, $4  }
0x1db: {  	v13 =	vadd.f32 v62, v10;
	[tilespmem:s9+$0x1C0] =	vst v5  }
0x1dc: {  	s11 =	simm.s32 $0xBE;
	v5 =	vadd.f32 v63, v11;
	[tilespmem:s9+$0x1D0] =	vst v4  }
0x1dd: {  	s14 =	simm.s32 $0x6200;
	s15 =	simm.s32 $0x1C270;
	s21 =	simm.s32 $0xFA70;
	[tilespmem:s9+$0x1E0] =	vst v13  }
0x1de: {  	s16 =	sadd.s32 $0x800, s16;
	s18 =	sadd.s32 $0x400, s18;
	[tilespmem:s9+$0x1F0] =	vst v5;
	s9 =	sadd.s32 $0x400, s9  }
.LBB2_4:
0x1df: {  	v4 =	vld [tilespmem:s14+$0x0]  }
0x1e0: {  	v5 =	vld [tilespmem:s15+$0xFFFFFF90]  }
0x1e1: {  	v12 =	vld [tilespmem:s14+$0x10]  }
0x1e2: {  	v13 =	vld [tilespmem:s15+$0xFFFFFFA0]  }
0x1e3: {  	v14 =	vld [tilespmem:s14+$0x20]  }
0x1e4: {  	v15 =	vld [tilespmem:s15+$0xFFFFFFB0]  }
0x1e5: {  	v16 =	vld [tilespmem:s14+$0x30]  }
0x1e6: {  	v17 =	vld [tilespmem:s15+$0xFFFFFFC0];
	_ =	sdelay $0x3  }
0x1e7: {  	v4 =	vadd.f32 v5, v4;
	v5 =	vadd.f32 v13, v12  }
0x1e8: {  	v63 =	vadd.f32 v15, v14;
	v21 =	vadd.f32 v17, v16  }
0x1e9: {  	v22 =	vadd.f32 v5, v4  }
0x1ea: {  	v15 =	vadd.f32 v21, v63;
	v23 =	vmul.f32 v4, v4;
	v24 =	vmul.f32 v5, v5  }
0x1eb: {  	v18 =	vmul.f32 v63, v63;
	v19 =	vmul.f32 v21, v21  }
0x1ec: {  	v14 =	vadd.f32 v15, v22  }
0x1ed: {  	v25 =	vadd.f32 v24, v23;
	v26 =	vadd.f32 v19, v18;
	_ =	sdelay $0x1  }
0x1ee: {  	v15 =	vadd.f32 v26, v25;
	v32 =	vperm.xlane v14, v0;
	_ =	sdelay $0x1  }
0x1ef: {  	v14 =	vadd.f32 v14, v32;
	v33 =	vperm.xlane v15, v0;
	_ =	sdelay $0x1  }
0x1f0: {  	v34 =	vperm.xlane v14, v1;
	v15 =	vadd.f32 v33, v15;
	_ =	sdelay $0x1  }
0x1f1: {  	v14 =	vadd.f32 v14, v34;
	v16 =	vperm.xlane v15, v1;
	_ =	sdelay $0x1  }
0x1f2: {  	v17 =	vperm.xlane v14, v2;
	v15 =	vadd.f32 v16, v15;
	_ =	sdelay $0x1  }
0x1f3: {  	v14 =	vadd.f32 v14, v17;
	v16 =	vperm.xlane v15, v2;
	_ =	sdelay $0x1  }
0x1f4: {  	v17 =	vperm.xlane v14, v3;
	v15 =	vadd.f32 v16, v15;
	_ =	sdelay $0x1  }
0x1f5: {  	v14 =	vadd.f32 v14, v17;
	v16 =	vperm.xlane v15, v3;
	_ =	sdelay $0x1  }
0x1f6: {  	v15 =	vadd.f32 v16, v15;
	v14 =	vmul.f32 $1.562500000e-02, v14;
	_ =	sdelay $0x1  }
0x1f7: {  	v15 =	vmul.f32 $1.562500000e-02, v15;
	v35 =	vmul.f32 v14, v14;
	_ =	sdelay $0x1  }
0x1f8: {  	v15 =	vsub.f32 v15, v35;
	_ =	sdelay $0x1  }
0x1f9: {  	v15 =	vadd.f32 $9.999999930e-09, v15;
	_ =	sdelay $0x1  }
0x1fa: {  	v36 =	vshra.s32 v15, $0x1;
	v15 =	vmul.f32 $-5.000000000e-01, v15  }
0x1fb: {  	v16 =	vsub.s32 $0x5F3759DF, v36  }
0x1fc: {  	v37 =	vmul.f32 v16, v15;
	_ =	sdelay $0x1  }
0x1fd: {  	v17 =	vmul.f32 v16, v37;
	_ =	sdelay $0x1  }
0x1fe: {  	v17 =	vadd.f32 $1.500000000e+00, v17;
	_ =	sdelay $0x1  }
0x1ff: {  	v16 =	vmul.f32 v16, v17;
	_ =	sdelay $0x1  }
0x200: {  	v17 =	vmul.f32 v16, v15;
	_ =	sdelay $0x1  }
0x201: {  	v17 =	vmul.f32 v17, v16;
	_ =	sdelay $0x1  }
0x202: {  	v17 =	vadd.f32 $1.500000000e+00, v17;
	_ =	sdelay $0x1  }
0x203: {  	v16 =	vmul.f32 v17, v16;
	_ =	sdelay $0x1  }
0x204: {  	v15 =	vmul.f32 v16, v15;
	_ =	sdelay $0x1  }
0x205: {  	v15 =	vmul.f32 v15, v16;
	_ =	sdelay $0x1  }
0x206: {  	v15 =	vadd.f32 $1.500000000e+00, v15;
	_ =	sdelay $0x1  }
0x207: {  	v15 =	vmul.f32 v15, v16;
	_ =	sdelay $0x1  }
0x208: {  	v4 =	vsub.f32 v4, v14;
	v16 =	vmul.f32 v15, v28  }
0x209: {  	v5 =	vsub.f32 v5, v14;
	v38 =	vmul.f32 v15, v29  }
0x20a: {  	v12 =	vsub.f32 v63, v14;
	v39 =	vmul.f32 v15, v6;
	v4 =	vmul.f32 v16, v4  }
0x20b: {  	v13 =	vsub.f32 v21, v14;
	v40 =	vmul.f32 v15, v7;
	v5 =	vmul.f32 v38, v5  }
0x20c: {  	v12 =	vmul.f32 v39, v12;
	v4 =	vadd.f32 v4, v8  }
0x20d: {  	v13 =	vmul.f32 v40, v13;
	v5 =	vadd.f32 v5, v9  }
0x20e: {  	v12 =	vadd.f32 v12, v10;
	[tilespmem:s21+$0xFFFFFF90] =	vst v4  }
0x20f: {  	v4 =	vadd.f32 v13, v11;
	[tilespmem:s21+$0xFFFFFFA0] =	vst v5  }
0x210: {  	[tilespmem:s21+$0xFFFFFFB0] =	vst v12  }
0x211: {  	[tilespmem:s21+$0xFFFFFFC0] =	vst v4  }
0x212: {  	v4 =	vld [tilespmem:s14+$0x80]  }
0x213: {  	v5 =	vld [tilespmem:s15+$0xFFFFFFD0]  }
0x214: {  	v12 =	vld [tilespmem:s14+$0x90]  }
0x215: {  	v41 =	vld [tilespmem:s15+$0xFFFFFFE0]  }
0x216: {  	v42 =	vld [tilespmem:s14+$0xA0]  }
0x217: {  	v43 =	vld [tilespmem:s15+$0xFFFFFFF0]  }
0x218: {  	v44 =	vld [tilespmem:s14+$0xB0]  }
0x219: {  	v45 =	vld [tilespmem:s15+$0x0];
	_ =	sdelay $0x3  }
0x21a: {  	v4 =	vadd.f32 v5, v4;
	v5 =	vadd.f32 v41, v12  }
0x21b: {  	v46 =	vadd.f32 v43, v42;
	v47 =	vadd.f32 v45, v44  }
0x21c: {  	v48 =	vadd.f32 v5, v4  }
0x21d: {  	v15 =	vadd.f32 v47, v46;
	v49 =	vmul.f32 v4, v4;
	v50 =	vmul.f32 v5, v5  }
0x21e: {  	v51 =	vmul.f32 v46, v46;
	v52 =	vmul.f32 v47, v47  }
0x21f: {  	v14 =	vadd.f32 v15, v48  }
0x220: {  	v53 =	vadd.f32 v50, v49;
	v54 =	vadd.f32 v52, v51;
	_ =	sdelay $0x1  }
0x221: {  	v15 =	vadd.f32 v54, v53;
	v55 =	vperm.xlane v14, v0;
	_ =	sdelay $0x1  }
0x222: {  	v14 =	vadd.f32 v14, v55;
	v56 =	vperm.xlane v15, v0;
	_ =	sdelay $0x1  }
0x223: {  	v57 =	vperm.xlane v14, v1;
	v15 =	vadd.f32 v56, v15;
	_ =	sdelay $0x1  }
0x224: {  	v14 =	vadd.f32 v14, v57;
	v16 =	vperm.xlane v15, v1;
	_ =	sdelay $0x1  }
0x225: {  	v17 =	vperm.xlane v14, v2;
	v15 =	vadd.f32 v16, v15;
	_ =	sdelay $0x1  }
0x226: {  	v14 =	vadd.f32 v14, v17;
	v16 =	vperm.xlane v15, v2;
	_ =	sdelay $0x1  }
0x227: {  	v17 =	vperm.xlane v14, v3;
	v15 =	vadd.f32 v16, v15;
	_ =	sdelay $0x1  }
0x228: {  	v14 =	vadd.f32 v14, v17;
	v16 =	vperm.xlane v15, v3;
	_ =	sdelay $0x1  }
0x229: {  	v15 =	vadd.f32 v16, v15;
	v14 =	vmul.f32 $1.562500000e-02, v14;
	_ =	sdelay $0x1  }
0x22a: {  	v15 =	vmul.f32 $1.562500000e-02, v15;
	v58 =	vmul.f32 v14, v14;
	_ =	sdelay $0x1  }
0x22b: {  	v15 =	vsub.f32 v15, v58;
	_ =	sdelay $0x1  }
0x22c: {  	v15 =	vadd.f32 $9.999999930e-09, v15;
	_ =	sdelay $0x1  }
0x22d: {  	v59 =	vshra.s32 v15, $0x1;
	v15 =	vmul.f32 $-5.000000000e-01, v15  }
0x22e: {  	v16 =	vsub.s32 $0x5F3759DF, v59  }
0x22f: {  	v60 =	vmul.f32 v16, v15;
	_ =	sdelay $0x1  }
0x230: {  	v17 =	vmul.f32 v16, v60;
	_ =	sdelay $0x1  }
0x231: {  	v17 =	vadd.f32 $1.500000000e+00, v17;
	_ =	sdelay $0x1  }
0x232: {  	v16 =	vmul.f32 v16, v17;
	_ =	sdelay $0x1  }
0x233: {  	v17 =	vmul.f32 v16, v15;
	_ =	sdelay $0x1  }
0x234: {  	v17 =	vmul.f32 v17, v16;
	_ =	sdelay $0x1  }
0x235: {  	v17 =	vadd.f32 $1.500000000e+00, v17;
	_ =	sdelay $0x1  }
0x236: {  	v16 =	vmul.f32 v17, v16;
	_ =	sdelay $0x1  }
0x237: {  	v15 =	vmul.f32 v16, v15;
	_ =	sdelay $0x1  }
0x238: {  	v15 =	vmul.f32 v15, v16;
	_ =	sdelay $0x1  }
0x239: {  	v15 =	vadd.f32 $1.500000000e+00, v15;
	_ =	sdelay $0x1  }
0x23a: {  	v15 =	vmul.f32 v15, v16;
	_ =	sdelay $0x1  }
0x23b: {  	v4 =	vsub.f32 v4, v14;
	v16 =	vmul.f32 v15, v28  }
0x23c: {  	v5 =	vsub.f32 v5, v14;
	v61 =	vmul.f32 v15, v29  }
0x23d: {  	v12 =	vsub.f32 v46, v14;
	v62 =	vmul.f32 v15, v6;
	v4 =	vmul.f32 v16, v4  }
0x23e: {  	s11 =	sadd.s32 $0x2, s11;
	v13 =	vsub.f32 v47, v14;
	v63 =	vmul.f32 v15, v7;
	v5 =	vmul.f32 v61, v5  }
0x23f: {  	p1 =	slt.u32 s11, $0xC6;
	v12 =	vmul.f32 v62, v12;
	v4 =	vadd.f32 v4, v8  }
.Ltmp1:
0x240: {  	v13 =	vmul.f32 v63, v13;
	v5 =	vadd.f32 v5, v9;
	(pc) =	sbr.rel @p1 .LBB2_4-.Ltmp1, $4  }
0x241: {  	v12 =	vadd.f32 v12, v10;
	[tilespmem:s21+$0xFFFFFFD0] =	vst v4  }
0x242: {  	v4 =	vadd.f32 v13, v11;
	[tilespmem:s21+$0xFFFFFFE0] =	vst v5  }
0x243: {  	[tilespmem:s21+$0xFFFFFFF0] =	vst v12  }
0x244: {  	s14 =	sadd.s32 $0x100, s14;
	s15 =	sadd.s32 $0x80, s15;
	[tilespmem:s21+$0x0] =	vst v4;
	s21 =	sadd.s32 $0x80, s21  }
0x245: {  	s10 =	smul.u32 $0x320, s17;
	_ =	sdelay $0x1  }
0x246: {  	s9 =	sadd.s32 s10, s12  }
0x247: {  	s9 =	sshrl.u32 s9, $0x3  }
0x248: {  	s9 =	sadd.s32 s7, s9  }
0x249: {  	[tilespmem:s5], [sflag:$0x1] =	stream.linear.gather [hbm4b:s9+s5], $0xC8, $0x38;
	[tilespmem:$0x1C700] =	vst v63  }
0x24a: {  	_ =	swait.ge [sflag:s3], $0x2800  }
0x24b: {  	[sflag:s3] =	ssyncset.done $0x0  }
0x24c: {  	[sflag:s3] =	ssyncadd.s32 $0xFFFFD800  }
0x24d: {  	_ =	swait.ge [sflag:s3], $0x2800  }
0x24e: {  	[sflag:s3] =	ssyncset.done $0x0  }
0x24f: {  	[sflag:s3] =	ssyncadd.s32 $0xFFFFD800  }
0x250: {  	_ =	swait.ge [sflag:s3], $0x1400  }
0x251: {  	[sflag:s3] =	ssyncset.done $0x0  }
0x252: {  	[sflag:s3] =	ssyncadd.s32 $0xFFFFEC00  }
0x253: {  	_ =	swait.ge [sflag:s19], $0xC8  }
0x254: {  	[sflag:s19] =	ssyncset.done $0x0  }
0x255: {  	s21 =	simm.s32 $0x200;
	[sflag:s19] =	ssyncadd.s32 $0xFFFFFF38  }
0x256: {  	[tilespmem:s21], [sflag:$0x3] =	stream.indirect.gather [hbm4b:s8+s20], $0x80, s5, s20, $0xb8;
	[tilespmem:$0x1C700] =	vst v63  }
0x257: {  	s16 =	simm.s32 $0xFFFFFFF0  }
0x258: {  	[tilespmem:s22], [sflag:$0x3] =	stream.indirect.gather [hbm4b:s8+s20], $0x80, s20, s20, $0xb8;
	[tilespmem:$0x1C700] =	vst v63  }
0x259: {  	s18 =	simm.s32 $0x19400;
	s11 =	simm.s32 $0xFFF0;
	s9 =	simm.s32 $0x6A00  }
0x25a: {  	[tilespmem:s25], [sflag:$0x3] =	stream.indirect.gather [hbm4b:s8+s23], $0x80, s24, s23, $0xb8;
	[tilespmem:$0x1C700] =	vst v63  }
.LBB2_6:
0x25b: {  	v4 =	vld [tilespmem:s9+$0xFFFFFC00]  }
0x25c: {  	v5 =	vld [tilespmem:s18+$0xFFFFFE00]  }
0x25d: {  	v12 =	vld [tilespmem:s9+$0xFFFFFC10]  }
0x25e: {  	v13 =	vld [tilespmem:s18+$0xFFFFFE10]  }
0x25f: {  	v14 =	vld [tilespmem:s9+$0xFFFFFC20]  }
0x260: {  	v15 =	vld [tilespmem:s18+$0xFFFFFE20]  }
0x261: {  	v16 =	vld [tilespmem:s9+$0xFFFFFC30]  }
0x262: {  	v17 =	vld [tilespmem:s18+$0xFFFFFE30];
	_ =	sdelay $0x3  }
0x263: {  	v4 =	vadd.f32 v5, v4;
	v5 =	vadd.f32 v13, v12  }
0x264: {  	v47 =	vadd.f32 v15, v14;
	v48 =	vadd.f32 v17, v16  }
0x265: {  	v49 =	vadd.f32 v5, v4  }
0x266: {  	v15 =	vadd.f32 v48, v47;
	v50 =	vmul.f32 v4, v4;
	v51 =	vmul.f32 v5, v5  }
0x267: {  	v18 =	vmul.f32 v47, v47;
	v19 =	vmul.f32 v48, v48  }
0x268: {  	v14 =	vadd.f32 v15, v49  }
0x269: {  	v52 =	vadd.f32 v51, v50;
	v53 =	vadd.f32 v19, v18;
	_ =	sdelay $0x1  }
0x26a: {  	v15 =	vadd.f32 v53, v52;
	v54 =	vperm.xlane v14, v0;
	_ =	sdelay $0x1  }
0x26b: {  	v14 =	vadd.f32 v14, v54;
	v55 =	vperm.xlane v15, v0;
	_ =	sdelay $0x1  }
0x26c: {  	v56 =	vperm.xlane v14, v1;
	v15 =	vadd.f32 v55, v15;
	_ =	sdelay $0x1  }
0x26d: {  	v14 =	vadd.f32 v14, v56;
	v16 =	vperm.xlane v15, v1;
	_ =	sdelay $0x1  }
0x26e: {  	v17 =	vperm.xlane v14, v2;
	v15 =	vadd.f32 v16, v15;
	_ =	sdelay $0x1  }
0x26f: {  	v14 =	vadd.f32 v14, v17;
	v16 =	vperm.xlane v15, v2;
	_ =	sdelay $0x1  }
0x270: {  	v17 =	vperm.xlane v14, v3;
	v15 =	vadd.f32 v16, v15;
	_ =	sdelay $0x1  }
0x271: {  	v14 =	vadd.f32 v14, v17;
	v16 =	vperm.xlane v15, v3;
	_ =	sdelay $0x1  }
0x272: {  	v15 =	vadd.f32 v16, v15;
	v14 =	vmul.f32 $1.562500000e-02, v14;
	_ =	sdelay $0x1  }
0x273: {  	v15 =	vmul.f32 $1.562500000e-02, v15;
	v57 =	vmul.f32 v14, v14;
	_ =	sdelay $0x1  }
0x274: {  	v15 =	vsub.f32 v15, v57;
	_ =	sdelay $0x1  }
0x275: {  	v15 =	vadd.f32 $9.999999930e-09, v15;
	_ =	sdelay $0x1  }
0x276: {  	v58 =	vshra.s32 v15, $0x1;
	v15 =	vmul.f32 $-5.000000000e-01, v15  }
0x277: {  	v16 =	vsub.s32 $0x5F3759DF, v58  }
0x278: {  	v59 =	vmul.f32 v16, v15;
	_ =	sdelay $0x1  }
0x279: {  	v17 =	vmul.f32 v16, v59;
	_ =	sdelay $0x1  }
0x27a: {  	v17 =	vadd.f32 $1.500000000e+00, v17;
	_ =	sdelay $0x1  }
0x27b: {  	v16 =	vmul.f32 v16, v17;
	_ =	sdelay $0x1  }
0x27c: {  	v60 =	vld [tilespmem:s9+$0xFFFFFD00];
	v17 =	vmul.f32 v16, v15  }
0x27d: {  	v61 =	vld [tilespmem:s18+$0xFFFFFE80]  }
0x27e: {  	v21 =	vld [tilespmem:s9+$0xFFFFFD10];
	v17 =	vmul.f32 v17, v16  }
0x27f: {  	v22 =	vld [tilespmem:s18+$0xFFFFFE90]  }
0x280: {  	v62 =	vld [tilespmem:s9+$0xFFFFFD20];
	v17 =	vadd.f32 $1.500000000e+00, v17  }
0x281: {  	v23 =	vld [tilespmem:s18+$0xFFFFFEA0]  }
0x282: {  	v24 =	vld [tilespmem:s9+$0xFFFFFD30];
	v16 =	vmul.f32 v17, v16  }
0x283: {  	v25 =	vld [tilespmem:s18+$0xFFFFFEB0]  }
0x284: {  	v15 =	vmul.f32 v16, v15  }
0x285: {  	v20 =	vadd.f32 v61, v60  }
0x286: {  	v19 =	vadd.f32 v22, v21;
	v15 =	vmul.f32 v15, v16  }
0x287: {  	v33 =	vmul.f32 v20, v20;
	v18 =	vadd.f32 v23, v62  }
0x288: {  	v34 =	vmul.f32 v19, v19;
	v26 =	vadd.f32 $1.500000000e+00, v15;
	v15 =	vadd.f32 v25, v24  }
0x289: {  	v63 =	vadd.f32 v19, v20;
	v35 =	vmul.f32 v18, v18  }
0x28a: {  	v22 =	vadd.f32 v34, v33;
	v16 =	vmul.f32 v26, v16;
	v32 =	vadd.f32 v15, v18  }
0x28b: {  	v4 =	vsub.f32 v4, v14;
	v5 =	vsub.f32 v5, v14;
	v25 =	vmul.f32 v15, v15  }
0x28c: {  	v12 =	vsub.f32 v47, v14;
	v26 =	vmul.f32 v16, v28;
	v17 =	vadd.f32 v32, v63  }
0x28d: {  	v36 =	vmul.f32 v16, v29;
	v37 =	vadd.f32 v25, v35;
	v40 =	vmul.f32 v16, v6  }
0x28e: {  	v13 =	vsub.f32 v48, v14;
	v41 =	vmul.f32 v16, v7;
	v4 =	vmul.f32 v26, v4  }
0x28f: {  	v5 =	vmul.f32 v36, v5;
	v38 =	vadd.f32 v37, v22;
	v39 =	vperm.xlane v17, v0  }
0x290: {  	v12 =	vmul.f32 v40, v12;
	v13 =	vmul.f32 v41, v13;
	v4 =	vadd.f32 v4, v8  }
0x291: {  	v42 =	vadd.f32 v17, v39;
	v43 =	vperm.xlane v38, v0;
	v5 =	vadd.f32 v5, v9  }
0x292: {  	v12 =	vadd.f32 v12, v10;
	[tilespmem:s11+$0xFFFFFC10] =	vst v4  }
0x293: {  	v44 =	vperm.xlane v42, v1;
	v17 =	vadd.f32 v43, v38;
	v4 =	vadd.f32 v13, v11;
	[tilespmem:s11+$0xFFFFFC20] =	vst v5  }
0x294: {  	[tilespmem:s11+$0xFFFFFC30] =	vst v12  }
0x295: {  	v5 =	vadd.f32 v42, v44;
	v45 =	vperm.xlane v17, v1;
	[tilespmem:s11+$0xFFFFFC40] =	vst v4  }
0x296: {  	v47 =	vld [tilespmem:s9+$0xFFFFFC80]  }
0x297: {  	v48 =	vld [tilespmem:s18+$0xFFFFFE40];
	v4 =	vperm.xlane v5, v2;
	v46 =	vadd.f32 v45, v17  }
0x298: {  	v49 =	vld [tilespmem:s9+$0xFFFFFC90]  }
0x299: {  	v50 =	vld [tilespmem:s18+$0xFFFFFE50];
	v4 =	vadd.f32 v5, v4;
	v5 =	vperm.xlane v46, v2  }
0x29a: {  	v52 =	vld [tilespmem:s9+$0xFFFFFCA0]  }
0x29b: {  	v53 =	vld [tilespmem:s18+$0xFFFFFE60];
	v51 =	vperm.xlane v4, v3;
	v5 =	vadd.f32 v5, v46  }
0x29c: {  	v54 =	vld [tilespmem:s9+$0xFFFFFCB0]  }
0x29d: {  	v55 =	vld [tilespmem:s18+$0xFFFFFE70];
	v4 =	vadd.f32 v4, v51;
	v12 =	vperm.xlane v5, v3;
	_ =	sdelay $0x1  }
0x29e: {  	v5 =	vadd.f32 v12, v5;
	v4 =	vmul.f32 $1.562500000e-02, v4  }
0x29f: {  	v13 =	vadd.f32 v48, v47  }
0x2a0: {  	v62 =	vld [tilespmem:s18+$0xFFFFFF10];
	v14 =	vadd.f32 v53, v52;
	v5 =	vmul.f32 $1.562500000e-02, v5;
	v56 =	vmul.f32 v4, v4  }
0x2a1: {  	v33 =	vld [tilespmem:s9+$0xFFFFFE30];
	v16 =	vadd.f32 v55, v54;
	v12 =	vadd.f32 v50, v49  }
0x2a2: {  	v57 =	vld [tilespmem:s9+$0xFFFFFE00];
	v5 =	vsub.f32 v5, v56  }
0x2a3: {  	v58 =	vld [tilespmem:s18+$0xFFFFFF00];
	v24 =	vadd.f32 v16, v14;
	v61 =	vmul.f32 v13, v13;
	v27 =	vmul.f32 v12, v12  }
0x2a4: {  	v59 =	vld [tilespmem:s9+$0xFFFFFE10];
	v30 =	vmul.f32 v14, v14;
	v31 =	vmul.f32 v16, v16;
	v5 =	vadd.f32 $9.999999930e-09, v5  }
0x2a5: {  	v29 =	vld [tilespmem:s9+$0xFFFFFE20];
	v60 =	vadd.f32 v12, v13;
	v25 =	vadd.f32 v27, v61  }
0x2a6: {  	v27 =	vadd.f32 v31, v30;
	v30 =	vld [tilespmem:s18+$0xFFFFFF30];
	v28 =	vshra.s32 v5, $0x1;
	v5 =	vmul.f32 $-5.000000000e-01, v5  }
0x2a7: {  	v32 =	vld [tilespmem:s18+$0xFFFFFF20];
	v23 =	vadd.f32 v24, v60;
	v28 =	vsub.s32 $0x5F3759DF, v28  }
0x2a8: {  	v63 =	vmul.f32 v28, v5  }
0x2a9: {  	v31 =	vperm.xlane v23, v0;
	v34 =	vadd.f32 v27, v25  }
0x2aa: {  	v27 =	vadd.f32 v58, v57;
	v25 =	vadd.f32 v62, v59;
	v24 =	vmul.f32 v28, v63  }
0x2ab: {  	v23 =	vadd.f32 v23, v31;
	v35 =	vperm.xlane v34, v0;
	v21 =	vadd.f32 v30, v33  }
0x2ac: {  	v30 =	vmul.f32 v27, v27;
	v31 =	vadd.f32 $1.500000000e+00, v24;
	v24 =	vadd.f32 v32, v29  }
0x2ad: {  	v36 =	vperm.xlane v23, v1;
	v37 =	vadd.f32 v35, v34;
	v40 =	vmul.f32 v21, v21  }
0x2ae: {  	v38 =	vmul.f32 v28, v31;
	v28 =	vadd.f32 v25, v27;
	v29 =	vadd.f32 v21, v24  }
0x2af: {  	v17 =	vadd.f32 v23, v36;
	v31 =	vmul.f32 v25, v25;
	v39 =	vmul.f32 v24, v24  }
0x2b0: {  	v41 =	vperm.xlane v37, v1;
	v42 =	vmul.f32 v38, v5;
	v28 =	vadd.f32 v29, v28  }
0x2b1: {  	v29 =	vadd.f32 v31, v30;
	v23 =	vadd.f32 v40, v39  }
0x2b2: {  	v22 =	vadd.f32 v41, v37;
	v31 =	vperm.xlane v17, v2;
	v30 =	vmul.f32 v42, v38  }
0x2b3: {  	v23 =	vadd.f32 v23, v29;
	v29 =	vperm.xlane v28, v0  }
0x2b4: {  	v43 =	vperm.xlane v22, v2;
	v17 =	vadd.f32 v17, v31;
	v30 =	vadd.f32 $1.500000000e+00, v30  }
0x2b5: {  	v28 =	vadd.f32 v28, v29;
	v29 =	vperm.xlane v23, v0  }
0x2b6: {  	v22 =	vadd.f32 v43, v22;
	v26 =	vmul.f32 v30, v38;
	v30 =	vperm.xlane v17, v3;
	_ =	sdelay $0x1  }
0x2b7: {  	v23 =	vadd.f32 v29, v23;
	v29 =	vperm.xlane v22, v3;
	v17 =	vadd.f32 v17, v30  }
0x2b8: {  	v31 =	vperm.xlane v28, v1;
	v5 =	vmul.f32 v26, v5  }
0x2b9: {  	v30 =	vperm.xlane v23, v1;
	v22 =	vadd.f32 v29, v22;
	v17 =	vmul.f32 $1.562500000e-02, v17  }
0x2ba: {  	v28 =	vadd.f32 v28, v31;
	v5 =	vmul.f32 v5, v26  }
0x2bb: {  	v23 =	vadd.f32 v30, v23;
	v22 =	vmul.f32 $1.562500000e-02, v22;
	v30 =	vmul.f32 v17, v17  }
0x2bc: {  	v45 =	vld [tilespmem:$0x1FFF0]  }
0x2bd: {  	v29 =	vperm.xlane v28, v2;
	v5 =	vadd.f32 $1.500000000e+00, v5;
	v22 =	vsub.f32 v22, v30;
	v30 =	vld [tilespmem:$0x1FFE0];
	_ =	sdelay $0x1  }
0x2be: {  	v28 =	vadd.f32 v28, v29;
	v29 =	vperm.xlane v23, v2;
	v5 =	vmul.f32 v5, v26  }
0x2bf: {  	v19 =	vsub.f32 v19, v4  }
0x2c0: {  	v44 =	vperm.xlane v28, v3;
	v23 =	vadd.f32 v29, v23;
	v32 =	vmul.f32 v5, v45  }
0x2c1: {  	v20 =	vsub.f32 v20, v4;
	v30 =	vmul.f32 v5, v30  }
0x2c2: {  	v46 =	vld [tilespmem:s9+$0xFFFFFF10];
	v26 =	vadd.f32 v28, v44;
	v28 =	vperm.xlane v23, v3;
	v19 =	vmul.f32 v32, v19  }
0x2c3: {  	v47 =	vld [tilespmem:s18+$0xFFFFFF90];
	v18 =	vsub.f32 v18, v4;
	v20 =	vmul.f32 v30, v20;
	v30 =	vmul.f32 v5, v6  }
0x2c4: {  	v4 =	vsub.f32 v15, v4;
	v31 =	vld [tilespmem:s18+$0xFFFFFF80];
	v23 =	vadd.f32 v28, v23;
	v5 =	vmul.f32 v5, v7  }
0x2c5: {  	v29 =	vld [tilespmem:s9+$0xFFFFFF00];
	v28 =	vmul.f32 $1.562500000e-02, v26;
	v19 =	vadd.f32 v19, v9;
	v18 =	vmul.f32 v30, v18  }
0x2c6: {  	v20 =	vadd.f32 v20, v8;
	v30 =	vld [tilespmem:s9+$0xFFFFFF30];
	v4 =	vmul.f32 v5, v4  }
0x2c7: {  	v23 =	vmul.f32 $1.562500000e-02, v23;
	v26 =	vmul.f32 v28, v28;
	[tilespmem:s11+$0xFFFFFCA0] =	vst v19;
	v5 =	vld [tilespmem:s18+$0xFFFFFFB0];
	v18 =	vadd.f32 v18, v10  }
0x2c8: {  	v48 =	vld [tilespmem:s9+$0xFFFFFF20];
	v13 =	vsub.f32 v13, v17;
	[tilespmem:s11+$0xFFFFFC90] =	vst v20;
	v4 =	vadd.f32 v4, v11  }
0x2c9: {  	v49 =	vld [tilespmem:s18+$0xFFFFFFA0];
	v22 =	vadd.f32 $9.999999930e-09, v22;
	v50 =	vsub.f32 v23, v26;
	[tilespmem:s11+$0xFFFFFCB0] =	vst v18  }
0x2ca: {  	v12 =	vsub.f32 v12, v17;
	v32 =	vadd.f32 v31, v29;
	[tilespmem:s11+$0xFFFFFCC0] =	vst v4  }
0x2cb: {  	v51 =	vshra.s32 v22, $0x1;
	v27 =	vsub.f32 v27, v28;
	v52 =	vadd.f32 $9.999999930e-09, v50;
	v54 =	vld [tilespmem:s9+$0xFFFFFD80]  }
0x2cc: {  	v53 =	vsub.s32 $0x5F3759DF, v51;
	v26 =	vadd.f32 v47, v46;
	v15 =	vadd.f32 v5, v30;
	v5 =	vld [tilespmem:s18+$0xFFFFFEC0]  }
0x2cd: {  	v57 =	vmul.f32 v32, v32;
	v55 =	vshra.s32 v52, $0x1;
	v29 =	vmul.f32 $-5.000000000e-01, v52;
	v30 =	vld [tilespmem:s9+$0xFFFFFD90]  }
0x2ce: {  	v19 =	vadd.f32 v49, v48;
	v34 =	vmul.f32 v26, v26;
	v23 =	vsub.s32 $0x5F3759DF, v55;
	v58 =	vld [tilespmem:s18+$0xFFFFFED0]  }
0x2cf: {  	v56 =	vadd.f32 v26, v32;
	v4 =	vmul.f32 $-5.000000000e-01, v22;
	v40 =	vmul.f32 v23, v29;
	v61 =	vld [tilespmem:s9+$0xFFFFFDB0]  }
0x2d0: {  	v36 =	vmul.f32 v19, v19;
	v63 =	vld [tilespmem:s18+$0xFFFFFEF0];
	v31 =	vadd.f32 v15, v19;
	v37 =	vmul.f32 v15, v15  }
0x2d1: {  	v33 =	vadd.f32 v34, v57;
	v39 =	vld [tilespmem:s9+$0xFFFFFDA0];
	v38 =	vmul.f32 v53, v4;
	v62 =	vmul.f32 v23, v40  }
0x2d2: {  	v18 =	vadd.f32 v31, v56;
	v31 =	vld [tilespmem:s18+$0xFFFFFEE0];
	v59 =	vadd.f32 v37, v36  }
0x2d3: {  	v60 =	vmul.f32 v53, v38;
	v38 =	vadd.f32 $1.500000000e+00, v62;
	v22 =	vadd.f32 v5, v54  }
0x2d4: {  	v25 =	vsub.f32 v25, v28;
	v33 =	vadd.f32 v59, v33;
	v43 =	vperm.xlane v18, v0  }
0x2d5: {  	v5 =	vmul.f32 v23, v38;
	v23 =	vadd.f32 v63, v61;
	v45 =	vmul.f32 v22, v22  }
0x2d6: {  	v34 =	vadd.f32 v18, v43;
	v41 =	vperm.xlane v33, v0;
	v18 =	vadd.f32 v58, v30  }
0x2d7: {  	v49 =	vmul.f32 v23, v23;
	v20 =	vadd.f32 v31, v39;
	v31 =	vmul.f32 v5, v29  }
0x2d8: {  	v30 =	vperm.xlane v34, v1;
	v33 =	vadd.f32 v41, v33;
	v35 =	vadd.f32 v18, v22  }
0x2d9: {  	v46 =	vmul.f32 v18, v18;
	v37 =	vadd.f32 v23, v20;
	v31 =	vmul.f32 v31, v5  }
0x2da: {  	v48 =	vmul.f32 v20, v20;
	v30 =	vadd.f32 v34, v30;
	v44 =	vperm.xlane v33, v1  }
0x2db: {  	v38 =	vadd.f32 v46, v45;
	v31 =	vadd.f32 $1.500000000e+00, v31  }
0x2dc: {  	v34 =	vadd.f32 v49, v48;
	v47 =	vperm.xlane v30, v2;
	v33 =	vadd.f32 v44, v33  }
0x2dd: {  	v24 =	vsub.f32 v24, v28;
	v35 =	vadd.f32 v37, v35;
	v5 =	vmul.f32 v31, v5  }
0x2de: {  	v34 =	vadd.f32 v34, v38;
	v30 =	vadd.f32 v30, v47;
	v50 =	vperm.xlane v33, v2  }
0x2df: {  	v36 =	vadd.f32 $1.500000000e+00, v60;
	v31 =	vperm.xlane v35, v0;
	v29 =	vmul.f32 v5, v29  }
0x2e0: {  	v38 =	vperm.xlane v34, v0;
	v51 =	vperm.xlane v30, v3;
	v33 =	vadd.f32 v50, v33  }
0x2e1: {  	v36 =	vmul.f32 v53, v36;
	v31 =	vadd.f32 v35, v31;
	v29 =	vmul.f32 v29, v5  }
0x2e2: {  	v34 =	vadd.f32 v38, v34;
	v30 =	vadd.f32 v30, v51;
	v53 =	vperm.xlane v33, v3  }
0x2e3: {  	v57 =	vld [tilespmem:$0x1FFE0];
	v52 =	vmul.f32 v36, v4;
	v54 =	vperm.xlane v31, v1;
	v29 =	vadd.f32 $1.500000000e+00, v29  }
0x2e4: {  	v62 =	vld [tilespmem:$0x1FFF0];
	v38 =	vperm.xlane v34, v1;
	v35 =	vadd.f32 v53, v33;
	v33 =	vmul.f32 $1.562500000e-02, v30  }
0x2e5: {  	v63 =	vld [tilespmem:s18+$0x30];
	v31 =	vadd.f32 v31, v54;
	v30 =	vmul.f32 v52, v36;
	v5 =	vmul.f32 v29, v5  }
0x2e6: {  	v46 =	vld [tilespmem:s9+$0x30];
	v34 =	vadd.f32 v38, v34;
	v35 =	vmul.f32 $1.562500000e-02, v35;
	v55 =	vmul.f32 v33, v33  }
0x2e7: {  	v21 =	vsub.f32 v21, v28;
	v29 =	vadd.f32 $1.500000000e+00, v30;
	v30 =	vperm.xlane v31, v2  }
0x2e8: {  	v38 =	vmul.f32 v5, v57;
	v60 =	vperm.xlane v34, v2;
	v35 =	vsub.f32 v35, v55  }
0x2e9: {  	v56 =	vld [tilespmem:s9+$0x0];
	v32 =	vsub.f32 v32, v33;
	v41 =	vmul.f32 v5, v62;
	v44 =	vmul.f32 v5, v6  }
0x2ea: {  	v61 =	vld [tilespmem:s18+$0x10];
	v5 =	vmul.f32 v5, v7;
	v59 =	vadd.f32 v31, v30;
	v30 =	vadd.f32 $9.999999930e-09, v35  }
0x2eb: {  	v45 =	vld [tilespmem:s18+$0x20];
	v36 =	vmul.f32 v29, v36;
	v29 =	vadd.f32 v63, v46;
	v27 =	vmul.f32 v38, v27  }
0x2ec: {  	v31 =	vld [tilespmem:s9+$0x10];
	v25 =	vmul.f32 v41, v25;
	v42 =	vshra.s32 v30, $0x1;
	v43 =	vmul.f32 $-5.000000000e-01, v30  }
0x2ed: {  	v24 =	vmul.f32 v44, v24;
	v27 =	vadd.f32 v27, v8;
	v30 =	vld [tilespmem:s9+$0x20];
	v42 =	vsub.s32 $0x5F3759DF, v42  }
0x2ee: {  	v58 =	vld [tilespmem:s18+$0x0];
	v5 =	vmul.f32 v5, v21;
	v25 =	vadd.f32 v25, v9;
	v28 =	vmul.f32 v42, v43  }
0x2ef: {  	v35 =	vadd.f32 v60, v34;
	v24 =	vadd.f32 v24, v10;
	[tilespmem:s11+$0xFFFFFD10] =	vst v27  }
0x2f0: {  	v4 =	vmul.f32 v36, v4;
	v5 =	vadd.f32 v5, v11;
	[tilespmem:s11+$0xFFFFFD20] =	vst v25;
	v34 =	vmul.f32 v42, v28  }
0x2f1: {  	v44 =	vperm.xlane v59, v3;
	v41 =	vmul.f32 v29, v29;
	v31 =	vadd.f32 v61, v31;
	[tilespmem:s11+$0xFFFFFD30] =	vst v24  }
0x2f2: {  	v46 =	vperm.xlane v35, v3;
	[tilespmem:s11+$0xFFFFFD40] =	vst v5;
	v30 =	vadd.f32 v45, v30;
	v21 =	vadd.f32 $1.500000000e+00, v34  }
0x2f3: {  	v25 =	vadd.f32 v59, v44;
	v27 =	vld [tilespmem:s9+$0xFFFFFE80];
	v38 =	vmul.f32 v31, v31;
	v34 =	vadd.f32 v58, v56  }
0x2f4: {  	v48 =	vld [tilespmem:s18+$0xFFFFFF40];
	v24 =	vadd.f32 v46, v35;
	v49 =	vmul.f32 v30, v30;
	v5 =	vmul.f32 v42, v21  }
0x2f5: {  	v50 =	vld [tilespmem:s9+$0xFFFFFE90];
	v28 =	vadd.f32 v29, v30;
	v47 =	vadd.f32 v31, v34;
	v37 =	vmul.f32 v34, v34  }
0x2f6: {  	v51 =	vld [tilespmem:s18+$0xFFFFFF50];
	v25 =	vmul.f32 $1.562500000e-02, v25;
	v52 =	vadd.f32 v41, v49;
	v42 =	vmul.f32 v5, v43  }
0x2f7: {  	v53 =	vld [tilespmem:s9+$0xFFFFFEA0];
	v24 =	vmul.f32 $1.562500000e-02, v24;
	v21 =	vadd.f32 v28, v47;
	v28 =	vadd.f32 v38, v37  }
0x2f8: {  	v26 =	vsub.f32 v26, v33;
	v59 =	vld [tilespmem:s18+$0xFFFFFF70];
	v55 =	vmul.f32 v25, v25;
	v54 =	vmul.f32 v42, v5  }
0x2f9: {  	v19 =	vsub.f32 v19, v33;
	v56 =	vld [tilespmem:s18+$0xFFFFFF60];
	v28 =	vadd.f32 v52, v28;
	v57 =	vperm.xlane v21, v0  }
0x2fa: {  	v4 =	vmul.f32 v4, v36;
	v58 =	vld [tilespmem:s9+$0xFFFFFEB0];
	v24 =	vsub.f32 v24, v55;
	v40 =	vadd.f32 $1.500000000e+00, v54  }
0x2fb: {  	v15 =	vsub.f32 v15, v33;
	v21 =	vadd.f32 v21, v57;
	v60 =	vperm.xlane v28, v0  }
0x2fc: {  	v4 =	vadd.f32 $1.500000000e+00, v4;
	v5 =	vmul.f32 v40, v5;
	v40 =	vadd.f32 $9.999999930e-09, v24  }
0x2fd: {  	v61 =	vperm.xlane v21, v1;
	v37 =	vadd.f32 v60, v28;
	v28 =	vadd.f32 v48, v27  }
0x2fe: {  	v27 =	vadd.f32 v51, v50;
	v24 =	vadd.f32 v56, v53;
	v62 =	vmul.f32 v5, v43  }
0x2ff: {  	v63 =	vadd.f32 v21, v61;
	v47 =	vperm.xlane v37, v1;
	v21 =	vadd.f32 v59, v58  }
0x300: {  	v57 =	vld [tilespmem:$0x1FFE0];
	v48 =	vadd.f32 v27, v28;
	v49 =	vmul.f32 v28, v28;
	v35 =	vmul.f32 v62, v5  }
0x301: {  	v58 =	vld [tilespmem:$0x1FFF0];
	v50 =	vperm.xlane v63, v2;
	v37 =	vadd.f32 v47, v37;
	v54 =	vadd.f32 v21, v24  }
0x302: {  	v51 =	vmul.f32 v27, v27;
	v52 =	vmul.f32 v24, v24;
	v35 =	vadd.f32 $1.500000000e+00, v35  }
0x303: {  	v38 =	vadd.f32 v63, v50;
	v53 =	vperm.xlane v37, v2;
	v41 =	vadd.f32 v54, v48  }
0x304: {  	v45 =	vmul.f32 v21, v21;
	v39 =	vadd.f32 v51, v49;
	v5 =	vmul.f32 v35, v5  }
0x305: {  	v56 =	vperm.xlane v38, v3;
	v37 =	vadd.f32 v53, v37;
	v63 =	vperm.xlane v41, v0  }
0x306: {  	v55 =	vadd.f32 v45, v52;
	v43 =	vmul.f32 v5, v57;
	v44 =	vmul.f32 v5, v58  }
0x307: {  	v38 =	vadd.f32 v38, v56;
	v59 =	vperm.xlane v37, v3;
	v60 =	vmul.f32 v5, v6  }
0x308: {  	v35 =	vadd.f32 v55, v39;
	v5 =	vmul.f32 v5, v7;
	v32 =	vmul.f32 v43, v32  }
0x309: {  	v26 =	vmul.f32 v44, v26;
	v37 =	vadd.f32 v59, v37;
	v38 =	vmul.f32 $1.562500000e-02, v38  }
0x30a: {  	v19 =	vmul.f32 v60, v19;
	v5 =	vmul.f32 v5, v15;
	v32 =	vadd.f32 v32, v8  }
0x30b: {  	v50 =	vld [tilespmem:$0x1FFE0];
	v61 =	vmul.f32 $1.562500000e-02, v37;
	v62 =	vmul.f32 v38, v38;
	v26 =	vadd.f32 v26, v9  }
0x30c: {  	v45 =	vperm.xlane v35, v0;
	v44 =	vadd.f32 v41, v63;
	v19 =	vadd.f32 v19, v10;
	[tilespmem:s11+$0xFFFFFD90] =	vst v32  }
0x30d: {  	v5 =	vadd.f32 v5, v11;
	v43 =	vsub.f32 v61, v62;
	[tilespmem:s11+$0xFFFFFDA0] =	vst v26  }
0x30e: {  	v14 =	vsub.f32 v14, v17;
	v4 =	vmul.f32 v4, v36;
	v35 =	vadd.f32 v45, v35;
	[tilespmem:s11+$0xFFFFFDB0] =	vst v19  }
0x30f: {  	v36 =	vmul.f32 $-5.000000000e-01, v40;
	v55 =	vld [tilespmem:$0x1FFF0];
	v47 =	vperm.xlane v44, v1;
	[tilespmem:s11+$0xFFFFFDC0] =	vst v5;
	v15 =	vadd.f32 $9.999999930e-09, v43  }
0x310: {  	v46 =	vshra.s32 v40, $0x1;
	v33 =	vmul.f32 v4, v50;
	v49 =	vperm.xlane v35, v1;
	v32 =	vld [tilespmem:s9+$0xFFFFFF80]  }
0x311: {  	v48 =	vadd.f32 v44, v47;
	v39 =	vld [tilespmem:s18+$0xFFFFFFC0];
	v5 =	vshra.s32 v15, $0x1;
	v37 =	vmul.f32 $-5.000000000e-01, v15  }
0x312: {  	v50 =	vmul.f32 v4, v6;
	v19 =	vadd.f32 v49, v35;
	v54 =	vld [tilespmem:s9+$0xFFFFFF90];
	v5 =	vsub.s32 $0x5F3759DF, v5  }
0x313: {  	v26 =	vsub.s32 $0x5F3759DF, v46;
	v56 =	vld [tilespmem:s18+$0xFFFFFFD0];
	v53 =	vperm.xlane v48, v2;
	v51 =	vmul.f32 v5, v37  }
0x314: {  	v16 =	vsub.f32 v16, v17;
	v52 =	vmul.f32 v26, v36;
	v58 =	vld [tilespmem:s9+$0xFFFFFFA0];
	v57 =	vperm.xlane v19, v2  }
0x315: {  	v13 =	vmul.f32 v33, v13;
	v59 =	vld [tilespmem:s18+$0xFFFFFFE0];
	v15 =	vadd.f32 v48, v53;
	v40 =	vmul.f32 v5, v51  }
0x316: {  	v14 =	vmul.f32 v50, v14;
	v63 =	vld [tilespmem:s9+$0xFFFFFFB0];
	v41 =	vmul.f32 v26, v52;
	v19 =	vadd.f32 v57, v19  }
0x317: {  	v34 =	vsub.f32 v34, v38;
	v47 =	vld [tilespmem:s18+$0xFFFFFFF0];
	v62 =	vperm.xlane v15, v3;
	v60 =	vadd.f32 $1.500000000e+00, v40  }
0x318: {  	v31 =	vsub.f32 v31, v38;
	v61 =	vadd.f32 $1.500000000e+00, v41;
	v51 =	vperm.xlane v19, v3  }
0x319: {  	v43 =	vmul.f32 v4, v55;
	v15 =	vadd.f32 v15, v62;
	v5 =	vmul.f32 v5, v60  }
0x31a: {  	v32 =	vadd.f32 v39, v32;
	v40 =	vmul.f32 v26, v61;
	v48 =	vadd.f32 v51, v19  }
0x31b: {  	v33 =	vmul.f32 $1.562500000e-02, v15;
	v26 =	vadd.f32 v56, v54;
	v52 =	vmul.f32 v5, v37  }
0x31c: {  	v19 =	vadd.f32 v59, v58;
	v15 =	vadd.f32 v47, v63;
	v53 =	vmul.f32 v40, v36  }
0x31d: {  	v56 =	vmul.f32 $1.562500000e-02, v48;
	v58 =	vadd.f32 v26, v32;
	v54 =	vmul.f32 v52, v5  }
0x31e: {  	v59 =	vadd.f32 v15, v19;
	v60 =	vmul.f32 v32, v32;
	v61 =	vmul.f32 v26, v26  }
0x31f: {  	v63 =	vmul.f32 v19, v19;
	v48 =	vmul.f32 v15, v15;
	v35 =	vadd.f32 $1.500000000e+00, v54  }
0x320: {  	v57 =	vmul.f32 v33, v33;
	v55 =	vmul.f32 v53, v40;
	v62 =	vadd.f32 v59, v58  }
0x321: {  	v42 =	vld [tilespmem:s18+$0x80];
	v50 =	vadd.f32 v61, v60;
	v51 =	vadd.f32 v48, v63;
	v5 =	vmul.f32 v35, v5  }
0x322: {  	v45 =	vld [tilespmem:s9+$0x110];
	v4 =	vmul.f32 v4, v7;
	v49 =	vsub.f32 v56, v57;
	v39 =	vadd.f32 $1.500000000e+00, v55  }
0x323: {  	v44 =	vld [tilespmem:s9+$0x100];
	v52 =	vperm.xlane v62, v0;
	v41 =	vadd.f32 v51, v50;
	v37 =	vmul.f32 v5, v37  }
0x324: {  	v12 =	vmul.f32 v43, v12;
	v48 =	vld [tilespmem:s18+$0x90];
	v39 =	vmul.f32 v39, v40;
	v40 =	vadd.f32 $9.999999930e-09, v49  }
0x325: {  	v57 =	vld [tilespmem:s18+$0xA0];
	v55 =	vperm.xlane v41, v0;
	v35 =	vadd.f32 v62, v52;
	v37 =	vmul.f32 v37, v5  }
0x326: {  	v59 =	vld [tilespmem:$0x1FFE0];
	v36 =	vmul.f32 v39, v36;
	v53 =	vshra.s32 v40, $0x1;
	v40 =	vmul.f32 $-5.000000000e-01, v40  }
0x327: {  	v60 =	vld [tilespmem:s9+$0x130];
	v43 =	vsub.s32 $0x5F3759DF, v53;
	v54 =	vperm.xlane v35, v1;
	v37 =	vadd.f32 $1.500000000e+00, v37  }
0x328: {  	v30 =	vsub.f32 v30, v38;
	v50 =	vld [tilespmem:s9+$0x120];
	v49 =	vmul.f32 v43, v40;
	v36 =	vmul.f32 v36, v39  }
0x329: {  	v16 =	vmul.f32 v4, v16;
	v52 =	vld [tilespmem:s18+$0xB0];
	v35 =	vadd.f32 v35, v54;
	v5 =	vmul.f32 v37, v5  }
0x32a: {  	v56 =	vadd.f32 v55, v41;
	v62 =	vld [tilespmem:$0x1FFF0];
	v58 =	vmul.f32 v43, v49;
	v36 =	vadd.f32 $1.500000000e+00, v36  }
0x32b: {  	v29 =	vsub.f32 v29, v38;
	v61 =	vperm.xlane v35, v2;
	v47 =	vmul.f32 v5, v59  }
0x32c: {  	v51 =	vperm.xlane v56, v1;
	v39 =	vmul.f32 v36, v39;
	v36 =	vadd.f32 v48, v45  }
0x32d: {  	v46 =	vadd.f32 $1.500000000e+00, v58;
	v4 =	vadd.f32 v35, v61;
	v34 =	vmul.f32 v47, v34  }
0x32e: {  	v37 =	vadd.f32 v42, v44;
	v35 =	vadd.f32 v57, v50;
	v58 =	vmul.f32 v36, v36  }
0x32f: {  	v63 =	vmul.f32 v5, v62;
	v47 =	vadd.f32 v34, v8;
	v34 =	vadd.f32 v52, v60  }
0x330: {  	v17 =	vadd.f32 v51, v56;
	v54 =	vmul.f32 v5, v6;
	v57 =	vmul.f32 v37, v37  }
0x331: {  	v55 =	vadd.f32 v36, v37;
	v59 =	vmul.f32 v35, v35;
	v49 =	vmul.f32 v34, v34  }
0x332: {  	v5 =	vmul.f32 v5, v7;
	v31 =	vmul.f32 v63, v31;
	v56 =	vadd.f32 v34, v35  }
0x333: {  	v30 =	vmul.f32 v54, v30;
	v61 =	vadd.f32 v58, v57;
	v62 =	vadd.f32 v49, v59  }
0x334: {  	v63 =	vperm.xlane v17, v2;
	v5 =	vmul.f32 v5, v29;
	v60 =	vadd.f32 v56, v55  }
0x335: {  	v29 =	vadd.f32 v30, v10;
	v30 =	vadd.f32 v62, v61  }
0x336: {  	v17 =	vadd.f32 v63, v17;
	v5 =	vadd.f32 v5, v11;
	v48 =	vperm.xlane v60, v0  }
0x337: {  	[tilespmem:s11+$0xFFFFFE30] =	vst v29;
	v49 =	vperm.xlane v4, v3;
	v50 =	vperm.xlane v30, v0  }
0x338: {  	v31 =	vadd.f32 v31, v9;
	v52 =	vperm.xlane v17, v3;
	[tilespmem:s11+$0xFFFFFE40] =	vst v5;
	v5 =	vld [tilespmem:$0x1FFE0];
	v29 =	vadd.f32 v60, v48  }
0x339: {  	v4 =	vadd.f32 v4, v49;
	v30 =	vadd.f32 v50, v30  }
0x33a: {  	v42 =	vmul.f32 v43, v46;
	v17 =	vadd.f32 v52, v17;
	v53 =	vperm.xlane v29, v1  }
0x33b: {  	v57 =	vld [tilespmem:$0x1FFF0];
	[tilespmem:s11+$0xFFFFFE20] =	vst v31;
	v31 =	vsub.f32 v22, v25;
	v22 =	vmul.f32 $1.562500000e-02, v4;
	v55 =	vperm.xlane v30, v1  }
0x33c: {  	v51 =	vmul.f32 v42, v40;
	v63 =	vld [tilespmem:s18+$0x120];
	[tilespmem:s11+$0xFFFFFE10] =	vst v47;
	v17 =	vmul.f32 $1.562500000e-02, v17;
	v29 =	vadd.f32 v29, v53  }
0x33d: {  	v43 =	vld [tilespmem:s9+$0x80];
	v5 =	vmul.f32 v39, v5;
	v56 =	vmul.f32 v22, v22;
	v30 =	vadd.f32 v55, v30  }
0x33e: {  	v38 =	vmul.f32 v51, v42;
	v54 =	vsub.f32 v18, v25;
	v45 =	vld [tilespmem:s9+$0x90];
	v58 =	vperm.xlane v29, v2  }
0x33f: {  	v46 =	vld [tilespmem:s18+$0x50];
	v18 =	vmul.f32 v5, v31;
	v31 =	vsub.f32 v17, v56;
	v59 =	vperm.xlane v30, v2  }
0x340: {  	v38 =	vadd.f32 $1.500000000e+00, v38;
	v41 =	vld [tilespmem:s9+$0xB0];
	v29 =	vadd.f32 v29, v58  }
0x341: {  	v44 =	vld [tilespmem:s18+$0x70];
	v31 =	vadd.f32 $9.999999930e-09, v31;
	v30 =	vadd.f32 v59, v30  }
0x342: {  	v52 =	vld [tilespmem:s18+$0x100];
	v5 =	vmul.f32 v38, v42;
	v48 =	vperm.xlane v29, v3  }
0x343: {  	v49 =	vld [tilespmem:s9+$0xA0];
	v61 =	vshra.s32 v31, $0x1;
	v42 =	vmul.f32 $-5.000000000e-01, v31;
	v31 =	vperm.xlane v30, v3  }
0x344: {  	v20 =	vsub.f32 v20, v25;
	v4 =	vld [tilespmem:s18+$0x40];
	v40 =	vmul.f32 v5, v40;
	v29 =	vadd.f32 v29, v48  }
0x345: {  	v47 =	vmul.f32 v39, v57;
	v60 =	vmul.f32 v39, v6;
	v38 =	vld [tilespmem:s18+$0x60];
	v30 =	vadd.f32 v31, v30  }
0x346: {  	v23 =	vsub.f32 v23, v25;
	v50 =	vld [tilespmem:s9+$0x200];
	v40 =	vmul.f32 v40, v5;
	v48 =	vmul.f32 $1.562500000e-02, v29  }
0x347: {  	v20 =	vmul.f32 v60, v20;
	v60 =	vsub.f32 v28, v33;
	v28 =	vmul.f32 $1.562500000e-02, v30;
	v30 =	vld [tilespmem:$0x1FFE0]  }
0x348: {  	v13 =	vadd.f32 v13, v8;
	v56 =	vld [tilespmem:s9+$0x220];
	v40 =	vadd.f32 $1.500000000e+00, v40;
	v29 =	vmul.f32 v48, v48  }
0x349: {  	v57 =	vld [tilespmem:s9+$0x230];
	v17 =	vmul.f32 v47, v54;
	v55 =	vmul.f32 v39, v7;
	v51 =	vsub.s32 $0x5F3759DF, v61  }
0x34a: {  	v53 =	vld [tilespmem:s9+$0x210];
	v39 =	vmul.f32 v40, v5;
	v31 =	vadd.f32 v46, v45;
	v61 =	vsub.f32 v28, v29  }
0x34b: {  	v54 =	vld [tilespmem:s18+$0x110];
	v62 =	vmul.f32 v51, v42;
	v29 =	vadd.f32 v38, v49;
	v28 =	vadd.f32 v44, v41  }
0x34c: {  	v44 =	vadd.f32 v52, v50;
	v40 =	vmul.f32 v39, v30;
	v30 =	vadd.f32 v4, v43;
	v4 =	vld [tilespmem:s18+$0x130]  }
0x34d: {  	v23 =	vmul.f32 v55, v23;
	v5 =	vmul.f32 v51, v62;
	v41 =	vadd.f32 v63, v56  }
0x34e: {  	v49 =	vmul.f32 v31, v31;
	v47 =	vadd.f32 v28, v29;
	v52 =	vmul.f32 v44, v44  }
0x34f: {  	v55 =	vmul.f32 v41, v41;
	v62 =	vmul.f32 v28, v28;
	v43 =	vadd.f32 $9.999999930e-09, v61  }
0x350: {  	v25 =	vmul.f32 v40, v60;
	v45 =	vadd.f32 v31, v30;
	v40 =	vadd.f32 v54, v53  }
0x351: {  	v50 =	vmul.f32 $-5.000000000e-01, v43;
	v54 =	vld [tilespmem:s18+$0x180];
	v43 =	vshra.s32 v43, $0x1;
	v38 =	vadd.f32 v4, v57  }
0x352: {  	v60 =	vld [tilespmem:s18+$0x190];
	v43 =	vsub.s32 $0x5F3759DF, v43;
	v53 =	vmul.f32 v40, v40;
	v58 =	vadd.f32 v40, v44  }
0x353: {  	v61 =	vmul.f32 v43, v50;
	v45 =	vadd.f32 v47, v45;
	v4 =	vld [tilespmem:s9+$0x300];
	v56 =	vmul.f32 v38, v38  }
0x354: {  	v46 =	vmul.f32 v30, v30;
	v57 =	vld [tilespmem:s9+$0x310];
	v52 =	vadd.f32 v53, v52;
	v59 =	vadd.f32 v38, v41  }
0x355: {  	v47 =	vmul.f32 v43, v61;
	v61 =	vld [tilespmem:s18+$0x1B0];
	v53 =	vadd.f32 v56, v55;
	v56 =	vmul.f32 v29, v29  }
0x356: {  	v5 =	vadd.f32 $1.500000000e+00, v5;
	v55 =	vld [tilespmem:s9+$0x320];
	v58 =	vadd.f32 v59, v58  }
0x357: {  	v46 =	vadd.f32 v49, v46;
	v59 =	vld [tilespmem:s18+$0x1A0];
	v49 =	vadd.f32 v62, v56  }
0x358: {  	v52 =	vadd.f32 v53, v52;
	v53 =	vld [tilespmem:s9+$0x330];
	v56 =	vperm.xlane v58, v0;
	v62 =	vperm.xlane v45, v0  }
0x359: {  	v5 =	vmul.f32 v51, v5;
	v47 =	vadd.f32 $1.500000000e+00, v47;
	v49 =	vadd.f32 v49, v46  }
0x35a: {  	v63 =	vperm.xlane v52, v0;
	v51 =	vadd.f32 v58, v56;
	v56 =	vadd.f32 v45, v62  }
0x35b: {  	v58 =	vmul.f32 v43, v47;
	v47 =	vadd.f32 v54, v4;
	v46 =	vadd.f32 v60, v57  }
0x35c: {  	v45 =	vadd.f32 v59, v55;
	v52 =	vadd.f32 v63, v52  }
0x35d: {  	v62 =	vperm.xlane v51, v1;
	v4 =	vmul.f32 v58, v50;
	v43 =	vadd.f32 v61, v53  }
0x35e: {  	v54 =	vadd.f32 v46, v47;
	v57 =	vmul.f32 v47, v47;
	v59 =	vmul.f32 v46, v46  }
0x35f: {  	v63 =	vld [tilespmem:$0x1FFF0];
	v51 =	vadd.f32 v51, v62;
	v62 =	vperm.xlane v52, v1;
	v55 =	vadd.f32 v43, v45  }
0x360: {  	v14 =	vadd.f32 v14, v10;
	v53 =	vmul.f32 v45, v45;
	v60 =	vmul.f32 v43, v43  }
0x361: {  	v52 =	vadd.f32 v62, v52;
	v54 =	vadd.f32 v55, v54;
	v55 =	vperm.xlane v51, v2  }
0x362: {  	v57 =	vadd.f32 v59, v57;
	v4 =	vmul.f32 v4, v58;
	v53 =	vadd.f32 v60, v53  }
0x363: {  	v12 =	vadd.f32 v12, v9;
	v51 =	vadd.f32 v51, v55;
	v55 =	vperm.xlane v52, v2  }
0x364: {  	v4 =	vadd.f32 $1.500000000e+00, v4;
	v59 =	vmul.f32 v39, v63;
	v53 =	vadd.f32 v53, v57  }
0x365: {  	v60 =	vmul.f32 v5, v42;
	v57 =	vperm.xlane v54, v0;
	v52 =	vadd.f32 v55, v52  }
0x366: {  	v16 =	vadd.f32 v16, v11;
	v61 =	vperm.xlane v51, v3;
	v62 =	vperm.xlane v53, v0  }
0x367: {  	v4 =	vmul.f32 v4, v58;
	v54 =	vadd.f32 v54, v57;
	v63 =	vperm.xlane v52, v3  }
0x368: {  	v51 =	vadd.f32 v51, v61;
	v53 =	vadd.f32 v62, v53;
	v62 =	vperm.xlane v49, v0  }
0x369: {  	v50 =	vmul.f32 v4, v50;
	v61 =	vperm.xlane v54, v1;
	v52 =	vadd.f32 v63, v52  }
0x36a: {  	v51 =	vmul.f32 $1.562500000e-02, v51;
	v63 =	vperm.xlane v53, v1;
	v49 =	vadd.f32 v62, v49  }
0x36b: {  	v50 =	vmul.f32 v50, v4;
	v54 =	vadd.f32 v54, v61;
	v52 =	vmul.f32 $1.562500000e-02, v52  }
0x36c: {  	v61 =	vmul.f32 v51, v51;
	v53 =	vadd.f32 v63, v53;
	v63 =	vperm.xlane v49, v1  }
0x36d: {  	v58 =	vperm.xlane v56, v1;
	v50 =	vadd.f32 $1.500000000e+00, v50;
	v62 =	vperm.xlane v54, v2  }
0x36e: {  	v60 =	vmul.f32 v60, v5;
	v52 =	vsub.f32 v52, v61;
	v49 =	vadd.f32 v63, v49;
	v63 =	vld [tilespmem:$0x1FFE0]  }
0x36f: {  	v56 =	vadd.f32 v56, v58;
	v54 =	vadd.f32 v54, v62;
	v61 =	vperm.xlane v53, v2  }
0x370: {  	v60 =	vadd.f32 $1.500000000e+00, v60;
	v4 =	vmul.f32 v50, v4;
	v50 =	vadd.f32 $9.999999930e-09, v52  }
0x371: {  	v37 =	vsub.f32 v37, v48;
	v62 =	vperm.xlane v54, v3;
	v53 =	vadd.f32 v61, v53  }
0x372: {  	v55 =	vperm.xlane v56, v2;
	v5 =	vmul.f32 v60, v5;
	v61 =	vshra.s32 v50, $0x1  }
0x373: {  	v52 =	vadd.f32 v54, v62;
	v54 =	vperm.xlane v53, v3;
	v57 =	vmul.f32 v4, v63  }
0x374: {  	v55 =	vadd.f32 v56, v55;
	v50 =	vmul.f32 $-5.000000000e-01, v50;
	v62 =	vld [tilespmem:$0x1FFF0];
	v58 =	vsub.s32 $0x5F3759DF, v61  }
0x375: {  	v61 =	vperm.xlane v49, v2;
	v53 =	vadd.f32 v54, v53;
	v56 =	vmul.f32 v57, v37  }
0x376: {  	v27 =	vsub.f32 v27, v33;
	v57 =	vmul.f32 v58, v50;
	v37 =	vmul.f32 $1.562500000e-02, v52  }
0x377: {  	v36 =	vsub.f32 v36, v48;
	v42 =	vmul.f32 v5, v42;
	v53 =	vmul.f32 $1.562500000e-02, v53  }
0x378: {  	v49 =	vadd.f32 v61, v49;
	v63 =	vmul.f32 v58, v57;
	v61 =	vmul.f32 v37, v37  }
0x379: {  	v35 =	vsub.f32 v35, v48;
	v52 =	vmul.f32 v4, v62;
	v62 =	vmul.f32 v4, v6  }
0x37a: {  	v4 =	vmul.f32 v4, v7;
	v54 =	vadd.f32 $1.500000000e+00, v63;
	v53 =	vsub.f32 v53, v61  }
0x37b: {  	v34 =	vsub.f32 v34, v48;
	v36 =	vmul.f32 v52, v36;
	v52 =	vperm.xlane v55, v3  }
0x37c: {  	v63 =	vadd.f32 v56, v8;
	v48 =	vmul.f32 v58, v54;
	v53 =	vadd.f32 $9.999999930e-09, v53  }
0x37d: {  	v35 =	vmul.f32 v62, v35;
	v4 =	vmul.f32 v4, v34;
	v36 =	vadd.f32 v36, v9  }
0x37e: {  	v57 =	vmul.f32 v48, v50;
	v58 =	vshra.s32 v53, $0x1;
	v53 =	vmul.f32 $-5.000000000e-01, v53  }
0x37f: {  	v61 =	vperm.xlane v49, v3;
	v35 =	vadd.f32 v35, v10;
	[tilespmem:s11+$0xFFFFFE90] =	vst v63;
	v54 =	vsub.s32 $0x5F3759DF, v58  }
0x380: {  	v4 =	vadd.f32 v4, v11;
	[tilespmem:s11+$0xFFFFFEA0] =	vst v36;
	v34 =	vmul.f32 v57, v48;
	v62 =	vmul.f32 v54, v53  }
0x381: {  	v32 =	vsub.f32 v32, v22;
	v42 =	vmul.f32 v42, v5;
	v52 =	vadd.f32 v55, v52;
	[tilespmem:s11+$0xFFFFFEB0] =	vst v35  }
0x382: {  	v63 =	vadd.f32 v61, v49;
	[tilespmem:s11+$0xFFFFFEC0] =	vst v4;
	v4 =	vadd.f32 $1.500000000e+00, v34;
	v35 =	vmul.f32 v54, v62  }
0x383: {  	v36 =	vmul.f32 $1.562500000e-02, v52;
	v58 =	vsub.f32 v24, v33;
	v60 =	vld [tilespmem:s9+$0x1A0];
	v24 =	vmul.f32 v59, v27  }
0x384: {  	v59 =	vld [tilespmem:s18+$0xE0];
	v57 =	vmul.f32 v39, v6;
	v4 =	vmul.f32 v4, v48;
	v35 =	vadd.f32 $1.500000000e+00, v35  }
0x385: {  	v19 =	vsub.f32 v19, v22;
	v49 =	vld [tilespmem:s9+$0x180];
	v34 =	vmul.f32 $1.562500000e-02, v63;
	v48 =	vmul.f32 v36, v36  }
0x386: {  	v15 =	vsub.f32 v15, v22;
	v55 =	vld [tilespmem:s9+$0x190];
	v50 =	vmul.f32 v4, v50;
	v54 =	vmul.f32 v54, v35  }
0x387: {  	v20 =	vadd.f32 v20, v10;
	v42 =	vadd.f32 $1.500000000e+00, v42;
	v56 =	vld [tilespmem:s18+$0xD0];
	v27 =	vmul.f32 v57, v58  }
0x388: {  	v52 =	vld [tilespmem:s18+$0xC0];
	v34 =	vsub.f32 v34, v48;
	v35 =	vmul.f32 v50, v4;
	v57 =	vmul.f32 v54, v53  }
0x389: {  	v61 =	vld [tilespmem:s18+$0xF0];
	v62 =	vsub.f32 v21, v33;
	v33 =	vadd.f32 v59, v60;
	v48 =	vmul.f32 v42, v5  }
0x38a: {  	v59 =	vld [tilespmem:$0x1FFF0];
	v58 =	vadd.f32 $9.999999930e-09, v34;
	v34 =	vadd.f32 $1.500000000e+00, v35;
	v5 =	vmul.f32 v57, v54  }
0x38b: {  	v44 =	vsub.f32 v44, v51;
	v40 =	vsub.f32 v40, v51;
	v50 =	vld [tilespmem:s9+$0x1B0]  }
0x38c: {  	v4 =	vmul.f32 v34, v4;
	v34 =	vadd.f32 v56, v55;
	v5 =	vadd.f32 $1.500000000e+00, v5;
	v56 =	vld [tilespmem:$0x1FFE0]  }
0x38d: {  	v41 =	vsub.f32 v41, v51;
	v38 =	vsub.f32 v38, v51  }
0x38e: {  	v47 =	vsub.f32 v47, v37;
	v46 =	vsub.f32 v46, v37;
	v5 =	vmul.f32 v5, v54  }
0x38f: {  	v39 =	vmul.f32 v39, v7;
	v35 =	vadd.f32 v52, v49;
	v49 =	vmul.f32 v4, v59  }
0x390: {  	v42 =	vshra.s32 v58, $0x1;
	v60 =	vmul.f32 v4, v6;
	v53 =	vmul.f32 v5, v53  }
0x391: {  	v21 =	vadd.f32 v61, v50;
	v40 =	vmul.f32 v49, v40;
	v57 =	vmul.f32 v4, v56  }
0x392: {  	v50 =	vadd.f32 v34, v35;
	v41 =	vmul.f32 v60, v41;
	v4 =	vmul.f32 v4, v7  }
0x393: {  	v61 =	vmul.f32 v53, v5;
	v40 =	vadd.f32 v40, v9;
	v44 =	vmul.f32 v57, v44  }
0x394: {  	v63 =	vadd.f32 v21, v33;
	v60 =	vld [tilespmem:$0x1FFE0];
	v56 =	vadd.f32 v41, v10;
	v4 =	vmul.f32 v4, v38  }
0x395: {  	v59 =	vmul.f32 v34, v34;
	v57 =	vadd.f32 $1.500000000e+00, v61;
	[tilespmem:s11+$0xFFFFFF20] =	vst v40;
	v44 =	vadd.f32 v44, v8  }
0x396: {  	v49 =	vmul.f32 $-5.000000000e-01, v58;
	v38 =	vadd.f32 v63, v50;
	[tilespmem:s11+$0xFFFFFF30] =	vst v56;
	v61 =	vld [tilespmem:$0x1FFF0];
	v4 =	vadd.f32 v4, v11  }
0x397: {  	v42 =	vsub.s32 $0x5F3759DF, v42;
	v58 =	vmul.f32 v35, v35;
	v5 =	vmul.f32 v57, v5;
	[tilespmem:s11+$0xFFFFFF10] =	vst v44  }
0x398: {  	v45 =	vsub.f32 v45, v37;
	v40 =	vmul.f32 v42, v49;
	v52 =	vperm.xlane v38, v0;
	[tilespmem:s11+$0xFFFFFF40] =	vst v4  }
0x399: {  	v37 =	vsub.f32 v43, v37;
	v44 =	vmul.f32 v33, v33;
	v50 =	vld [tilespmem:s9+$0x280];
	v51 =	vmul.f32 v5, v60  }
0x39a: {  	v30 =	vsub.f32 v30, v36;
	v4 =	vmul.f32 v21, v21;
	v53 =	vld [tilespmem:s18+$0x140];
	v63 =	vmul.f32 v5, v6  }
0x39b: {  	v41 =	vadd.f32 v59, v58;
	v55 =	vld [tilespmem:s9+$0x290];
	v54 =	vmul.f32 v5, v61;
	v47 =	vmul.f32 v51, v47  }
0x39c: {  	v38 =	vadd.f32 v38, v52;
	v56 =	vld [tilespmem:s18+$0x150];
	v5 =	vmul.f32 v5, v7;
	v45 =	vmul.f32 v63, v45  }
0x39d: {  	v60 =	vld [tilespmem:$0x1FFE0];
	v4 =	vadd.f32 v4, v44;
	v46 =	vmul.f32 v54, v46;
	v57 =	vadd.f32 v47, v8  }
0x39e: {  	v58 =	vmul.f32 v42, v40;
	v44 =	vld [tilespmem:s9+$0x2A0];
	v5 =	vmul.f32 v5, v37;
	v59 =	vadd.f32 v45, v10  }
0x39f: {  	v63 =	vperm.xlane v38, v1;
	v4 =	vadd.f32 v4, v41;
	v41 =	vld [tilespmem:s9+$0x2B0];
	v46 =	vadd.f32 v46, v9;
	[tilespmem:s11+$0xFFFFFF90] =	vst v57  }
0x3a0: {  	v43 =	vmul.f32 v39, v62;
	v37 =	vadd.f32 $1.500000000e+00, v58;
	v47 =	vld [tilespmem:s18+$0x160];
	v5 =	vadd.f32 v5, v11;
	[tilespmem:s11+$0xFFFFFFB0] =	vst v59  }
0x3a1: {  	v45 =	vsub.f32 v26, v22;
	v58 =	vperm.xlane v4, v0;
	v57 =	vld [tilespmem:s18+$0x170];
	v59 =	vadd.f32 v38, v63;
	[tilespmem:s11+$0xFFFFFFA0] =	vst v46  }
0x3a2: {  	v61 =	vmul.f32 v48, v60;
	v26 =	vadd.f32 v56, v55;
	v38 =	vadd.f32 v53, v50;
	[tilespmem:s11+$0xFFFFFFC0] =	vst v5;
	v5 =	vld [tilespmem:$0x1FFF0]  }
0x3a3: {  	v51 =	vmul.f32 v42, v37;
	v4 =	vadd.f32 v58, v4;
	v39 =	vld [tilespmem:s9+$0x380];
	v60 =	vperm.xlane v59, v2  }
0x3a4: {  	v40 =	vmul.f32 v61, v32;
	v55 =	vmul.f32 v26, v26;
	v50 =	vld [tilespmem:s18+$0x1C0];
	v46 =	vadd.f32 v26, v38  }
0x3a5: {  	v62 =	vmul.f32 v38, v38;
	v56 =	vld [tilespmem:s9+$0x3A0];
	v61 =	vperm.xlane v4, v1;
	v42 =	vadd.f32 v59, v60  }
0x3a6: {  	v32 =	vadd.f32 v47, v44;
	v47 =	vld [tilespmem:s18+$0x1D0];
	v37 =	vadd.f32 v57, v41  }
0x3a7: {  	v59 =	vld [tilespmem:s18+$0x1E0];
	v54 =	vadd.f32 v55, v62;
	v4 =	vadd.f32 v61, v4;
	v61 =	vperm.xlane v42, v3  }
0x3a8: {  	v41 =	vld [tilespmem:s9+$0x390];
	v63 =	vmul.f32 v32, v32;
	v52 =	vadd.f32 v37, v32;
	v60 =	vmul.f32 v37, v37  }
0x3a9: {  	v57 =	vld [tilespmem:s18+$0x1F0];
	v5 =	vmul.f32 v48, v5;
	v58 =	vadd.f32 v42, v61;
	v42 =	vperm.xlane v4, v2  }
0x3aa: {  	v46 =	vadd.f32 v52, v46;
	v52 =	vld [tilespmem:s9+$0x3B0];
	v55 =	vadd.f32 v60, v63  }
0x3ab: {  	v53 =	vmul.f32 v51, v49;
	v44 =	vmul.f32 v5, v45;
	v4 =	vadd.f32 v42, v4  }
0x3ac: {  	v63 =	vmul.f32 v48, v6;
	v42 =	vadd.f32 v50, v39;
	v62 =	vadd.f32 v55, v54  }
0x3ad: {  	v41 =	vadd.f32 v47, v41;
	v39 =	vadd.f32 v59, v56;
	v60 =	vperm.xlane v46, v0  }
0x3ae: {  	v31 =	vsub.f32 v31, v36;
	v45 =	vmul.f32 v63, v19;
	v54 =	vperm.xlane v62, v0  }
0x3af: {  	v63 =	vmul.f32 v41, v41;
	v47 =	vmul.f32 v39, v39;
	v19 =	vadd.f32 v57, v52  }
0x3b0: {  	v46 =	vadd.f32 v46, v60;
	v50 =	vadd.f32 v54, v62;
	v54 =	vmul.f32 v42, v42  }
0x3b1: {  	v52 =	vadd.f32 v41, v42;
	v62 =	vadd.f32 v19, v39;
	v60 =	vmul.f32 v19, v19  }
0x3b2: {  	v53 =	vmul.f32 v53, v51;
	v61 =	vperm.xlane v46, v1;
	v63 =	vadd.f32 v63, v54  }
0x3b3: {  	v52 =	vadd.f32 v62, v52;
	v62 =	vperm.xlane v50, v1;
	v47 =	vadd.f32 v60, v47  }
0x3b4: {  	v5 =	vadd.f32 $1.500000000e+00, v53;
	v46 =	vadd.f32 v46, v61;
	v61 =	vperm.xlane v4, v3  }
0x3b5: {  	v53 =	vadd.f32 v62, v50;
	v47 =	vadd.f32 v47, v63;
	v60 =	vperm.xlane v52, v0  }
0x3b6: {  	v5 =	vmul.f32 v5, v51;
	v4 =	vadd.f32 v61, v4;
	v59 =	vperm.xlane v46, v2  }
0x3b7: {  	v61 =	vperm.xlane v53, v2;
	v51 =	vadd.f32 v52, v60;
	v63 =	vperm.xlane v47, v0  }
0x3b8: {  	v50 =	vmul.f32 $1.562500000e-02, v58;
	v4 =	vmul.f32 $1.562500000e-02, v4;
	v46 =	vadd.f32 v46, v59  }
0x3b9: {  	v53 =	vadd.f32 v61, v53;
	v61 =	vperm.xlane v51, v1;
	v52 =	vadd.f32 v63, v47  }
0x3ba: {  	v29 =	vsub.f32 v29, v36;
	v62 =	vmul.f32 v50, v50;
	v60 =	vperm.xlane v46, v3  }
0x3bb: {  	v28 =	vsub.f32 v28, v36;
	v51 =	vadd.f32 v51, v61;
	v57 =	vperm.xlane v52, v1  }
0x3bc: {  	v49 =	vmul.f32 v5, v49;
	v4 =	vsub.f32 v4, v62;
	v46 =	vadd.f32 v46, v60  }
0x3bd: {  	v63 =	vperm.xlane v53, v3;
	v59 =	vperm.xlane v51, v2;
	v52 =	vadd.f32 v57, v52  }
0x3be: {  	v62 =	vmul.f32 v49, v5;
	v4 =	vadd.f32 $9.999999930e-09, v4;
	v47 =	vmul.f32 $1.562500000e-02, v46  }
0x3bf: {  	v49 =	vadd.f32 v63, v53;
	v46 =	vadd.f32 v51, v59;
	v61 =	vperm.xlane v52, v2  }
0x3c0: {  	v53 =	vmul.f32 $-5.000000000e-01, v4;
	v4 =	vshra.s32 v4, $0x1;
	v60 =	vmul.f32 v47, v47  }
0x3c1: {  	v4 =	vsub.s32 $0x5F3759DF, v4;
	v59 =	vld [tilespmem:$0x1FFE0];
	v63 =	vperm.xlane v46, v3;
	v51 =	vadd.f32 v61, v52  }
0x3c2: {  	v58 =	vadd.f32 $1.500000000e+00, v62;
	v49 =	vmul.f32 $1.562500000e-02, v49;
	v62 =	vmul.f32 v4, v53  }
0x3c3: {  	v48 =	vmul.f32 v48, v7;
	v46 =	vadd.f32 v46, v63;
	v61 =	vperm.xlane v51, v3  }
0x3c4: {  	v5 =	vmul.f32 v58, v5;
	v49 =	vsub.f32 v49, v60;
	v55 =	vmul.f32 v4, v62  }
0x3c5: {  	v15 =	vmul.f32 v48, v15;
	v60 =	vld [tilespmem:$0x1FFF0];
	v51 =	vadd.f32 v61, v51;
	v46 =	vmul.f32 $1.562500000e-02, v46  }
0x3c6: {  	v49 =	vadd.f32 $9.999999930e-09, v49;
	v55 =	vadd.f32 $1.500000000e+00, v55;
	v52 =	vmul.f32 v5, v59  }
0x3c7: {  	v43 =	vadd.f32 v43, v11;
	v51 =	vmul.f32 $1.562500000e-02, v51;
	v58 =	vmul.f32 v46, v46  }
0x3c8: {  	v62 =	vshra.s32 v49, $0x1;
	v49 =	vmul.f32 $-5.000000000e-01, v49;
	v4 =	vmul.f32 v4, v55  }
0x3c9: {  	v61 =	vmul.f32 v5, v6;
	v57 =	vsub.s32 $0x5F3759DF, v62;
	v59 =	vsub.f32 v51, v58  }
0x3ca: {  	v15 =	vadd.f32 v15, v11;
	v56 =	vmul.f32 v5, v60;
	v63 =	vmul.f32 v57, v49  }
0x3cb: {  	v30 =	vmul.f32 v52, v30;
	v55 =	vmul.f32 v4, v53;
	v48 =	vadd.f32 $9.999999930e-09, v59  }
0x3cc: {  	v21 =	vsub.f32 v21, v50;
	v5 =	vmul.f32 v5, v7;
	v22 =	vmul.f32 v57, v63  }
0x3cd: {  	v60 =	vmul.f32 v55, v4;
	v62 =	vshra.s32 v48, $0x1;
	v48 =	vmul.f32 $-5.000000000e-01, v48  }
0x3ce: {  	v29 =	vmul.f32 v61, v29;
	v22 =	vadd.f32 $1.500000000e+00, v22;
	v52 =	vsub.s32 $0x5F3759DF, v62  }
0x3cf: {  	v31 =	vmul.f32 v56, v31;
	v51 =	vadd.f32 $1.500000000e+00, v60;
	v56 =	vmul.f32 v52, v48  }
0x3d0: {  	v61 =	vadd.f32 v23, v11;
	v5 =	vmul.f32 v5, v28;
	v22 =	vmul.f32 v57, v22  }
0x3d1: {  	[tilespmem:s11+$0xFFFFFC50] =	vst v13;
	v55 =	vsub.f32 v34, v50;
	v4 =	vmul.f32 v51, v4;
	v36 =	vmul.f32 v52, v56  }
0x3d2: {  	[tilespmem:s11+$0xFFFFFD00] =	vst v61;
	v61 =	vadd.f32 v40, v8;
	v40 =	vsub.f32 v38, v47;
	v63 =	vmul.f32 v22, v49  }
0x3d3: {  	[tilespmem:s11+$0xFFFFFC70] =	vst v14;
	v34 =	vadd.f32 v31, v9;
	v53 =	vmul.f32 v4, v53;
	v60 =	vadd.f32 $1.500000000e+00, v36  }
0x3d4: {  	[tilespmem:s11+$0xFFFFFC80] =	vst v16;
	v5 =	vadd.f32 v5, v11;
	v59 =	vadd.f32 v17, v9;
	v51 =	vmul.f32 v63, v22  }
0x3d5: {  	[tilespmem:s11+$0xFFFFFDD0] =	vst v61;
	v61 =	vsub.f32 v19, v46;
	v58 =	vmul.f32 v53, v4;
	v16 =	vmul.f32 v52, v60  }
0x3d6: {  	[tilespmem:s11+$0xFFFFFC60] =	vst v12;
	v28 =	vld [tilespmem:$0x1FFE0];
	v57 =	vadd.f32 v18, v8;
	v51 =	vadd.f32 $1.500000000e+00, v51  }
0x3d7: {  	[tilespmem:s11+$0xFFFFFCF0] =	vst v20;
	v18 =	vadd.f32 $1.500000000e+00, v58;
	v36 =	vadd.f32 v27, v10;
	v27 =	vld [tilespmem:$0x1FFF0];
	v52 =	vmul.f32 v16, v48  }
0x3d8: {  	[tilespmem:s11+$0xFFFFFD80] =	vst v43;
	v62 =	vadd.f32 v25, v8;
	v25 =	vadd.f32 v45, v10;
	v14 =	vmul.f32 v51, v22  }
0x3d9: {  	[tilespmem:s11+$0xFFFFFE00] =	vst v15;
	v63 =	vadd.f32 v24, v9;
	v4 =	vmul.f32 v18, v4;
	v24 =	vmul.f32 v52, v16  }
0x3da: {  	[tilespmem:s11+$0xFFFFFE60] =	vst v34;
	v45 =	vsub.f32 v32, v47;
	v53 =	vsub.f32 v35, v50;
	v51 =	vmul.f32 v14, v49  }
0x3db: {  	[tilespmem:s11+$0xFFFFFCD0] =	vst v57;
	v54 =	vmul.f32 v4, v28;
	v57 =	vmul.f32 v4, v6;
	v60 =	vadd.f32 $1.500000000e+00, v24  }
0x3dc: {  	[tilespmem:s11+$0xFFFFFE80] =	vst v5;
	v56 =	vsub.f32 v33, v50;
	v27 =	vmul.f32 v4, v27;
	v4 =	vmul.f32 v4, v7  }
0x3dd: {  	v33 =	vadd.f32 v30, v8;
	[tilespmem:s11+$0xFFFFFD60] =	vst v63;
	v18 =	vmul.f32 v51, v14;
	v63 =	vmul.f32 v60, v16  }
0x3de: {  	[tilespmem:s11+$0xFFFFFD70] =	vst v36;
	v36 =	vadd.f32 v29, v10;
	v20 =	vmul.f32 v54, v53;
	v22 =	vmul.f32 v57, v56  }
0x3df: {  	[tilespmem:s11+$0xFFFFFCE0] =	vst v59;
	v29 =	vld [tilespmem:$0x1FFF0];
	v54 =	vsub.f32 v42, v46;
	v59 =	vadd.f32 $1.500000000e+00, v18;
	v35 =	vmul.f32 v63, v48  }
0x3e0: {  	[tilespmem:s11+$0xFFFFFD50] =	vst v62;
	v56 =	vsub.f32 v41, v46;
	v58 =	vmul.f32 v27, v55;
	v24 =	vadd.f32 v44, v9  }
0x3e1: {  	[tilespmem:s11+$0xFFFFFDF0] =	vst v25;
	v44 =	vsub.f32 v26, v47;
	v62 =	vmul.f32 v59, v14;
	v23 =	vmul.f32 v35, v63  }
0x3e2: {  	[tilespmem:s11+$0xFFFFFE50] =	vst v33;
	v4 =	vmul.f32 v4, v21;
	v20 =	vadd.f32 v20, v8;
	v5 =	vadd.f32 v22, v10  }
0x3e3: {  	[tilespmem:s11+$0xFFFFFE70] =	vst v36;
	v13 =	vadd.f32 v58, v9;
	v43 =	vmul.f32 v62, v28;
	v50 =	vadd.f32 $1.500000000e+00, v23  }
0x3e4: {  	v4 =	vadd.f32 v4, v11;
	[tilespmem:s11+$0xFFFFFDE0] =	vst v24;
	v49 =	vmul.f32 v62, v29;
	v52 =	vmul.f32 v62, v6  }
0x3e5: {  	[tilespmem:s11+$0xFFFFFED0] =	vst v20;
	v59 =	vsub.f32 v39, v46;
	v15 =	vmul.f32 v43, v40;
	v14 =	vmul.f32 v50, v63  }
0x3e6: {  	[tilespmem:s11+$0xFFFFFEF0] =	vst v5;
	v48 =	vsub.f32 v37, v47;
	v12 =	vmul.f32 v62, v7;
	v51 =	vmul.f32 v49, v44  }
0x3e7: {  	[tilespmem:s11+$0xFFFFFEE0] =	vst v13;
	v53 =	vmul.f32 v52, v45;
	v15 =	vadd.f32 v15, v8;
	v55 =	vmul.f32 v14, v28  }
0x3e8: {  	[tilespmem:s11+$0xFFFFFF00] =	vst v4;
	v5 =	vmul.f32 v12, v48;
	v58 =	vadd.f32 v51, v9;
	v57 =	vmul.f32 v14, v29  }
0x3e9: {  	v13 =	vadd.f32 v53, v10;
	[tilespmem:s11+$0xFFFFFF50] =	vst v15;
	v60 =	vmul.f32 v14, v6;
	v4 =	vmul.f32 v55, v54  }
0x3ea: {  	s16 =	sadd.s32 $0x10, s16;
	v5 =	vadd.f32 v5, v11;
	[tilespmem:s11+$0xFFFFFF60] =	vst v58;
	v14 =	vmul.f32 v14, v7;
	v12 =	vmul.f32 v57, v56  }
0x3eb: {  	p1 =	slt.u32 s16, $0xB0;
	[tilespmem:s11+$0xFFFFFF70] =	vst v13;
	v62 =	vmul.f32 v60, v59;
	v4 =	vadd.f32 v4, v8  }
.Ltmp2:
0x3ec: {  	[tilespmem:s11+$0xFFFFFF80] =	vst v5;
	v63 =	vmul.f32 v14, v61;
	v5 =	vadd.f32 v12, v9;
	(pc) =	sbr.rel @p1 .LBB2_6-.Ltmp2, $4  }
0x3ed: {  	v13 =	vadd.f32 v62, v10;
	[tilespmem:s11+$0xFFFFFFD0] =	vst v4  }
0x3ee: {  	v4 =	vadd.f32 v63, v11;
	[tilespmem:s11+$0xFFFFFFE0] =	vst v5  }
0x3ef: {  	s14 =	simm.s32 $0xBE;
	s15 =	simm.s32 $0x0;
	s21 =	simm.s32 $0xC600;
	[tilespmem:s11+$0xFFFFFFF0] =	vst v13  }
0x3f0: {  	s18 =	sadd.s32 $0x400, s18;
	s9 =	sadd.s32 $0x800, s9;
	[tilespmem:s11+$0x0] =	vst v4;
	s11 =	sadd.s32 $0x400, s11  }
.LBB2_7:
0x3f1: {  	v4 =	vld [tilespmem:s21+$0x0]  }
0x3f2: {  	v12 =	vld [tilespmem:s21+$0x10]  }
0x3f3: {  	v14 =	vld [tilespmem:s21+$0x20]  }
0x3f4: {  	s9 =	sshra.s32 s15, $0x2;
	v16 =	vld [tilespmem:s21+$0x30]  }
0x3f5: {  	v5 =	vld [tilespmem:s9+$0x1C200]  }
0x3f6: {  	v13 =	vld [tilespmem:s9+$0x1C210]  }
0x3f7: {  	v15 =	vld [tilespmem:s9+$0x1C220]  }
0x3f8: {  	v17 =	vld [tilespmem:s9+$0x1C230];
	_ =	sdelay $0x3  }
0x3f9: {  	v4 =	vadd.f32 v5, v4;
	v5 =	vadd.f32 v13, v12  }
0x3fa: {  	v63 =	vadd.f32 v15, v14;
	v21 =	vadd.f32 v17, v16  }
0x3fb: {  	v22 =	vadd.f32 v5, v4  }
0x3fc: {  	v15 =	vadd.f32 v21, v63;
	v23 =	vmul.f32 v4, v4;
	v24 =	vmul.f32 v5, v5  }
0x3fd: {  	v18 =	vmul.f32 v63, v63;
	v19 =	vmul.f32 v21, v21  }
0x3fe: {  	v14 =	vadd.f32 v15, v22  }
0x3ff: {  	v25 =	vadd.f32 v24, v23;
	v26 =	vadd.f32 v19, v18;
	_ =	sdelay $0x1  }
0x400: {  	v15 =	vadd.f32 v26, v25;
	v32 =	vperm.xlane v14, v0;
	_ =	sdelay $0x1  }
0x401: {  	v14 =	vadd.f32 v14, v32;
	v33 =	vperm.xlane v15, v0;
	_ =	sdelay $0x1  }
0x402: {  	v34 =	vperm.xlane v14, v1;
	v15 =	vadd.f32 v33, v15;
	_ =	sdelay $0x1  }
0x403: {  	v14 =	vadd.f32 v14, v34;
	v16 =	vperm.xlane v15, v1;
	_ =	sdelay $0x1  }
0x404: {  	v17 =	vperm.xlane v14, v2;
	v15 =	vadd.f32 v16, v15;
	_ =	sdelay $0x1  }
0x405: {  	v14 =	vadd.f32 v14, v17;
	v16 =	vperm.xlane v15, v2;
	_ =	sdelay $0x1  }
0x406: {  	v17 =	vperm.xlane v14, v3;
	v15 =	vadd.f32 v16, v15;
	_ =	sdelay $0x1  }
0x407: {  	v14 =	vadd.f32 v14, v17;
	v16 =	vperm.xlane v15, v3;
	_ =	sdelay $0x1  }
0x408: {  	v15 =	vadd.f32 v16, v15;
	v14 =	vmul.f32 $1.562500000e-02, v14;
	_ =	sdelay $0x1  }
0x409: {  	v15 =	vmul.f32 $1.562500000e-02, v15;
	v35 =	vmul.f32 v14, v14;
	_ =	sdelay $0x1  }
0x40a: {  	v15 =	vsub.f32 v15, v35;
	_ =	sdelay $0x1  }
0x40b: {  	v15 =	vadd.f32 $9.999999930e-09, v15;
	_ =	sdelay $0x1  }
0x40c: {  	v36 =	vshra.s32 v15, $0x1;
	v15 =	vmul.f32 $-5.000000000e-01, v15  }
0x40d: {  	v16 =	vsub.s32 $0x5F3759DF, v36  }
0x40e: {  	v37 =	vmul.f32 v16, v15;
	_ =	sdelay $0x1  }
0x40f: {  	v17 =	vmul.f32 v16, v37;
	_ =	sdelay $0x1  }
0x410: {  	v17 =	vadd.f32 $1.500000000e+00, v17;
	_ =	sdelay $0x1  }
0x411: {  	v16 =	vmul.f32 v16, v17;
	_ =	sdelay $0x1  }
0x412: {  	v17 =	vmul.f32 v16, v15;
	_ =	sdelay $0x1  }
0x413: {  	v17 =	vmul.f32 v17, v16;
	_ =	sdelay $0x1  }
0x414: {  	v17 =	vadd.f32 $1.500000000e+00, v17;
	_ =	sdelay $0x1  }
0x415: {  	v16 =	vmul.f32 v17, v16;
	_ =	sdelay $0x1  }
0x416: {  	v15 =	vmul.f32 v16, v15;
	_ =	sdelay $0x1  }
0x417: {  	v15 =	vmul.f32 v15, v16;
	_ =	sdelay $0x1  }
0x418: {  	v15 =	vadd.f32 $1.500000000e+00, v15;
	_ =	sdelay $0x1  }
0x419: {  	v15 =	vmul.f32 v15, v16;
	_ =	sdelay $0x1  }
0x41a: {  	v4 =	vsub.f32 v4, v14;
	v16 =	vmul.f32 v15, v28  }
0x41b: {  	v5 =	vsub.f32 v5, v14;
	v38 =	vmul.f32 v15, v29  }
0x41c: {  	v12 =	vsub.f32 v63, v14;
	v39 =	vmul.f32 v15, v6;
	v4 =	vmul.f32 v16, v4  }
0x41d: {  	v13 =	vsub.f32 v21, v14;
	v40 =	vmul.f32 v15, v7;
	v5 =	vmul.f32 v38, v5  }
0x41e: {  	v12 =	vmul.f32 v39, v12;
	v4 =	vadd.f32 v4, v8  }
0x41f: {  	v13 =	vmul.f32 v40, v13;
	v5 =	vadd.f32 v5, v9  }
0x420: {  	v41 =	vld [tilespmem:s9+$0x1C250];
	v12 =	vadd.f32 v12, v10;
	[tilespmem:s9+$0x12C00] =	vst v4  }
0x421: {  	v43 =	vld [tilespmem:s9+$0x1C260];
	v4 =	vadd.f32 v13, v11;
	[tilespmem:s9+$0x12C10] =	vst v5  }
0x422: {  	v45 =	vld [tilespmem:s9+$0x1C270];
	[tilespmem:s9+$0x12C20] =	vst v12  }
0x423: {  	v5 =	vld [tilespmem:s9+$0x1C240];
	[tilespmem:s9+$0x12C30] =	vst v4  }
0x424: {  	v4 =	vld [tilespmem:s21+$0x80]  }
0x425: {  	v12 =	vld [tilespmem:s21+$0x90]  }
0x426: {  	v42 =	vld [tilespmem:s21+$0xA0]  }
0x427: {  	v44 =	vld [tilespmem:s21+$0xB0];
	_ =	sdelay $0x3  }
0x428: {  	v4 =	vadd.f32 v5, v4;
	v5 =	vadd.f32 v41, v12  }
0x429: {  	v46 =	vadd.f32 v43, v42;
	v47 =	vadd.f32 v45, v44  }
0x42a: {  	v48 =	vadd.f32 v5, v4  }
0x42b: {  	v15 =	vadd.f32 v47, v46;
	v49 =	vmul.f32 v4, v4;
	v50 =	vmul.f32 v5, v5  }
0x42c: {  	v51 =	vmul.f32 v46, v46;
	v52 =	vmul.f32 v47, v47  }
0x42d: {  	v14 =	vadd.f32 v15, v48  }
0x42e: {  	v53 =	vadd.f32 v50, v49;
	v54 =	vadd.f32 v52, v51;
	_ =	sdelay $0x1  }
0x42f: {  	v15 =	vadd.f32 v54, v53;
	v55 =	vperm.xlane v14, v0;
	_ =	sdelay $0x1  }
0x430: {  	v14 =	vadd.f32 v14, v55;
	v56 =	vperm.xlane v15, v0;
	_ =	sdelay $0x1  }
0x431: {  	v57 =	vperm.xlane v14, v1;
	v15 =	vadd.f32 v56, v15;
	_ =	sdelay $0x1  }
0x432: {  	v14 =	vadd.f32 v14, v57;
	v16 =	vperm.xlane v15, v1;
	_ =	sdelay $0x1  }
0x433: {  	v17 =	vperm.xlane v14, v2;
	v15 =	vadd.f32 v16, v15;
	_ =	sdelay $0x1  }
0x434: {  	v14 =	vadd.f32 v14, v17;
	v16 =	vperm.xlane v15, v2;
	_ =	sdelay $0x1  }
0x435: {  	v17 =	vperm.xlane v14, v3;
	v15 =	vadd.f32 v16, v15;
	_ =	sdelay $0x1  }
0x436: {  	v14 =	vadd.f32 v14, v17;
	v16 =	vperm.xlane v15, v3;
	_ =	sdelay $0x1  }
0x437: {  	v15 =	vadd.f32 v16, v15;
	v14 =	vmul.f32 $1.562500000e-02, v14;
	_ =	sdelay $0x1  }
0x438: {  	v15 =	vmul.f32 $1.562500000e-02, v15;
	v58 =	vmul.f32 v14, v14;
	_ =	sdelay $0x1  }
0x439: {  	v15 =	vsub.f32 v15, v58;
	_ =	sdelay $0x1  }
0x43a: {  	v15 =	vadd.f32 $9.999999930e-09, v15;
	_ =	sdelay $0x1  }
0x43b: {  	v59 =	vshra.s32 v15, $0x1;
	v15 =	vmul.f32 $-5.000000000e-01, v15  }
0x43c: {  	v16 =	vsub.s32 $0x5F3759DF, v59  }
0x43d: {  	v60 =	vmul.f32 v16, v15;
	_ =	sdelay $0x1  }
0x43e: {  	v17 =	vmul.f32 v16, v60;
	_ =	sdelay $0x1  }
0x43f: {  	v17 =	vadd.f32 $1.500000000e+00, v17;
	_ =	sdelay $0x1  }
0x440: {  	v16 =	vmul.f32 v16, v17;
	_ =	sdelay $0x1  }
0x441: {  	v17 =	vmul.f32 v16, v15;
	_ =	sdelay $0x1  }
0x442: {  	v17 =	vmul.f32 v17, v16;
	_ =	sdelay $0x1  }
0x443: {  	v17 =	vadd.f32 $1.500000000e+00, v17;
	_ =	sdelay $0x1  }
0x444: {  	v16 =	vmul.f32 v17, v16;
	_ =	sdelay $0x1  }
0x445: {  	v15 =	vmul.f32 v16, v15;
	_ =	sdelay $0x1  }
0x446: {  	v15 =	vmul.f32 v15, v16;
	_ =	sdelay $0x1  }
0x447: {  	v15 =	vadd.f32 $1.500000000e+00, v15;
	_ =	sdelay $0x1  }
0x448: {  	v15 =	vmul.f32 v15, v16;
	_ =	sdelay $0x1  }
0x449: {  	v4 =	vsub.f32 v4, v14;
	v16 =	vmul.f32 v15, v28  }
0x44a: {  	v5 =	vsub.f32 v5, v14;
	v61 =	vmul.f32 v15, v29  }
0x44b: {  	v12 =	vsub.f32 v46, v14;
	v62 =	vmul.f32 v15, v6;
	v4 =	vmul.f32 v16, v4  }
0x44c: {  	s14 =	sadd.s32 $0x2, s14;
	v13 =	vsub.f32 v47, v14;
	v63 =	vmul.f32 v15, v7;
	v5 =	vmul.f32 v61, v5  }
0x44d: {  	p1 =	slt.u32 s14, $0xC6;
	v12 =	vmul.f32 v62, v12;
	v4 =	vadd.f32 v4, v8  }
.Ltmp3:
0x44e: {  	v13 =	vmul.f32 v63, v13;
	v5 =	vadd.f32 v5, v9;
	(pc) =	sbr.rel @p1 .LBB2_7-.Ltmp3, $4  }
0x44f: {  	v12 =	vadd.f32 v12, v10;
	[tilespmem:s9+$0x12C40] =	vst v4  }
0x450: {  	v4 =	vadd.f32 v13, v11;
	[tilespmem:s9+$0x12C50] =	vst v5  }
0x451: {  	[tilespmem:s9+$0x12C60] =	vst v12  }
0x452: {  	s15 =	sadd.s32 $0x200, s15;
	s21 =	sadd.s32 $0x100, s21;
	[tilespmem:s9+$0x12C70] =	vst v4  }
0x453: {  	s9 =	sadd.s32 s10, s13  }
0x454: {  	s9 =	sshrl.u32 s9, $0x3  }
0x455: {  	s18 =	sadd.s32 s6, s10;
	s9 =	sadd.s32 s7, s9  }
0x456: {  	[tilespmem:s26], [sflag:$0x2] =	stream.linear.gather [hbm4b:s9+s5], $0xC8, $0x38;
	[tilespmem:$0x1C700] =	vst v63  }
0x457: {  	s9 =	sshll.u32 s18, $0x3  }
0x458: {  	s21 =	simm.s32 $0xCA00;
	s9 =	sadd.s32 s4, s9  }
0x459: {  	[hbm4b:s9+s5] =	stream.linear.scatter [tilespmem:s21], [sflag:$0x5], $0x6400, $0x38;
	[tilespmem:$0x1C700] =	vst v63  }
0x45a: {  	s9 =	simm.s32 @!p0 $0x6  }
0x45b: {  	_ =	swait.ge @!p0 [sflag:s9], $0x6400  }
0x45c: {  	[sflag:s9] =	ssyncset.done @!p0 $0x0  }
0x45d: {  	[sflag:s9] =	ssyncadd.s32 @!p0 $0xFFFF9C00  }
0x45e: {  	_ =	swait.ge [sflag:s28], $0x2800  }
0x45f: {  	[sflag:s28] =	ssyncset.done $0x0  }
0x460: {  	[sflag:s28] =	ssyncadd.s32 $0xFFFFD800  }
0x461: {  	_ =	swait.ge [sflag:s28], $0x2800  }
0x462: {  	[sflag:s28] =	ssyncset.done $0x0  }
0x463: {  	[sflag:s28] =	ssyncadd.s32 $0xFFFFD800  }
0x464: {  	_ =	swait.ge [sflag:s28], $0x1400  }
0x465: {  	[sflag:s28] =	ssyncset.done $0x0  }
0x466: {  	[sflag:s28] =	ssyncadd.s32 $0xFFFFEC00  }
0x467: {  	_ =	swait.ge [sflag:s29], $0xC8  }
0x468: {  	[sflag:s29] =	ssyncset.done $0x0  }
0x469: {  	[sflag:s29] =	ssyncadd.s32 $0xFFFFFF38  }
0x46a: {  	[tilespmem:s30], [sflag:$0x4] =	stream.indirect.gather [hbm4b:s8+s20], $0x80, s26, s20, $0xb8;
	[tilespmem:$0x1C700] =	vst v63  }
0x46b: {  	s10 =	sshllo.u32 s17, $0x1;
	s16 =	simm.s32 $0x0  }
0x46c: {  	[tilespmem:s2], [sflag:$0x4] =	stream.indirect.gather [hbm4b:s8+s20], $0x80, s31, s20, $0xb8;
	[tilespmem:$0x1C700] =	vst v63  }
0x46d: {  	s11 =	simm.s32 $0x600;
	s18 =	simm.s32 $0x0;
	s9 =	simm.s32 $0xFFFFFFF0  }
0x46e: {  	[tilespmem:s1], [sflag:$0x4] =	stream.indirect.gather [hbm4b:s8+s23], $0x80, s0, s23, $0xb8;
	[tilespmem:$0x1C700] =	vst v63  }
.LBB2_9:
0x46f: {  	v4 =	vld [tilespmem:s11+$0xFFFFFC00]  }
0x470: {  	v12 =	vld [tilespmem:s11+$0xFFFFFC10]  }
0x471: {  	v14 =	vld [tilespmem:s11+$0xFFFFFC20]  }
0x472: {  	s14 =	sshra.s32 s18, $0x2;
	v16 =	vld [tilespmem:s11+$0xFFFFFC30]  }
0x473: {  	v5 =	vld [tilespmem:s14+$0x19200]  }
0x474: {  	v13 =	vld [tilespmem:s14+$0x19210]  }
0x475: {  	v15 =	vld [tilespmem:s14+$0x19220]  }
0x476: {  	v17 =	vld [tilespmem:s14+$0x19230];
	_ =	sdelay $0x3  }
0x477: {  	v4 =	vadd.f32 v5, v4;
	v5 =	vadd.f32 v13, v12  }
0x478: {  	v47 =	vadd.f32 v15, v14;
	v48 =	vadd.f32 v17, v16  }
0x479: {  	v49 =	vadd.f32 v5, v4  }
0x47a: {  	v15 =	vadd.f32 v48, v47;
	v50 =	vmul.f32 v4, v4;
	v51 =	vmul.f32 v5, v5  }
0x47b: {  	v18 =	vmul.f32 v47, v47;
	v19 =	vmul.f32 v48, v48  }
0x47c: {  	v14 =	vadd.f32 v15, v49  }
0x47d: {  	v52 =	vadd.f32 v51, v50;
	v53 =	vadd.f32 v19, v18;
	_ =	sdelay $0x1  }
0x47e: {  	v15 =	vadd.f32 v53, v52;
	v54 =	vperm.xlane v14, v0;
	_ =	sdelay $0x1  }
0x47f: {  	v14 =	vadd.f32 v14, v54;
	v55 =	vperm.xlane v15, v0;
	_ =	sdelay $0x1  }
0x480: {  	v56 =	vperm.xlane v14, v1;
	v15 =	vadd.f32 v55, v15;
	_ =	sdelay $0x1  }
0x481: {  	v14 =	vadd.f32 v14, v56;
	v16 =	vperm.xlane v15, v1;
	_ =	sdelay $0x1  }
0x482: {  	v17 =	vperm.xlane v14, v2;
	v15 =	vadd.f32 v16, v15;
	_ =	sdelay $0x1  }
0x483: {  	v14 =	vadd.f32 v14, v17;
	v16 =	vperm.xlane v15, v2;
	_ =	sdelay $0x1  }
0x484: {  	v17 =	vperm.xlane v14, v3;
	v15 =	vadd.f32 v16, v15;
	_ =	sdelay $0x1  }
0x485: {  	v14 =	vadd.f32 v14, v17;
	v16 =	vperm.xlane v15, v3;
	_ =	sdelay $0x1  }
0x486: {  	v15 =	vadd.f32 v16, v15;
	v14 =	vmul.f32 $1.562500000e-02, v14;
	_ =	sdelay $0x1  }
0x487: {  	v15 =	vmul.f32 $1.562500000e-02, v15;
	v57 =	vmul.f32 v14, v14;
	_ =	sdelay $0x1  }
0x488: {  	v15 =	vsub.f32 v15, v57;
	_ =	sdelay $0x1  }
0x489: {  	v15 =	vadd.f32 $9.999999930e-09, v15;
	_ =	sdelay $0x1  }
0x48a: {  	v58 =	vshra.s32 v15, $0x1;
	v15 =	vmul.f32 $-5.000000000e-01, v15  }
0x48b: {  	v16 =	vsub.s32 $0x5F3759DF, v58  }
0x48c: {  	v59 =	vmul.f32 v16, v15;
	_ =	sdelay $0x1  }
0x48d: {  	v17 =	vmul.f32 v16, v59;
	_ =	sdelay $0x1  }
0x48e: {  	v17 =	vadd.f32 $1.500000000e+00, v17;
	_ =	sdelay $0x1  }
0x48f: {  	v16 =	vmul.f32 v16, v17;
	_ =	sdelay $0x1  }
0x490: {  	v60 =	vld [tilespmem:s11+$0xFFFFFD00];
	v17 =	vmul.f32 v16, v15  }
0x491: {  	v21 =	vld [tilespmem:s11+$0xFFFFFD10]  }
0x492: {  	v62 =	vld [tilespmem:s11+$0xFFFFFD20];
	v17 =	vmul.f32 v17, v16  }
0x493: {  	v24 =	vld [tilespmem:s11+$0xFFFFFD30]  }
0x494: {  	v61 =	vld [tilespmem:s14+$0x19280];
	v17 =	vadd.f32 $1.500000000e+00, v17  }
0x495: {  	v22 =	vld [tilespmem:s14+$0x19290]  }
0x496: {  	v23 =	vld [tilespmem:s14+$0x192A0];
	v16 =	vmul.f32 v17, v16  }
0x497: {  	v25 =	vld [tilespmem:s14+$0x192B0]  }
0x498: {  	v15 =	vmul.f32 v16, v15;
	_ =	sdelay $0x1  }
0x499: {  	v20 =	vadd.f32 v61, v60;
	v15 =	vmul.f32 v15, v16  }
0x49a: {  	v19 =	vadd.f32 v22, v21;
	v18 =	vadd.f32 v23, v62  }
0x49b: {  	v26 =	vadd.f32 $1.500000000e+00, v15;
	v15 =	vadd.f32 v25, v24  }
0x49c: {  	v33 =	vmul.f32 v20, v20;
	v63 =	vadd.f32 v19, v20;
	v34 =	vmul.f32 v19, v19  }
0x49d: {  	v35 =	vmul.f32 v18, v18;
	v32 =	vadd.f32 v15, v18;
	v25 =	vmul.f32 v15, v15  }
0x49e: {  	v22 =	vadd.f32 v34, v33;
	v4 =	vsub.f32 v4, v14;
	v16 =	vmul.f32 v26, v16  }
0x49f: {  	v17 =	vadd.f32 v32, v63;
	v37 =	vadd.f32 v25, v35  }
0x4a0: {  	v5 =	vsub.f32 v5, v14;
	v12 =	vsub.f32 v47, v14;
	v26 =	vmul.f32 v16, v28  }
0x4a1: {  	v36 =	vmul.f32 v16, v29;
	v38 =	vadd.f32 v37, v22;
	v39 =	vperm.xlane v17, v0  }
0x4a2: {  	v13 =	vsub.f32 v48, v14;
	v41 =	vmul.f32 v16, v7;
	v4 =	vmul.f32 v26, v4  }
0x4a3: {  	v5 =	vmul.f32 v36, v5;
	v42 =	vadd.f32 v17, v39;
	v43 =	vperm.xlane v38, v0  }
0x4a4: {  	v40 =	vmul.f32 v16, v6;
	v13 =	vmul.f32 v41, v13;
	v4 =	vadd.f32 v4, v8  }
0x4a5: {  	v5 =	vadd.f32 v5, v9;
	v44 =	vperm.xlane v42, v1;
	v17 =	vadd.f32 v43, v38  }
0x4a6: {  	v12 =	vmul.f32 v40, v12;
	[tilespmem:s14+$0x12E00] =	vst v4  }
0x4a7: {  	v4 =	vadd.f32 v13, v11;
	[tilespmem:s14+$0x12E10] =	vst v5;
	v5 =	vadd.f32 v42, v44;
	v45 =	vperm.xlane v17, v1  }
0x4a8: {  	v50 =	vld [tilespmem:s14+$0x19250]  }
0x4a9: {  	v53 =	vld [tilespmem:s14+$0x19260];
	v12 =	vadd.f32 v12, v10;
	[tilespmem:s14+$0x12E30] =	vst v4;
	v4 =	vperm.xlane v5, v2;
	v46 =	vadd.f32 v45, v17  }
0x4aa: {  	v55 =	vld [tilespmem:s14+$0x19270]  }
0x4ab: {  	v48 =	vld [tilespmem:s14+$0x19240];
	[tilespmem:s14+$0x12E20] =	vst v12;
	v4 =	vadd.f32 v5, v4;
	v5 =	vperm.xlane v46, v2  }
0x4ac: {  	v47 =	vld [tilespmem:s11+$0xFFFFFC80]  }
0x4ad: {  	v49 =	vld [tilespmem:s11+$0xFFFFFC90];
	v51 =	vperm.xlane v4, v3;
	v5 =	vadd.f32 v5, v46  }
0x4ae: {  	v52 =	vld [tilespmem:s11+$0xFFFFFCA0]  }
0x4af: {  	v54 =	vld [tilespmem:s11+$0xFFFFFCB0];
	v4 =	vadd.f32 v4, v51;
	v12 =	vperm.xlane v5, v3;
	_ =	sdelay $0x1  }
0x4b0: {  	v5 =	vadd.f32 v12, v5;
	v4 =	vmul.f32 $1.562500000e-02, v4  }
0x4b1: {  	v13 =	vadd.f32 v48, v47  }
0x4b2: {  	v62 =	vld [tilespmem:s14+$0x19310];
	v14 =	vadd.f32 v53, v52;
	v5 =	vmul.f32 $1.562500000e-02, v5;
	v56 =	vmul.f32 v4, v4  }
0x4b3: {  	v33 =	vld [tilespmem:s11+$0xFFFFFE30];
	v16 =	vadd.f32 v55, v54;
	v12 =	vadd.f32 v50, v49  }
0x4b4: {  	v57 =	vld [tilespmem:s11+$0xFFFFFE00];
	v5 =	vsub.f32 v5, v56  }
0x4b5: {  	v58 =	vld [tilespmem:s14+$0x19300];
	v24 =	vadd.f32 v16, v14;
	v61 =	vmul.f32 v13, v13;
	v27 =	vmul.f32 v12, v12  }
0x4b6: {  	v59 =	vld [tilespmem:s11+$0xFFFFFE10];
	v30 =	vmul.f32 v14, v14;
	v31 =	vmul.f32 v16, v16;
	v5 =	vadd.f32 $9.999999930e-09, v5  }
0x4b7: {  	v29 =	vld [tilespmem:s11+$0xFFFFFE20];
	v60 =	vadd.f32 v12, v13;
	v25 =	vadd.f32 v27, v61  }
0x4b8: {  	v27 =	vadd.f32 v31, v30;
	v30 =	vld [tilespmem:s14+$0x19330];
	v28 =	vshra.s32 v5, $0x1;
	v5 =	vmul.f32 $-5.000000000e-01, v5  }
0x4b9: {  	v32 =	vld [tilespmem:s14+$0x19320];
	v23 =	vadd.f32 v24, v60;
	v28 =	vsub.s32 $0x5F3759DF, v28  }
0x4ba: {  	v63 =	vmul.f32 v28, v5  }
0x4bb: {  	v31 =	vperm.xlane v23, v0;
	v34 =	vadd.f32 v27, v25  }
0x4bc: {  	v27 =	vadd.f32 v58, v57;
	v25 =	vadd.f32 v62, v59;
	v24 =	vmul.f32 v28, v63  }
0x4bd: {  	v23 =	vadd.f32 v23, v31;
	v35 =	vperm.xlane v34, v0;
	v21 =	vadd.f32 v30, v33  }
0x4be: {  	v30 =	vmul.f32 v27, v27;
	v31 =	vadd.f32 $1.500000000e+00, v24;
	v24 =	vadd.f32 v32, v29  }
0x4bf: {  	v36 =	vperm.xlane v23, v1;
	v37 =	vadd.f32 v35, v34;
	v40 =	vmul.f32 v21, v21  }
0x4c0: {  	v38 =	vmul.f32 v28, v31;
	v28 =	vadd.f32 v25, v27;
	v29 =	vadd.f32 v21, v24  }
0x4c1: {  	v17 =	vadd.f32 v23, v36;
	v31 =	vmul.f32 v25, v25;
	v39 =	vmul.f32 v24, v24  }
0x4c2: {  	v41 =	vperm.xlane v37, v1;
	v42 =	vmul.f32 v38, v5;
	v28 =	vadd.f32 v29, v28  }
0x4c3: {  	v29 =	vadd.f32 v31, v30;
	v23 =	vadd.f32 v40, v39  }
0x4c4: {  	v22 =	vadd.f32 v41, v37;
	v31 =	vperm.xlane v17, v2;
	v30 =	vmul.f32 v42, v38  }
0x4c5: {  	v23 =	vadd.f32 v23, v29;
	v29 =	vperm.xlane v28, v0  }
0x4c6: {  	v43 =	vperm.xlane v22, v2;
	v17 =	vadd.f32 v17, v31;
	v30 =	vadd.f32 $1.500000000e+00, v30  }
0x4c7: {  	v28 =	vadd.f32 v28, v29;
	v29 =	vperm.xlane v23, v0  }
0x4c8: {  	v22 =	vadd.f32 v43, v22;
	v26 =	vmul.f32 v30, v38;
	v30 =	vperm.xlane v17, v3  }
0x4c9: {  	v31 =	vperm.xlane v28, v1  }
0x4ca: {  	v23 =	vadd.f32 v29, v23;
	v29 =	vperm.xlane v22, v3;
	v17 =	vadd.f32 v17, v30  }
0x4cb: {  	v5 =	vmul.f32 v26, v5;
	v28 =	vadd.f32 v28, v31  }
0x4cc: {  	v30 =	vperm.xlane v23, v1;
	v22 =	vadd.f32 v29, v22;
	v17 =	vmul.f32 $1.562500000e-02, v17  }
0x4cd: {  	v5 =	vmul.f32 v5, v26;
	v29 =	vperm.xlane v28, v2  }
0x4ce: {  	v23 =	vadd.f32 v30, v23;
	v22 =	vmul.f32 $1.562500000e-02, v22;
	v30 =	vmul.f32 v17, v17  }
0x4cf: {  	v45 =	vld [tilespmem:$0x1FFF0];
	v5 =	vadd.f32 $1.500000000e+00, v5  }
0x4d0: {  	v28 =	vadd.f32 v28, v29;
	v29 =	vperm.xlane v23, v2;
	v22 =	vsub.f32 v22, v30;
	v30 =	vld [tilespmem:$0x1FFE0];
	_ =	sdelay $0x1  }
0x4d1: {  	v5 =	vmul.f32 v5, v26;
	v44 =	vperm.xlane v28, v3;
	v23 =	vadd.f32 v29, v23  }
0x4d2: {  	v20 =	vsub.f32 v20, v4;
	v19 =	vsub.f32 v19, v4  }
0x4d3: {  	v46 =	vld [tilespmem:s11+$0xFFFFFF10];
	v32 =	vmul.f32 v5, v45;
	v26 =	vadd.f32 v28, v44;
	v28 =	vperm.xlane v23, v3  }
0x4d4: {  	v47 =	vld [tilespmem:s14+$0x19390];
	v18 =	vsub.f32 v18, v4;
	v4 =	vsub.f32 v15, v4;
	v30 =	vmul.f32 v5, v30  }
0x4d5: {  	v31 =	vld [tilespmem:s14+$0x19380];
	v19 =	vmul.f32 v32, v19;
	v23 =	vadd.f32 v28, v23;
	v28 =	vmul.f32 $1.562500000e-02, v26  }
0x4d6: {  	v13 =	vsub.f32 v13, v17;
	v29 =	vld [tilespmem:s11+$0xFFFFFF00];
	v20 =	vmul.f32 v30, v20;
	v30 =	vmul.f32 v5, v6  }
0x4d7: {  	v48 =	vld [tilespmem:s11+$0xFFFFFF20];
	v12 =	vsub.f32 v12, v17;
	v23 =	vmul.f32 $1.562500000e-02, v23;
	v5 =	vmul.f32 v5, v7  }
0x4d8: {  	v49 =	vld [tilespmem:s14+$0x193A0];
	v26 =	vmul.f32 v28, v28;
	v19 =	vadd.f32 v19, v9;
	v18 =	vmul.f32 v30, v18  }
0x4d9: {  	v22 =	vadd.f32 $9.999999930e-09, v22;
	v20 =	vadd.f32 v20, v8;
	v30 =	vld [tilespmem:s11+$0xFFFFFF30];
	v4 =	vmul.f32 v5, v4  }
0x4da: {  	v50 =	vsub.f32 v23, v26;
	[tilespmem:s14+$0x12E90] =	vst v19;
	v5 =	vld [tilespmem:s14+$0x193B0];
	v18 =	vadd.f32 v18, v10  }
0x4db: {  	v32 =	vadd.f32 v31, v29;
	[tilespmem:s14+$0x12E80] =	vst v20;
	v4 =	vadd.f32 v4, v11  }
0x4dc: {  	v58 =	vld [tilespmem:s14+$0x192D0];
	v14 =	vsub.f32 v14, v17;
	v51 =	vshra.s32 v22, $0x1;
	v52 =	vadd.f32 $9.999999930e-09, v50;
	[tilespmem:s14+$0x12EA0] =	vst v18  }
0x4dd: {  	v63 =	vld [tilespmem:s14+$0x192F0];
	v53 =	vsub.s32 $0x5F3759DF, v51;
	v57 =	vmul.f32 v32, v32;
	v26 =	vadd.f32 v47, v46;
	[tilespmem:s14+$0x12EB0] =	vst v4  }
0x4de: {  	v19 =	vadd.f32 v49, v48;
	v55 =	vshra.s32 v52, $0x1;
	v29 =	vmul.f32 $-5.000000000e-01, v52;
	v54 =	vld [tilespmem:s11+$0xFFFFFD80]  }
0x4df: {  	v34 =	vmul.f32 v26, v26;
	v23 =	vsub.s32 $0x5F3759DF, v55;
	v15 =	vadd.f32 v5, v30;
	v5 =	vld [tilespmem:s14+$0x192C0]  }
0x4e0: {  	v56 =	vadd.f32 v26, v32;
	v4 =	vmul.f32 $-5.000000000e-01, v22;
	v30 =	vld [tilespmem:s11+$0xFFFFFD90];
	v40 =	vmul.f32 v23, v29  }
0x4e1: {  	v36 =	vmul.f32 v19, v19;
	v61 =	vld [tilespmem:s11+$0xFFFFFDB0];
	v31 =	vadd.f32 v15, v19;
	v37 =	vmul.f32 v15, v15  }
0x4e2: {  	v33 =	vadd.f32 v34, v57;
	v39 =	vld [tilespmem:s11+$0xFFFFFDA0];
	v38 =	vmul.f32 v53, v4;
	v62 =	vmul.f32 v23, v40  }
0x4e3: {  	v18 =	vadd.f32 v31, v56;
	v31 =	vld [tilespmem:s14+$0x192E0];
	v59 =	vadd.f32 v37, v36  }
0x4e4: {  	v60 =	vmul.f32 v53, v38;
	v38 =	vadd.f32 $1.500000000e+00, v62;
	v22 =	vadd.f32 v5, v54  }
0x4e5: {  	v27 =	vsub.f32 v27, v28;
	v33 =	vadd.f32 v59, v33;
	v43 =	vperm.xlane v18, v0  }
0x4e6: {  	v5 =	vmul.f32 v23, v38;
	v23 =	vadd.f32 v63, v61;
	v45 =	vmul.f32 v22, v22  }
0x4e7: {  	v34 =	vadd.f32 v18, v43;
	v41 =	vperm.xlane v33, v0;
	v18 =	vadd.f32 v58, v30  }
0x4e8: {  	v49 =	vmul.f32 v23, v23;
	v20 =	vadd.f32 v31, v39;
	v31 =	vmul.f32 v5, v29  }
0x4e9: {  	v30 =	vperm.xlane v34, v1;
	v33 =	vadd.f32 v41, v33;
	v35 =	vadd.f32 v18, v22  }
0x4ea: {  	v46 =	vmul.f32 v18, v18;
	v37 =	vadd.f32 v23, v20;
	v31 =	vmul.f32 v31, v5  }
0x4eb: {  	v48 =	vmul.f32 v20, v20;
	v30 =	vadd.f32 v34, v30;
	v44 =	vperm.xlane v33, v1  }
0x4ec: {  	v38 =	vadd.f32 v46, v45;
	v31 =	vadd.f32 $1.500000000e+00, v31  }
0x4ed: {  	v34 =	vadd.f32 v49, v48;
	v47 =	vperm.xlane v30, v2;
	v33 =	vadd.f32 v44, v33  }
0x4ee: {  	v25 =	vsub.f32 v25, v28;
	v35 =	vadd.f32 v37, v35;
	v5 =	vmul.f32 v31, v5  }
0x4ef: {  	v34 =	vadd.f32 v34, v38;
	v30 =	vadd.f32 v30, v47;
	v50 =	vperm.xlane v33, v2  }
0x4f0: {  	v36 =	vadd.f32 $1.500000000e+00, v60;
	v31 =	vperm.xlane v35, v0;
	v29 =	vmul.f32 v5, v29  }
0x4f1: {  	v38 =	vperm.xlane v34, v0;
	v51 =	vperm.xlane v30, v3;
	v33 =	vadd.f32 v50, v33  }
0x4f2: {  	v36 =	vmul.f32 v53, v36;
	v31 =	vadd.f32 v35, v31;
	v29 =	vmul.f32 v29, v5  }
0x4f3: {  	v34 =	vadd.f32 v38, v34;
	v30 =	vadd.f32 v30, v51;
	v53 =	vperm.xlane v33, v3  }
0x4f4: {  	v57 =	vld [tilespmem:$0x1FFE0];
	v52 =	vmul.f32 v36, v4;
	v54 =	vperm.xlane v31, v1;
	v29 =	vadd.f32 $1.500000000e+00, v29  }
0x4f5: {  	v62 =	vld [tilespmem:$0x1FFF0];
	v38 =	vperm.xlane v34, v1;
	v35 =	vadd.f32 v53, v33;
	v33 =	vmul.f32 $1.562500000e-02, v30  }
0x4f6: {  	v24 =	vsub.f32 v24, v28;
	v63 =	vld [tilespmem:s14+$0x19430];
	v30 =	vmul.f32 v52, v36;
	v5 =	vmul.f32 v29, v5  }
0x4f7: {  	v46 =	vld [tilespmem:s11+$0x30];
	v31 =	vadd.f32 v31, v54;
	v35 =	vmul.f32 $1.562500000e-02, v35;
	v55 =	vmul.f32 v33, v33  }
0x4f8: {  	v34 =	vadd.f32 v38, v34;
	v29 =	vadd.f32 $1.500000000e+00, v30  }
0x4f9: {  	v30 =	vperm.xlane v31, v2;
	v38 =	vmul.f32 v5, v57;
	v35 =	vsub.f32 v35, v55  }
0x4fa: {  	v21 =	vsub.f32 v21, v28;
	v56 =	vld [tilespmem:s11+$0x0];
	v60 =	vperm.xlane v34, v2;
	v41 =	vmul.f32 v5, v62  }
0x4fb: {  	v61 =	vld [tilespmem:s14+$0x19410];
	v44 =	vmul.f32 v5, v6;
	v59 =	vadd.f32 v31, v30;
	v30 =	vadd.f32 $9.999999930e-09, v35  }
0x4fc: {  	v45 =	vld [tilespmem:s14+$0x19420];
	v5 =	vmul.f32 v5, v7;
	v36 =	vmul.f32 v29, v36;
	v29 =	vadd.f32 v63, v46  }
0x4fd: {  	v31 =	vld [tilespmem:s11+$0x10];
	v27 =	vmul.f32 v38, v27;
	v42 =	vshra.s32 v30, $0x1;
	v43 =	vmul.f32 $-5.000000000e-01, v30  }
0x4fe: {  	v25 =	vmul.f32 v41, v25;
	v24 =	vmul.f32 v44, v24;
	v30 =	vld [tilespmem:s11+$0x20];
	v42 =	vsub.s32 $0x5F3759DF, v42  }
0x4ff: {  	v58 =	vld [tilespmem:s14+$0x19400];
	v5 =	vmul.f32 v5, v21;
	v35 =	vadd.f32 v60, v34;
	v28 =	vmul.f32 v42, v43  }
0x500: {  	v4 =	vmul.f32 v36, v4;
	v44 =	vperm.xlane v59, v3;
	v27 =	vadd.f32 v27, v8  }
0x501: {  	v25 =	vadd.f32 v25, v9;
	v24 =	vadd.f32 v24, v10;
	v34 =	vmul.f32 v42, v28  }
0x502: {  	v41 =	vmul.f32 v29, v29;
	v5 =	vadd.f32 v5, v11;
	v31 =	vadd.f32 v61, v31  }
0x503: {  	v46 =	vperm.xlane v35, v3;
	[tilespmem:s14+$0x12F10] =	vst v25;
	v30 =	vadd.f32 v45, v30;
	v21 =	vadd.f32 $1.500000000e+00, v34  }
0x504: {  	[tilespmem:s14+$0x12F20] =	vst v24;
	v25 =	vadd.f32 v59, v44;
	v38 =	vmul.f32 v31, v31;
	v34 =	vadd.f32 v58, v56  }
0x505: {  	v48 =	vld [tilespmem:s14+$0x19340];
	[tilespmem:s14+$0x12F30] =	vst v5;
	v24 =	vadd.f32 v46, v35;
	v49 =	vmul.f32 v30, v30;
	v5 =	vmul.f32 v42, v21  }
0x506: {  	v51 =	vld [tilespmem:s14+$0x19350];
	[tilespmem:s14+$0x12F00] =	vst v27;
	v28 =	vadd.f32 v29, v30;
	v47 =	vadd.f32 v31, v34;
	v37 =	vmul.f32 v34, v34  }
0x507: {  	v27 =	vld [tilespmem:s11+$0xFFFFFE80];
	v25 =	vmul.f32 $1.562500000e-02, v25;
	v52 =	vadd.f32 v41, v49;
	v42 =	vmul.f32 v5, v43  }
0x508: {  	v50 =	vld [tilespmem:s11+$0xFFFFFE90];
	v24 =	vmul.f32 $1.562500000e-02, v24;
	v21 =	vadd.f32 v28, v47;
	v28 =	vadd.f32 v38, v37  }
0x509: {  	v32 =	vsub.f32 v32, v33;
	v53 =	vld [tilespmem:s11+$0xFFFFFEA0];
	v55 =	vmul.f32 v25, v25;
	v54 =	vmul.f32 v42, v5  }
0x50a: {  	v26 =	vsub.f32 v26, v33;
	v56 =	vld [tilespmem:s14+$0x19360];
	v28 =	vadd.f32 v52, v28;
	v57 =	vperm.xlane v21, v0  }
0x50b: {  	v4 =	vmul.f32 v4, v36;
	v59 =	vld [tilespmem:s14+$0x19370];
	v24 =	vsub.f32 v24, v55;
	v40 =	vadd.f32 $1.500000000e+00, v54  }
0x50c: {  	v19 =	vsub.f32 v19, v33;
	v58 =	vld [tilespmem:s11+$0xFFFFFEB0];
	v21 =	vadd.f32 v21, v57;
	v60 =	vperm.xlane v28, v0  }
0x50d: {  	v4 =	vadd.f32 $1.500000000e+00, v4;
	v5 =	vmul.f32 v40, v5;
	v40 =	vadd.f32 $9.999999930e-09, v24  }
0x50e: {  	v61 =	vperm.xlane v21, v1;
	v37 =	vadd.f32 v60, v28;
	v28 =	vadd.f32 v48, v27  }
0x50f: {  	v4 =	vmul.f32 v4, v36;
	v27 =	vadd.f32 v51, v50;
	v24 =	vadd.f32 v56, v53  }
0x510: {  	v62 =	vmul.f32 v5, v43;
	v63 =	vadd.f32 v21, v61;
	v47 =	vperm.xlane v37, v1  }
0x511: {  	v21 =	vadd.f32 v59, v58;
	v49 =	vmul.f32 v28, v28;
	v51 =	vmul.f32 v27, v27  }
0x512: {  	v57 =	vld [tilespmem:$0x1FFE0];
	v48 =	vadd.f32 v27, v28;
	v52 =	vmul.f32 v24, v24;
	v35 =	vmul.f32 v62, v5  }
0x513: {  	v58 =	vld [tilespmem:$0x1FFF0];
	v50 =	vperm.xlane v63, v2;
	v37 =	vadd.f32 v47, v37;
	v54 =	vadd.f32 v21, v24  }
0x514: {  	v36 =	vmul.f32 $-5.000000000e-01, v40;
	v45 =	vmul.f32 v21, v21;
	v35 =	vadd.f32 $1.500000000e+00, v35  }
0x515: {  	v38 =	vadd.f32 v63, v50;
	v53 =	vperm.xlane v37, v2;
	v41 =	vadd.f32 v54, v48  }
0x516: {  	v39 =	vadd.f32 v51, v49;
	v55 =	vadd.f32 v45, v52;
	v50 =	vld [tilespmem:$0x1FFE0];
	v5 =	vmul.f32 v35, v5  }
0x517: {  	v56 =	vperm.xlane v38, v3;
	v37 =	vadd.f32 v53, v37;
	v63 =	vperm.xlane v41, v0  }
0x518: {  	v35 =	vadd.f32 v55, v39;
	v43 =	vmul.f32 v5, v57;
	v44 =	vmul.f32 v5, v58  }
0x519: {  	v38 =	vadd.f32 v38, v56;
	v59 =	vperm.xlane v37, v3;
	v60 =	vmul.f32 v5, v6  }
0x51a: {  	v15 =	vsub.f32 v15, v33;
	v5 =	vmul.f32 v5, v7;
	v45 =	vperm.xlane v35, v0  }
0x51b: {  	v33 =	vmul.f32 v4, v50;
	v37 =	vadd.f32 v59, v37;
	v38 =	vmul.f32 $1.562500000e-02, v38  }
0x51c: {  	v16 =	vsub.f32 v16, v17;
	v50 =	vmul.f32 v4, v6;
	v32 =	vmul.f32 v43, v32  }
0x51d: {  	v20 =	vsub.f32 v20, v25;
	v61 =	vmul.f32 $1.562500000e-02, v37;
	v62 =	vmul.f32 v38, v38  }
0x51e: {  	v46 =	vshra.s32 v40, $0x1;
	v26 =	vmul.f32 v44, v26;
	v19 =	vmul.f32 v60, v19  }
0x51f: {  	v5 =	vmul.f32 v5, v15;
	v44 =	vadd.f32 v41, v63;
	v43 =	vsub.f32 v61, v62  }
0x520: {  	v35 =	vadd.f32 v45, v35;
	v13 =	vmul.f32 v33, v13;
	v32 =	vadd.f32 v32, v8  }
0x521: {  	v39 =	vld [tilespmem:s14+$0x193C0];
	v5 =	vadd.f32 v5, v11;
	v47 =	vperm.xlane v44, v1;
	v15 =	vadd.f32 $9.999999930e-09, v43  }
0x522: {  	v55 =	vld [tilespmem:$0x1FFF0];
	v26 =	vadd.f32 v26, v9;
	v19 =	vadd.f32 v19, v10;
	v49 =	vperm.xlane v35, v1;
	[tilespmem:s14+$0x12F80] =	vst v32  }
0x523: {  	v56 =	vld [tilespmem:s14+$0x193D0];
	[tilespmem:s14+$0x12FB0] =	vst v5;
	v48 =	vadd.f32 v44, v47;
	v5 =	vshra.s32 v15, $0x1;
	v37 =	vmul.f32 $-5.000000000e-01, v15  }
0x524: {  	v59 =	vld [tilespmem:s14+$0x193E0];
	v14 =	vmul.f32 v50, v14;
	[tilespmem:s14+$0x12FA0] =	vst v19;
	v19 =	vadd.f32 v49, v35;
	v5 =	vsub.s32 $0x5F3759DF, v5  }
0x525: {  	[tilespmem:s14+$0x12F90] =	vst v26;
	v26 =	vsub.s32 $0x5F3759DF, v46;
	v47 =	vld [tilespmem:s14+$0x193F0];
	v53 =	vperm.xlane v48, v2;
	v51 =	vmul.f32 v5, v37  }
0x526: {  	v23 =	vsub.f32 v23, v25;
	v32 =	vld [tilespmem:s11+$0xFFFFFF80];
	v52 =	vmul.f32 v26, v36;
	v57 =	vperm.xlane v19, v2  }
0x527: {  	v34 =	vsub.f32 v34, v38;
	v54 =	vld [tilespmem:s11+$0xFFFFFF90];
	v15 =	vadd.f32 v48, v53;
	v40 =	vmul.f32 v5, v51  }
0x528: {  	v31 =	vsub.f32 v31, v38;
	v58 =	vld [tilespmem:s11+$0xFFFFFFA0];
	v41 =	vmul.f32 v26, v52;
	v19 =	vadd.f32 v57, v19  }
0x529: {  	v30 =	vsub.f32 v30, v38;
	v63 =	vld [tilespmem:s11+$0xFFFFFFB0];
	v62 =	vperm.xlane v15, v3;
	v60 =	vadd.f32 $1.500000000e+00, v40  }
0x52a: {  	v29 =	vsub.f32 v29, v38;
	v61 =	vadd.f32 $1.500000000e+00, v41;
	v51 =	vperm.xlane v19, v3  }
0x52b: {  	v43 =	vmul.f32 v4, v55;
	v15 =	vadd.f32 v15, v62;
	v5 =	vmul.f32 v5, v60  }
0x52c: {  	v32 =	vadd.f32 v39, v32;
	v40 =	vmul.f32 v26, v61;
	v48 =	vadd.f32 v51, v19  }
0x52d: {  	v33 =	vmul.f32 $1.562500000e-02, v15;
	v26 =	vadd.f32 v56, v54;
	v52 =	vmul.f32 v5, v37  }
0x52e: {  	v19 =	vadd.f32 v59, v58;
	v15 =	vadd.f32 v47, v63;
	v53 =	vmul.f32 v40, v36  }
0x52f: {  	v56 =	vmul.f32 $1.562500000e-02, v48;
	v58 =	vadd.f32 v26, v32;
	v54 =	vmul.f32 v52, v5  }
0x530: {  	v59 =	vadd.f32 v15, v19;
	v60 =	vmul.f32 v32, v32;
	v61 =	vmul.f32 v26, v26  }
0x531: {  	v63 =	vmul.f32 v19, v19;
	v48 =	vmul.f32 v15, v15;
	v35 =	vadd.f32 $1.500000000e+00, v54  }
0x532: {  	v57 =	vmul.f32 v33, v33;
	v55 =	vmul.f32 v53, v40;
	v62 =	vadd.f32 v59, v58  }
0x533: {  	v42 =	vld [tilespmem:s14+$0x19480];
	v50 =	vadd.f32 v61, v60;
	v51 =	vadd.f32 v48, v63;
	v5 =	vmul.f32 v35, v5  }
0x534: {  	v45 =	vld [tilespmem:s11+$0x110];
	v4 =	vmul.f32 v4, v7;
	v49 =	vsub.f32 v56, v57;
	v39 =	vadd.f32 $1.500000000e+00, v55  }
0x535: {  	v44 =	vld [tilespmem:s11+$0x100];
	v52 =	vperm.xlane v62, v0;
	v41 =	vadd.f32 v51, v50;
	v37 =	vmul.f32 v5, v37  }
0x536: {  	v12 =	vmul.f32 v43, v12;
	v48 =	vld [tilespmem:s14+$0x19490];
	v39 =	vmul.f32 v39, v40;
	v40 =	vadd.f32 $9.999999930e-09, v49  }
0x537: {  	v57 =	vld [tilespmem:s14+$0x194A0];
	v55 =	vperm.xlane v41, v0;
	v35 =	vadd.f32 v62, v52;
	v37 =	vmul.f32 v37, v5  }
0x538: {  	v59 =	vld [tilespmem:$0x1FFE0];
	v36 =	vmul.f32 v39, v36;
	v53 =	vshra.s32 v40, $0x1;
	v40 =	vmul.f32 $-5.000000000e-01, v40  }
0x539: {  	v60 =	vld [tilespmem:s11+$0x130];
	v43 =	vsub.s32 $0x5F3759DF, v53;
	v54 =	vperm.xlane v35, v1;
	v37 =	vadd.f32 $1.500000000e+00, v37  }
0x53a: {  	v13 =	vadd.f32 v13, v8;
	v50 =	vld [tilespmem:s11+$0x120];
	v49 =	vmul.f32 v43, v40;
	v36 =	vmul.f32 v36, v39  }
0x53b: {  	v16 =	vmul.f32 v4, v16;
	v52 =	vld [tilespmem:s14+$0x194B0];
	v35 =	vadd.f32 v35, v54;
	v5 =	vmul.f32 v37, v5  }
0x53c: {  	v56 =	vadd.f32 v55, v41;
	v62 =	vld [tilespmem:$0x1FFF0];
	v58 =	vmul.f32 v43, v49;
	v36 =	vadd.f32 $1.500000000e+00, v36  }
0x53d: {  	v14 =	vadd.f32 v14, v10;
	v61 =	vperm.xlane v35, v2;
	v47 =	vmul.f32 v5, v59  }
0x53e: {  	v51 =	vperm.xlane v56, v1;
	v39 =	vmul.f32 v36, v39;
	v36 =	vadd.f32 v48, v45  }
0x53f: {  	v46 =	vadd.f32 $1.500000000e+00, v58;
	v4 =	vadd.f32 v35, v61;
	v34 =	vmul.f32 v47, v34  }
0x540: {  	v37 =	vadd.f32 v42, v44;
	v35 =	vadd.f32 v57, v50;
	v58 =	vmul.f32 v36, v36  }
0x541: {  	v63 =	vmul.f32 v5, v62;
	v47 =	vadd.f32 v34, v8;
	v34 =	vadd.f32 v52, v60  }
0x542: {  	v17 =	vadd.f32 v51, v56;
	v54 =	vmul.f32 v5, v6;
	v57 =	vmul.f32 v37, v37  }
0x543: {  	v55 =	vadd.f32 v36, v37;
	v59 =	vmul.f32 v35, v35;
	v49 =	vmul.f32 v34, v34  }
0x544: {  	v5 =	vmul.f32 v5, v7;
	v31 =	vmul.f32 v63, v31;
	v56 =	vadd.f32 v34, v35  }
0x545: {  	v30 =	vmul.f32 v54, v30;
	v61 =	vadd.f32 v58, v57;
	v62 =	vadd.f32 v49, v59  }
0x546: {  	v63 =	vperm.xlane v17, v2;
	v5 =	vmul.f32 v5, v29;
	v60 =	vadd.f32 v56, v55  }
0x547: {  	v29 =	vadd.f32 v30, v10;
	v30 =	vadd.f32 v62, v61  }
0x548: {  	v17 =	vadd.f32 v63, v17;
	v5 =	vadd.f32 v5, v11;
	v48 =	vperm.xlane v60, v0  }
0x549: {  	v12 =	vadd.f32 v12, v9;
	[tilespmem:s14+$0x13020] =	vst v29;
	v49 =	vperm.xlane v4, v3;
	v50 =	vperm.xlane v30, v0  }
0x54a: {  	v31 =	vadd.f32 v31, v9;
	v52 =	vperm.xlane v17, v3;
	[tilespmem:s14+$0x13030] =	vst v5;
	v5 =	vld [tilespmem:$0x1FFE0];
	v29 =	vadd.f32 v60, v48  }
0x54b: {  	v4 =	vadd.f32 v4, v49;
	v30 =	vadd.f32 v50, v30  }
0x54c: {  	v42 =	vmul.f32 v43, v46;
	v17 =	vadd.f32 v52, v17;
	v53 =	vperm.xlane v29, v1  }
0x54d: {  	v46 =	vld [tilespmem:s14+$0x19450];
	[tilespmem:s14+$0x13010] =	vst v31;
	v31 =	vsub.f32 v22, v25;
	v22 =	vmul.f32 $1.562500000e-02, v4;
	v55 =	vperm.xlane v30, v1  }
0x54e: {  	v44 =	vld [tilespmem:s14+$0x19470];
	v51 =	vmul.f32 v42, v40;
	v17 =	vmul.f32 $1.562500000e-02, v17;
	v29 =	vadd.f32 v29, v53  }
0x54f: {  	v57 =	vld [tilespmem:$0x1FFF0];
	v5 =	vmul.f32 v39, v5;
	v56 =	vmul.f32 v22, v22;
	v30 =	vadd.f32 v55, v30  }
0x550: {  	v38 =	vmul.f32 v51, v42;
	v54 =	vsub.f32 v18, v25;
	v63 =	vld [tilespmem:s14+$0x19520];
	[tilespmem:s14+$0x13000] =	vst v47;
	v58 =	vperm.xlane v29, v2  }
0x551: {  	v43 =	vld [tilespmem:s11+$0x80];
	v18 =	vmul.f32 v5, v31;
	v31 =	vsub.f32 v17, v56;
	v59 =	vperm.xlane v30, v2  }
0x552: {  	v38 =	vadd.f32 $1.500000000e+00, v38;
	v45 =	vld [tilespmem:s11+$0x90];
	v29 =	vadd.f32 v29, v58  }
0x553: {  	v41 =	vld [tilespmem:s11+$0xB0];
	v60 =	vmul.f32 v39, v6;
	v31 =	vadd.f32 $9.999999930e-09, v31;
	v30 =	vadd.f32 v59, v30  }
0x554: {  	v16 =	vadd.f32 v16, v11;
	v52 =	vld [tilespmem:s14+$0x19500];
	v5 =	vmul.f32 v38, v42;
	v48 =	vperm.xlane v29, v3  }
0x555: {  	v49 =	vld [tilespmem:s11+$0xA0];
	v61 =	vshra.s32 v31, $0x1;
	v42 =	vmul.f32 $-5.000000000e-01, v31;
	v31 =	vperm.xlane v30, v3  }
0x556: {  	v27 =	vsub.f32 v27, v33;
	v4 =	vld [tilespmem:s14+$0x19440];
	v40 =	vmul.f32 v5, v40;
	v29 =	vadd.f32 v29, v48  }
0x557: {  	v47 =	vmul.f32 v39, v57;
	v38 =	vld [tilespmem:s14+$0x19460];
	v20 =	vmul.f32 v60, v20;
	v30 =	vadd.f32 v31, v30  }
0x558: {  	v50 =	vld [tilespmem:s11+$0x200];
	v60 =	vsub.f32 v28, v33;
	v40 =	vmul.f32 v40, v5;
	v48 =	vmul.f32 $1.562500000e-02, v29  }
0x559: {  	v32 =	vsub.f32 v32, v22;
	v19 =	vsub.f32 v19, v22;
	v28 =	vmul.f32 $1.562500000e-02, v30;
	v30 =	vld [tilespmem:$0x1FFE0]  }
0x55a: {  	v15 =	vsub.f32 v15, v22;
	v56 =	vld [tilespmem:s11+$0x220];
	v40 =	vadd.f32 $1.500000000e+00, v40;
	v29 =	vmul.f32 v48, v48  }
0x55b: {  	v57 =	vld [tilespmem:s11+$0x230];
	v17 =	vmul.f32 v47, v54;
	v55 =	vmul.f32 v39, v7;
	v51 =	vsub.s32 $0x5F3759DF, v61  }
0x55c: {  	v53 =	vld [tilespmem:s11+$0x210];
	v39 =	vmul.f32 v40, v5;
	v31 =	vadd.f32 v46, v45;
	v61 =	vsub.f32 v28, v29  }
0x55d: {  	v54 =	vld [tilespmem:s14+$0x19510];
	v62 =	vmul.f32 v51, v42;
	v29 =	vadd.f32 v38, v49;
	v28 =	vadd.f32 v44, v41  }
0x55e: {  	v44 =	vadd.f32 v52, v50;
	v40 =	vmul.f32 v39, v30;
	v30 =	vadd.f32 v4, v43;
	v4 =	vld [tilespmem:s14+$0x19530]  }
0x55f: {  	v23 =	vmul.f32 v55, v23;
	v5 =	vmul.f32 v51, v62;
	v41 =	vadd.f32 v63, v56  }
0x560: {  	v49 =	vmul.f32 v31, v31;
	v47 =	vadd.f32 v28, v29;
	v52 =	vmul.f32 v44, v44  }
0x561: {  	v55 =	vmul.f32 v41, v41;
	v62 =	vmul.f32 v28, v28;
	v43 =	vadd.f32 $9.999999930e-09, v61  }
0x562: {  	v25 =	vmul.f32 v40, v60;
	v45 =	vadd.f32 v31, v30;
	v40 =	vadd.f32 v54, v53  }
0x563: {  	v50 =	vmul.f32 $-5.000000000e-01, v43;
	v54 =	vld [tilespmem:s14+$0x19580];
	v43 =	vshra.s32 v43, $0x1;
	v38 =	vadd.f32 v4, v57  }
0x564: {  	v60 =	vld [tilespmem:s14+$0x19590];
	v43 =	vsub.s32 $0x5F3759DF, v43;
	v53 =	vmul.f32 v40, v40;
	v58 =	vadd.f32 v40, v44  }
0x565: {  	v61 =	vmul.f32 v43, v50;
	v45 =	vadd.f32 v47, v45;
	v4 =	vld [tilespmem:s11+$0x300];
	v56 =	vmul.f32 v38, v38  }
0x566: {  	v46 =	vmul.f32 v30, v30;
	v57 =	vld [tilespmem:s11+$0x310];
	v52 =	vadd.f32 v53, v52;
	v59 =	vadd.f32 v38, v41  }
0x567: {  	v47 =	vmul.f32 v43, v61;
	v61 =	vld [tilespmem:s14+$0x195B0];
	v53 =	vadd.f32 v56, v55;
	v56 =	vmul.f32 v29, v29  }
0x568: {  	v5 =	vadd.f32 $1.500000000e+00, v5;
	v55 =	vld [tilespmem:s11+$0x320];
	v58 =	vadd.f32 v59, v58  }
0x569: {  	v46 =	vadd.f32 v49, v46;
	v59 =	vld [tilespmem:s14+$0x195A0];
	v49 =	vadd.f32 v62, v56  }
0x56a: {  	v52 =	vadd.f32 v53, v52;
	v53 =	vld [tilespmem:s11+$0x330];
	v56 =	vperm.xlane v58, v0;
	v62 =	vperm.xlane v45, v0  }
0x56b: {  	v5 =	vmul.f32 v51, v5;
	v47 =	vadd.f32 $1.500000000e+00, v47;
	v49 =	vadd.f32 v49, v46  }
0x56c: {  	v63 =	vperm.xlane v52, v0;
	v51 =	vadd.f32 v58, v56;
	v56 =	vadd.f32 v45, v62  }
0x56d: {  	v58 =	vmul.f32 v43, v47;
	v47 =	vadd.f32 v54, v4;
	v46 =	vadd.f32 v60, v57  }
0x56e: {  	v45 =	vadd.f32 v59, v55;
	v52 =	vadd.f32 v63, v52;
	v62 =	vperm.xlane v51, v1  }
0x56f: {  	v4 =	vmul.f32 v58, v50;
	v57 =	vmul.f32 v47, v47;
	v43 =	vadd.f32 v61, v53  }
0x570: {  	v54 =	vadd.f32 v46, v47;
	v59 =	vmul.f32 v46, v46;
	v63 =	vld [tilespmem:$0x1FFF0];
	v53 =	vmul.f32 v45, v45  }
0x571: {  	v51 =	vadd.f32 v51, v62;
	v62 =	vperm.xlane v52, v1;
	v55 =	vadd.f32 v43, v45  }
0x572: {  	v57 =	vadd.f32 v59, v57;
	v4 =	vmul.f32 v4, v58;
	v60 =	vmul.f32 v43, v43  }
0x573: {  	v52 =	vadd.f32 v62, v52;
	v54 =	vadd.f32 v55, v54;
	v55 =	vperm.xlane v51, v2  }
0x574: {  	v4 =	vadd.f32 $1.500000000e+00, v4;
	v53 =	vadd.f32 v60, v53  }
0x575: {  	v59 =	vmul.f32 v39, v63;
	v51 =	vadd.f32 v51, v55;
	v55 =	vperm.xlane v52, v2  }
0x576: {  	v60 =	vmul.f32 v5, v42;
	v4 =	vmul.f32 v4, v58;
	v53 =	vadd.f32 v53, v57  }
0x577: {  	v58 =	vperm.xlane v56, v1;
	v57 =	vperm.xlane v54, v0;
	v52 =	vadd.f32 v55, v52  }
0x578: {  	v20 =	vadd.f32 v20, v10;
	v61 =	vperm.xlane v51, v3;
	v62 =	vperm.xlane v53, v0  }
0x579: {  	v60 =	vmul.f32 v60, v5;
	v54 =	vadd.f32 v54, v57;
	v63 =	vperm.xlane v52, v3  }
0x57a: {  	v51 =	vadd.f32 v51, v61;
	v53 =	vadd.f32 v62, v53;
	v62 =	vperm.xlane v49, v0  }
0x57b: {  	v50 =	vmul.f32 v4, v50;
	v61 =	vperm.xlane v54, v1;
	v52 =	vadd.f32 v63, v52  }
0x57c: {  	v51 =	vmul.f32 $1.562500000e-02, v51;
	v63 =	vperm.xlane v53, v1;
	v49 =	vadd.f32 v62, v49  }
0x57d: {  	v50 =	vmul.f32 v50, v4;
	v54 =	vadd.f32 v54, v61;
	v52 =	vmul.f32 $1.562500000e-02, v52  }
0x57e: {  	v61 =	vmul.f32 v51, v51;
	v53 =	vadd.f32 v63, v53;
	v63 =	vperm.xlane v49, v1  }
0x57f: {  	v56 =	vadd.f32 v56, v58;
	v50 =	vadd.f32 $1.500000000e+00, v50;
	v62 =	vperm.xlane v54, v2  }
0x580: {  	v52 =	vsub.f32 v52, v61;
	v49 =	vadd.f32 v63, v49;
	v63 =	vld [tilespmem:$0x1FFE0]  }
0x581: {  	v60 =	vadd.f32 $1.500000000e+00, v60;
	v54 =	vadd.f32 v54, v62;
	v61 =	vperm.xlane v53, v2  }
0x582: {  	v55 =	vperm.xlane v56, v2;
	v4 =	vmul.f32 v50, v4;
	v50 =	vadd.f32 $9.999999930e-09, v52  }
0x583: {  	v37 =	vsub.f32 v37, v48;
	v62 =	vperm.xlane v54, v3;
	v53 =	vadd.f32 v61, v53  }
0x584: {  	v5 =	vmul.f32 v60, v5;
	v55 =	vadd.f32 v56, v55;
	v61 =	vshra.s32 v50, $0x1  }
0x585: {  	v52 =	vadd.f32 v54, v62;
	v54 =	vperm.xlane v53, v3;
	v57 =	vmul.f32 v4, v63  }
0x586: {  	v50 =	vmul.f32 $-5.000000000e-01, v50;
	v62 =	vld [tilespmem:$0x1FFF0];
	v58 =	vsub.s32 $0x5F3759DF, v61;
	v61 =	vperm.xlane v49, v2  }
0x587: {  	v53 =	vadd.f32 v54, v53;
	v56 =	vmul.f32 v57, v37;
	v37 =	vmul.f32 $1.562500000e-02, v52  }
0x588: {  	v36 =	vsub.f32 v36, v48;
	v42 =	vmul.f32 v5, v42;
	v57 =	vmul.f32 v58, v50  }
0x589: {  	v49 =	vadd.f32 v61, v49;
	v53 =	vmul.f32 $1.562500000e-02, v53;
	v61 =	vmul.f32 v37, v37  }
0x58a: {  	v35 =	vsub.f32 v35, v48;
	v34 =	vsub.f32 v34, v48;
	v63 =	vmul.f32 v58, v57  }
0x58b: {  	v42 =	vmul.f32 v42, v5;
	v52 =	vmul.f32 v4, v62;
	v53 =	vsub.f32 v53, v61  }
0x58c: {  	v62 =	vmul.f32 v4, v6;
	v4 =	vmul.f32 v4, v7;
	v54 =	vadd.f32 $1.500000000e+00, v63  }
0x58d: {  	v36 =	vmul.f32 v52, v36;
	v52 =	vperm.xlane v55, v3;
	v53 =	vadd.f32 $9.999999930e-09, v53  }
0x58e: {  	v63 =	vadd.f32 v56, v8;
	v35 =	vmul.f32 v62, v35;
	v48 =	vmul.f32 v58, v54  }
0x58f: {  	v4 =	vmul.f32 v4, v34;
	v58 =	vshra.s32 v53, $0x1;
	v53 =	vmul.f32 $-5.000000000e-01, v53  }
0x590: {  	v36 =	vadd.f32 v36, v9;
	v57 =	vmul.f32 v48, v50;
	v54 =	vsub.s32 $0x5F3759DF, v58  }
0x591: {  	v61 =	vperm.xlane v49, v3;
	v35 =	vadd.f32 v35, v10;
	[tilespmem:s14+$0x13080] =	vst v63;
	v62 =	vmul.f32 v54, v53  }
0x592: {  	v4 =	vadd.f32 v4, v11;
	v52 =	vadd.f32 v55, v52;
	[tilespmem:s14+$0x13090] =	vst v36;
	v34 =	vmul.f32 v57, v48  }
0x593: {  	v44 =	vsub.f32 v44, v51;
	v40 =	vsub.f32 v40, v51;
	[tilespmem:s14+$0x130A0] =	vst v35;
	v35 =	vmul.f32 v54, v62  }
0x594: {  	v63 =	vadd.f32 v61, v49;
	[tilespmem:s14+$0x130B0] =	vst v4;
	v36 =	vmul.f32 $1.562500000e-02, v52;
	v4 =	vadd.f32 $1.500000000e+00, v34  }
0x595: {  	v58 =	vsub.f32 v24, v33;
	v60 =	vld [tilespmem:s11+$0x1A0];
	v24 =	vmul.f32 v59, v27;
	v35 =	vadd.f32 $1.500000000e+00, v35  }
0x596: {  	v41 =	vsub.f32 v41, v51;
	v59 =	vld [tilespmem:s14+$0x194E0];
	v57 =	vmul.f32 v39, v6;
	v4 =	vmul.f32 v4, v48  }
0x597: {  	v38 =	vsub.f32 v38, v51;
	v56 =	vld [tilespmem:s14+$0x194D0];
	v34 =	vmul.f32 $1.562500000e-02, v63;
	v54 =	vmul.f32 v54, v35  }
0x598: {  	v42 =	vadd.f32 $1.500000000e+00, v42;
	v52 =	vld [tilespmem:s14+$0x194C0];
	v48 =	vmul.f32 v36, v36;
	v50 =	vmul.f32 v4, v50  }
0x599: {  	v47 =	vsub.f32 v47, v37;
	v55 =	vld [tilespmem:s11+$0x190];
	v27 =	vmul.f32 v57, v58;
	v57 =	vmul.f32 v54, v53  }
0x59a: {  	v49 =	vld [tilespmem:s11+$0x180];
	v62 =	vsub.f32 v21, v33;
	v34 =	vsub.f32 v34, v48;
	v35 =	vmul.f32 v50, v4  }
0x59b: {  	v33 =	vadd.f32 v59, v60;
	v59 =	vld [tilespmem:$0x1FFF0];
	v48 =	vmul.f32 v42, v5;
	v5 =	vmul.f32 v57, v54  }
0x59c: {  	v61 =	vld [tilespmem:s14+$0x194F0];
	v58 =	vadd.f32 $9.999999930e-09, v34;
	v34 =	vadd.f32 $1.500000000e+00, v35  }
0x59d: {  	v46 =	vsub.f32 v46, v37;
	v50 =	vld [tilespmem:s11+$0x1B0];
	v5 =	vadd.f32 $1.500000000e+00, v5  }
0x59e: {  	v45 =	vsub.f32 v45, v37;
	v4 =	vmul.f32 v34, v4;
	v34 =	vadd.f32 v56, v55;
	v56 =	vld [tilespmem:$0x1FFE0]  }
0x59f: {  	v39 =	vmul.f32 v39, v7;
	v42 =	vshra.s32 v58, $0x1;
	v5 =	vmul.f32 v5, v54  }
0x5a0: {  	v35 =	vadd.f32 v52, v49;
	v49 =	vmul.f32 v4, v59;
	v60 =	vmul.f32 v4, v6  }
0x5a1: {  	v42 =	vsub.s32 $0x5F3759DF, v42;
	v59 =	vmul.f32 v34, v34;
	v53 =	vmul.f32 v5, v53  }
0x5a2: {  	v21 =	vadd.f32 v61, v50;
	v40 =	vmul.f32 v49, v40;
	v41 =	vmul.f32 v60, v41  }
0x5a3: {  	v50 =	vadd.f32 v34, v35;
	v49 =	vmul.f32 $-5.000000000e-01, v58;
	v57 =	vmul.f32 v4, v56  }
0x5a4: {  	v63 =	vadd.f32 v21, v33;
	v4 =	vmul.f32 v4, v7;
	v61 =	vmul.f32 v53, v5  }
0x5a5: {  	v60 =	vld [tilespmem:$0x1FFE0];
	v40 =	vadd.f32 v40, v9;
	v56 =	vadd.f32 v41, v10;
	v44 =	vmul.f32 v57, v44  }
0x5a6: {  	v4 =	vmul.f32 v4, v38;
	v38 =	vadd.f32 v63, v50;
	v57 =	vadd.f32 $1.500000000e+00, v61;
	v61 =	vld [tilespmem:$0x1FFF0]  }
0x5a7: {  	v58 =	vmul.f32 v35, v35;
	[tilespmem:s14+$0x13110] =	vst v40;
	v40 =	vmul.f32 v42, v49;
	v44 =	vadd.f32 v44, v8  }
0x5a8: {  	[tilespmem:s14+$0x13120] =	vst v56;
	v4 =	vadd.f32 v4, v11;
	v52 =	vperm.xlane v38, v0;
	v5 =	vmul.f32 v57, v5  }
0x5a9: {  	v41 =	vadd.f32 v59, v58;
	v53 =	vld [tilespmem:s14+$0x19540];
	v58 =	vmul.f32 v42, v40;
	[tilespmem:s14+$0x13100] =	vst v44;
	v44 =	vmul.f32 v33, v33  }
0x5aa: {  	v37 =	vsub.f32 v43, v37;
	v56 =	vld [tilespmem:s14+$0x19550];
	[tilespmem:s14+$0x13130] =	vst v4;
	v4 =	vmul.f32 v21, v21;
	v51 =	vmul.f32 v5, v60  }
0x5ab: {  	v38 =	vadd.f32 v38, v52;
	v50 =	vld [tilespmem:s11+$0x280];
	v63 =	vmul.f32 v5, v6;
	v54 =	vmul.f32 v5, v61  }
0x5ac: {  	v55 =	vld [tilespmem:s11+$0x290];
	v5 =	vmul.f32 v5, v7;
	v4 =	vadd.f32 v4, v44;
	v47 =	vmul.f32 v51, v47  }
0x5ad: {  	v30 =	vsub.f32 v30, v36;
	v60 =	vld [tilespmem:$0x1FFE0];
	v45 =	vmul.f32 v63, v45;
	v63 =	vperm.xlane v38, v1  }
0x5ae: {  	v44 =	vld [tilespmem:s11+$0x2A0];
	v46 =	vmul.f32 v54, v46;
	v4 =	vadd.f32 v4, v41;
	v57 =	vadd.f32 v47, v8  }
0x5af: {  	v5 =	vmul.f32 v5, v37;
	v41 =	vld [tilespmem:s11+$0x2B0];
	v37 =	vadd.f32 $1.500000000e+00, v58;
	v59 =	vadd.f32 v45, v10  }
0x5b0: {  	v43 =	vmul.f32 v39, v62;
	v47 =	vld [tilespmem:s14+$0x19560];
	v45 =	vsub.f32 v26, v22;
	v46 =	vadd.f32 v46, v9;
	[tilespmem:s14+$0x13180] =	vst v57  }
0x5b1: {  	v5 =	vadd.f32 v5, v11;
	v58 =	vperm.xlane v4, v0;
	v57 =	vld [tilespmem:s14+$0x19570];
	[tilespmem:s14+$0x131A0] =	vst v59;
	v59 =	vadd.f32 v38, v63  }
0x5b2: {  	v61 =	vmul.f32 v48, v60;
	v26 =	vadd.f32 v56, v55;
	v38 =	vadd.f32 v53, v50;
	v50 =	vld [tilespmem:s14+$0x195C0];
	[tilespmem:s14+$0x13190] =	vst v46  }
0x5b3: {  	v51 =	vmul.f32 v42, v37;
	[tilespmem:s14+$0x131B0] =	vst v5;
	v5 =	vld [tilespmem:$0x1FFF0];
	v4 =	vadd.f32 v58, v4;
	v60 =	vperm.xlane v59, v2  }
0x5b4: {  	v40 =	vmul.f32 v61, v32;
	v55 =	vmul.f32 v26, v26;
	v39 =	vld [tilespmem:s11+$0x380];
	v46 =	vadd.f32 v26, v38  }
0x5b5: {  	v62 =	vmul.f32 v38, v38;
	v56 =	vld [tilespmem:s11+$0x3A0];
	v61 =	vperm.xlane v4, v1;
	v42 =	vadd.f32 v59, v60  }
0x5b6: {  	v32 =	vadd.f32 v47, v44;
	v47 =	vld [tilespmem:s14+$0x195D0];
	v37 =	vadd.f32 v57, v41  }
0x5b7: {  	v59 =	vld [tilespmem:s14+$0x195E0];
	v54 =	vadd.f32 v55, v62;
	v4 =	vadd.f32 v61, v4;
	v61 =	vperm.xlane v42, v3  }
0x5b8: {  	v41 =	vld [tilespmem:s11+$0x390];
	v63 =	vmul.f32 v32, v32;
	v52 =	vadd.f32 v37, v32;
	v60 =	vmul.f32 v37, v37  }
0x5b9: {  	v57 =	vld [tilespmem:s14+$0x195F0];
	v5 =	vmul.f32 v48, v5;
	v58 =	vadd.f32 v42, v61;
	v42 =	vperm.xlane v4, v2  }
0x5ba: {  	v46 =	vadd.f32 v52, v46;
	v52 =	vld [tilespmem:s11+$0x3B0];
	v55 =	vadd.f32 v60, v63  }
0x5bb: {  	v53 =	vmul.f32 v51, v49;
	v44 =	vmul.f32 v5, v45;
	v4 =	vadd.f32 v42, v4  }
0x5bc: {  	v63 =	vmul.f32 v48, v6;
	v42 =	vadd.f32 v50, v39;
	v62 =	vadd.f32 v55, v54  }
0x5bd: {  	v41 =	vadd.f32 v47, v41;
	v39 =	vadd.f32 v59, v56;
	v60 =	vperm.xlane v46, v0  }
0x5be: {  	v31 =	vsub.f32 v31, v36;
	v45 =	vmul.f32 v63, v19;
	v54 =	vperm.xlane v62, v0  }
0x5bf: {  	v63 =	vmul.f32 v41, v41;
	v47 =	vmul.f32 v39, v39;
	v19 =	vadd.f32 v57, v52  }
0x5c0: {  	v46 =	vadd.f32 v46, v60;
	v50 =	vadd.f32 v54, v62;
	v54 =	vmul.f32 v42, v42  }
0x5c1: {  	v52 =	vadd.f32 v41, v42;
	v62 =	vadd.f32 v19, v39;
	v60 =	vmul.f32 v19, v19  }
0x5c2: {  	v53 =	vmul.f32 v53, v51;
	v61 =	vperm.xlane v46, v1;
	v63 =	vadd.f32 v63, v54  }
0x5c3: {  	v52 =	vadd.f32 v62, v52;
	v62 =	vperm.xlane v50, v1;
	v47 =	vadd.f32 v60, v47  }
0x5c4: {  	v5 =	vadd.f32 $1.500000000e+00, v53;
	v46 =	vadd.f32 v46, v61;
	v61 =	vperm.xlane v4, v3  }
0x5c5: {  	v53 =	vadd.f32 v62, v50;
	v47 =	vadd.f32 v47, v63;
	v60 =	vperm.xlane v52, v0  }
0x5c6: {  	v5 =	vmul.f32 v5, v51;
	v4 =	vadd.f32 v61, v4;
	v59 =	vperm.xlane v46, v2  }
0x5c7: {  	v61 =	vperm.xlane v53, v2;
	v51 =	vadd.f32 v52, v60;
	v63 =	vperm.xlane v47, v0  }
0x5c8: {  	v50 =	vmul.f32 $1.562500000e-02, v58;
	v4 =	vmul.f32 $1.562500000e-02, v4;
	v46 =	vadd.f32 v46, v59  }
0x5c9: {  	v53 =	vadd.f32 v61, v53;
	v61 =	vperm.xlane v51, v1;
	v52 =	vadd.f32 v63, v47  }
0x5ca: {  	v29 =	vsub.f32 v29, v36;
	v62 =	vmul.f32 v50, v50;
	v60 =	vperm.xlane v46, v3  }
0x5cb: {  	v28 =	vsub.f32 v28, v36;
	v51 =	vadd.f32 v51, v61;
	v57 =	vperm.xlane v52, v1  }
0x5cc: {  	v49 =	vmul.f32 v5, v49;
	v4 =	vsub.f32 v4, v62;
	v46 =	vadd.f32 v46, v60  }
0x5cd: {  	v63 =	vperm.xlane v53, v3;
	v59 =	vperm.xlane v51, v2;
	v52 =	vadd.f32 v57, v52  }
0x5ce: {  	v62 =	vmul.f32 v49, v5;
	v4 =	vadd.f32 $9.999999930e-09, v4;
	v47 =	vmul.f32 $1.562500000e-02, v46  }
0x5cf: {  	v49 =	vadd.f32 v63, v53;
	v46 =	vadd.f32 v51, v59;
	v61 =	vperm.xlane v52, v2  }
0x5d0: {  	v53 =	vmul.f32 $-5.000000000e-01, v4;
	v4 =	vshra.s32 v4, $0x1;
	v60 =	vmul.f32 v47, v47  }
0x5d1: {  	v4 =	vsub.s32 $0x5F3759DF, v4;
	v59 =	vld [tilespmem:$0x1FFE0];
	v63 =	vperm.xlane v46, v3;
	v51 =	vadd.f32 v61, v52  }
0x5d2: {  	v58 =	vadd.f32 $1.500000000e+00, v62;
	v49 =	vmul.f32 $1.562500000e-02, v49;
	v62 =	vmul.f32 v4, v53  }
0x5d3: {  	v48 =	vmul.f32 v48, v7;
	v46 =	vadd.f32 v46, v63;
	v61 =	vperm.xlane v51, v3  }
0x5d4: {  	v5 =	vmul.f32 v58, v5;
	v49 =	vsub.f32 v49, v60;
	v55 =	vmul.f32 v4, v62  }
0x5d5: {  	v15 =	vmul.f32 v48, v15;
	v60 =	vld [tilespmem:$0x1FFF0];
	v51 =	vadd.f32 v61, v51;
	v46 =	vmul.f32 $1.562500000e-02, v46  }
0x5d6: {  	v49 =	vadd.f32 $9.999999930e-09, v49;
	v55 =	vadd.f32 $1.500000000e+00, v55;
	v52 =	vmul.f32 v5, v59  }
0x5d7: {  	v43 =	vadd.f32 v43, v11;
	v51 =	vmul.f32 $1.562500000e-02, v51;
	v58 =	vmul.f32 v46, v46  }
0x5d8: {  	v62 =	vshra.s32 v49, $0x1;
	v49 =	vmul.f32 $-5.000000000e-01, v49;
	v4 =	vmul.f32 v4, v55  }
0x5d9: {  	v61 =	vmul.f32 v5, v6;
	v57 =	vsub.s32 $0x5F3759DF, v62;
	v59 =	vsub.f32 v51, v58  }
0x5da: {  	v15 =	vadd.f32 v15, v11;
	v56 =	vmul.f32 v5, v60;
	v63 =	vmul.f32 v57, v49  }
0x5db: {  	v30 =	vmul.f32 v52, v30;
	v55 =	vmul.f32 v4, v53;
	v48 =	vadd.f32 $9.999999930e-09, v59  }
0x5dc: {  	v21 =	vsub.f32 v21, v50;
	v5 =	vmul.f32 v5, v7;
	v22 =	vmul.f32 v57, v63  }
0x5dd: {  	v60 =	vmul.f32 v55, v4;
	v62 =	vshra.s32 v48, $0x1;
	v48 =	vmul.f32 $-5.000000000e-01, v48  }
0x5de: {  	v29 =	vmul.f32 v61, v29;
	v22 =	vadd.f32 $1.500000000e+00, v22;
	v52 =	vsub.s32 $0x5F3759DF, v62  }
0x5df: {  	v31 =	vmul.f32 v56, v31;
	v51 =	vadd.f32 $1.500000000e+00, v60;
	v56 =	vmul.f32 v52, v48  }
0x5e0: {  	v61 =	vadd.f32 v23, v11;
	v5 =	vmul.f32 v5, v28;
	v22 =	vmul.f32 v57, v22  }
0x5e1: {  	[tilespmem:s14+$0x12E40] =	vst v13;
	v55 =	vsub.f32 v34, v50;
	v4 =	vmul.f32 v51, v4;
	v36 =	vmul.f32 v52, v56  }
0x5e2: {  	[tilespmem:s14+$0x12EF0] =	vst v61;
	v61 =	vadd.f32 v40, v8;
	v40 =	vsub.f32 v38, v47;
	v63 =	vmul.f32 v22, v49  }
0x5e3: {  	[tilespmem:s14+$0x12E60] =	vst v14;
	v34 =	vadd.f32 v31, v9;
	v53 =	vmul.f32 v4, v53;
	v60 =	vadd.f32 $1.500000000e+00, v36  }
0x5e4: {  	[tilespmem:s14+$0x12E70] =	vst v16;
	v5 =	vadd.f32 v5, v11;
	v59 =	vadd.f32 v17, v9;
	v51 =	vmul.f32 v63, v22  }
0x5e5: {  	[tilespmem:s14+$0x12FC0] =	vst v61;
	v61 =	vsub.f32 v19, v46;
	v58 =	vmul.f32 v53, v4;
	v16 =	vmul.f32 v52, v60  }
0x5e6: {  	[tilespmem:s14+$0x12E50] =	vst v12;
	v28 =	vld [tilespmem:$0x1FFE0];
	v57 =	vadd.f32 v18, v8;
	v51 =	vadd.f32 $1.500000000e+00, v51  }
0x5e7: {  	[tilespmem:s14+$0x12EE0] =	vst v20;
	v18 =	vadd.f32 $1.500000000e+00, v58;
	v36 =	vadd.f32 v27, v10;
	v27 =	vld [tilespmem:$0x1FFF0];
	v52 =	vmul.f32 v16, v48  }
0x5e8: {  	[tilespmem:s14+$0x12F70] =	vst v43;
	v62 =	vadd.f32 v25, v8;
	v25 =	vadd.f32 v45, v10;
	v14 =	vmul.f32 v51, v22  }
0x5e9: {  	[tilespmem:s14+$0x12FF0] =	vst v15;
	v63 =	vadd.f32 v24, v9;
	v4 =	vmul.f32 v18, v4;
	v24 =	vmul.f32 v52, v16  }
0x5ea: {  	[tilespmem:s14+$0x13050] =	vst v34;
	v45 =	vsub.f32 v32, v47;
	v53 =	vsub.f32 v35, v50;
	v51 =	vmul.f32 v14, v49  }
0x5eb: {  	[tilespmem:s14+$0x12EC0] =	vst v57;
	v54 =	vmul.f32 v4, v28;
	v57 =	vmul.f32 v4, v6;
	v60 =	vadd.f32 $1.500000000e+00, v24  }
0x5ec: {  	[tilespmem:s14+$0x13070] =	vst v5;
	v56 =	vsub.f32 v33, v50;
	v27 =	vmul.f32 v4, v27;
	v4 =	vmul.f32 v4, v7  }
0x5ed: {  	v33 =	vadd.f32 v30, v8;
	[tilespmem:s14+$0x12F50] =	vst v63;
	v18 =	vmul.f32 v51, v14;
	v63 =	vmul.f32 v60, v16  }
0x5ee: {  	[tilespmem:s14+$0x12F60] =	vst v36;
	v36 =	vadd.f32 v29, v10;
	v20 =	vmul.f32 v54, v53;
	v22 =	vmul.f32 v57, v56  }
0x5ef: {  	[tilespmem:s14+$0x12ED0] =	vst v59;
	v29 =	vld [tilespmem:$0x1FFF0];
	v54 =	vsub.f32 v42, v46;
	v59 =	vadd.f32 $1.500000000e+00, v18;
	v35 =	vmul.f32 v63, v48  }
0x5f0: {  	[tilespmem:s14+$0x12F40] =	vst v62;
	v56 =	vsub.f32 v41, v46;
	v58 =	vmul.f32 v27, v55;
	v24 =	vadd.f32 v44, v9  }
0x5f1: {  	[tilespmem:s14+$0x12FE0] =	vst v25;
	v44 =	vsub.f32 v26, v47;
	v62 =	vmul.f32 v59, v14;
	v23 =	vmul.f32 v35, v63  }
0x5f2: {  	[tilespmem:s14+$0x13040] =	vst v33;
	v4 =	vmul.f32 v4, v21;
	v20 =	vadd.f32 v20, v8;
	v5 =	vadd.f32 v22, v10  }
0x5f3: {  	[tilespmem:s14+$0x13060] =	vst v36;
	v13 =	vadd.f32 v58, v9;
	v43 =	vmul.f32 v62, v28;
	v50 =	vadd.f32 $1.500000000e+00, v23  }
0x5f4: {  	v4 =	vadd.f32 v4, v11;
	[tilespmem:s14+$0x12FD0] =	vst v24;
	v49 =	vmul.f32 v62, v29;
	v52 =	vmul.f32 v62, v6  }
0x5f5: {  	[tilespmem:s14+$0x130C0] =	vst v20;
	v59 =	vsub.f32 v39, v46;
	v15 =	vmul.f32 v43, v40;
	v14 =	vmul.f32 v50, v63  }
0x5f6: {  	[tilespmem:s14+$0x130E0] =	vst v5;
	v48 =	vsub.f32 v37, v47;
	v12 =	vmul.f32 v62, v7;
	v51 =	vmul.f32 v49, v44  }
0x5f7: {  	[tilespmem:s14+$0x130D0] =	vst v13;
	v53 =	vmul.f32 v52, v45;
	v15 =	vadd.f32 v15, v8;
	v55 =	vmul.f32 v14, v28  }
0x5f8: {  	[tilespmem:s14+$0x130F0] =	vst v4;
	v5 =	vmul.f32 v12, v48;
	v58 =	vadd.f32 v51, v9;
	v57 =	vmul.f32 v14, v29  }
0x5f9: {  	v13 =	vadd.f32 v53, v10;
	[tilespmem:s14+$0x13140] =	vst v15;
	v60 =	vmul.f32 v14, v6;
	v4 =	vmul.f32 v55, v54  }
0x5fa: {  	s9 =	sadd.s32 $0x10, s9;
	v5 =	vadd.f32 v5, v11;
	[tilespmem:s14+$0x13150] =	vst v58;
	v14 =	vmul.f32 v14, v7;
	v12 =	vmul.f32 v57, v56  }
0x5fb: {  	p0 =	slt.u32 s9, $0xB0;
	[tilespmem:s14+$0x13160] =	vst v13;
	v62 =	vmul.f32 v60, v59;
	v4 =	vadd.f32 v4, v8  }
.Ltmp4:
0x5fc: {  	[tilespmem:s14+$0x13170] =	vst v5;
	v63 =	vmul.f32 v14, v61;
	v5 =	vadd.f32 v12, v9;
	(pc) =	sbr.rel @p0 .LBB2_9-.Ltmp4, $4  }
0x5fd: {  	v13 =	vadd.f32 v62, v10;
	[tilespmem:s14+$0x131C0] =	vst v4  }
0x5fe: {  	v4 =	vadd.f32 v63, v11;
	[tilespmem:s14+$0x131D0] =	vst v5  }
0x5ff: {  	s18 =	sadd.s32 $0x1000, s18;
	[tilespmem:s14+$0x131E0] =	vst v13  }
0x600: {  	s15 =	simm.s32 $0x6200;
	s11 =	sadd.s32 $0x800, s11;
	[tilespmem:s14+$0x131F0] =	vst v4;
	s14 =	simm.s32 $0xBE  }
.LBB2_10:
0x601: {  	v4 =	vld [tilespmem:s15+$0x0]  }
0x602: {  	v12 =	vld [tilespmem:s15+$0x10]  }
0x603: {  	v14 =	vld [tilespmem:s15+$0x20]  }
0x604: {  	s9 =	sshra.s32 s16, $0x2;
	v16 =	vld [tilespmem:s15+$0x30]  }
0x605: {  	v5 =	vld [tilespmem:s9+$0x1C200]  }
0x606: {  	v13 =	vld [tilespmem:s9+$0x1C210]  }
0x607: {  	v15 =	vld [tilespmem:s9+$0x1C220]  }
0x608: {  	v17 =	vld [tilespmem:s9+$0x1C230];
	_ =	sdelay $0x3  }
0x609: {  	v4 =	vadd.f32 v5, v4;
	v5 =	vadd.f32 v13, v12  }
0x60a: {  	v63 =	vadd.f32 v15, v14;
	v21 =	vadd.f32 v17, v16  }
0x60b: {  	v22 =	vadd.f32 v5, v4  }
0x60c: {  	v15 =	vadd.f32 v21, v63;
	v23 =	vmul.f32 v4, v4;
	v24 =	vmul.f32 v5, v5  }
0x60d: {  	v18 =	vmul.f32 v63, v63;
	v19 =	vmul.f32 v21, v21  }
0x60e: {  	v14 =	vadd.f32 v15, v22  }
0x60f: {  	v25 =	vadd.f32 v24, v23;
	v26 =	vadd.f32 v19, v18;
	_ =	sdelay $0x1  }
0x610: {  	v15 =	vadd.f32 v26, v25;
	v32 =	vperm.xlane v14, v0;
	_ =	sdelay $0x1  }
0x611: {  	v14 =	vadd.f32 v14, v32;
	v33 =	vperm.xlane v15, v0;
	_ =	sdelay $0x1  }
0x612: {  	v34 =	vperm.xlane v14, v1;
	v15 =	vadd.f32 v33, v15;
	_ =	sdelay $0x1  }
0x613: {  	v14 =	vadd.f32 v14, v34;
	v16 =	vperm.xlane v15, v1;
	_ =	sdelay $0x1  }
0x614: {  	v17 =	vperm.xlane v14, v2;
	v15 =	vadd.f32 v16, v15;
	_ =	sdelay $0x1  }
0x615: {  	v14 =	vadd.f32 v14, v17;
	v16 =	vperm.xlane v15, v2;
	_ =	sdelay $0x1  }
0x616: {  	v17 =	vperm.xlane v14, v3;
	v15 =	vadd.f32 v16, v15;
	_ =	sdelay $0x1  }
0x617: {  	v14 =	vadd.f32 v14, v17;
	v16 =	vperm.xlane v15, v3;
	_ =	sdelay $0x1  }
0x618: {  	v15 =	vadd.f32 v16, v15;
	v14 =	vmul.f32 $1.562500000e-02, v14;
	_ =	sdelay $0x1  }
0x619: {  	v15 =	vmul.f32 $1.562500000e-02, v15;
	v35 =	vmul.f32 v14, v14;
	_ =	sdelay $0x1  }
0x61a: {  	v15 =	vsub.f32 v15, v35;
	_ =	sdelay $0x1  }
0x61b: {  	v15 =	vadd.f32 $9.999999930e-09, v15;
	_ =	sdelay $0x1  }
0x61c: {  	v36 =	vshra.s32 v15, $0x1;
	v15 =	vmul.f32 $-5.000000000e-01, v15  }
0x61d: {  	v16 =	vsub.s32 $0x5F3759DF, v36  }
0x61e: {  	v37 =	vmul.f32 v16, v15;
	_ =	sdelay $0x1  }
0x61f: {  	v17 =	vmul.f32 v16, v37;
	_ =	sdelay $0x1  }
0x620: {  	v17 =	vadd.f32 $1.500000000e+00, v17;
	_ =	sdelay $0x1  }
0x621: {  	v16 =	vmul.f32 v16, v17;
	_ =	sdelay $0x1  }
0x622: {  	v17 =	vmul.f32 v16, v15;
	_ =	sdelay $0x1  }
0x623: {  	v17 =	vmul.f32 v17, v16;
	_ =	sdelay $0x1  }
0x624: {  	v17 =	vadd.f32 $1.500000000e+00, v17;
	_ =	sdelay $0x1  }
0x625: {  	v16 =	vmul.f32 v17, v16;
	_ =	sdelay $0x1  }
0x626: {  	v15 =	vmul.f32 v16, v15;
	_ =	sdelay $0x1  }
0x627: {  	v15 =	vmul.f32 v15, v16;
	_ =	sdelay $0x1  }
0x628: {  	v15 =	vadd.f32 $1.500000000e+00, v15;
	_ =	sdelay $0x1  }
0x629: {  	v15 =	vmul.f32 v15, v16;
	_ =	sdelay $0x1  }
0x62a: {  	v4 =	vsub.f32 v4, v14;
	v16 =	vmul.f32 v15, v28  }
0x62b: {  	v5 =	vsub.f32 v5, v14;
	v38 =	vmul.f32 v15, v29  }
0x62c: {  	v12 =	vsub.f32 v63, v14;
	v39 =	vmul.f32 v15, v6;
	v4 =	vmul.f32 v16, v4  }
0x62d: {  	v13 =	vsub.f32 v21, v14;
	v40 =	vmul.f32 v15, v7;
	v5 =	vmul.f32 v38, v5  }
0x62e: {  	v12 =	vmul.f32 v39, v12;
	v4 =	vadd.f32 v4, v8  }
0x62f: {  	v13 =	vmul.f32 v40, v13;
	v5 =	vadd.f32 v5, v9  }
0x630: {  	v41 =	vld [tilespmem:s9+$0x1C250];
	v12 =	vadd.f32 v12, v10;
	[tilespmem:s9+$0x15E00] =	vst v4  }
0x631: {  	v43 =	vld [tilespmem:s9+$0x1C260];
	v4 =	vadd.f32 v13, v11;
	[tilespmem:s9+$0x15E10] =	vst v5  }
0x632: {  	v45 =	vld [tilespmem:s9+$0x1C270];
	[tilespmem:s9+$0x15E20] =	vst v12  }
0x633: {  	v5 =	vld [tilespmem:s9+$0x1C240];
	[tilespmem:s9+$0x15E30] =	vst v4  }
0x634: {  	v4 =	vld [tilespmem:s15+$0x80]  }
0x635: {  	v12 =	vld [tilespmem:s15+$0x90]  }
0x636: {  	v42 =	vld [tilespmem:s15+$0xA0]  }
0x637: {  	v44 =	vld [tilespmem:s15+$0xB0];
	_ =	sdelay $0x3  }
0x638: {  	v4 =	vadd.f32 v5, v4;
	v5 =	vadd.f32 v41, v12  }
0x639: {  	v46 =	vadd.f32 v43, v42;
	v47 =	vadd.f32 v45, v44  }
0x63a: {  	v48 =	vadd.f32 v5, v4  }
0x63b: {  	v15 =	vadd.f32 v47, v46;
	v49 =	vmul.f32 v4, v4;
	v50 =	vmul.f32 v5, v5  }
0x63c: {  	v51 =	vmul.f32 v46, v46;
	v52 =	vmul.f32 v47, v47  }
0x63d: {  	v14 =	vadd.f32 v15, v48  }
0x63e: {  	v53 =	vadd.f32 v50, v49;
	v54 =	vadd.f32 v52, v51;
	_ =	sdelay $0x1  }
0x63f: {  	v15 =	vadd.f32 v54, v53;
	v55 =	vperm.xlane v14, v0;
	_ =	sdelay $0x1  }
0x640: {  	v14 =	vadd.f32 v14, v55;
	v56 =	vperm.xlane v15, v0;
	_ =	sdelay $0x1  }
0x641: {  	v57 =	vperm.xlane v14, v1;
	v15 =	vadd.f32 v56, v15;
	_ =	sdelay $0x1  }
0x642: {  	v14 =	vadd.f32 v14, v57;
	v16 =	vperm.xlane v15, v1;
	_ =	sdelay $0x1  }
0x643: {  	v17 =	vperm.xlane v14, v2;
	v15 =	vadd.f32 v16, v15;
	_ =	sdelay $0x1  }
0x644: {  	v14 =	vadd.f32 v14, v17;
	v16 =	vperm.xlane v15, v2;
	_ =	sdelay $0x1  }
0x645: {  	v17 =	vperm.xlane v14, v3;
	v15 =	vadd.f32 v16, v15;
	_ =	sdelay $0x1  }
0x646: {  	v14 =	vadd.f32 v14, v17;
	v16 =	vperm.xlane v15, v3;
	_ =	sdelay $0x1  }
0x647: {  	v15 =	vadd.f32 v16, v15;
	v14 =	vmul.f32 $1.562500000e-02, v14;
	_ =	sdelay $0x1  }
0x648: {  	v15 =	vmul.f32 $1.562500000e-02, v15;
	v58 =	vmul.f32 v14, v14;
	_ =	sdelay $0x1  }
0x649: {  	v15 =	vsub.f32 v15, v58;
	_ =	sdelay $0x1  }
0x64a: {  	v15 =	vadd.f32 $9.999999930e-09, v15;
	_ =	sdelay $0x1  }
0x64b: {  	v59 =	vshra.s32 v15, $0x1;
	v15 =	vmul.f32 $-5.000000000e-01, v15  }
0x64c: {  	v16 =	vsub.s32 $0x5F3759DF, v59  }
0x64d: {  	v60 =	vmul.f32 v16, v15;
	_ =	sdelay $0x1  }
0x64e: {  	v17 =	vmul.f32 v16, v60;
	_ =	sdelay $0x1  }
0x64f: {  	v17 =	vadd.f32 $1.500000000e+00, v17;
	_ =	sdelay $0x1  }
0x650: {  	v16 =	vmul.f32 v16, v17;
	_ =	sdelay $0x1  }
0x651: {  	v17 =	vmul.f32 v16, v15;
	_ =	sdelay $0x1  }
0x652: {  	v17 =	vmul.f32 v17, v16;
	_ =	sdelay $0x1  }
0x653: {  	v17 =	vadd.f32 $1.500000000e+00, v17;
	_ =	sdelay $0x1  }
0x654: {  	v16 =	vmul.f32 v17, v16;
	_ =	sdelay $0x1  }
0x655: {  	v15 =	vmul.f32 v16, v15;
	_ =	sdelay $0x1  }
0x656: {  	v15 =	vmul.f32 v15, v16;
	_ =	sdelay $0x1  }
0x657: {  	v15 =	vadd.f32 $1.500000000e+00, v15;
	_ =	sdelay $0x1  }
0x658: {  	v15 =	vmul.f32 v15, v16;
	_ =	sdelay $0x1  }
0x659: {  	v4 =	vsub.f32 v4, v14;
	v16 =	vmul.f32 v15, v28  }
0x65a: {  	v5 =	vsub.f32 v5, v14;
	v61 =	vmul.f32 v15, v29  }
0x65b: {  	v12 =	vsub.f32 v46, v14;
	v62 =	vmul.f32 v15, v6;
	v4 =	vmul.f32 v16, v4  }
0x65c: {  	s14 =	sadd.s32 $0x2, s14;
	v13 =	vsub.f32 v47, v14;
	v63 =	vmul.f32 v15, v7;
	v5 =	vmul.f32 v61, v5  }
0x65d: {  	p0 =	slt.u32 s14, $0xC6;
	v12 =	vmul.f32 v62, v12;
	v4 =	vadd.f32 v4, v8  }
.Ltmp5:
0x65e: {  	v13 =	vmul.f32 v63, v13;
	v5 =	vadd.f32 v5, v9;
	(pc) =	sbr.rel @p0 .LBB2_10-.Ltmp5, $4  }
0x65f: {  	v12 =	vadd.f32 v12, v10;
	[tilespmem:s9+$0x15E40] =	vst v4  }
0x660: {  	v4 =	vadd.f32 v13, v11;
	[tilespmem:s9+$0x15E50] =	vst v5  }
0x661: {  	[tilespmem:s9+$0x15E60] =	vst v12  }
0x662: {  	s16 =	sadd.s32 $0x200, s16;
	s15 =	sadd.s32 $0x100, s15;
	[tilespmem:s9+$0x15E70] =	vst v4  }
0x663: {  	p0 =	seq.s32 s17, $0x1F  }
0x664: {  	s9 =	simm.s32 @p0 $0x4  }
0x665: {  	_ =	swait.ge @p0 [sflag:s9], $0x2800  }
0x666: {  	[sflag:s9] =	ssyncset.done @p0 $0x0  }
0x667: {  	[sflag:s9] =	ssyncadd.s32 @p0 $0xFFFFD800  }
0x668: {  	_ =	swait.ge @p0 [sflag:s9], $0x2800  }
0x669: {  	s11 =	smul.u32 @!p0 $0x190, s10;
	[sflag:s9] =	ssyncset.done @p0 $0x0  }
0x66a: {  	[sflag:s9] =	ssyncadd.s32 @p0 $0xFFFFD800  }
0x66b: {  	s11 =	sadd.s32 @!p0 s11, s12;
	_ =	swait.ge @p0 [sflag:s9], $0x1400  }
0x66c: {  	s11 =	sshrl.u32 @!p0 s11, $0x3;
	[sflag:s9] =	ssyncset.done @p0 $0x0  }
0x66d: {  	[sflag:s9] =	ssyncadd.s32 @p0 $0xFFFFEC00;
	s9 =	sadd.s32 @!p0 s7, s11;
	s11 =	simm.s32 @!p0 $0x0  }
0x66e: {  	[tilespmem:s11], [sflag:$0x1] =	stream.linear.gather @!p0 [hbm4b:s9+s11], $0xC8, $0x38;
	[tilespmem:$0x1C700] =	vst v63  }
0x66f: {  	s9 =	simm.s32 @!p0 $0x4  }
0x670: {  	_ =	swait.ge @!p0 [sflag:s9], $0x2800  }
0x671: {  	[sflag:s9] =	ssyncset.done @!p0 $0x0  }
0x672: {  	[sflag:s9] =	ssyncadd.s32 @!p0 $0xFFFFD800  }
0x673: {  	_ =	swait.ge @!p0 [sflag:s9], $0x2800  }
0x674: {  	[sflag:s9] =	ssyncset.done @!p0 $0x0  }
0x675: {  	[sflag:s9] =	ssyncadd.s32 @!p0 $0xFFFFD800  }
0x676: {  	_ =	swait.ge @!p0 [sflag:s9], $0x1400  }
0x677: {  	[sflag:s9] =	ssyncset.done @!p0 $0x0  }
0x678: {  	[sflag:s9] =	ssyncadd.s32 @!p0 $0xFFFFEC00;
	s9 =	simm.s32 @!p0 $0x1  }
0x679: {  	_ =	swait.ge @!p0 [sflag:s9], $0xC8  }
0x67a: {  	[sflag:s9] =	ssyncset.done @!p0 $0x0  }
0x67b: {  	s14 =	simm.s32 @!p0 $0x200;
	[sflag:s9] =	ssyncadd.s32 @!p0 $0xFFFFFF38;
	s9 =	simm.s32 @!p0 $0x50  }
0x67c: {  	[tilespmem:s14], [sflag:$0x3] =	stream.indirect.gather @!p0 [hbm4b:s8+s9], $0x80, s11, s9, $0xb8;
	[tilespmem:$0x1C700] =	vst v63  }
0x67d: {  	s16 =	simm.s32 $0x0;
	s11 =	simm.s32 @!p0 $0x2A00  }
0x67e: {  	[tilespmem:s11], [sflag:$0x3] =	stream.indirect.gather @!p0 [hbm4b:s8+s9], $0x80, s9, s9, $0xb8;
	[tilespmem:$0x1C700] =	vst v63  }
0x67f: {  	s14 =	simm.s32 @!p0 $0x5200;
	s9 =	simm.s32 @!p0 $0x28;
	s11 =	simm.s32 @!p0 $0xA0  }
0x680: {  	[tilespmem:s14], [sflag:$0x3] =	stream.indirect.gather @!p0 [hbm4b:s8+s9], $0x80, s11, s9, $0xb8;
	[tilespmem:$0x1C700] =	vst v63  }
0x681: {  	s18 =	simm.s32 $0x0;
	s9 =	simm.s32 $0xFFFFFFF0;
	s11 =	simm.s32 $0x6A00  }
.LBB2_12:
0x682: {  	v4 =	vld [tilespmem:s11+$0xFFFFFC00]  }
0x683: {  	v12 =	vld [tilespmem:s11+$0xFFFFFC10]  }
0x684: {  	v14 =	vld [tilespmem:s11+$0xFFFFFC20]  }
0x685: {  	s14 =	sshra.s32 s18, $0x2;
	v16 =	vld [tilespmem:s11+$0xFFFFFC30]  }
0x686: {  	v5 =	vld [tilespmem:s14+$0x19200]  }
0x687: {  	v13 =	vld [tilespmem:s14+$0x19210]  }
0x688: {  	v15 =	vld [tilespmem:s14+$0x19220]  }
0x689: {  	v17 =	vld [tilespmem:s14+$0x19230];
	_ =	sdelay $0x3  }
0x68a: {  	v4 =	vadd.f32 v5, v4;
	v5 =	vadd.f32 v13, v12  }
0x68b: {  	v47 =	vadd.f32 v15, v14;
	v48 =	vadd.f32 v17, v16  }
0x68c: {  	v49 =	vadd.f32 v5, v4  }
0x68d: {  	v15 =	vadd.f32 v48, v47;
	v50 =	vmul.f32 v4, v4;
	v51 =	vmul.f32 v5, v5  }
0x68e: {  	v18 =	vmul.f32 v47, v47;
	v19 =	vmul.f32 v48, v48  }
0x68f: {  	v14 =	vadd.f32 v15, v49  }
0x690: {  	v52 =	vadd.f32 v51, v50;
	v53 =	vadd.f32 v19, v18;
	_ =	sdelay $0x1  }
0x691: {  	v15 =	vadd.f32 v53, v52;
	v54 =	vperm.xlane v14, v0;
	_ =	sdelay $0x1  }
0x692: {  	v14 =	vadd.f32 v14, v54;
	v55 =	vperm.xlane v15, v0;
	_ =	sdelay $0x1  }
0x693: {  	v56 =	vperm.xlane v14, v1;
	v15 =	vadd.f32 v55, v15;
	_ =	sdelay $0x1  }
0x694: {  	v14 =	vadd.f32 v14, v56;
	v16 =	vperm.xlane v15, v1;
	_ =	sdelay $0x1  }
0x695: {  	v17 =	vperm.xlane v14, v2;
	v15 =	vadd.f32 v16, v15;
	_ =	sdelay $0x1  }
0x696: {  	v14 =	vadd.f32 v14, v17;
	v16 =	vperm.xlane v15, v2;
	_ =	sdelay $0x1  }
0x697: {  	v17 =	vperm.xlane v14, v3;
	v15 =	vadd.f32 v16, v15;
	_ =	sdelay $0x1  }
0x698: {  	v14 =	vadd.f32 v14, v17;
	v16 =	vperm.xlane v15, v3;
	_ =	sdelay $0x1  }
0x699: {  	v15 =	vadd.f32 v16, v15;
	v14 =	vmul.f32 $1.562500000e-02, v14;
	_ =	sdelay $0x1  }
0x69a: {  	v15 =	vmul.f32 $1.562500000e-02, v15;
	v57 =	vmul.f32 v14, v14;
	_ =	sdelay $0x1  }
0x69b: {  	v15 =	vsub.f32 v15, v57;
	_ =	sdelay $0x1  }
0x69c: {  	v15 =	vadd.f32 $9.999999930e-09, v15;
	_ =	sdelay $0x1  }
0x69d: {  	v58 =	vshra.s32 v15, $0x1;
	v15 =	vmul.f32 $-5.000000000e-01, v15  }
0x69e: {  	v16 =	vsub.s32 $0x5F3759DF, v58  }
0x69f: {  	v59 =	vmul.f32 v16, v15;
	_ =	sdelay $0x1  }
0x6a0: {  	v17 =	vmul.f32 v16, v59;
	_ =	sdelay $0x1  }
0x6a1: {  	v17 =	vadd.f32 $1.500000000e+00, v17;
	_ =	sdelay $0x1  }
0x6a2: {  	v16 =	vmul.f32 v16, v17;
	_ =	sdelay $0x1  }
0x6a3: {  	v60 =	vld [tilespmem:s11+$0xFFFFFD00];
	v17 =	vmul.f32 v16, v15  }
0x6a4: {  	v21 =	vld [tilespmem:s11+$0xFFFFFD10]  }
0x6a5: {  	v62 =	vld [tilespmem:s11+$0xFFFFFD20];
	v17 =	vmul.f32 v17, v16  }
0x6a6: {  	v24 =	vld [tilespmem:s11+$0xFFFFFD30]  }
0x6a7: {  	v61 =	vld [tilespmem:s14+$0x19280];
	v17 =	vadd.f32 $1.500000000e+00, v17  }
0x6a8: {  	v22 =	vld [tilespmem:s14+$0x19290]  }
0x6a9: {  	v23 =	vld [tilespmem:s14+$0x192A0];
	v16 =	vmul.f32 v17, v16  }
0x6aa: {  	v25 =	vld [tilespmem:s14+$0x192B0]  }
0x6ab: {  	v15 =	vmul.f32 v16, v15;
	_ =	sdelay $0x1  }
0x6ac: {  	v20 =	vadd.f32 v61, v60;
	v15 =	vmul.f32 v15, v16  }
0x6ad: {  	v19 =	vadd.f32 v22, v21;
	v18 =	vadd.f32 v23, v62  }
0x6ae: {  	v26 =	vadd.f32 $1.500000000e+00, v15;
	v15 =	vadd.f32 v25, v24  }
0x6af: {  	v33 =	vmul.f32 v20, v20;
	v63 =	vadd.f32 v19, v20;
	v34 =	vmul.f32 v19, v19  }
0x6b0: {  	v35 =	vmul.f32 v18, v18;
	v32 =	vadd.f32 v15, v18;
	v25 =	vmul.f32 v15, v15  }
0x6b1: {  	v22 =	vadd.f32 v34, v33;
	v4 =	vsub.f32 v4, v14;
	v16 =	vmul.f32 v26, v16  }
0x6b2: {  	v17 =	vadd.f32 v32, v63;
	v37 =	vadd.f32 v25, v35  }
0x6b3: {  	v5 =	vsub.f32 v5, v14;
	v12 =	vsub.f32 v47, v14;
	v26 =	vmul.f32 v16, v28  }
0x6b4: {  	v36 =	vmul.f32 v16, v29;
	v38 =	vadd.f32 v37, v22;
	v39 =	vperm.xlane v17, v0  }
0x6b5: {  	v13 =	vsub.f32 v48, v14;
	v41 =	vmul.f32 v16, v7;
	v4 =	vmul.f32 v26, v4  }
0x6b6: {  	v5 =	vmul.f32 v36, v5;
	v42 =	vadd.f32 v17, v39;
	v43 =	vperm.xlane v38, v0  }
0x6b7: {  	v40 =	vmul.f32 v16, v6;
	v13 =	vmul.f32 v41, v13;
	v4 =	vadd.f32 v4, v8  }
0x6b8: {  	v5 =	vadd.f32 v5, v9;
	v44 =	vperm.xlane v42, v1;
	v17 =	vadd.f32 v43, v38  }
0x6b9: {  	v12 =	vmul.f32 v40, v12;
	[tilespmem:s14+$0x16000] =	vst v4  }
0x6ba: {  	v4 =	vadd.f32 v13, v11;
	[tilespmem:s14+$0x16010] =	vst v5;
	v5 =	vadd.f32 v42, v44;
	v45 =	vperm.xlane v17, v1  }
0x6bb: {  	v50 =	vld [tilespmem:s14+$0x19250]  }
0x6bc: {  	v53 =	vld [tilespmem:s14+$0x19260];
	v12 =	vadd.f32 v12, v10;
	[tilespmem:s14+$0x16030] =	vst v4;
	v4 =	vperm.xlane v5, v2;
	v46 =	vadd.f32 v45, v17  }
0x6bd: {  	v55 =	vld [tilespmem:s14+$0x19270]  }
0x6be: {  	v48 =	vld [tilespmem:s14+$0x19240];
	[tilespmem:s14+$0x16020] =	vst v12;
	v4 =	vadd.f32 v5, v4;
	v5 =	vperm.xlane v46, v2  }
0x6bf: {  	v47 =	vld [tilespmem:s11+$0xFFFFFC80]  }
0x6c0: {  	v49 =	vld [tilespmem:s11+$0xFFFFFC90];
	v51 =	vperm.xlane v4, v3;
	v5 =	vadd.f32 v5, v46  }
0x6c1: {  	v52 =	vld [tilespmem:s11+$0xFFFFFCA0]  }
0x6c2: {  	v54 =	vld [tilespmem:s11+$0xFFFFFCB0];
	v4 =	vadd.f32 v4, v51;
	v12 =	vperm.xlane v5, v3;
	_ =	sdelay $0x1  }
0x6c3: {  	v5 =	vadd.f32 v12, v5;
	v4 =	vmul.f32 $1.562500000e-02, v4  }
0x6c4: {  	v13 =	vadd.f32 v48, v47  }
0x6c5: {  	v62 =	vld [tilespmem:s14+$0x19310];
	v14 =	vadd.f32 v53, v52;
	v5 =	vmul.f32 $1.562500000e-02, v5;
	v56 =	vmul.f32 v4, v4  }
0x6c6: {  	v33 =	vld [tilespmem:s11+$0xFFFFFE30];
	v16 =	vadd.f32 v55, v54;
	v12 =	vadd.f32 v50, v49  }
0x6c7: {  	v57 =	vld [tilespmem:s11+$0xFFFFFE00];
	v5 =	vsub.f32 v5, v56  }
0x6c8: {  	v58 =	vld [tilespmem:s14+$0x19300];
	v24 =	vadd.f32 v16, v14;
	v61 =	vmul.f32 v13, v13;
	v27 =	vmul.f32 v12, v12  }
0x6c9: {  	v59 =	vld [tilespmem:s11+$0xFFFFFE10];
	v30 =	vmul.f32 v14, v14;
	v31 =	vmul.f32 v16, v16;
	v5 =	vadd.f32 $9.999999930e-09, v5  }
0x6ca: {  	v29 =	vld [tilespmem:s11+$0xFFFFFE20];
	v60 =	vadd.f32 v12, v13;
	v25 =	vadd.f32 v27, v61  }
0x6cb: {  	v27 =	vadd.f32 v31, v30;
	v30 =	vld [tilespmem:s14+$0x19330];
	v28 =	vshra.s32 v5, $0x1;
	v5 =	vmul.f32 $-5.000000000e-01, v5  }
0x6cc: {  	v32 =	vld [tilespmem:s14+$0x19320];
	v23 =	vadd.f32 v24, v60;
	v28 =	vsub.s32 $0x5F3759DF, v28  }
0x6cd: {  	v63 =	vmul.f32 v28, v5  }
0x6ce: {  	v31 =	vperm.xlane v23, v0;
	v34 =	vadd.f32 v27, v25  }
0x6cf: {  	v27 =	vadd.f32 v58, v57;
	v25 =	vadd.f32 v62, v59;
	v24 =	vmul.f32 v28, v63  }
0x6d0: {  	v23 =	vadd.f32 v23, v31;
	v35 =	vperm.xlane v34, v0;
	v21 =	vadd.f32 v30, v33  }
0x6d1: {  	v30 =	vmul.f32 v27, v27;
	v31 =	vadd.f32 $1.500000000e+00, v24;
	v24 =	vadd.f32 v32, v29  }
0x6d2: {  	v36 =	vperm.xlane v23, v1;
	v37 =	vadd.f32 v35, v34;
	v40 =	vmul.f32 v21, v21  }
0x6d3: {  	v38 =	vmul.f32 v28, v31;
	v28 =	vadd.f32 v25, v27;
	v29 =	vadd.f32 v21, v24  }
0x6d4: {  	v17 =	vadd.f32 v23, v36;
	v31 =	vmul.f32 v25, v25;
	v39 =	vmul.f32 v24, v24  }
0x6d5: {  	v41 =	vperm.xlane v37, v1;
	v42 =	vmul.f32 v38, v5;
	v28 =	vadd.f32 v29, v28  }
0x6d6: {  	v29 =	vadd.f32 v31, v30;
	v23 =	vadd.f32 v40, v39  }
0x6d7: {  	v22 =	vadd.f32 v41, v37;
	v31 =	vperm.xlane v17, v2;
	v30 =	vmul.f32 v42, v38  }
0x6d8: {  	v23 =	vadd.f32 v23, v29;
	v29 =	vperm.xlane v28, v0  }
0x6d9: {  	v43 =	vperm.xlane v22, v2;
	v17 =	vadd.f32 v17, v31;
	v30 =	vadd.f32 $1.500000000e+00, v30  }
0x6da: {  	v28 =	vadd.f32 v28, v29;
	v29 =	vperm.xlane v23, v0  }
0x6db: {  	v22 =	vadd.f32 v43, v22;
	v26 =	vmul.f32 v30, v38;
	v30 =	vperm.xlane v17, v3  }
0x6dc: {  	v31 =	vperm.xlane v28, v1  }
0x6dd: {  	v23 =	vadd.f32 v29, v23;
	v29 =	vperm.xlane v22, v3;
	v17 =	vadd.f32 v17, v30  }
0x6de: {  	v5 =	vmul.f32 v26, v5;
	v28 =	vadd.f32 v28, v31  }
0x6df: {  	v30 =	vperm.xlane v23, v1;
	v22 =	vadd.f32 v29, v22;
	v17 =	vmul.f32 $1.562500000e-02, v17  }
0x6e0: {  	v5 =	vmul.f32 v5, v26;
	v29 =	vperm.xlane v28, v2  }
0x6e1: {  	v23 =	vadd.f32 v30, v23;
	v22 =	vmul.f32 $1.562500000e-02, v22;
	v30 =	vmul.f32 v17, v17  }
0x6e2: {  	v45 =	vld [tilespmem:$0x1FFF0];
	v5 =	vadd.f32 $1.500000000e+00, v5  }
0x6e3: {  	v28 =	vadd.f32 v28, v29;
	v29 =	vperm.xlane v23, v2;
	v22 =	vsub.f32 v22, v30;
	v30 =	vld [tilespmem:$0x1FFE0];
	_ =	sdelay $0x1  }
0x6e4: {  	v5 =	vmul.f32 v5, v26;
	v44 =	vperm.xlane v28, v3;
	v23 =	vadd.f32 v29, v23  }
0x6e5: {  	v20 =	vsub.f32 v20, v4;
	v19 =	vsub.f32 v19, v4  }
0x6e6: {  	v46 =	vld [tilespmem:s11+$0xFFFFFF10];
	v32 =	vmul.f32 v5, v45;
	v26 =	vadd.f32 v28, v44;
	v28 =	vperm.xlane v23, v3  }
0x6e7: {  	v47 =	vld [tilespmem:s14+$0x19390];
	v18 =	vsub.f32 v18, v4;
	v4 =	vsub.f32 v15, v4;
	v30 =	vmul.f32 v5, v30  }
0x6e8: {  	v31 =	vld [tilespmem:s14+$0x19380];
	v19 =	vmul.f32 v32, v19;
	v23 =	vadd.f32 v28, v23;
	v28 =	vmul.f32 $1.562500000e-02, v26  }
0x6e9: {  	v13 =	vsub.f32 v13, v17;
	v29 =	vld [tilespmem:s11+$0xFFFFFF00];
	v20 =	vmul.f32 v30, v20;
	v30 =	vmul.f32 v5, v6  }
0x6ea: {  	v48 =	vld [tilespmem:s11+$0xFFFFFF20];
	v12 =	vsub.f32 v12, v17;
	v23 =	vmul.f32 $1.562500000e-02, v23;
	v5 =	vmul.f32 v5, v7  }
0x6eb: {  	v49 =	vld [tilespmem:s14+$0x193A0];
	v26 =	vmul.f32 v28, v28;
	v19 =	vadd.f32 v19, v9;
	v18 =	vmul.f32 v30, v18  }
0x6ec: {  	v22 =	vadd.f32 $9.999999930e-09, v22;
	v20 =	vadd.f32 v20, v8;
	v30 =	vld [tilespmem:s11+$0xFFFFFF30];
	v4 =	vmul.f32 v5, v4  }
0x6ed: {  	v50 =	vsub.f32 v23, v26;
	[tilespmem:s14+$0x16090] =	vst v19;
	v5 =	vld [tilespmem:s14+$0x193B0];
	v18 =	vadd.f32 v18, v10  }
0x6ee: {  	v32 =	vadd.f32 v31, v29;
	[tilespmem:s14+$0x16080] =	vst v20;
	v4 =	vadd.f32 v4, v11  }
0x6ef: {  	v58 =	vld [tilespmem:s14+$0x192D0];
	v14 =	vsub.f32 v14, v17;
	v51 =	vshra.s32 v22, $0x1;
	v52 =	vadd.f32 $9.999999930e-09, v50;
	[tilespmem:s14+$0x160A0] =	vst v18  }
0x6f0: {  	v63 =	vld [tilespmem:s14+$0x192F0];
	v53 =	vsub.s32 $0x5F3759DF, v51;
	v57 =	vmul.f32 v32, v32;
	v26 =	vadd.f32 v47, v46;
	[tilespmem:s14+$0x160B0] =	vst v4  }
0x6f1: {  	v19 =	vadd.f32 v49, v48;
	v55 =	vshra.s32 v52, $0x1;
	v29 =	vmul.f32 $-5.000000000e-01, v52;
	v54 =	vld [tilespmem:s11+$0xFFFFFD80]  }
0x6f2: {  	v34 =	vmul.f32 v26, v26;
	v23 =	vsub.s32 $0x5F3759DF, v55;
	v15 =	vadd.f32 v5, v30;
	v5 =	vld [tilespmem:s14+$0x192C0]  }
0x6f3: {  	v56 =	vadd.f32 v26, v32;
	v4 =	vmul.f32 $-5.000000000e-01, v22;
	v30 =	vld [tilespmem:s11+$0xFFFFFD90];
	v40 =	vmul.f32 v23, v29  }
0x6f4: {  	v36 =	vmul.f32 v19, v19;
	v61 =	vld [tilespmem:s11+$0xFFFFFDB0];
	v31 =	vadd.f32 v15, v19;
	v37 =	vmul.f32 v15, v15  }
0x6f5: {  	v33 =	vadd.f32 v34, v57;
	v39 =	vld [tilespmem:s11+$0xFFFFFDA0];
	v38 =	vmul.f32 v53, v4;
	v62 =	vmul.f32 v23, v40  }
0x6f6: {  	v18 =	vadd.f32 v31, v56;
	v31 =	vld [tilespmem:s14+$0x192E0];
	v59 =	vadd.f32 v37, v36  }
0x6f7: {  	v60 =	vmul.f32 v53, v38;
	v38 =	vadd.f32 $1.500000000e+00, v62;
	v22 =	vadd.f32 v5, v54  }
0x6f8: {  	v27 =	vsub.f32 v27, v28;
	v33 =	vadd.f32 v59, v33;
	v43 =	vperm.xlane v18, v0  }
0x6f9: {  	v5 =	vmul.f32 v23, v38;
	v23 =	vadd.f32 v63, v61;
	v45 =	vmul.f32 v22, v22  }
0x6fa: {  	v34 =	vadd.f32 v18, v43;
	v41 =	vperm.xlane v33, v0;
	v18 =	vadd.f32 v58, v30  }
0x6fb: {  	v49 =	vmul.f32 v23, v23;
	v20 =	vadd.f32 v31, v39;
	v31 =	vmul.f32 v5, v29  }
0x6fc: {  	v30 =	vperm.xlane v34, v1;
	v33 =	vadd.f32 v41, v33;
	v35 =	vadd.f32 v18, v22  }
0x6fd: {  	v46 =	vmul.f32 v18, v18;
	v37 =	vadd.f32 v23, v20;
	v31 =	vmul.f32 v31, v5  }
0x6fe: {  	v48 =	vmul.f32 v20, v20;
	v30 =	vadd.f32 v34, v30;
	v44 =	vperm.xlane v33, v1  }
0x6ff: {  	v38 =	vadd.f32 v46, v45;
	v31 =	vadd.f32 $1.500000000e+00, v31  }
0x700: {  	v34 =	vadd.f32 v49, v48;
	v47 =	vperm.xlane v30, v2;
	v33 =	vadd.f32 v44, v33  }
0x701: {  	v25 =	vsub.f32 v25, v28;
	v35 =	vadd.f32 v37, v35;
	v5 =	vmul.f32 v31, v5  }
0x702: {  	v34 =	vadd.f32 v34, v38;
	v30 =	vadd.f32 v30, v47;
	v50 =	vperm.xlane v33, v2  }
0x703: {  	v36 =	vadd.f32 $1.500000000e+00, v60;
	v31 =	vperm.xlane v35, v0;
	v29 =	vmul.f32 v5, v29  }
0x704: {  	v38 =	vperm.xlane v34, v0;
	v51 =	vperm.xlane v30, v3;
	v33 =	vadd.f32 v50, v33  }
0x705: {  	v36 =	vmul.f32 v53, v36;
	v31 =	vadd.f32 v35, v31;
	v29 =	vmul.f32 v29, v5  }
0x706: {  	v34 =	vadd.f32 v38, v34;
	v30 =	vadd.f32 v30, v51;
	v53 =	vperm.xlane v33, v3  }
0x707: {  	v57 =	vld [tilespmem:$0x1FFE0];
	v52 =	vmul.f32 v36, v4;
	v54 =	vperm.xlane v31, v1;
	v29 =	vadd.f32 $1.500000000e+00, v29  }
0x708: {  	v62 =	vld [tilespmem:$0x1FFF0];
	v38 =	vperm.xlane v34, v1;
	v35 =	vadd.f32 v53, v33;
	v33 =	vmul.f32 $1.562500000e-02, v30  }
0x709: {  	v24 =	vsub.f32 v24, v28;
	v63 =	vld [tilespmem:s14+$0x19430];
	v30 =	vmul.f32 v52, v36;
	v5 =	vmul.f32 v29, v5  }
0x70a: {  	v46 =	vld [tilespmem:s11+$0x30];
	v31 =	vadd.f32 v31, v54;
	v35 =	vmul.f32 $1.562500000e-02, v35;
	v55 =	vmul.f32 v33, v33  }
0x70b: {  	v34 =	vadd.f32 v38, v34;
	v29 =	vadd.f32 $1.500000000e+00, v30  }
0x70c: {  	v30 =	vperm.xlane v31, v2;
	v38 =	vmul.f32 v5, v57;
	v35 =	vsub.f32 v35, v55  }
0x70d: {  	v21 =	vsub.f32 v21, v28;
	v56 =	vld [tilespmem:s11+$0x0];
	v60 =	vperm.xlane v34, v2;
	v41 =	vmul.f32 v5, v62  }
0x70e: {  	v61 =	vld [tilespmem:s14+$0x19410];
	v44 =	vmul.f32 v5, v6;
	v59 =	vadd.f32 v31, v30;
	v30 =	vadd.f32 $9.999999930e-09, v35  }
0x70f: {  	v45 =	vld [tilespmem:s14+$0x19420];
	v5 =	vmul.f32 v5, v7;
	v36 =	vmul.f32 v29, v36;
	v29 =	vadd.f32 v63, v46  }
0x710: {  	v31 =	vld [tilespmem:s11+$0x10];
	v27 =	vmul.f32 v38, v27;
	v42 =	vshra.s32 v30, $0x1;
	v43 =	vmul.f32 $-5.000000000e-01, v30  }
0x711: {  	v25 =	vmul.f32 v41, v25;
	v24 =	vmul.f32 v44, v24;
	v30 =	vld [tilespmem:s11+$0x20];
	v42 =	vsub.s32 $0x5F3759DF, v42  }
0x712: {  	v58 =	vld [tilespmem:s14+$0x19400];
	v5 =	vmul.f32 v5, v21;
	v35 =	vadd.f32 v60, v34;
	v28 =	vmul.f32 v42, v43  }
0x713: {  	v4 =	vmul.f32 v36, v4;
	v44 =	vperm.xlane v59, v3;
	v27 =	vadd.f32 v27, v8  }
0x714: {  	v25 =	vadd.f32 v25, v9;
	v24 =	vadd.f32 v24, v10;
	v34 =	vmul.f32 v42, v28  }
0x715: {  	v41 =	vmul.f32 v29, v29;
	v5 =	vadd.f32 v5, v11;
	v31 =	vadd.f32 v61, v31  }
0x716: {  	v46 =	vperm.xlane v35, v3;
	[tilespmem:s14+$0x16110] =	vst v25;
	v30 =	vadd.f32 v45, v30;
	v21 =	vadd.f32 $1.500000000e+00, v34  }
0x717: {  	[tilespmem:s14+$0x16120] =	vst v24;
	v25 =	vadd.f32 v59, v44;
	v38 =	vmul.f32 v31, v31;
	v34 =	vadd.f32 v58, v56  }
0x718: {  	v48 =	vld [tilespmem:s14+$0x19340];
	[tilespmem:s14+$0x16130] =	vst v5;
	v24 =	vadd.f32 v46, v35;
	v49 =	vmul.f32 v30, v30;
	v5 =	vmul.f32 v42, v21  }
0x719: {  	v51 =	vld [tilespmem:s14+$0x19350];
	[tilespmem:s14+$0x16100] =	vst v27;
	v28 =	vadd.f32 v29, v30;
	v47 =	vadd.f32 v31, v34;
	v37 =	vmul.f32 v34, v34  }
0x71a: {  	v27 =	vld [tilespmem:s11+$0xFFFFFE80];
	v25 =	vmul.f32 $1.562500000e-02, v25;
	v52 =	vadd.f32 v41, v49;
	v42 =	vmul.f32 v5, v43  }
0x71b: {  	v50 =	vld [tilespmem:s11+$0xFFFFFE90];
	v24 =	vmul.f32 $1.562500000e-02, v24;
	v21 =	vadd.f32 v28, v47;
	v28 =	vadd.f32 v38, v37  }
0x71c: {  	v32 =	vsub.f32 v32, v33;
	v53 =	vld [tilespmem:s11+$0xFFFFFEA0];
	v55 =	vmul.f32 v25, v25;
	v54 =	vmul.f32 v42, v5  }
0x71d: {  	v26 =	vsub.f32 v26, v33;
	v56 =	vld [tilespmem:s14+$0x19360];
	v28 =	vadd.f32 v52, v28;
	v57 =	vperm.xlane v21, v0  }
0x71e: {  	v4 =	vmul.f32 v4, v36;
	v59 =	vld [tilespmem:s14+$0x19370];
	v24 =	vsub.f32 v24, v55;
	v40 =	vadd.f32 $1.500000000e+00, v54  }
0x71f: {  	v19 =	vsub.f32 v19, v33;
	v58 =	vld [tilespmem:s11+$0xFFFFFEB0];
	v21 =	vadd.f32 v21, v57;
	v60 =	vperm.xlane v28, v0  }
0x720: {  	v4 =	vadd.f32 $1.500000000e+00, v4;
	v5 =	vmul.f32 v40, v5;
	v40 =	vadd.f32 $9.999999930e-09, v24  }
0x721: {  	v61 =	vperm.xlane v21, v1;
	v37 =	vadd.f32 v60, v28;
	v28 =	vadd.f32 v48, v27  }
0x722: {  	v4 =	vmul.f32 v4, v36;
	v27 =	vadd.f32 v51, v50;
	v24 =	vadd.f32 v56, v53  }
0x723: {  	v62 =	vmul.f32 v5, v43;
	v63 =	vadd.f32 v21, v61;
	v47 =	vperm.xlane v37, v1  }
0x724: {  	v21 =	vadd.f32 v59, v58;
	v49 =	vmul.f32 v28, v28;
	v51 =	vmul.f32 v27, v27  }
0x725: {  	v57 =	vld [tilespmem:$0x1FFE0];
	v48 =	vadd.f32 v27, v28;
	v52 =	vmul.f32 v24, v24;
	v35 =	vmul.f32 v62, v5  }
0x726: {  	v58 =	vld [tilespmem:$0x1FFF0];
	v50 =	vperm.xlane v63, v2;
	v37 =	vadd.f32 v47, v37;
	v54 =	vadd.f32 v21, v24  }
0x727: {  	v36 =	vmul.f32 $-5.000000000e-01, v40;
	v45 =	vmul.f32 v21, v21;
	v35 =	vadd.f32 $1.500000000e+00, v35  }
0x728: {  	v38 =	vadd.f32 v63, v50;
	v53 =	vperm.xlane v37, v2;
	v41 =	vadd.f32 v54, v48  }
0x729: {  	v39 =	vadd.f32 v51, v49;
	v55 =	vadd.f32 v45, v52;
	v50 =	vld [tilespmem:$0x1FFE0];
	v5 =	vmul.f32 v35, v5  }
0x72a: {  	v56 =	vperm.xlane v38, v3;
	v37 =	vadd.f32 v53, v37;
	v63 =	vperm.xlane v41, v0  }
0x72b: {  	v35 =	vadd.f32 v55, v39;
	v43 =	vmul.f32 v5, v57;
	v44 =	vmul.f32 v5, v58  }
0x72c: {  	v38 =	vadd.f32 v38, v56;
	v59 =	vperm.xlane v37, v3;
	v60 =	vmul.f32 v5, v6  }
0x72d: {  	v15 =	vsub.f32 v15, v33;
	v5 =	vmul.f32 v5, v7;
	v45 =	vperm.xlane v35, v0  }
0x72e: {  	v33 =	vmul.f32 v4, v50;
	v37 =	vadd.f32 v59, v37;
	v38 =	vmul.f32 $1.562500000e-02, v38  }
0x72f: {  	v16 =	vsub.f32 v16, v17;
	v50 =	vmul.f32 v4, v6;
	v32 =	vmul.f32 v43, v32  }
0x730: {  	v20 =	vsub.f32 v20, v25;
	v61 =	vmul.f32 $1.562500000e-02, v37;
	v62 =	vmul.f32 v38, v38  }
0x731: {  	v46 =	vshra.s32 v40, $0x1;
	v26 =	vmul.f32 v44, v26;
	v19 =	vmul.f32 v60, v19  }
0x732: {  	v5 =	vmul.f32 v5, v15;
	v44 =	vadd.f32 v41, v63;
	v43 =	vsub.f32 v61, v62  }
0x733: {  	v35 =	vadd.f32 v45, v35;
	v13 =	vmul.f32 v33, v13;
	v32 =	vadd.f32 v32, v8  }
0x734: {  	v39 =	vld [tilespmem:s14+$0x193C0];
	v5 =	vadd.f32 v5, v11;
	v47 =	vperm.xlane v44, v1;
	v15 =	vadd.f32 $9.999999930e-09, v43  }
0x735: {  	v55 =	vld [tilespmem:$0x1FFF0];
	v26 =	vadd.f32 v26, v9;
	v19 =	vadd.f32 v19, v10;
	v49 =	vperm.xlane v35, v1;
	[tilespmem:s14+$0x16180] =	vst v32  }
0x736: {  	v56 =	vld [tilespmem:s14+$0x193D0];
	[tilespmem:s14+$0x161B0] =	vst v5;
	v48 =	vadd.f32 v44, v47;
	v5 =	vshra.s32 v15, $0x1;
	v37 =	vmul.f32 $-5.000000000e-01, v15  }
0x737: {  	v59 =	vld [tilespmem:s14+$0x193E0];
	v14 =	vmul.f32 v50, v14;
	[tilespmem:s14+$0x161A0] =	vst v19;
	v19 =	vadd.f32 v49, v35;
	v5 =	vsub.s32 $0x5F3759DF, v5  }
0x738: {  	[tilespmem:s14+$0x16190] =	vst v26;
	v26 =	vsub.s32 $0x5F3759DF, v46;
	v47 =	vld [tilespmem:s14+$0x193F0];
	v53 =	vperm.xlane v48, v2;
	v51 =	vmul.f32 v5, v37  }
0x739: {  	v23 =	vsub.f32 v23, v25;
	v32 =	vld [tilespmem:s11+$0xFFFFFF80];
	v52 =	vmul.f32 v26, v36;
	v57 =	vperm.xlane v19, v2  }
0x73a: {  	v34 =	vsub.f32 v34, v38;
	v54 =	vld [tilespmem:s11+$0xFFFFFF90];
	v15 =	vadd.f32 v48, v53;
	v40 =	vmul.f32 v5, v51  }
0x73b: {  	v31 =	vsub.f32 v31, v38;
	v58 =	vld [tilespmem:s11+$0xFFFFFFA0];
	v41 =	vmul.f32 v26, v52;
	v19 =	vadd.f32 v57, v19  }
0x73c: {  	v30 =	vsub.f32 v30, v38;
	v63 =	vld [tilespmem:s11+$0xFFFFFFB0];
	v62 =	vperm.xlane v15, v3;
	v60 =	vadd.f32 $1.500000000e+00, v40  }
0x73d: {  	v29 =	vsub.f32 v29, v38;
	v61 =	vadd.f32 $1.500000000e+00, v41;
	v51 =	vperm.xlane v19, v3  }
0x73e: {  	v43 =	vmul.f32 v4, v55;
	v15 =	vadd.f32 v15, v62;
	v5 =	vmul.f32 v5, v60  }
0x73f: {  	v32 =	vadd.f32 v39, v32;
	v40 =	vmul.f32 v26, v61;
	v48 =	vadd.f32 v51, v19  }
0x740: {  	v33 =	vmul.f32 $1.562500000e-02, v15;
	v26 =	vadd.f32 v56, v54;
	v52 =	vmul.f32 v5, v37  }
0x741: {  	v19 =	vadd.f32 v59, v58;
	v15 =	vadd.f32 v47, v63;
	v53 =	vmul.f32 v40, v36  }
0x742: {  	v56 =	vmul.f32 $1.562500000e-02, v48;
	v58 =	vadd.f32 v26, v32;
	v54 =	vmul.f32 v52, v5  }
0x743: {  	v59 =	vadd.f32 v15, v19;
	v60 =	vmul.f32 v32, v32;
	v61 =	vmul.f32 v26, v26  }
0x744: {  	v63 =	vmul.f32 v19, v19;
	v48 =	vmul.f32 v15, v15;
	v35 =	vadd.f32 $1.500000000e+00, v54  }
0x745: {  	v57 =	vmul.f32 v33, v33;
	v55 =	vmul.f32 v53, v40;
	v62 =	vadd.f32 v59, v58  }
0x746: {  	v42 =	vld [tilespmem:s14+$0x19480];
	v50 =	vadd.f32 v61, v60;
	v51 =	vadd.f32 v48, v63;
	v5 =	vmul.f32 v35, v5  }
0x747: {  	v45 =	vld [tilespmem:s11+$0x110];
	v4 =	vmul.f32 v4, v7;
	v49 =	vsub.f32 v56, v57;
	v39 =	vadd.f32 $1.500000000e+00, v55  }
0x748: {  	v44 =	vld [tilespmem:s11+$0x100];
	v52 =	vperm.xlane v62, v0;
	v41 =	vadd.f32 v51, v50;
	v37 =	vmul.f32 v5, v37  }
0x749: {  	v12 =	vmul.f32 v43, v12;
	v48 =	vld [tilespmem:s14+$0x19490];
	v39 =	vmul.f32 v39, v40;
	v40 =	vadd.f32 $9.999999930e-09, v49  }
0x74a: {  	v57 =	vld [tilespmem:s14+$0x194A0];
	v55 =	vperm.xlane v41, v0;
	v35 =	vadd.f32 v62, v52;
	v37 =	vmul.f32 v37, v5  }
0x74b: {  	v59 =	vld [tilespmem:$0x1FFE0];
	v36 =	vmul.f32 v39, v36;
	v53 =	vshra.s32 v40, $0x1;
	v40 =	vmul.f32 $-5.000000000e-01, v40  }
0x74c: {  	v60 =	vld [tilespmem:s11+$0x130];
	v43 =	vsub.s32 $0x5F3759DF, v53;
	v54 =	vperm.xlane v35, v1;
	v37 =	vadd.f32 $1.500000000e+00, v37  }
0x74d: {  	v13 =	vadd.f32 v13, v8;
	v50 =	vld [tilespmem:s11+$0x120];
	v49 =	vmul.f32 v43, v40;
	v36 =	vmul.f32 v36, v39  }
0x74e: {  	v16 =	vmul.f32 v4, v16;
	v52 =	vld [tilespmem:s14+$0x194B0];
	v35 =	vadd.f32 v35, v54;
	v5 =	vmul.f32 v37, v5  }
0x74f: {  	v56 =	vadd.f32 v55, v41;
	v62 =	vld [tilespmem:$0x1FFF0];
	v58 =	vmul.f32 v43, v49;
	v36 =	vadd.f32 $1.500000000e+00, v36  }
0x750: {  	v14 =	vadd.f32 v14, v10;
	v61 =	vperm.xlane v35, v2;
	v47 =	vmul.f32 v5, v59  }
0x751: {  	v51 =	vperm.xlane v56, v1;
	v39 =	vmul.f32 v36, v39;
	v36 =	vadd.f32 v48, v45  }
0x752: {  	v46 =	vadd.f32 $1.500000000e+00, v58;
	v4 =	vadd.f32 v35, v61;
	v34 =	vmul.f32 v47, v34  }
0x753: {  	v37 =	vadd.f32 v42, v44;
	v35 =	vadd.f32 v57, v50;
	v58 =	vmul.f32 v36, v36  }
0x754: {  	v63 =	vmul.f32 v5, v62;
	v47 =	vadd.f32 v34, v8;
	v34 =	vadd.f32 v52, v60  }
0x755: {  	v17 =	vadd.f32 v51, v56;
	v54 =	vmul.f32 v5, v6;
	v57 =	vmul.f32 v37, v37  }
0x756: {  	v55 =	vadd.f32 v36, v37;
	v59 =	vmul.f32 v35, v35;
	v49 =	vmul.f32 v34, v34  }
0x757: {  	v5 =	vmul.f32 v5, v7;
	v31 =	vmul.f32 v63, v31;
	v56 =	vadd.f32 v34, v35  }
0x758: {  	v30 =	vmul.f32 v54, v30;
	v61 =	vadd.f32 v58, v57;
	v62 =	vadd.f32 v49, v59  }
0x759: {  	v63 =	vperm.xlane v17, v2;
	v5 =	vmul.f32 v5, v29;
	v60 =	vadd.f32 v56, v55  }
0x75a: {  	v29 =	vadd.f32 v30, v10;
	v30 =	vadd.f32 v62, v61  }
0x75b: {  	v17 =	vadd.f32 v63, v17;
	v5 =	vadd.f32 v5, v11;
	v48 =	vperm.xlane v60, v0  }
0x75c: {  	v12 =	vadd.f32 v12, v9;
	[tilespmem:s14+$0x16220] =	vst v29;
	v49 =	vperm.xlane v4, v3;
	v50 =	vperm.xlane v30, v0  }
0x75d: {  	v31 =	vadd.f32 v31, v9;
	v52 =	vperm.xlane v17, v3;
	[tilespmem:s14+$0x16230] =	vst v5;
	v5 =	vld [tilespmem:$0x1FFE0];
	v29 =	vadd.f32 v60, v48  }
0x75e: {  	v4 =	vadd.f32 v4, v49;
	v30 =	vadd.f32 v50, v30  }
0x75f: {  	v42 =	vmul.f32 v43, v46;
	v17 =	vadd.f32 v52, v17;
	v53 =	vperm.xlane v29, v1  }
0x760: {  	v46 =	vld [tilespmem:s14+$0x19450];
	[tilespmem:s14+$0x16210] =	vst v31;
	v31 =	vsub.f32 v22, v25;
	v22 =	vmul.f32 $1.562500000e-02, v4;
	v55 =	vperm.xlane v30, v1  }
0x761: {  	v44 =	vld [tilespmem:s14+$0x19470];
	v51 =	vmul.f32 v42, v40;
	v17 =	vmul.f32 $1.562500000e-02, v17;
	v29 =	vadd.f32 v29, v53  }
0x762: {  	v57 =	vld [tilespmem:$0x1FFF0];
	v5 =	vmul.f32 v39, v5;
	v56 =	vmul.f32 v22, v22;
	v30 =	vadd.f32 v55, v30  }
0x763: {  	v38 =	vmul.f32 v51, v42;
	v54 =	vsub.f32 v18, v25;
	v63 =	vld [tilespmem:s14+$0x19520];
	[tilespmem:s14+$0x16200] =	vst v47;
	v58 =	vperm.xlane v29, v2  }
0x764: {  	v43 =	vld [tilespmem:s11+$0x80];
	v18 =	vmul.f32 v5, v31;
	v31 =	vsub.f32 v17, v56;
	v59 =	vperm.xlane v30, v2  }
0x765: {  	v38 =	vadd.f32 $1.500000000e+00, v38;
	v45 =	vld [tilespmem:s11+$0x90];
	v29 =	vadd.f32 v29, v58  }
0x766: {  	v41 =	vld [tilespmem:s11+$0xB0];
	v60 =	vmul.f32 v39, v6;
	v31 =	vadd.f32 $9.999999930e-09, v31;
	v30 =	vadd.f32 v59, v30  }
0x767: {  	v16 =	vadd.f32 v16, v11;
	v52 =	vld [tilespmem:s14+$0x19500];
	v5 =	vmul.f32 v38, v42;
	v48 =	vperm.xlane v29, v3  }
0x768: {  	v49 =	vld [tilespmem:s11+$0xA0];
	v61 =	vshra.s32 v31, $0x1;
	v42 =	vmul.f32 $-5.000000000e-01, v31;
	v31 =	vperm.xlane v30, v3  }
0x769: {  	v27 =	vsub.f32 v27, v33;
	v4 =	vld [tilespmem:s14+$0x19440];
	v40 =	vmul.f32 v5, v40;
	v29 =	vadd.f32 v29, v48  }
0x76a: {  	v47 =	vmul.f32 v39, v57;
	v38 =	vld [tilespmem:s14+$0x19460];
	v20 =	vmul.f32 v60, v20;
	v30 =	vadd.f32 v31, v30  }
0x76b: {  	v50 =	vld [tilespmem:s11+$0x200];
	v60 =	vsub.f32 v28, v33;
	v40 =	vmul.f32 v40, v5;
	v48 =	vmul.f32 $1.562500000e-02, v29  }
0x76c: {  	v32 =	vsub.f32 v32, v22;
	v19 =	vsub.f32 v19, v22;
	v28 =	vmul.f32 $1.562500000e-02, v30;
	v30 =	vld [tilespmem:$0x1FFE0]  }
0x76d: {  	v15 =	vsub.f32 v15, v22;
	v56 =	vld [tilespmem:s11+$0x220];
	v40 =	vadd.f32 $1.500000000e+00, v40;
	v29 =	vmul.f32 v48, v48  }
0x76e: {  	v57 =	vld [tilespmem:s11+$0x230];
	v17 =	vmul.f32 v47, v54;
	v55 =	vmul.f32 v39, v7;
	v51 =	vsub.s32 $0x5F3759DF, v61  }
0x76f: {  	v53 =	vld [tilespmem:s11+$0x210];
	v39 =	vmul.f32 v40, v5;
	v31 =	vadd.f32 v46, v45;
	v61 =	vsub.f32 v28, v29  }
0x770: {  	v54 =	vld [tilespmem:s14+$0x19510];
	v62 =	vmul.f32 v51, v42;
	v29 =	vadd.f32 v38, v49;
	v28 =	vadd.f32 v44, v41  }
0x771: {  	v44 =	vadd.f32 v52, v50;
	v40 =	vmul.f32 v39, v30;
	v30 =	vadd.f32 v4, v43;
	v4 =	vld [tilespmem:s14+$0x19530]  }
0x772: {  	v23 =	vmul.f32 v55, v23;
	v5 =	vmul.f32 v51, v62;
	v41 =	vadd.f32 v63, v56  }
0x773: {  	v49 =	vmul.f32 v31, v31;
	v47 =	vadd.f32 v28, v29;
	v52 =	vmul.f32 v44, v44  }
0x774: {  	v55 =	vmul.f32 v41, v41;
	v62 =	vmul.f32 v28, v28;
	v43 =	vadd.f32 $9.999999930e-09, v61  }
0x775: {  	v25 =	vmul.f32 v40, v60;
	v45 =	vadd.f32 v31, v30;
	v40 =	vadd.f32 v54, v53  }
0x776: {  	v50 =	vmul.f32 $-5.000000000e-01, v43;
	v54 =	vld [tilespmem:s14+$0x19580];
	v43 =	vshra.s32 v43, $0x1;
	v38 =	vadd.f32 v4, v57  }
0x777: {  	v60 =	vld [tilespmem:s14+$0x19590];
	v43 =	vsub.s32 $0x5F3759DF, v43;
	v53 =	vmul.f32 v40, v40;
	v58 =	vadd.f32 v40, v44  }
0x778: {  	v61 =	vmul.f32 v43, v50;
	v45 =	vadd.f32 v47, v45;
	v4 =	vld [tilespmem:s11+$0x300];
	v56 =	vmul.f32 v38, v38  }
0x779: {  	v46 =	vmul.f32 v30, v30;
	v57 =	vld [tilespmem:s11+$0x310];
	v52 =	vadd.f32 v53, v52;
	v59 =	vadd.f32 v38, v41  }
0x77a: {  	v47 =	vmul.f32 v43, v61;
	v61 =	vld [tilespmem:s14+$0x195B0];
	v53 =	vadd.f32 v56, v55;
	v56 =	vmul.f32 v29, v29  }
0x77b: {  	v5 =	vadd.f32 $1.500000000e+00, v5;
	v55 =	vld [tilespmem:s11+$0x320];
	v58 =	vadd.f32 v59, v58  }
0x77c: {  	v46 =	vadd.f32 v49, v46;
	v59 =	vld [tilespmem:s14+$0x195A0];
	v49 =	vadd.f32 v62, v56  }
0x77d: {  	v52 =	vadd.f32 v53, v52;
	v53 =	vld [tilespmem:s11+$0x330];
	v56 =	vperm.xlane v58, v0;
	v62 =	vperm.xlane v45, v0  }
0x77e: {  	v5 =	vmul.f32 v51, v5;
	v47 =	vadd.f32 $1.500000000e+00, v47;
	v49 =	vadd.f32 v49, v46  }
0x77f: {  	v63 =	vperm.xlane v52, v0;
	v51 =	vadd.f32 v58, v56;
	v56 =	vadd.f32 v45, v62  }
0x780: {  	v58 =	vmul.f32 v43, v47;
	v47 =	vadd.f32 v54, v4;
	v46 =	vadd.f32 v60, v57  }
0x781: {  	v45 =	vadd.f32 v59, v55;
	v52 =	vadd.f32 v63, v52;
	v62 =	vperm.xlane v51, v1  }
0x782: {  	v4 =	vmul.f32 v58, v50;
	v57 =	vmul.f32 v47, v47;
	v43 =	vadd.f32 v61, v53  }
0x783: {  	v54 =	vadd.f32 v46, v47;
	v59 =	vmul.f32 v46, v46;
	v63 =	vld [tilespmem:$0x1FFF0];
	v53 =	vmul.f32 v45, v45  }
0x784: {  	v51 =	vadd.f32 v51, v62;
	v62 =	vperm.xlane v52, v1;
	v55 =	vadd.f32 v43, v45  }
0x785: {  	v57 =	vadd.f32 v59, v57;
	v4 =	vmul.f32 v4, v58;
	v60 =	vmul.f32 v43, v43  }
0x786: {  	v52 =	vadd.f32 v62, v52;
	v54 =	vadd.f32 v55, v54;
	v55 =	vperm.xlane v51, v2  }
0x787: {  	v4 =	vadd.f32 $1.500000000e+00, v4;
	v53 =	vadd.f32 v60, v53  }
0x788: {  	v59 =	vmul.f32 v39, v63;
	v51 =	vadd.f32 v51, v55;
	v55 =	vperm.xlane v52, v2  }
0x789: {  	v60 =	vmul.f32 v5, v42;
	v4 =	vmul.f32 v4, v58;
	v53 =	vadd.f32 v53, v57  }
0x78a: {  	v58 =	vperm.xlane v56, v1;
	v57 =	vperm.xlane v54, v0;
	v52 =	vadd.f32 v55, v52  }
0x78b: {  	v20 =	vadd.f32 v20, v10;
	v61 =	vperm.xlane v51, v3;
	v62 =	vperm.xlane v53, v0  }
0x78c: {  	v60 =	vmul.f32 v60, v5;
	v54 =	vadd.f32 v54, v57;
	v63 =	vperm.xlane v52, v3  }
0x78d: {  	v51 =	vadd.f32 v51, v61;
	v53 =	vadd.f32 v62, v53;
	v62 =	vperm.xlane v49, v0  }
0x78e: {  	v50 =	vmul.f32 v4, v50;
	v61 =	vperm.xlane v54, v1;
	v52 =	vadd.f32 v63, v52  }
0x78f: {  	v51 =	vmul.f32 $1.562500000e-02, v51;
	v63 =	vperm.xlane v53, v1;
	v49 =	vadd.f32 v62, v49  }
0x790: {  	v50 =	vmul.f32 v50, v4;
	v54 =	vadd.f32 v54, v61;
	v52 =	vmul.f32 $1.562500000e-02, v52  }
0x791: {  	v61 =	vmul.f32 v51, v51;
	v53 =	vadd.f32 v63, v53;
	v63 =	vperm.xlane v49, v1  }
0x792: {  	v56 =	vadd.f32 v56, v58;
	v50 =	vadd.f32 $1.500000000e+00, v50;
	v62 =	vperm.xlane v54, v2  }
0x793: {  	v52 =	vsub.f32 v52, v61;
	v49 =	vadd.f32 v63, v49;
	v63 =	vld [tilespmem:$0x1FFE0]  }
0x794: {  	v60 =	vadd.f32 $1.500000000e+00, v60;
	v54 =	vadd.f32 v54, v62;
	v61 =	vperm.xlane v53, v2  }
0x795: {  	v55 =	vperm.xlane v56, v2;
	v4 =	vmul.f32 v50, v4;
	v50 =	vadd.f32 $9.999999930e-09, v52  }
0x796: {  	v37 =	vsub.f32 v37, v48;
	v62 =	vperm.xlane v54, v3;
	v53 =	vadd.f32 v61, v53  }
0x797: {  	v5 =	vmul.f32 v60, v5;
	v55 =	vadd.f32 v56, v55;
	v61 =	vshra.s32 v50, $0x1  }
0x798: {  	v52 =	vadd.f32 v54, v62;
	v54 =	vperm.xlane v53, v3;
	v57 =	vmul.f32 v4, v63  }
0x799: {  	v50 =	vmul.f32 $-5.000000000e-01, v50;
	v62 =	vld [tilespmem:$0x1FFF0];
	v58 =	vsub.s32 $0x5F3759DF, v61;
	v61 =	vperm.xlane v49, v2  }
0x79a: {  	v53 =	vadd.f32 v54, v53;
	v56 =	vmul.f32 v57, v37;
	v37 =	vmul.f32 $1.562500000e-02, v52  }
0x79b: {  	v36 =	vsub.f32 v36, v48;
	v42 =	vmul.f32 v5, v42;
	v57 =	vmul.f32 v58, v50  }
0x79c: {  	v49 =	vadd.f32 v61, v49;
	v53 =	vmul.f32 $1.562500000e-02, v53;
	v61 =	vmul.f32 v37, v37  }
0x79d: {  	v35 =	vsub.f32 v35, v48;
	v34 =	vsub.f32 v34, v48;
	v63 =	vmul.f32 v58, v57  }
0x79e: {  	v42 =	vmul.f32 v42, v5;
	v52 =	vmul.f32 v4, v62;
	v53 =	vsub.f32 v53, v61  }
0x79f: {  	v62 =	vmul.f32 v4, v6;
	v4 =	vmul.f32 v4, v7;
	v54 =	vadd.f32 $1.500000000e+00, v63  }
0x7a0: {  	v36 =	vmul.f32 v52, v36;
	v52 =	vperm.xlane v55, v3;
	v53 =	vadd.f32 $9.999999930e-09, v53  }
0x7a1: {  	v63 =	vadd.f32 v56, v8;
	v35 =	vmul.f32 v62, v35;
	v48 =	vmul.f32 v58, v54  }
0x7a2: {  	v4 =	vmul.f32 v4, v34;
	v58 =	vshra.s32 v53, $0x1;
	v53 =	vmul.f32 $-5.000000000e-01, v53  }
0x7a3: {  	v36 =	vadd.f32 v36, v9;
	v57 =	vmul.f32 v48, v50;
	v54 =	vsub.s32 $0x5F3759DF, v58  }
0x7a4: {  	v61 =	vperm.xlane v49, v3;
	v35 =	vadd.f32 v35, v10;
	[tilespmem:s14+$0x16280] =	vst v63;
	v62 =	vmul.f32 v54, v53  }
0x7a5: {  	v4 =	vadd.f32 v4, v11;
	v52 =	vadd.f32 v55, v52;
	[tilespmem:s14+$0x16290] =	vst v36;
	v34 =	vmul.f32 v57, v48  }
0x7a6: {  	v44 =	vsub.f32 v44, v51;
	v40 =	vsub.f32 v40, v51;
	[tilespmem:s14+$0x162A0] =	vst v35;
	v35 =	vmul.f32 v54, v62  }
0x7a7: {  	v63 =	vadd.f32 v61, v49;
	[tilespmem:s14+$0x162B0] =	vst v4;
	v36 =	vmul.f32 $1.562500000e-02, v52;
	v4 =	vadd.f32 $1.500000000e+00, v34  }
0x7a8: {  	v58 =	vsub.f32 v24, v33;
	v60 =	vld [tilespmem:s11+$0x1A0];
	v24 =	vmul.f32 v59, v27;
	v35 =	vadd.f32 $1.500000000e+00, v35  }
0x7a9: {  	v41 =	vsub.f32 v41, v51;
	v59 =	vld [tilespmem:s14+$0x194E0];
	v57 =	vmul.f32 v39, v6;
	v4 =	vmul.f32 v4, v48  }
0x7aa: {  	v38 =	vsub.f32 v38, v51;
	v56 =	vld [tilespmem:s14+$0x194D0];
	v34 =	vmul.f32 $1.562500000e-02, v63;
	v54 =	vmul.f32 v54, v35  }
0x7ab: {  	v42 =	vadd.f32 $1.500000000e+00, v42;
	v52 =	vld [tilespmem:s14+$0x194C0];
	v48 =	vmul.f32 v36, v36;
	v50 =	vmul.f32 v4, v50  }
0x7ac: {  	v47 =	vsub.f32 v47, v37;
	v55 =	vld [tilespmem:s11+$0x190];
	v27 =	vmul.f32 v57, v58;
	v57 =	vmul.f32 v54, v53  }
0x7ad: {  	v49 =	vld [tilespmem:s11+$0x180];
	v62 =	vsub.f32 v21, v33;
	v34 =	vsub.f32 v34, v48;
	v35 =	vmul.f32 v50, v4  }
0x7ae: {  	v33 =	vadd.f32 v59, v60;
	v59 =	vld [tilespmem:$0x1FFF0];
	v48 =	vmul.f32 v42, v5;
	v5 =	vmul.f32 v57, v54  }
0x7af: {  	v61 =	vld [tilespmem:s14+$0x194F0];
	v58 =	vadd.f32 $9.999999930e-09, v34;
	v34 =	vadd.f32 $1.500000000e+00, v35  }
0x7b0: {  	v46 =	vsub.f32 v46, v37;
	v50 =	vld [tilespmem:s11+$0x1B0];
	v5 =	vadd.f32 $1.500000000e+00, v5  }
0x7b1: {  	v45 =	vsub.f32 v45, v37;
	v4 =	vmul.f32 v34, v4;
	v34 =	vadd.f32 v56, v55;
	v56 =	vld [tilespmem:$0x1FFE0]  }
0x7b2: {  	v39 =	vmul.f32 v39, v7;
	v42 =	vshra.s32 v58, $0x1;
	v5 =	vmul.f32 v5, v54  }
0x7b3: {  	v35 =	vadd.f32 v52, v49;
	v49 =	vmul.f32 v4, v59;
	v60 =	vmul.f32 v4, v6  }
0x7b4: {  	v42 =	vsub.s32 $0x5F3759DF, v42;
	v59 =	vmul.f32 v34, v34;
	v53 =	vmul.f32 v5, v53  }
0x7b5: {  	v21 =	vadd.f32 v61, v50;
	v40 =	vmul.f32 v49, v40;
	v41 =	vmul.f32 v60, v41  }
0x7b6: {  	v50 =	vadd.f32 v34, v35;
	v49 =	vmul.f32 $-5.000000000e-01, v58;
	v57 =	vmul.f32 v4, v56  }
0x7b7: {  	v63 =	vadd.f32 v21, v33;
	v4 =	vmul.f32 v4, v7;
	v61 =	vmul.f32 v53, v5  }
0x7b8: {  	v60 =	vld [tilespmem:$0x1FFE0];
	v40 =	vadd.f32 v40, v9;
	v56 =	vadd.f32 v41, v10;
	v44 =	vmul.f32 v57, v44  }
0x7b9: {  	v4 =	vmul.f32 v4, v38;
	v38 =	vadd.f32 v63, v50;
	v57 =	vadd.f32 $1.500000000e+00, v61;
	v61 =	vld [tilespmem:$0x1FFF0]  }
0x7ba: {  	v58 =	vmul.f32 v35, v35;
	[tilespmem:s14+$0x16310] =	vst v40;
	v40 =	vmul.f32 v42, v49;
	v44 =	vadd.f32 v44, v8  }
0x7bb: {  	[tilespmem:s14+$0x16320] =	vst v56;
	v4 =	vadd.f32 v4, v11;
	v52 =	vperm.xlane v38, v0;
	v5 =	vmul.f32 v57, v5  }
0x7bc: {  	v41 =	vadd.f32 v59, v58;
	v53 =	vld [tilespmem:s14+$0x19540];
	v58 =	vmul.f32 v42, v40;
	[tilespmem:s14+$0x16300] =	vst v44;
	v44 =	vmul.f32 v33, v33  }
0x7bd: {  	v37 =	vsub.f32 v43, v37;
	v56 =	vld [tilespmem:s14+$0x19550];
	[tilespmem:s14+$0x16330] =	vst v4;
	v4 =	vmul.f32 v21, v21;
	v51 =	vmul.f32 v5, v60  }
0x7be: {  	v38 =	vadd.f32 v38, v52;
	v50 =	vld [tilespmem:s11+$0x280];
	v63 =	vmul.f32 v5, v6;
	v54 =	vmul.f32 v5, v61  }
0x7bf: {  	v55 =	vld [tilespmem:s11+$0x290];
	v5 =	vmul.f32 v5, v7;
	v4 =	vadd.f32 v4, v44;
	v47 =	vmul.f32 v51, v47  }
0x7c0: {  	v30 =	vsub.f32 v30, v36;
	v60 =	vld [tilespmem:$0x1FFE0];
	v45 =	vmul.f32 v63, v45;
	v63 =	vperm.xlane v38, v1  }
0x7c1: {  	v44 =	vld [tilespmem:s11+$0x2A0];
	v46 =	vmul.f32 v54, v46;
	v4 =	vadd.f32 v4, v41;
	v57 =	vadd.f32 v47, v8  }
0x7c2: {  	v5 =	vmul.f32 v5, v37;
	v41 =	vld [tilespmem:s11+$0x2B0];
	v37 =	vadd.f32 $1.500000000e+00, v58;
	v59 =	vadd.f32 v45, v10  }
0x7c3: {  	v43 =	vmul.f32 v39, v62;
	v47 =	vld [tilespmem:s14+$0x19560];
	v45 =	vsub.f32 v26, v22;
	v46 =	vadd.f32 v46, v9;
	[tilespmem:s14+$0x16380] =	vst v57  }
0x7c4: {  	v5 =	vadd.f32 v5, v11;
	v58 =	vperm.xlane v4, v0;
	v57 =	vld [tilespmem:s14+$0x19570];
	[tilespmem:s14+$0x163A0] =	vst v59;
	v59 =	vadd.f32 v38, v63  }
0x7c5: {  	v61 =	vmul.f32 v48, v60;
	v26 =	vadd.f32 v56, v55;
	v38 =	vadd.f32 v53, v50;
	v50 =	vld [tilespmem:s14+$0x195C0];
	[tilespmem:s14+$0x16390] =	vst v46  }
0x7c6: {  	v51 =	vmul.f32 v42, v37;
	[tilespmem:s14+$0x163B0] =	vst v5;
	v5 =	vld [tilespmem:$0x1FFF0];
	v4 =	vadd.f32 v58, v4;
	v60 =	vperm.xlane v59, v2  }
0x7c7: {  	v40 =	vmul.f32 v61, v32;
	v55 =	vmul.f32 v26, v26;
	v39 =	vld [tilespmem:s11+$0x380];
	v46 =	vadd.f32 v26, v38  }
0x7c8: {  	v62 =	vmul.f32 v38, v38;
	v56 =	vld [tilespmem:s11+$0x3A0];
	v61 =	vperm.xlane v4, v1;
	v42 =	vadd.f32 v59, v60  }
0x7c9: {  	v32 =	vadd.f32 v47, v44;
	v47 =	vld [tilespmem:s14+$0x195D0];
	v37 =	vadd.f32 v57, v41  }
0x7ca: {  	v59 =	vld [tilespmem:s14+$0x195E0];
	v54 =	vadd.f32 v55, v62;
	v4 =	vadd.f32 v61, v4;
	v61 =	vperm.xlane v42, v3  }
0x7cb: {  	v41 =	vld [tilespmem:s11+$0x390];
	v63 =	vmul.f32 v32, v32;
	v52 =	vadd.f32 v37, v32;
	v60 =	vmul.f32 v37, v37  }
0x7cc: {  	v57 =	vld [tilespmem:s14+$0x195F0];
	v5 =	vmul.f32 v48, v5;
	v58 =	vadd.f32 v42, v61;
	v42 =	vperm.xlane v4, v2  }
0x7cd: {  	v46 =	vadd.f32 v52, v46;
	v52 =	vld [tilespmem:s11+$0x3B0];
	v55 =	vadd.f32 v60, v63  }
0x7ce: {  	v53 =	vmul.f32 v51, v49;
	v44 =	vmul.f32 v5, v45;
	v4 =	vadd.f32 v42, v4  }
0x7cf: {  	v63 =	vmul.f32 v48, v6;
	v42 =	vadd.f32 v50, v39;
	v62 =	vadd.f32 v55, v54  }
0x7d0: {  	v41 =	vadd.f32 v47, v41;
	v39 =	vadd.f32 v59, v56;
	v60 =	vperm.xlane v46, v0  }
0x7d1: {  	v31 =	vsub.f32 v31, v36;
	v45 =	vmul.f32 v63, v19;
	v54 =	vperm.xlane v62, v0  }
0x7d2: {  	v63 =	vmul.f32 v41, v41;
	v47 =	vmul.f32 v39, v39;
	v19 =	vadd.f32 v57, v52  }
0x7d3: {  	v46 =	vadd.f32 v46, v60;
	v50 =	vadd.f32 v54, v62;
	v54 =	vmul.f32 v42, v42  }
0x7d4: {  	v52 =	vadd.f32 v41, v42;
	v62 =	vadd.f32 v19, v39;
	v60 =	vmul.f32 v19, v19  }
0x7d5: {  	v53 =	vmul.f32 v53, v51;
	v61 =	vperm.xlane v46, v1;
	v63 =	vadd.f32 v63, v54  }
0x7d6: {  	v52 =	vadd.f32 v62, v52;
	v62 =	vperm.xlane v50, v1;
	v47 =	vadd.f32 v60, v47  }
0x7d7: {  	v5 =	vadd.f32 $1.500000000e+00, v53;
	v46 =	vadd.f32 v46, v61;
	v61 =	vperm.xlane v4, v3  }
0x7d8: {  	v53 =	vadd.f32 v62, v50;
	v47 =	vadd.f32 v47, v63;
	v60 =	vperm.xlane v52, v0  }
0x7d9: {  	v5 =	vmul.f32 v5, v51;
	v4 =	vadd.f32 v61, v4;
	v59 =	vperm.xlane v46, v2  }
0x7da: {  	v61 =	vperm.xlane v53, v2;
	v51 =	vadd.f32 v52, v60;
	v63 =	vperm.xlane v47, v0  }
0x7db: {  	v50 =	vmul.f32 $1.562500000e-02, v58;
	v4 =	vmul.f32 $1.562500000e-02, v4;
	v46 =	vadd.f32 v46, v59  }
0x7dc: {  	v53 =	vadd.f32 v61, v53;
	v61 =	vperm.xlane v51, v1;
	v52 =	vadd.f32 v63, v47  }
0x7dd: {  	v29 =	vsub.f32 v29, v36;
	v62 =	vmul.f32 v50, v50;
	v60 =	vperm.xlane v46, v3  }
0x7de: {  	v28 =	vsub.f32 v28, v36;
	v51 =	vadd.f32 v51, v61;
	v57 =	vperm.xlane v52, v1  }
0x7df: {  	v49 =	vmul.f32 v5, v49;
	v4 =	vsub.f32 v4, v62;
	v46 =	vadd.f32 v46, v60  }
0x7e0: {  	v63 =	vperm.xlane v53, v3;
	v59 =	vperm.xlane v51, v2;
	v52 =	vadd.f32 v57, v52  }
0x7e1: {  	v62 =	vmul.f32 v49, v5;
	v4 =	vadd.f32 $9.999999930e-09, v4;
	v47 =	vmul.f32 $1.562500000e-02, v46  }
0x7e2: {  	v49 =	vadd.f32 v63, v53;
	v46 =	vadd.f32 v51, v59;
	v61 =	vperm.xlane v52, v2  }
0x7e3: {  	v53 =	vmul.f32 $-5.000000000e-01, v4;
	v4 =	vshra.s32 v4, $0x1;
	v60 =	vmul.f32 v47, v47  }
0x7e4: {  	v4 =	vsub.s32 $0x5F3759DF, v4;
	v59 =	vld [tilespmem:$0x1FFE0];
	v63 =	vperm.xlane v46, v3;
	v51 =	vadd.f32 v61, v52  }
0x7e5: {  	v58 =	vadd.f32 $1.500000000e+00, v62;
	v49 =	vmul.f32 $1.562500000e-02, v49;
	v62 =	vmul.f32 v4, v53  }
0x7e6: {  	v48 =	vmul.f32 v48, v7;
	v46 =	vadd.f32 v46, v63;
	v61 =	vperm.xlane v51, v3  }
0x7e7: {  	v5 =	vmul.f32 v58, v5;
	v49 =	vsub.f32 v49, v60;
	v55 =	vmul.f32 v4, v62  }
0x7e8: {  	v15 =	vmul.f32 v48, v15;
	v60 =	vld [tilespmem:$0x1FFF0];
	v51 =	vadd.f32 v61, v51;
	v46 =	vmul.f32 $1.562500000e-02, v46  }
0x7e9: {  	v49 =	vadd.f32 $9.999999930e-09, v49;
	v55 =	vadd.f32 $1.500000000e+00, v55;
	v52 =	vmul.f32 v5, v59  }
0x7ea: {  	v43 =	vadd.f32 v43, v11;
	v51 =	vmul.f32 $1.562500000e-02, v51;
	v58 =	vmul.f32 v46, v46  }
0x7eb: {  	v62 =	vshra.s32 v49, $0x1;
	v49 =	vmul.f32 $-5.000000000e-01, v49;
	v4 =	vmul.f32 v4, v55  }
0x7ec: {  	v61 =	vmul.f32 v5, v6;
	v57 =	vsub.s32 $0x5F3759DF, v62;
	v59 =	vsub.f32 v51, v58  }
0x7ed: {  	v15 =	vadd.f32 v15, v11;
	v56 =	vmul.f32 v5, v60;
	v63 =	vmul.f32 v57, v49  }
0x7ee: {  	v30 =	vmul.f32 v52, v30;
	v55 =	vmul.f32 v4, v53;
	v48 =	vadd.f32 $9.999999930e-09, v59  }
0x7ef: {  	v21 =	vsub.f32 v21, v50;
	v5 =	vmul.f32 v5, v7;
	v22 =	vmul.f32 v57, v63  }
0x7f0: {  	v60 =	vmul.f32 v55, v4;
	v62 =	vshra.s32 v48, $0x1;
	v48 =	vmul.f32 $-5.000000000e-01, v48  }
0x7f1: {  	v29 =	vmul.f32 v61, v29;
	v22 =	vadd.f32 $1.500000000e+00, v22;
	v52 =	vsub.s32 $0x5F3759DF, v62  }
0x7f2: {  	v31 =	vmul.f32 v56, v31;
	v51 =	vadd.f32 $1.500000000e+00, v60;
	v56 =	vmul.f32 v52, v48  }
0x7f3: {  	v61 =	vadd.f32 v23, v11;
	v5 =	vmul.f32 v5, v28;
	v22 =	vmul.f32 v57, v22  }
0x7f4: {  	[tilespmem:s14+$0x16040] =	vst v13;
	v55 =	vsub.f32 v34, v50;
	v4 =	vmul.f32 v51, v4;
	v36 =	vmul.f32 v52, v56  }
0x7f5: {  	[tilespmem:s14+$0x160F0] =	vst v61;
	v61 =	vadd.f32 v40, v8;
	v40 =	vsub.f32 v38, v47;
	v63 =	vmul.f32 v22, v49  }
0x7f6: {  	[tilespmem:s14+$0x16060] =	vst v14;
	v34 =	vadd.f32 v31, v9;
	v53 =	vmul.f32 v4, v53;
	v60 =	vadd.f32 $1.500000000e+00, v36  }
0x7f7: {  	[tilespmem:s14+$0x16070] =	vst v16;
	v5 =	vadd.f32 v5, v11;
	v59 =	vadd.f32 v17, v9;
	v51 =	vmul.f32 v63, v22  }
0x7f8: {  	[tilespmem:s14+$0x161C0] =	vst v61;
	v61 =	vsub.f32 v19, v46;
	v58 =	vmul.f32 v53, v4;
	v16 =	vmul.f32 v52, v60  }
0x7f9: {  	[tilespmem:s14+$0x16050] =	vst v12;
	v28 =	vld [tilespmem:$0x1FFE0];
	v57 =	vadd.f32 v18, v8;
	v51 =	vadd.f32 $1.500000000e+00, v51  }
0x7fa: {  	[tilespmem:s14+$0x160E0] =	vst v20;
	v18 =	vadd.f32 $1.500000000e+00, v58;
	v36 =	vadd.f32 v27, v10;
	v27 =	vld [tilespmem:$0x1FFF0];
	v52 =	vmul.f32 v16, v48  }
0x7fb: {  	[tilespmem:s14+$0x16170] =	vst v43;
	v62 =	vadd.f32 v25, v8;
	v25 =	vadd.f32 v45, v10;
	v14 =	vmul.f32 v51, v22  }
0x7fc: {  	[tilespmem:s14+$0x161F0] =	vst v15;
	v63 =	vadd.f32 v24, v9;
	v4 =	vmul.f32 v18, v4;
	v24 =	vmul.f32 v52, v16  }
0x7fd: {  	[tilespmem:s14+$0x16250] =	vst v34;
	v45 =	vsub.f32 v32, v47;
	v53 =	vsub.f32 v35, v50;
	v51 =	vmul.f32 v14, v49  }
0x7fe: {  	[tilespmem:s14+$0x160C0] =	vst v57;
	v54 =	vmul.f32 v4, v28;
	v57 =	vmul.f32 v4, v6;
	v60 =	vadd.f32 $1.500000000e+00, v24  }
0x7ff: {  	[tilespmem:s14+$0x16270] =	vst v5;
	v56 =	vsub.f32 v33, v50;
	v27 =	vmul.f32 v4, v27;
	v4 =	vmul.f32 v4, v7  }
0x800: {  	v33 =	vadd.f32 v30, v8;
	[tilespmem:s14+$0x16150] =	vst v63;
	v18 =	vmul.f32 v51, v14;
	v63 =	vmul.f32 v60, v16  }
0x801: {  	[tilespmem:s14+$0x16160] =	vst v36;
	v36 =	vadd.f32 v29, v10;
	v20 =	vmul.f32 v54, v53;
	v22 =	vmul.f32 v57, v56  }
0x802: {  	[tilespmem:s14+$0x160D0] =	vst v59;
	v29 =	vld [tilespmem:$0x1FFF0];
	v54 =	vsub.f32 v42, v46;
	v59 =	vadd.f32 $1.500000000e+00, v18;
	v35 =	vmul.f32 v63, v48  }
0x803: {  	[tilespmem:s14+$0x16140] =	vst v62;
	v56 =	vsub.f32 v41, v46;
	v58 =	vmul.f32 v27, v55;
	v24 =	vadd.f32 v44, v9  }
0x804: {  	[tilespmem:s14+$0x161E0] =	vst v25;
	v44 =	vsub.f32 v26, v47;
	v62 =	vmul.f32 v59, v14;
	v23 =	vmul.f32 v35, v63  }
0x805: {  	[tilespmem:s14+$0x16240] =	vst v33;
	v4 =	vmul.f32 v4, v21;
	v20 =	vadd.f32 v20, v8;
	v5 =	vadd.f32 v22, v10  }
0x806: {  	[tilespmem:s14+$0x16260] =	vst v36;
	v13 =	vadd.f32 v58, v9;
	v43 =	vmul.f32 v62, v28;
	v50 =	vadd.f32 $1.500000000e+00, v23  }
0x807: {  	v4 =	vadd.f32 v4, v11;
	[tilespmem:s14+$0x161D0] =	vst v24;
	v49 =	vmul.f32 v62, v29;
	v52 =	vmul.f32 v62, v6  }
0x808: {  	[tilespmem:s14+$0x162C0] =	vst v20;
	v59 =	vsub.f32 v39, v46;
	v15 =	vmul.f32 v43, v40;
	v14 =	vmul.f32 v50, v63  }
0x809: {  	[tilespmem:s14+$0x162E0] =	vst v5;
	v48 =	vsub.f32 v37, v47;
	v12 =	vmul.f32 v62, v7;
	v51 =	vmul.f32 v49, v44  }
0x80a: {  	[tilespmem:s14+$0x162D0] =	vst v13;
	v53 =	vmul.f32 v52, v45;
	v15 =	vadd.f32 v15, v8;
	v55 =	vmul.f32 v14, v28  }
0x80b: {  	[tilespmem:s14+$0x162F0] =	vst v4;
	v5 =	vmul.f32 v12, v48;
	v58 =	vadd.f32 v51, v9;
	v57 =	vmul.f32 v14, v29  }
0x80c: {  	v13 =	vadd.f32 v53, v10;
	[tilespmem:s14+$0x16340] =	vst v15;
	v60 =	vmul.f32 v14, v6;
	v4 =	vmul.f32 v55, v54  }
0x80d: {  	s9 =	sadd.s32 $0x10, s9;
	v5 =	vadd.f32 v5, v11;
	[tilespmem:s14+$0x16350] =	vst v58;
	v14 =	vmul.f32 v14, v7;
	v12 =	vmul.f32 v57, v56  }
0x80e: {  	p1 =	slt.u32 s9, $0xB0;
	[tilespmem:s14+$0x16360] =	vst v13;
	v62 =	vmul.f32 v60, v59;
	v4 =	vadd.f32 v4, v8  }
.Ltmp6:
0x80f: {  	[tilespmem:s14+$0x16370] =	vst v5;
	v63 =	vmul.f32 v14, v61;
	v5 =	vadd.f32 v12, v9;
	(pc) =	sbr.rel @p1 .LBB2_12-.Ltmp6, $4  }
0x810: {  	v13 =	vadd.f32 v62, v10;
	[tilespmem:s14+$0x163C0] =	vst v4  }
0x811: {  	v4 =	vadd.f32 v63, v11;
	[tilespmem:s14+$0x163D0] =	vst v5  }
0x812: {  	s18 =	sadd.s32 $0x1000, s18;
	[tilespmem:s14+$0x163E0] =	vst v13  }
0x813: {  	s15 =	simm.s32 $0xC600;
	s11 =	sadd.s32 $0x800, s11;
	[tilespmem:s14+$0x163F0] =	vst v4;
	s14 =	simm.s32 $0xBE  }
.LBB2_13:
0x814: {  	v4 =	vld [tilespmem:s15+$0x0]  }
0x815: {  	v12 =	vld [tilespmem:s15+$0x10]  }
0x816: {  	v14 =	vld [tilespmem:s15+$0x20]  }
0x817: {  	s9 =	sshra.s32 s16, $0x2;
	v16 =	vld [tilespmem:s15+$0x30]  }
0x818: {  	v5 =	vld [tilespmem:s9+$0x1C200]  }
0x819: {  	v13 =	vld [tilespmem:s9+$0x1C210]  }
0x81a: {  	v15 =	vld [tilespmem:s9+$0x1C220]  }
0x81b: {  	v17 =	vld [tilespmem:s9+$0x1C230];
	_ =	sdelay $0x3  }
0x81c: {  	v4 =	vadd.f32 v5, v4;
	v5 =	vadd.f32 v13, v12  }
0x81d: {  	v63 =	vadd.f32 v15, v14;
	v21 =	vadd.f32 v17, v16  }
0x81e: {  	v22 =	vadd.f32 v5, v4  }
0x81f: {  	v15 =	vadd.f32 v21, v63;
	v23 =	vmul.f32 v4, v4;
	v24 =	vmul.f32 v5, v5  }
0x820: {  	v18 =	vmul.f32 v63, v63;
	v19 =	vmul.f32 v21, v21  }
0x821: {  	v14 =	vadd.f32 v15, v22  }
0x822: {  	v25 =	vadd.f32 v24, v23;
	v26 =	vadd.f32 v19, v18;
	_ =	sdelay $0x1  }
0x823: {  	v15 =	vadd.f32 v26, v25;
	v32 =	vperm.xlane v14, v0;
	_ =	sdelay $0x1  }
0x824: {  	v14 =	vadd.f32 v14, v32;
	v33 =	vperm.xlane v15, v0;
	_ =	sdelay $0x1  }
0x825: {  	v34 =	vperm.xlane v14, v1;
	v15 =	vadd.f32 v33, v15;
	_ =	sdelay $0x1  }
0x826: {  	v14 =	vadd.f32 v14, v34;
	v16 =	vperm.xlane v15, v1;
	_ =	sdelay $0x1  }
0x827: {  	v17 =	vperm.xlane v14, v2;
	v15 =	vadd.f32 v16, v15;
	_ =	sdelay $0x1  }
0x828: {  	v14 =	vadd.f32 v14, v17;
	v16 =	vperm.xlane v15, v2;
	_ =	sdelay $0x1  }
0x829: {  	v17 =	vperm.xlane v14, v3;
	v15 =	vadd.f32 v16, v15;
	_ =	sdelay $0x1  }
0x82a: {  	v14 =	vadd.f32 v14, v17;
	v16 =	vperm.xlane v15, v3;
	_ =	sdelay $0x1  }
0x82b: {  	v15 =	vadd.f32 v16, v15;
	v14 =	vmul.f32 $1.562500000e-02, v14;
	_ =	sdelay $0x1  }
0x82c: {  	v15 =	vmul.f32 $1.562500000e-02, v15;
	v35 =	vmul.f32 v14, v14;
	_ =	sdelay $0x1  }
0x82d: {  	v15 =	vsub.f32 v15, v35;
	_ =	sdelay $0x1  }
0x82e: {  	v15 =	vadd.f32 $9.999999930e-09, v15;
	_ =	sdelay $0x1  }
0x82f: {  	v36 =	vshra.s32 v15, $0x1;
	v15 =	vmul.f32 $-5.000000000e-01, v15  }
0x830: {  	v16 =	vsub.s32 $0x5F3759DF, v36  }
0x831: {  	v37 =	vmul.f32 v16, v15;
	_ =	sdelay $0x1  }
0x832: {  	v17 =	vmul.f32 v16, v37;
	_ =	sdelay $0x1  }
0x833: {  	v17 =	vadd.f32 $1.500000000e+00, v17;
	_ =	sdelay $0x1  }
0x834: {  	v16 =	vmul.f32 v16, v17;
	_ =	sdelay $0x1  }
0x835: {  	v17 =	vmul.f32 v16, v15;
	_ =	sdelay $0x1  }
0x836: {  	v17 =	vmul.f32 v17, v16;
	_ =	sdelay $0x1  }
0x837: {  	v17 =	vadd.f32 $1.500000000e+00, v17;
	_ =	sdelay $0x1  }
0x838: {  	v16 =	vmul.f32 v17, v16;
	_ =	sdelay $0x1  }
0x839: {  	v15 =	vmul.f32 v16, v15;
	_ =	sdelay $0x1  }
0x83a: {  	v15 =	vmul.f32 v15, v16;
	_ =	sdelay $0x1  }
0x83b: {  	v15 =	vadd.f32 $1.500000000e+00, v15;
	_ =	sdelay $0x1  }
0x83c: {  	v15 =	vmul.f32 v15, v16;
	_ =	sdelay $0x1  }
0x83d: {  	v4 =	vsub.f32 v4, v14;
	v16 =	vmul.f32 v15, v28  }
0x83e: {  	v5 =	vsub.f32 v5, v14;
	v38 =	vmul.f32 v15, v29  }
0x83f: {  	v12 =	vsub.f32 v63, v14;
	v39 =	vmul.f32 v15, v6;
	v4 =	vmul.f32 v16, v4  }
0x840: {  	v13 =	vsub.f32 v21, v14;
	v40 =	vmul.f32 v15, v7;
	v5 =	vmul.f32 v38, v5  }
0x841: {  	v12 =	vmul.f32 v39, v12;
	v4 =	vadd.f32 v4, v8  }
0x842: {  	v13 =	vmul.f32 v40, v13;
	v5 =	vadd.f32 v5, v9  }
0x843: {  	v41 =	vld [tilespmem:s9+$0x1C250];
	v12 =	vadd.f32 v12, v10;
	[tilespmem:s9+$0x19000] =	vst v4  }
0x844: {  	v43 =	vld [tilespmem:s9+$0x1C260];
	v4 =	vadd.f32 v13, v11;
	[tilespmem:s9+$0x19010] =	vst v5  }
0x845: {  	v45 =	vld [tilespmem:s9+$0x1C270];
	[tilespmem:s9+$0x19020] =	vst v12  }
0x846: {  	v5 =	vld [tilespmem:s9+$0x1C240];
	[tilespmem:s9+$0x19030] =	vst v4  }
0x847: {  	v4 =	vld [tilespmem:s15+$0x80]  }
0x848: {  	v12 =	vld [tilespmem:s15+$0x90]  }
0x849: {  	v42 =	vld [tilespmem:s15+$0xA0]  }
0x84a: {  	v44 =	vld [tilespmem:s15+$0xB0];
	_ =	sdelay $0x3  }
0x84b: {  	v4 =	vadd.f32 v5, v4;
	v5 =	vadd.f32 v41, v12  }
0x84c: {  	v46 =	vadd.f32 v43, v42;
	v47 =	vadd.f32 v45, v44  }
0x84d: {  	v48 =	vadd.f32 v5, v4  }
0x84e: {  	v15 =	vadd.f32 v47, v46;
	v49 =	vmul.f32 v4, v4;
	v50 =	vmul.f32 v5, v5  }
0x84f: {  	v51 =	vmul.f32 v46, v46;
	v52 =	vmul.f32 v47, v47  }
0x850: {  	v14 =	vadd.f32 v15, v48  }
0x851: {  	v53 =	vadd.f32 v50, v49;
	v54 =	vadd.f32 v52, v51;
	_ =	sdelay $0x1  }
0x852: {  	v15 =	vadd.f32 v54, v53;
	v55 =	vperm.xlane v14, v0;
	_ =	sdelay $0x1  }
0x853: {  	v14 =	vadd.f32 v14, v55;
	v56 =	vperm.xlane v15, v0;
	_ =	sdelay $0x1  }
0x854: {  	v57 =	vperm.xlane v14, v1;
	v15 =	vadd.f32 v56, v15;
	_ =	sdelay $0x1  }
0x855: {  	v14 =	vadd.f32 v14, v57;
	v16 =	vperm.xlane v15, v1;
	_ =	sdelay $0x1  }
0x856: {  	v17 =	vperm.xlane v14, v2;
	v15 =	vadd.f32 v16, v15;
	_ =	sdelay $0x1  }
0x857: {  	v14 =	vadd.f32 v14, v17;
	v16 =	vperm.xlane v15, v2;
	_ =	sdelay $0x1  }
0x858: {  	v17 =	vperm.xlane v14, v3;
	v15 =	vadd.f32 v16, v15;
	_ =	sdelay $0x1  }
0x859: {  	v14 =	vadd.f32 v14, v17;
	v16 =	vperm.xlane v15, v3;
	_ =	sdelay $0x1  }
0x85a: {  	v15 =	vadd.f32 v16, v15;
	v14 =	vmul.f32 $1.562500000e-02, v14;
	_ =	sdelay $0x1  }
0x85b: {  	v15 =	vmul.f32 $1.562500000e-02, v15;
	v58 =	vmul.f32 v14, v14;
	_ =	sdelay $0x1  }
0x85c: {  	v15 =	vsub.f32 v15, v58;
	_ =	sdelay $0x1  }
0x85d: {  	v15 =	vadd.f32 $9.999999930e-09, v15;
	_ =	sdelay $0x1  }
0x85e: {  	v59 =	vshra.s32 v15, $0x1;
	v15 =	vmul.f32 $-5.000000000e-01, v15  }
0x85f: {  	v16 =	vsub.s32 $0x5F3759DF, v59  }
0x860: {  	v60 =	vmul.f32 v16, v15;
	_ =	sdelay $0x1  }
0x861: {  	v17 =	vmul.f32 v16, v60;
	_ =	sdelay $0x1  }
0x862: {  	v17 =	vadd.f32 $1.500000000e+00, v17;
	_ =	sdelay $0x1  }
0x863: {  	v16 =	vmul.f32 v16, v17;
	_ =	sdelay $0x1  }
0x864: {  	v17 =	vmul.f32 v16, v15;
	_ =	sdelay $0x1  }
0x865: {  	v17 =	vmul.f32 v17, v16;
	_ =	sdelay $0x1  }
0x866: {  	v17 =	vadd.f32 $1.500000000e+00, v17;
	_ =	sdelay $0x1  }
0x867: {  	v16 =	vmul.f32 v17, v16;
	_ =	sdelay $0x1  }
0x868: {  	v15 =	vmul.f32 v16, v15;
	_ =	sdelay $0x1  }
0x869: {  	v15 =	vmul.f32 v15, v16;
	_ =	sdelay $0x1  }
0x86a: {  	v15 =	vadd.f32 $1.500000000e+00, v15;
	_ =	sdelay $0x1  }
0x86b: {  	v15 =	vmul.f32 v15, v16;
	_ =	sdelay $0x1  }
0x86c: {  	v4 =	vsub.f32 v4, v14;
	v16 =	vmul.f32 v15, v28  }
0x86d: {  	v5 =	vsub.f32 v5, v14;
	v61 =	vmul.f32 v15, v29  }
0x86e: {  	v12 =	vsub.f32 v46, v14;
	v62 =	vmul.f32 v15, v6;
	v4 =	vmul.f32 v16, v4  }
0x86f: {  	s14 =	sadd.s32 $0x2, s14;
	v13 =	vsub.f32 v47, v14;
	v63 =	vmul.f32 v15, v7;
	v5 =	vmul.f32 v61, v5  }
0x870: {  	p1 =	slt.u32 s14, $0xC6;
	v12 =	vmul.f32 v62, v12;
	v4 =	vadd.f32 v4, v8  }
.Ltmp7:
0x871: {  	v13 =	vmul.f32 v63, v13;
	v5 =	vadd.f32 v5, v9;
	(pc) =	sbr.rel @p1 .LBB2_13-.Ltmp7, $4  }
0x872: {  	v12 =	vadd.f32 v12, v10;
	[tilespmem:s9+$0x19040] =	vst v4  }
0x873: {  	v4 =	vadd.f32 v13, v11;
	[tilespmem:s9+$0x19050] =	vst v5  }
0x874: {  	[tilespmem:s9+$0x19060] =	vst v12  }
0x875: {  	s16 =	sadd.s32 $0x200, s16;
	s15 =	sadd.s32 $0x100, s15;
	[tilespmem:s9+$0x19070] =	vst v4  }
0x876: {  	s9 =	smul.u32 $0x190, s10;
	_ =	sdelay $0x1  }
0x877: {  	s10 =	sadd.s32 @!p0 s9, s13  }
0x878: {  	s11 =	simm.s32 @!p0 $0x0;
	s10 =	sshrl.u32 @!p0 s10, $0x3  }
0x879: {  	s14 =	simm.s32 @!p0 $0x100;
	s17 =	sadd.s32 $0x1, s17;
	s10 =	sadd.s32 @!p0 s7, s10  }
0x87a: {  	[tilespmem:s14], [sflag:$0x2] =	stream.linear.gather @!p0 [hbm4b:s10+s11], $0xC8, $0x38;
	[tilespmem:$0x1C700] =	vst v63  }
0x87b: {  	p0 =	sne.s32 s17, $0x20  }
.Ltmp8:
0x87c: {  	_ = 	snop;
	(pc) =	sbr.rel @p0 .LBB2_2-.Ltmp8, $4  }
0x87d: {  	s9 =	sadd.s32 s6, s9  }
0x87e: {  	s9 =	sshll.u32 s9, $0x3  }
0x87f: {  	s21 =	simm.s32 $0x12E00;
	s9 =	sadd.s32 s4, s9  }
0x880: {  	[hbm4b:s9+s5] =	stream.linear.scatter [tilespmem:s21], [sflag:$0x6], $0x6400, $0x38;
	[tilespmem:$0x1C700] =	vst v63  }
0x881: {  	s9 =	simm.s32 $0x5  }
0x882: {  	_ =	swait.ge [sflag:s9], $0x6400  }
0x883: {  	[sflag:s9] =	ssyncset.done $0x0  }
0x884: {  	s10 =	simm.s32 $0x6;
	[sflag:s9] =	ssyncadd.s32 $0xFFFF9C00  }
0x885: {  	_ =	swait.ge [sflag:s10], $0x6400  }
0x886: {  	s11 =	rddreg [dreg:$0x9]  }
0x887: {  	s21 =	rddreg [dreg:$0x8];
	s11 =	sadd.s32 $0x1, s11  }
0x888: {  	p0 =	sne.s32 s11, s21  }
.Ltmp9:
0x889: {  	_ = 	snop;
	(pc) =	sbr.rel @p0 .LBB2_1-.Ltmp9, $3  }
0x88a: {  	_ =	sdelay $0x1  }
0x88b: {  	[sflag:s10] =	ssyncset.done $0x0  }
0x88c: {  	[sflag:s10] =	ssyncadd.s32 $0xFFFF9C00  }
0x88d: {  	_ =	sfence.sel $0x180000  }
0x88e: {  	[bflag:$0x0] =	sbarrier.arrive $0xFFFF  }
0x88f: {  	_ =	strace $0x90000047  }
0x890: {  	s0 =	stileid.u32;
	[bflag:$0x2] =	sbarrier.arrive $0xFFFF  }
0x891: {  	p0 =	sne.s32 s0, $0x0;
	s0 =	rddreg [dreg:$0x4]  }
0x892: {  	s0 =	sadd.s32 @!p0 $0x100000, s0  }
0x893: {  	[sflag:s0] =	ssyncadd.tile.s32 @!p0 $0x1;
	_ =	shalt  }
.Lfunc_end2:
_tile_overlayer_lowered:
.L_overlay_start_2:
0x894: {  	(tag) =	ssettag $0x2  }
0x895: {  	s0 =	rddreg [dreg:$0x0];
	s2 =	stileid.u32  }
0x896: {  	s1 =	rddreg [dreg:$0x1];
	p0 =	sne.s32 s2, $0x0  }
0x897: {  	s3 =	rddreg [dreg:$0x2];
	[bflag:$0x3] =	sbarrier.arrive $0xFFFF;
	s2 =	simm.s32 @!p0 $0x1C07  }
0x898: {  	[timem:s3], [sflag:s2] =	dma.local @!p0 [hbm:s0], s1  }
0x899: {  	s0 =	simm.s32 @!p0 $0x7  }
0x89a: {  	_ =	swait.ge @!p0 [sflag:s0], s1  }
0x89b: {  	s1 =	ssub.s32 @!p0 $0x0, s1;
	[sflag:s0] =	ssyncset.done @!p0 $0x0  }
0x89c: {  	[sflag:s0] =	ssyncadd.s32 @!p0 s1  }
0x89d: {  	[bflag:$0x3] =	sbarrier.arrive $0xFFFF  }
0x89e: {  	_ =	shalt  }

// kernel: sparse-core-data-format-call.cloned.1.call-start
scs
called_computation_lowered:
.L_overlay_start_0:
0x0: {  	s2 =	sld [smem:$0x3FD9]  }
0x1: {  	s3 =	sld [smem:$0x3FFE];
	_ =	sdelay $0x1  }
0x2: {  	s1 =	srdreg.scid  }
0x3: {  	s0 =	sand.u32 $0x1, s1  }
0x4: {  	s18 =	sshll.u32 s0, $0xA;
	s2 =	sadd.s32 s3, s2  }
0x5: {  	s2 =	sadd.s32 s2, s18  }
0x6: {  	[smem:$0x3FC3] =	sst s2  }
0x7: {  	_ = 	snop  }
0x8: {  	s2 =	sld [smem:$0x3FD0];
	(tm) =	ssettm $0x1  }
0x9: {  	s19 =	sld [smem:$0x3FFB];
	_ =	sdelay $0x3  }
0xa: {  	_ =	strace s19  }
0xb: {  	s3 =	sld [smem:$0x3FFC];
	_ =	sdelay $0x3  }
0xc: {  	_ =	strace s3  }
0xd: {  	s3 =	sld [smem:$0x3FFD];
	_ =	sdelay $0x3  }
0xe: {  	_ =	strace s3  }
0xf: {  	_ =	strace $0x8FFFFFFF  }
0x10: {  	s20 =	sld [smem:$0x3FDB];
	_ =	sdelay $0x1  }
0x11: {  	s4 =	simm.s32 $_scs_section_size  }
0x12: {  	s5 =	simm.s32 $_size__tile_overlayer_lowered;
	s6 =	simm.s32 $_tile_overlayer_lowered  }
0x13: {  	s23 =	simm.s32 $0x1BFF;
	s22 =	sshll.u32 s6, $0x1;
	s3 =	sadd.s32 s4, s20  }
0x14: {  	s7 =	simm.s32 $0x0;
	s21 =	sshll.u32 s5, $0x1;
	s5 =	sadd.s32 s22, s3  }
0x15: {  	[timem:s7], [sflag:s23] =	dma.local [hbm:s5], s21  }
0x16: {  	_ =	swait.ge [sflag:s23], s21  }
0x17: {  	s4 =	ssub.s32 $0x0, s21;
	[sflag:s23] =	ssyncset.done $0x0  }
0x18: {  	[sflag:s23] =	ssyncadd.s32 s4;
	_ =	sdelay $0x1  }
0x19: {  	s24 =	simm.s32 $0x1B8B  }
0x1a: {  	_ =	swait.ge [sflag:s24], $0x1  }
0x1b: {  	[sflag:s24] =	ssyncset.done $0x0  }
0x1c: {  	s26 =	simm.s32 $0x1B8E;
	s25 =	sld [smem:$0x3FFE];
	[sflag:s24] =	ssyncadd.s32 $0xFFFFFFFF  }
0x1d: {  	s27 =	simm.s32 $execute0_lowered;
	[smem:$0x3FD2] =	sst s26  }
0x1e: {  	s5 =	sshll.u32 s27, $0x1;
	_ =	strace $0x80000049;
	[dreg:$0x1] =	wrdreg $0xFFFFFFFF  }
0x1f: {  	s28 =	simm.s32 $_size_execute0_lowered;
	s3 =	sadd.s32 s3, s5;
	[dreg:$0x0] =	wrdreg $0x0  }
0x20: {  	s5 =	sshll.u32 s28, $0x1;
	[dreg:$0x2] =	wrdreg s3  }
0x21: {  	[dreg:$0x3] =	wrdreg s5  }
0x22: {  	[dreg:$0x4] =	wrdreg $0xC0  }
0x23: {  	_ =	task [dreg:s7], $0x5FFFF  }
0x24: {  	[dreg:$0x1] =	wrdreg $0xFFFFFFFF  }
0x25: {  	[dreg:$0x0] =	wrdreg $0x60  }
0x26: {  	[dreg:$0x2] =	wrdreg s25  }
0x27: {  	[dreg:$0x3] =	wrdreg s2  }
0x28: {  	[dreg:$0x4] =	wrdreg $0x9  }
0x29: {  	_ =	task.clear_ibuf [dreg:s7], $0x5FFFF;
	_ =	strace $0x90000049  }
0x2a: {  	s29 =	simm.s32 $0x9;
	_ =	strace $0x8000004B  }
0x2b: {  	_ =	swait.ge [sflag:s29], $0x1  }
0x2c: {  	[sflag:s29] =	ssyncadd.s32 $0xFFFFFFFF  }
0x2d: {  	_ =	strace $0x9000004B  }
0x2e: {  	_ =	sfence  }
0x2f: {  	s30 =	sld [smem:$0x0];
	_ =	sdelay $0x2  }
0x30: {  	s31 =	sshll.u32 s1, $0xD;
	s1 =	sshrl.u32 s1, $0x2  }
0x31: {  	s3 =	sand.u32 $0x4000, s31;
	s1 =	sadd.s32 s1, s30  }
0x32: {  	s0 =	sor.u32 s3, s0;
	s1 =	sshll.u32 s1, $0x11  }
0x33: {  	s0 =	sor.u32 s1, s0  }
0x34: {  	s0 =	sadd.s32 $0x8F2B, s0  }
0x35: {  	[sflag:s0] =	ssyncadd.remote.s32 $0x1  }
0x36: {  	_ =	sfence.sel $0xFFFF  }
0x37: {  	[dreg:$0x0] =	wrdreg $0xFFFFFFFF;
	(pc) =	sbr.abs _section_cstart, $3  }
0x38: {  	[dreg:$0x1] =	wrdreg $0xFFFFFFFF  }
0x39: {  	_ =	task.clear_ibuf [dreg:s7], $0x2FFFF;
	_ =	strace $0x9FFFFFFF  }
0x3a: {  	(tm) =	ssettm $0x7FFFFFFF  }
0x3b: {  	_ =	shalt  }
tec
execute0_lowered:
.L_overlay_start_1:
0x0: {  	(tag) =	ssettag $0x1  }
0x1: {  	s0 =	srdreg.scid  }
0x2: {  	s1 =	sshll.u32 s0, $0x4  }
0x3: {  	s0 =	stileid.u32;
	s1 =	sand.u32 $0x10, s1  }
0x4: {  	s1 =	sor.u32 s0, s1  }
0x5: {  	s6 =	rddreg [dreg:$0x0];
	s4 =	simm.s32 $0x1;
	s2 =	sshll.u32 s1, $0x7  }
0x6: {  	s7 =	simm.s32 $0x2;
	s12 =	simm.s32 $0x0;
	s1 =	ssub.s32 $0x1000, s2  }
0x7: {  	s8 =	simm.s32 $0x8000;
	s13 =	simm.s32 $0x0;
	s3 =	sand.u32 $0xF80, s1  }
0x8: {  	s9 =	simm.s32 $0x0;
	s5 =	sshrl.u32 s1, $0xC;
	p0 =	sne.s32 s3, $0x0  }
.Ltmp0:
0x9: {  	s1 =	rddreg [dreg:$0x2];
	s4 =	simm.s32 @!p0 $0x0;
	(pc) =	sbr.rel .LBB1_1-.Ltmp0, $4  }
0xa: {  	s11 =	simm.s32 $0x0;
	s3 =	rddreg [dreg:$0x1];
	s5 =	sadd.s32 s4, s5  }
0xb: {  	_ =	strace $0x8000004A;
	s4 =	simm.s32 $0x1;
	s5 =	smul.u32 $0xC8, s5  }
0xc: {  	s6 =	sadd.s32 $0xC00, s6;
	s10 =	smov.u32 s2;
	[sflag:s4] =	ssyncpa.u1 $0x0  }
0xd: {  	p0 =	por $0x0, $0x0;
	[sflag:s7] =	ssyncpa.u1 $0x0;
	s7 =	sor.u32 $0x1, s5  }
.LBB1_4:
0xe: {  	s16 =	sshll.u32 s13, $0x3;
	s17 =	sand.u32 $0x78, s13  }
0xf: {  	s30 =	sand.u32 $0x7E00, s13;
	s12 =	sshll.u32 s12, $0xF;
	s16 =	sand.u32 $0xC00, s16  }
0x10: {  	[tilespmem:s15+$0x810 ss:$0x81] =	vst.msk $0xffff, v2;
	s31 =	sand.u32 $0x7, s13;
	s16 =	sor.u32 s17, s16;
	s17 =	sadd.s32 s3, s30  }
0x11: {  	[tilespmem:s15+$0x1020 ss:$0x81] =	vst.msk $0xffff, v0;
	s13 =	sshll.u32 s31, $0x12;
	s12 =	sadd.s32 s12, s17;
	s16 =	sshrl.u32 s16, $0x3  }
0x12: {  	[tilespmem:s15+$0x0 ss:$0x81] =	vst.msk $0xffff, v1;
	s13 =	sor.u32 $0x400, s13;
	s12 =	sadd.s32 s16, s12  }
0x13: {  	[hbm4b:s12+s13] =	stream.strided.scatter [tilespmem:s14], [sflag:$0x2], $0x2000, s8, s13, $0x20;
	[tilespmem:$0x8080] =	vst v63  }
.LBB1_5:
0x14: {  	s14 =	sadd.s32 $0x1, s9  }
0x15: {  	s12 =	sadd.s32 $0x1000, s10;
	s16 =	smov.u32 s10;
	p2 =	sgt.s32 s14, $0xC7  }
0x16: {  	s16 =	smov.u32 @p2 s12  }
0x17: {  	s14 =	simm.s32 @p2 $0x0;
	p2 =	sgt.s32 s16, $0xFFF  }
0x18: {  	s16 =	smov.u32 @p2 s2;
	p2 =	sne.s32 s11, s7  }
.Ltmp1:
0x19: {  	p1 =	slt.u32 s11, $0x2;
	(pc) =	sbr.rel @!p2 .LBB1_6-.Ltmp1, $4  }
0x1a: {  	s15 =	simm.s32 @!p1 $0x2  }
0x1b: {  	s13 =	smov.u32 s10;
	p0 =	por !p0, !p0;
	_ =	swait.ge @!p1 [sflag:s15], $0x2000  }
0x1c: {  	s12 =	smov.u32 s9;
	[sflag:s15] =	ssyncset.done @!p1 $0x0;
	s9 =	smov.u32 s14  }
0x1d: {  	s11 =	sadd.s32 $0x1, s11;
	[sflag:s15] =	ssyncadd.s32 @!p1 $0xFFFFE000;
	s10 =	smov.u32 s16  }
.LBB1_1:
0x1e: {  	p1 =	sge.u32 s11, s5  }
0x1f: {  	s14 =	sand.u32 @!p1 $0x1FFFFFF, s9  }
0x20: {  	s15 =	smulhi.u32 @!p1 $0x147AE15, s14;
	_ =	sdelay $0x1  }
0x21: {  	s15 =	smul.u32 @!p1 $0xC8, s15  }
0x22: {  	s16 =	sxor.u32 @!p1 $0xFFFFFFFF, s11;
	s17 =	smul.u32 @!p1 $0xC80, s10  }
0x23: {  	s31 =	sadd.s32 $0xFFFFFFFF, s11;
	s16 =	sshll.u32 @!p1 s16, $0xD;
	s14 =	ssub.s32 @!p1 s14, s15  }
0x24: {  	s15 =	sand.u32 @!p1 $0x2000, s16;
	s16 =	sadd.s32 @!p1 s6, s17;
	s14 =	sshll.u32 @!p1 s14, $0x4  }
0x25: {  	s17 =	simm.s32 @!p1 $0x6400;
	s14 =	sadd.s32 @!p1 s14, s16;
	s16 =	simm.s32 @!p1 $0x40  }
0x26: {  	[tilespmem:s15], [sflag:$0x1] =	stream.strided.gather @!p1 [hbm4b:s14+s16], $0x2000, s17, s16, $0x38;
	[tilespmem:$0x8080] =	vst v63  }
0x27: {  	p1 =	sge.u32 s31, s5  }
.Ltmp2:
0x28: {  	_ = 	snop;
	(pc) =	sbr.rel @p1 .LBB1_5-.Ltmp2, $1  }
0x29: {  	_ =	sdelay $0x3  }
0x2a: {  	s14 =	simm.s32 $0x1  }
0x2b: {  	_ =	swait.ge [sflag:s4], $0x2000;
	s14 =	simm.s32 @!p0 $0x0  }
0x2c: {  	[sflag:s4] =	ssyncset.done $0x0;
	s15 =	sshll.u32 s14, $0xD  }
0x2d: {  	[sflag:s4] =	ssyncadd.s32 $0xFFFFE000;
	s18 =	sor.u32 $0x20, s15  }
0x2e: {  	s14 =	smul.u32 $0x8100, s14;
	v3 =	vld [tilespmem:s18+$0x10]  }
0x2f: {  	s30 =	sand.u32 $0x1, s11;
	v2 =	vld [tilespmem:s18+$0xFFFFFFF0]  }
0x30: {  	s15 =	smul.u32 $0x8100, s30;
	s14 =	sshrl.u32 s14, $0x2;
	v0 =	vld [tilespmem:s18+$0x0]  }
0x31: {  	v1 =	vld [tilespmem:s18+$0xFFFFFFE0];
	s16 =	sor.u32 $0x4000, s14  }
0x32: {  	s31 =	sshrl.u32 s15, $0x2;
	s15 =	sadd.s32 $0x0, s16  }
0x33: {  	s17 =	simm.s32 $0x4;
	s18 =	sadd.s32 $0x40, s18;
	s14 =	sor.u32 $0x4000, s31;
	[tilespmem:s15+$0x1830 ss:$0x81] =	vst.msk $0xffff, v3  }
.LBB1_3:
0x34: {  	v3 =	vld [tilespmem:s18+$0x10];
	p1 =	sne.s32 s17, $0x1FC;
	[tilespmem:s15+$0x810 ss:$0x81] =	vst.msk $0xffff, v2;
	s19 =	smov.u32 s17;
	s17 =	sadd.s32 $0x4, s17  }
.Ltmp3:
0x35: {  	v2 =	vld [tilespmem:s18+$0xFFFFFFF0];
	[tilespmem:s15+$0x1020 ss:$0x81] =	vst.msk $0xffff, v0;
	(pc) =	sbr.rel @p1 .LBB1_3-.Ltmp3, $4  }
0x36: {  	v0 =	vld [tilespmem:s18+$0x0];
	[tilespmem:s15+$0x0 ss:$0x81] =	vst.msk $0xffff, v1  }
0x37: {  	s15 =	sshra.s32 s19, $0x2;
	v1 =	vld [tilespmem:s18+$0xFFFFFFE0]  }
0x38: {  	s15 =	sadd.s32 s15, s16  }
0x39: {  	s18 =	sadd.s32 $0x40, s18;
	[tilespmem:s15+$0x1830 ss:$0x81] =	vst.msk $0xffff, v3  }
.Ltmp4:
0x3a: {  	_ = 	snop;
	(pc) =	sbr.rel .LBB1_4-.Ltmp4, $1  }
0x3b: {  	_ =	sdelay $0x3  }
.LBB1_6:
0x3c: {  	_ =	sfence.sel $0x180000  }
0x3d: {  	s2 =	simm.s32 $0x1;
	[bflag:$0x0] =	sbarrier.arrive $0xFFFF  }
0x3e: {  	s31 =	simm.s32 $0x2;
	[sflag:s2] =	ssyncpa.u1 $0x1  }
0x3f: {  	[sflag:s31] =	ssyncpa.u1 $0x1  }
0x40: {  	p0 =	sne.s32 s0, $0x0;
	_ =	strace $0x9000004A  }
0x41: {  	s0 =	sadd.s32 @!p0 $0x100000, s1;
	[bflag:$0x2] =	sbarrier.arrive $0xFFFF  }
0x42: {  	[sflag:s0] =	ssyncadd.tile.s32 @!p0 $0x1;
	_ =	shalt  }
.Lfunc_end1:
_tile_overlayer_lowered:
.L_overlay_start_2:
0x43: {  	(tag) =	ssettag $0x2  }
0x44: {  	s0 =	rddreg [dreg:$0x0];
	s2 =	stileid.u32  }
0x45: {  	s1 =	rddreg [dreg:$0x1];
	p0 =	sne.s32 s2, $0x0  }
0x46: {  	s3 =	rddreg [dreg:$0x2];
	[bflag:$0x3] =	sbarrier.arrive $0xFFFF;
	s2 =	simm.s32 @!p0 $0x1C01  }
0x47: {  	[timem:s3], [sflag:s2] =	dma.local @!p0 [hbm:s0], s1  }
0x48: {  	s0 =	simm.s32 @!p0 $0x1  }
0x49: {  	_ =	swait.ge @!p0 [sflag:s0], s1  }
0x4a: {  	s1 =	ssub.s32 @!p0 $0x0, s1;
	[sflag:s0] =	ssyncset.done @!p0 $0x0  }
0x4b: {  	[sflag:s0] =	ssyncadd.s32 @!p0 s1  }
0x4c: {  	[bflag:$0x3] =	sbarrier.arrive $0xFFFF  }
0x4d: {  	_ =	shalt  }

</sc_bundles>
